<compile_context>
chip_gen: v7x
topology: tpu7x:2x2x1
jax: 0.10.2.dev20260603
libtpu: 0.0.44.dev20260713+nightly
codegen_flags: <defaults>
</compile_context>

<pallas_src>
import functools

import jax
import jax.numpy as jnp
from jax import lax
from jax.experimental import pallas as pl
from jax.experimental.pallas import tpu as pltpu
from jax.experimental.pallas import tpu_sc as plsc

NU = 25000
NI = 25000
NN = NU + NI
D = 64
E = 400000
CH = 128
CPS = 8
NCHP = 3128
PAD = NCHP * CH - E
NBLK = NCHP // CPS
NS = 16
ROUNDS = -(-NBLK // NS)
ZR = 1000
NZ = NU // ZR
NUP = NU + 8
GRP = 3

def _mesh():
    return plsc.VectorSubcoreMesh(
        core_axis_name="c", subcore_axis_name="s", num_cores=2, num_subcores=NS)


@functools.cache
def _make_deg_kernel():
    return pl.kernel(
        _deg_body,
        out_type=[jax.ShapeDtypeStruct((NU,), jnp.float32),
                  jax.ShapeDtypeStruct((NU,), jnp.float32)],
        mesh=_mesh(),
        scratch_types=[
            pltpu.VMEM((CPS, CH), jnp.int32),
            pltpu.VMEM((CH,), jnp.float32),
            pltpu.VMEM_SHARED((NUP,), jnp.float32),
            pltpu.SemaphoreType.DMA,
        ],
        compiler_params=pltpu.CompilerParams(use_tc_tiling_on_sc=False),
    )


def _deg_body(dst_hbm, zeros1_hbm, degu_hbm, degi_hbm, idx_v, ones_v, deg_s, sem):
    c = lax.axis_index("c")
    s = lax.axis_index("s")
    for i in range(CH // 16):
        ones_v[pl.ds(i * 16, 16)] = jnp.ones((16,), jnp.float32)
    for k in range(NZ):
        @pl.when(s == k % NS)
        def _():
            pltpu.sync_copy(zeros1_hbm, deg_s.at[pl.ds(k * ZR, ZR)])
    plsc.subcore_barrier()

    def round_body(r, carry):
        b = r * NS + s

        @pl.when(b < NBLK)
        def _():
            pltpu.sync_copy(dst_hbm.at[c, pl.ds(b * CPS, CPS)], idx_v)
            for j in range(CPS):
                pltpu.sync_copy(ones_v, deg_s.at[idx_v.at[j]], add=True)
        return carry

    lax.fori_loop(0, ROUNDS, round_body, 0)
    plsc.subcore_barrier()
    for k in range(NZ):
        @pl.when((s == k % NS) & (c == 0))
        def _():
            pltpu.sync_copy(deg_s.at[pl.ds(k * ZR, ZR)],
                            degu_hbm.at[pl.ds(k * ZR, ZR)])

        @pl.when((s == k % NS) & (c == 1))
        def _():
            pltpu.sync_copy(deg_s.at[pl.ds(k * ZR, ZR)],
                            degi_hbm.at[pl.ds(k * ZR, ZR)])


@functools.cache
def _make_spmm_kernel():
    return pl.kernel(
        _spmm_body,
        out_type=jax.ShapeDtypeStruct((2, NU, D), jnp.float32),
        mesh=_mesh(),
        scratch_types=[
            pltpu.VMEM((CPS, CH), jnp.int32),
            pltpu.VMEM((CPS, CH), jnp.int32),
            pltpu.VMEM((GRP * CH, D), jnp.float32),
            pltpu.VMEM_SHARED((NUP, D), jnp.float32),
            pltpu.SemaphoreType.DMA,
        ],
        compiler_params=pltpu.CompilerParams(use_tc_tiling_on_sc=False),
    )


def _spmm_body(wp_hbm, src_hbm, dst_hbm, zeros2_hbm, acc_hbm,
                 sidx_v, didx_v, rows_v, acc_s, sem):
    c = lax.axis_index("c")
    s = lax.axis_index("s")
    for k in range(NZ):
        @pl.when(s == k % NS)
        def _():
            pltpu.sync_copy(zeros2_hbm, acc_s.at[pl.ds(k * ZR, ZR)])
    plsc.subcore_barrier()

    def round_body(r, carry):
        b = r * NS + s

        @pl.when(b < NBLK)
        def _():
            pltpu.sync_copy(src_hbm.at[c, pl.ds(b * CPS, CPS)], sidx_v)
            pltpu.sync_copy(dst_hbm.at[c, pl.ds(b * CPS, CPS)], didx_v)
            for g0 in range(0, CPS, GRP):
                js = range(g0, min(g0 + GRP, CPS))
                copies = [
                    pltpu.async_copy(wp_hbm.at[sidx_v.at[j]],
                                     rows_v.at[pl.ds((j - g0) * CH, CH)], sem)
                    for j in js
                ]
                for cp in copies:
                    cp.wait()
                for j in js:
                    pltpu.sync_copy(rows_v.at[pl.ds((j - g0) * CH, CH)],
                                    acc_s.at[didx_v.at[j]], add=True)
        return carry

    lax.fori_loop(0, ROUNDS, round_body, 0)
    plsc.subcore_barrier()
    for k in range(NZ):
        @pl.when(s == k % NS)
        def _():
            pltpu.sync_copy(acc_s.at[pl.ds(k * ZR, ZR)],
                            acc_hbm.at[c, pl.ds(k * ZR, ZR)])


def _scale_body(deg_ref, w_ref, wp_ref):
    d = deg_ref[...].reshape(ZR, 1)
    dis = jnp.where(d > 0.0, lax.rsqrt(jnp.maximum(d, 1e-12)), 0.0)
    wp_ref[...] = w_ref[...] * dis


def _scale(deg2, w):
    return pl.pallas_call(
        _scale_body,
        grid=(NN // ZR,),
        in_specs=[
            pl.BlockSpec((1, ZR, 1), lambda r: (r // NZ, r % NZ, 0)),
            pl.BlockSpec((ZR, D), lambda r: (r, 0)),
        ],
        out_specs=pl.BlockSpec((ZR, D), lambda r: (r, 0)),
        out_shape=jax.ShapeDtypeStruct((NN, D), jnp.float32),
    )(deg2, w)


def _blend_body(deg_ref, w_ref, acc_ref, out_ref):
    d = deg_ref[...].reshape(ZR, 1)
    dis = jnp.where(d > 0.0, lax.rsqrt(jnp.maximum(d, 1e-12)), 0.0)
    out_ref[...] = 0.25 * w_ref[...] + 0.75 * dis * acc_ref[...].reshape(ZR, D)


def _blend(deg2, w, acc):
    return pl.pallas_call(
        _blend_body,
        grid=(NN // ZR,),
        in_specs=[
            pl.BlockSpec((1, ZR, 1), lambda r: (r // NZ, r % NZ, 0)),
            pl.BlockSpec((ZR, D), lambda r: (r, 0)),
            pl.BlockSpec((1, ZR, D), lambda r: (r // NZ, r % NZ, 0)),
        ],
        out_specs=pl.BlockSpec((ZR, D), lambda r: (r, 0)),
        out_shape=jax.ShapeDtypeStruct((NN, D), jnp.float32),
    )(deg2, w, acc)


def kernel(embed_weight, user_idxs, user_id_idx, item_id_idx):
    del user_idxs
    ui = user_id_idx.astype(jnp.int32)
    ii = item_id_idx.astype(jnp.int32)
    padz = jnp.zeros((PAD,), jnp.int32)
    padd = jnp.full((PAD,), NU, jnp.int32)
    src = jnp.stack([jnp.concatenate([ii + NU, padz]),
                     jnp.concatenate([ui, padz])]).reshape(2, NCHP, CH)
    dst = jnp.stack([jnp.concatenate([ui, padd]),
                     jnp.concatenate([ii, padd])]).reshape(2, NCHP, CH)
    zeros1 = jnp.zeros((ZR,), jnp.float32)
    zeros2 = jnp.zeros((ZR, D), jnp.float32)

    degu, degi = _make_deg_kernel()(dst, zeros1)
    deg2 = jnp.stack([degu, degi]).reshape(2, NU, 1)
    wp = _scale(deg2, embed_weight)
    acc = _make_spmm_kernel()(wp, src, dst, zeros2)
    out = _blend(deg2, embed_weight, acc)
    return out[:NU], out[NU:]

# --- scband reference (transcript-rebuilt; emitter-appended) ---
"""Pipeline reference for scband-light-gcn-17746804867105 (READ-ONLY COPY).

The authoritative reference and input builder live on the scoring server;
editing this copy changes nothing except your own understanding.
"""

import jax, jax.numpy as jnp
import numpy as np

NUM_USERS = 25000
NUM_ITEMS = 25000
VEC_DIM = 64
NUM_LAYERS = 3
NUM_INTERACTIONS = 400000
N = NUM_USERS + NUM_ITEMS


def setup_inputs(seed: int = 0) -> dict:
    key = jax.random.key(seed)
    k1, k2, k3, k4 = jax.random.split(key, 4)
    user_idxs = jax.random.randint(k1, (1024,), 0, NUM_USERS, dtype=jnp.int32)
    user_id_idx = jax.random.randint(k2, (NUM_INTERACTIONS,), 0, NUM_USERS, dtype=jnp.int32)
    item_id_idx = jax.random.randint(k3, (NUM_INTERACTIONS,), 0, NUM_ITEMS, dtype=jnp.int32)
    # learned parameter: joint user+item embedding table (nn.Embedding weight)
    embed_weight = jax.random.normal(k4, (N, VEC_DIM), dtype=jnp.float32) * 0.1
    return {
        "embed_weight": embed_weight,
        "user_idxs": user_idxs,
        "user_id_idx": user_id_idx,
        "item_id_idx": item_id_idx,
    }


def reference(embed_weight, user_idxs, user_id_idx, item_id_idx):
    # Build symmetric bipartite adjacency in COO form:
    # user u <-> item node (NUM_USERS + i)
    rows = jnp.concatenate([user_id_idx, item_id_idx + NUM_USERS])
    cols = jnp.concatenate([item_id_idx + NUM_USERS, user_id_idx])
    # Symmetric degree normalization D^{-1/2} A D^{-1/2}
    deg = jnp.bincount(rows, length=N).astype(jnp.float32)
    d_inv_sqrt = jnp.where(deg > 0.0, jnp.power(jnp.maximum(deg, 1e-12), -0.5), 0.0)
    vals = d_inv_sqrt[rows] * d_inv_sqrt[cols]
    # torch.sparse.mm(norm_adj, embed_weights) == gather src rows, scale, scatter-add to dst
    prop = jax.ops.segment_sum(vals[:, None] * embed_weight[cols], rows, num_segments=N)
    # Faithful to the given forward: each 'layer' recomputes A @ W on the ORIGINAL weights
    all_layer_embed = jnp.stack([embed_weight] + [prop] * NUM_LAYERS, axis=0)
    mean_all_embed = jnp.mean(all_layer_embed, axis=0)
    user_embed = mean_all_embed[:NUM_USERS]
    item_embed = mean_all_embed[NUM_USERS:]
    return (user_embed, item_embed)

if __name__ == "__main__":
    import jax
    _d = setup_inputs()
    print(jax.jit(kernel)(*tuple(_d.values())))

</pallas_src>

<mosaic_0001>
#map = affine_map<(d0, d1) -> (0, 0, 0)>
#map1 = affine_map<(d0, d1) -> (0)>
module attributes {stable_mosaic.version = 14 : i64} {
  func.func @_deg_body(%arg0: i32, %arg1: i32, %arg2: memref<2x3128x128xi32, #tpu.memory_space<hbm>>, %arg3: memref<1000xf32, #tpu.memory_space<hbm>>, %arg4: memref<25000xf32, #tpu.memory_space<hbm>>, %arg5: memref<25000xf32, #tpu.memory_space<hbm>>, %arg6: memref<8x128xi32, #tpu.memory_space<vmem>>, %arg7: memref<128xf32, #tpu.memory_space<vmem>>, %arg8: memref<25008xf32, #tpu.memory_space<vmem_shared>>, %arg9: memref<!tpu.dma_semaphore, #tpu.memory_space<semaphore_mem>>) attributes {dimension_semantics = [#tpu.dimension_semantics<core_parallel>, #tpu.dimension_semantics<subcore_parallel>], iteration_bounds = array<i64: 2, 16>, scalar_prefetch = 0 : i64, scratch_operands = 4 : i64, tpu.core_type = #tpu.core_type<sc_vector_subcore>, window_params = [{transform_indices = #map}, {transform_indices = #map1}, {transform_indices = #map1}, {transform_indices = #map1}]} {
    %broadcast_in_dim3A = arith.constant 1.000000e+00 : f32
    %broadcast_in_dim3A_0 = vector.broadcast %broadcast_in_dim3A : f32 to vector<16xf32>
    %swap3A = arith.constant 0 : index
    %swap3A_1 = tpu.vector_load %arg7[%swap3A] {strides = array<i32>} : memref<128xf32, #tpu.memory_space<vmem>>, vector<16xf32>,
    %swap3A_2 = vector.shape_cast %swap3A_1 : vector<16xf32> to vector<16xf32>
    %swap3A_3 = vector.shape_cast %broadcast_in_dim3A_0 : vector<16xf32> to vector<16xf32>
    tpu.vector_store %arg7[%swap3A], %swap3A_3 {strides = array<i32>} : memref<128xf32, #tpu.memory_space<vmem>>, vector<16xf32>,
    %broadcast_in_dim3A_4 = arith.constant 1.000000e+00 : f32
    %broadcast_in_dim3A_5 = vector.broadcast %broadcast_in_dim3A_4 : f32 to vector<16xf32>
    %swap3A_6 = arith.constant 16 : index
    %swap3A_7 = tpu.vector_load %arg7[%swap3A_6] {strides = array<i32>} : memref<128xf32, #tpu.memory_space<vmem>>, vector<16xf32>,
    %swap3A_8 = vector.shape_cast %swap3A_7 : vector<16xf32> to vector<16xf32>
    %swap3A_9 = vector.shape_cast %broadcast_in_dim3A_5 : vector<16xf32> to vector<16xf32>
    tpu.vector_store %arg7[%swap3A_6], %swap3A_9 {strides = array<i32>} : memref<128xf32, #tpu.memory_space<vmem>>, vector<16xf32>,
    %broadcast_in_dim3A_10 = arith.constant 1.000000e+00 : f32
    %broadcast_in_dim3A_11 = vector.broadcast %broadcast_in_dim3A_10 : f32 to vector<16xf32>
    %swap3A_12 = arith.constant 32 : index
    %swap3A_13 = tpu.vector_load %arg7[%swap3A_12] {strides = array<i32>} : memref<128xf32, #tpu.memory_space<vmem>>, vector<16xf32>,
    %swap3A_14 = vector.shape_cast %swap3A_13 : vector<16xf32> to vector<16xf32>
    %swap3A_15 = vector.shape_cast %broadcast_in_dim3A_11 : vector<16xf32> to vector<16xf32>
    tpu.vector_store %arg7[%swap3A_12], %swap3A_15 {strides = array<i32>} : memref<128xf32, #tpu.memory_space<vmem>>, vector<16xf32>,
    %broadcast_in_dim3A_16 = arith.constant 1.000000e+00 : f32
    %broadcast_in_dim3A_17 = vector.broadcast %broadcast_in_dim3A_16 : f32 to vector<16xf32>
    %swap3A_18 = arith.constant 48 : index
    %swap3A_19 = tpu.vector_load %arg7[%swap3A_18] {strides = array<i32>} : memref<128xf32, #tpu.memory_space<vmem>>, vector<16xf32>,
    %swap3A_20 = vector.shape_cast %swap3A_19 : vector<16xf32> to vector<16xf32>
    %swap3A_21 = vector.shape_cast %broadcast_in_dim3A_17 : vector<16xf32> to vector<16xf32>
    tpu.vector_store %arg7[%swap3A_18], %swap3A_21 {strides = array<i32>} : memref<128xf32, #tpu.memory_space<vmem>>, vector<16xf32>,
    %broadcast_in_dim3A_22 = arith.constant 1.000000e+00 : f32
    %broadcast_in_dim3A_23 = vector.broadcast %broadcast_in_dim3A_22 : f32 to vector<16xf32>
    %swap3A_24 = arith.constant 64 : index
    %swap3A_25 = tpu.vector_load %arg7[%swap3A_24] {strides = array<i32>} : memref<128xf32, #tpu.memory_space<vmem>>, vector<16xf32>,
    %swap3A_26 = vector.shape_cast %swap3A_25 : vector<16xf32> to vector<16xf32>
    %swap3A_27 = vector.shape_cast %broadcast_in_dim3A_23 : vector<16xf32> to vector<16xf32>
    tpu.vector_store %arg7[%swap3A_24], %swap3A_27 {strides = array<i32>} : memref<128xf32, #tpu.memory_space<vmem>>, vector<16xf32>,
    %broadcast_in_dim3A_28 = arith.constant 1.000000e+00 : f32
    %broadcast_in_dim3A_29 = vector.broadcast %broadcast_in_dim3A_28 : f32 to vector<16xf32>
    %swap3A_30 = arith.constant 80 : index
    %swap3A_31 = tpu.vector_load %arg7[%swap3A_30] {strides = array<i32>} : memref<128xf32, #tpu.memory_space<vmem>>, vector<16xf32>,
    %swap3A_32 = vector.shape_cast %swap3A_31 : vector<16xf32> to vector<16xf32>
    %swap3A_33 = vector.shape_cast %broadcast_in_dim3A_29 : vector<16xf32> to vector<16xf32>
    tpu.vector_store %arg7[%swap3A_30], %swap3A_33 {strides = array<i32>} : memref<128xf32, #tpu.memory_space<vmem>>, vector<16xf32>,
    %broadcast_in_dim3A_34 = arith.constant 1.000000e+00 : f32
    %broadcast_in_dim3A_35 = vector.broadcast %broadcast_in_dim3A_34 : f32 to vector<16xf32>
    %swap3A_36 = arith.constant 96 : index
    %swap3A_37 = tpu.vector_load %arg7[%swap3A_36] {strides = array<i32>} : memref<128xf32, #tpu.memory_space<vmem>>, vector<16xf32>,
    %swap3A_38 = vector.shape_cast %swap3A_37 : vector<16xf32> to vector<16xf32>
    %swap3A_39 = vector.shape_cast %broadcast_in_dim3A_35 : vector<16xf32> to vector<16xf32>
    tpu.vector_store %arg7[%swap3A_36], %swap3A_39 {strides = array<i32>} : memref<128xf32, #tpu.memory_space<vmem>>, vector<16xf32>,
    %broadcast_in_dim3A_40 = arith.constant 1.000000e+00 : f32
    %broadcast_in_dim3A_41 = vector.broadcast %broadcast_in_dim3A_40 : f32 to vector<16xf32>
    %swap3A_42 = arith.constant 112 : index
    %swap3A_43 = tpu.vector_load %arg7[%swap3A_42] {strides = array<i32>} : memref<128xf32, #tpu.memory_space<vmem>>, vector<16xf32>,
    %swap3A_44 = vector.shape_cast %swap3A_43 : vector<16xf32> to vector<16xf32>
    %swap3A_45 = vector.shape_cast %broadcast_in_dim3A_41 : vector<16xf32> to vector<16xf32>
    tpu.vector_store %arg7[%swap3A_42], %swap3A_45 {strides = array<i32>} : memref<128xf32, #tpu.memory_space<vmem>>, vector<16xf32>,
    %eq3A = arith.constant 0 : i32
    %eq3A_46 = arith.cmpi eq, %arg1, %eq3A : i32
    %convert_element_type3A = arith.extui %eq3A_46 : i1 to i32
    %cond3A = arith.constant 0 : i32
    %cond3A_47 = arith.cmpi ne, %convert_element_type3A, %cond3A : i32
    scf.if %cond3A_47 {
      "tpu.region"() ({
        %run_scoped3A = tpu.sem_alloc : memref<!tpu.dma_semaphore, #tpu.memory_space<semaphore_mem>>
        %dma_start3A = arith.constant 0 : i32
        %dma_start3A_573 = tpu.memref_slice %arg8[%dma_start3A] : memref<25008xf32, #tpu.memory_space<vmem_shared>> -> memref<1000xf32, #tpu.memory_space<vmem_shared>>
        tpu.enqueue_dma source(%arg3 : memref<1000xf32, #tpu.memory_space<hbm>>) target(%dma_start3A_573 : memref<1000xf32, #tpu.memory_space<vmem_shared>>) target_semaphore(%run_scoped3A : memref<!tpu.dma_semaphore, #tpu.memory_space<semaphore_mem>>)
        %dma_wait3A = arith.constant 0 : i32
        %dma_wait3A_574 = tpu.memref_slice %arg8[%dma_wait3A] : memref<25008xf32, #tpu.memory_space<vmem_shared>> -> memref<1000xf32, #tpu.memory_space<vmem_shared>>
        tpu.wait_dma2 semaphore(%run_scoped3A : memref<!tpu.dma_semaphore, #tpu.memory_space<semaphore_mem>>) src(%arg3 : memref<1000xf32, #tpu.memory_space<hbm>>) dst(%dma_wait3A_574 : memref<1000xf32, #tpu.memory_space<vmem_shared>>)
        tpu.yield
      }) : () -> ()
    } else {
    }
    %eq3A_48 = arith.constant 1 : i32
    %eq3A_49 = arith.cmpi eq, %arg1, %eq3A_48 : i32
    %convert_element_type3A_50 = arith.extui %eq3A_49 : i1 to i32
    %cond3A_51 = arith.constant 0 : i32
    %cond3A_52 = arith.cmpi ne, %convert_element_type3A_50, %cond3A_51 : i32
    scf.if %cond3A_52 {
      "tpu.region"() ({
        %run_scoped3A = tpu.sem_alloc : memref<!tpu.dma_semaphore, #tpu.memory_space<semaphore_mem>>
        %dma_start3A = arith.constant 1000 : i32
        %dma_start3A_573 = tpu.memref_slice %arg8[%dma_start3A] : memref<25008xf32, #tpu.memory_space<vmem_shared>> -> memref<1000xf32, #tpu.memory_space<vmem_shared>>
        tpu.enqueue_dma source(%arg3 : memref<1000xf32, #tpu.memory_space<hbm>>) target(%dma_start3A_573 : memref<1000xf32, #tpu.memory_space<vmem_shared>>) target_semaphore(%run_scoped3A : memref<!tpu.dma_semaphore, #tpu.memory_space<semaphore_mem>>)
        %dma_wait3A = arith.constant 1000 : i32
        %dma_wait3A_574 = tpu.memref_slice %arg8[%dma_wait3A] : memref<25008xf32, #tpu.memory_space<vmem_shared>> -> memref<1000xf32, #tpu.memory_space<vmem_shared>>
        tpu.wait_dma2 semaphore(%run_scoped3A : memref<!tpu.dma_semaphore, #tpu.memory_space<semaphore_mem>>) src(%arg3 : memref<1000xf32, #tpu.memory_space<hbm>>) dst(%dma_wait3A_574 : memref<1000xf32, #tpu.memory_space<vmem_shared>>)
        tpu.yield
      }) : () -> ()
    } else {
    }
    %eq3A_53 = arith.constant 2 : i32
    %eq3A_54 = arith.cmpi eq, %arg1, %eq3A_53 : i32
    %convert_element_type3A_55 = arith.extui %eq3A_54 : i1 to i32
    %cond3A_56 = arith.constant 0 : i32
    %cond3A_57 = arith.cmpi ne, %convert_element_type3A_55, %cond3A_56 : i32
    scf.if %cond3A_57 {
      "tpu.region"() ({
        %run_scoped3A = tpu.sem_alloc : memref<!tpu.dma_semaphore, #tpu.memory_space<semaphore_mem>>
        %dma_start3A = arith.constant 2000 : i32
        %dma_start3A_573 = tpu.memref_slice %arg8[%dma_start3A] : memref<25008xf32, #tpu.memory_space<vmem_shared>> -> memref<1000xf32, #tpu.memory_space<vmem_shared>>
        tpu.enqueue_dma source(%arg3 : memref<1000xf32, #tpu.memory_space<hbm>>) target(%dma_start3A_573 : memref<1000xf32, #tpu.memory_space<vmem_shared>>) target_semaphore(%run_scoped3A : memref<!tpu.dma_semaphore, #tpu.memory_space<semaphore_mem>>)
        %dma_wait3A = arith.constant 2000 : i32
        %dma_wait3A_574 = tpu.memref_slice %arg8[%dma_wait3A] : memref<25008xf32, #tpu.memory_space<vmem_shared>> -> memref<1000xf32, #tpu.memory_space<vmem_shared>>
        tpu.wait_dma2 semaphore(%run_scoped3A : memref<!tpu.dma_semaphore, #tpu.memory_space<semaphore_mem>>) src(%arg3 : memref<1000xf32, #tpu.memory_space<hbm>>) dst(%dma_wait3A_574 : memref<1000xf32, #tpu.memory_space<vmem_shared>>)
        tpu.yield
      }) : () -> ()
    } else {
    }
    %eq3A_58 = arith.constant 3 : i32
    %eq3A_59 = arith.cmpi eq, %arg1, %eq3A_58 : i32
    %convert_element_type3A_60 = arith.extui %eq3A_59 : i1 to i32
    %cond3A_61 = arith.constant 0 : i32
    %cond3A_62 = arith.cmpi ne, %convert_element_type3A_60, %cond3A_61 : i32
    scf.if %cond3A_62 {
      "tpu.region"() ({
        %run_scoped3A = tpu.sem_alloc : memref<!tpu.dma_semaphore, #tpu.memory_space<semaphore_mem>>
        %dma_start3A = arith.constant 3000 : i32
        %dma_start3A_573 = tpu.memref_slice %arg8[%dma_start3A] : memref<25008xf32, #tpu.memory_space<vmem_shared>> -> memref<1000xf32, #tpu.memory_space<vmem_shared>>
        tpu.enqueue_dma source(%arg3 : memref<1000xf32, #tpu.memory_space<hbm>>) target(%dma_start3A_573 : memref<1000xf32, #tpu.memory_space<vmem_shared>>) target_semaphore(%run_scoped3A : memref<!tpu.dma_semaphore, #tpu.memory_space<semaphore_mem>>)
        %dma_wait3A = arith.constant 3000 : i32
        %dma_wait3A_574 = tpu.memref_slice %arg8[%dma_wait3A] : memref<25008xf32, #tpu.memory_space<vmem_shared>> -> memref<1000xf32, #tpu.memory_space<vmem_shared>>
        tpu.wait_dma2 semaphore(%run_scoped3A : memref<!tpu.dma_semaphore, #tpu.memory_space<semaphore_mem>>) src(%arg3 : memref<1000xf32, #tpu.memory_space<hbm>>) dst(%dma_wait3A_574 : memref<1000xf32, #tpu.memory_space<vmem_shared>>)
        tpu.yield
      }) : () -> ()
    } else {
    }
    %eq3A_63 = arith.constant 4 : i32
    %eq3A_64 = arith.cmpi eq, %arg1, %eq3A_63 : i32
    %convert_element_type3A_65 = arith.extui %eq3A_64 : i1 to i32
    %cond3A_66 = arith.constant 0 : i32
    %cond3A_67 = arith.cmpi ne, %convert_element_type3A_65, %cond3A_66 : i32
    scf.if %cond3A_67 {
      "tpu.region"() ({
        %run_scoped3A = tpu.sem_alloc : memref<!tpu.dma_semaphore, #tpu.memory_space<semaphore_mem>>
        %dma_start3A = arith.constant 4000 : i32
        %dma_start3A_573 = tpu.memref_slice %arg8[%dma_start3A] : memref<25008xf32, #tpu.memory_space<vmem_shared>> -> memref<1000xf32, #tpu.memory_space<vmem_shared>>
        tpu.enqueue_dma source(%arg3 : memref<1000xf32, #tpu.memory_space<hbm>>) target(%dma_start3A_573 : memref<1000xf32, #tpu.memory_space<vmem_shared>>) target_semaphore(%run_scoped3A : memref<!tpu.dma_semaphore, #tpu.memory_space<semaphore_mem>>)
        %dma_wait3A = arith.constant 4000 : i32
        %dma_wait3A_574 = tpu.memref_slice %arg8[%dma_wait3A] : memref<25008xf32, #tpu.memory_space<vmem_shared>> -> memref<1000xf32, #tpu.memory_space<vmem_shared>>
        tpu.wait_dma2 semaphore(%run_scoped3A : memref<!tpu.dma_semaphore, #tpu.memory_space<semaphore_mem>>) src(%arg3 : memref<1000xf32, #tpu.memory_space<hbm>>) dst(%dma_wait3A_574 : memref<1000xf32, #tpu.memory_space<vmem_shared>>)
        tpu.yield
      }) : () -> ()
    } else {
    }
    %eq3A_68 = arith.constant 5 : i32
    %eq3A_69 = arith.cmpi eq, %arg1, %eq3A_68 : i32
    %convert_element_type3A_70 = arith.extui %eq3A_69 : i1 to i32
    %cond3A_71 = arith.constant 0 : i32
    %cond3A_72 = arith.cmpi ne, %convert_element_type3A_70, %cond3A_71 : i32
    scf.if %cond3A_72 {
      "tpu.region"() ({
        %run_scoped3A = tpu.sem_alloc : memref<!tpu.dma_semaphore, #tpu.memory_space<semaphore_mem>>
        %dma_start3A = arith.constant 5000 : i32
        %dma_start3A_573 = tpu.memref_slice %arg8[%dma_start3A] : memref<25008xf32, #tpu.memory_space<vmem_shared>> -> memref<1000xf32, #tpu.memory_space<vmem_shared>>
        tpu.enqueue_dma source(%arg3 : memref<1000xf32, #tpu.memory_space<hbm>>) target(%dma_start3A_573 : memref<1000xf32, #tpu.memory_space<vmem_shared>>) target_semaphore(%run_scoped3A : memref<!tpu.dma_semaphore, #tpu.memory_space<semaphore_mem>>)
        %dma_wait3A = arith.constant 5000 : i32
        %dma_wait3A_574 = tpu.memref_slice %arg8[%dma_wait3A] : memref<25008xf32, #tpu.memory_space<vmem_shared>> -> memref<1000xf32, #tpu.memory_space<vmem_shared>>
        tpu.wait_dma2 semaphore(%run_scoped3A : memref<!tpu.dma_semaphore, #tpu.memory_space<semaphore_mem>>) src(%arg3 : memref<1000xf32, #tpu.memory_space<hbm>>) dst(%dma_wait3A_574 : memref<1000xf32, #tpu.memory_space<vmem_shared>>)
        tpu.yield
      }) : () -> ()
    } else {
    }
    %eq3A_73 = arith.constant 6 : i32
    %eq3A_74 = arith.cmpi eq, %arg1, %eq3A_73 : i32
    %convert_element_type3A_75 = arith.extui %eq3A_74 : i1 to i32
    %cond3A_76 = arith.constant 0 : i32
    %cond3A_77 = arith.cmpi ne, %convert_element_type3A_75, %cond3A_76 : i32
    scf.if %cond3A_77 {
      "tpu.region"() ({
        %run_scoped3A = tpu.sem_alloc : memref<!tpu.dma_semaphore, #tpu.memory_space<semaphore_mem>>
        %dma_start3A = arith.constant 6000 : i32
        %dma_start3A_573 = tpu.memref_slice %arg8[%dma_start3A] : memref<25008xf32, #tpu.memory_space<vmem_shared>> -> memref<1000xf32, #tpu.memory_space<vmem_shared>>
        tpu.enqueue_dma source(%arg3 : memref<1000xf32, #tpu.memory_space<hbm>>) target(%dma_start3A_573 : memref<1000xf32, #tpu.memory_space<vmem_shared>>) target_semaphore(%run_scoped3A : memref<!tpu.dma_semaphore, #tpu.memory_space<semaphore_mem>>)
        %dma_wait3A = arith.constant 6000 : i32
        %dma_wait3A_574 = tpu.memref_slice %arg8[%dma_wait3A] : memref<25008xf32, #tpu.memory_space<vmem_shared>> -> memref<1000xf32, #tpu.memory_space<vmem_shared>>
        tpu.wait_dma2 semaphore(%run_scoped3A : memref<!tpu.dma_semaphore, #tpu.memory_space<semaphore_mem>>) src(%arg3 : memref<1000xf32, #tpu.memory_space<hbm>>) dst(%dma_wait3A_574 : memref<1000xf32, #tpu.memory_space<vmem_shared>>)
        tpu.yield
      }) : () -> ()
    } else {
    }
    %eq3A_78 = arith.constant 7 : i32
    %eq3A_79 = arith.cmpi eq, %arg1, %eq3A_78 : i32
    %convert_element_type3A_80 = arith.extui %eq3A_79 : i1 to i32
    %cond3A_81 = arith.constant 0 : i32
    %cond3A_82 = arith.cmpi ne, %convert_element_type3A_80, %cond3A_81 : i32
    scf.if %cond3A_82 {
      "tpu.region"() ({
        %run_scoped3A = tpu.sem_alloc : memref<!tpu.dma_semaphore, #tpu.memory_space<semaphore_mem>>
        %dma_start3A = arith.constant 7000 : i32
        %dma_start3A_573 = tpu.memref_slice %arg8[%dma_start3A] : memref<25008xf32, #tpu.memory_space<vmem_shared>> -> memref<1000xf32, #tpu.memory_space<vmem_shared>>
        tpu.enqueue_dma source(%arg3 : memref<1000xf32, #tpu.memory_space<hbm>>) target(%dma_start3A_573 : memref<1000xf32, #tpu.memory_space<vmem_shared>>) target_semaphore(%run_scoped3A : memref<!tpu.dma_semaphore, #tpu.memory_space<semaphore_mem>>)
        %dma_wait3A = arith.constant 7000 : i32
        %dma_wait3A_574 = tpu.memref_slice %arg8[%dma_wait3A] : memref<25008xf32, #tpu.memory_space<vmem_shared>> -> memref<1000xf32, #tpu.memory_space<vmem_shared>>
        tpu.wait_dma2 semaphore(%run_scoped3A : memref<!tpu.dma_semaphore, #tpu.memory_space<semaphore_mem>>) src(%arg3 : memref<1000xf32, #tpu.memory_space<hbm>>) dst(%dma_wait3A_574 : memref<1000xf32, #tpu.memory_space<vmem_shared>>)
        tpu.yield
      }) : () -> ()
    } else {
    }
    %eq3A_83 = arith.constant 8 : i32
    %eq3A_84 = arith.cmpi eq, %arg1, %eq3A_83 : i32
    %convert_element_type3A_85 = arith.extui %eq3A_84 : i1 to i32
    %cond3A_86 = arith.constant 0 : i32
    %cond3A_87 = arith.cmpi ne, %convert_element_type3A_85, %cond3A_86 : i32
    scf.if %cond3A_87 {
      "tpu.region"() ({
        %run_scoped3A = tpu.sem_alloc : memref<!tpu.dma_semaphore, #tpu.memory_space<semaphore_mem>>
        %dma_start3A = arith.constant 8000 : i32
        %dma_start3A_573 = tpu.memref_slice %arg8[%dma_start3A] : memref<25008xf32, #tpu.memory_space<vmem_shared>> -> memref<1000xf32, #tpu.memory_space<vmem_shared>>
        tpu.enqueue_dma source(%arg3 : memref<1000xf32, #tpu.memory_space<hbm>>) target(%dma_start3A_573 : memref<1000xf32, #tpu.memory_space<vmem_shared>>) target_semaphore(%run_scoped3A : memref<!tpu.dma_semaphore, #tpu.memory_space<semaphore_mem>>)
        %dma_wait3A = arith.constant 8000 : i32
        %dma_wait3A_574 = tpu.memref_slice %arg8[%dma_wait3A] : memref<25008xf32, #tpu.memory_space<vmem_shared>> -> memref<1000xf32, #tpu.memory_space<vmem_shared>>
        tpu.wait_dma2 semaphore(%run_scoped3A : memref<!tpu.dma_semaphore, #tpu.memory_space<semaphore_mem>>) src(%arg3 : memref<1000xf32, #tpu.memory_space<hbm>>) dst(%dma_wait3A_574 : memref<1000xf32, #tpu.memory_space<vmem_shared>>)
        tpu.yield
      }) : () -> ()
    } else {
    }
    %eq3A_88 = arith.constant 9 : i32
    %eq3A_89 = arith.cmpi eq, %arg1, %eq3A_88 : i32
    %convert_element_type3A_90 = arith.extui %eq3A_89 : i1 to i32
    %cond3A_91 = arith.constant 0 : i32
    %cond3A_92 = arith.cmpi ne, %convert_element_type3A_90, %cond3A_91 : i32
    scf.if %cond3A_92 {
      "tpu.region"() ({
        %run_scoped3A = tpu.sem_alloc : memref<!tpu.dma_semaphore, #tpu.memory_space<semaphore_mem>>
        %dma_start3A = arith.constant 9000 : i32
        %dma_start3A_573 = tpu.memref_slice %arg8[%dma_start3A] : memref<25008xf32, #tpu.memory_space<vmem_shared>> -> memref<1000xf32, #tpu.memory_space<vmem_shared>>
        tpu.enqueue_dma source(%arg3 : memref<1000xf32, #tpu.memory_space<hbm>>) target(%dma_start3A_573 : memref<1000xf32, #tpu.memory_space<vmem_shared>>) target_semaphore(%run_scoped3A : memref<!tpu.dma_semaphore, #tpu.memory_space<semaphore_mem>>)
        %dma_wait3A = arith.constant 9000 : i32
        %dma_wait3A_574 = tpu.memref_slice %arg8[%dma_wait3A] : memref<25008xf32, #tpu.memory_space<vmem_shared>> -> memref<1000xf32, #tpu.memory_space<vmem_shared>>
        tpu.wait_dma2 semaphore(%run_scoped3A : memref<!tpu.dma_semaphore, #tpu.memory_space<semaphore_mem>>) src(%arg3 : memref<1000xf32, #tpu.memory_space<hbm>>) dst(%dma_wait3A_574 : memref<1000xf32, #tpu.memory_space<vmem_shared>>)
        tpu.yield
      }) : () -> ()
    } else {
    }
    %eq3A_93 = arith.constant 10 : i32
    %eq3A_94 = arith.cmpi eq, %arg1, %eq3A_93 : i32
    %convert_element_type3A_95 = arith.extui %eq3A_94 : i1 to i32
    %cond3A_96 = arith.constant 0 : i32
    %cond3A_97 = arith.cmpi ne, %convert_element_type3A_95, %cond3A_96 : i32
    scf.if %cond3A_97 {
      "tpu.region"() ({
        %run_scoped3A = tpu.sem_alloc : memref<!tpu.dma_semaphore, #tpu.memory_space<semaphore_mem>>
        %dma_start3A = arith.constant 10000 : i32
        %dma_start3A_573 = tpu.memref_slice %arg8[%dma_start3A] : memref<25008xf32, #tpu.memory_space<vmem_shared>> -> memref<1000xf32, #tpu.memory_space<vmem_shared>>
        tpu.enqueue_dma source(%arg3 : memref<1000xf32, #tpu.memory_space<hbm>>) target(%dma_start3A_573 : memref<1000xf32, #tpu.memory_space<vmem_shared>>) target_semaphore(%run_scoped3A : memref<!tpu.dma_semaphore, #tpu.memory_space<semaphore_mem>>)
        %dma_wait3A = arith.constant 10000 : i32
        %dma_wait3A_574 = tpu.memref_slice %arg8[%dma_wait3A] : memref<25008xf32, #tpu.memory_space<vmem_shared>> -> memref<1000xf32, #tpu.memory_space<vmem_shared>>
        tpu.wait_dma2 semaphore(%run_scoped3A : memref<!tpu.dma_semaphore, #tpu.memory_space<semaphore_mem>>) src(%arg3 : memref<1000xf32, #tpu.memory_space<hbm>>) dst(%dma_wait3A_574 : memref<1000xf32, #tpu.memory_space<vmem_shared>>)
        tpu.yield
      }) : () -> ()
    } else {
    }
    %eq3A_98 = arith.constant 11 : i32
    %eq3A_99 = arith.cmpi eq, %arg1, %eq3A_98 : i32
    %convert_element_type3A_100 = arith.extui %eq3A_99 : i1 to i32
    %cond3A_101 = arith.constant 0 : i32
    %cond3A_102 = arith.cmpi ne, %convert_element_type3A_100, %cond3A_101 : i32
    scf.if %cond3A_102 {
      "tpu.region"() ({
        %run_scoped3A = tpu.sem_alloc : memref<!tpu.dma_semaphore, #tpu.memory_space<semaphore_mem>>
        %dma_start3A = arith.constant 11000 : i32
        %dma_start3A_573 = tpu.memref_slice %arg8[%dma_start3A] : memref<25008xf32, #tpu.memory_space<vmem_shared>> -> memref<1000xf32, #tpu.memory_space<vmem_shared>>
        tpu.enqueue_dma source(%arg3 : memref<1000xf32, #tpu.memory_space<hbm>>) target(%dma_start3A_573 : memref<1000xf32, #tpu.memory_space<vmem_shared>>) target_semaphore(%run_scoped3A : memref<!tpu.dma_semaphore, #tpu.memory_space<semaphore_mem>>)
        %dma_wait3A = arith.constant 11000 : i32
        %dma_wait3A_574 = tpu.memref_slice %arg8[%dma_wait3A] : memref<25008xf32, #tpu.memory_space<vmem_shared>> -> memref<1000xf32, #tpu.memory_space<vmem_shared>>
        tpu.wait_dma2 semaphore(%run_scoped3A : memref<!tpu.dma_semaphore, #tpu.memory_space<semaphore_mem>>) src(%arg3 : memref<1000xf32, #tpu.memory_space<hbm>>) dst(%dma_wait3A_574 : memref<1000xf32, #tpu.memory_space<vmem_shared>>)
        tpu.yield
      }) : () -> ()
    } else {
    }
    %eq3A_103 = arith.constant 12 : i32
    %eq3A_104 = arith.cmpi eq, %arg1, %eq3A_103 : i32
    %convert_element_type3A_105 = arith.extui %eq3A_104 : i1 to i32
    %cond3A_106 = arith.constant 0 : i32
    %cond3A_107 = arith.cmpi ne, %convert_element_type3A_105, %cond3A_106 : i32
    scf.if %cond3A_107 {
      "tpu.region"() ({
        %run_scoped3A = tpu.sem_alloc : memref<!tpu.dma_semaphore, #tpu.memory_space<semaphore_mem>>
        %dma_start3A = arith.constant 12000 : i32
        %dma_start3A_573 = tpu.memref_slice %arg8[%dma_start3A] : memref<25008xf32, #tpu.memory_space<vmem_shared>> -> memref<1000xf32, #tpu.memory_space<vmem_shared>>
        tpu.enqueue_dma source(%arg3 : memref<1000xf32, #tpu.memory_space<hbm>>) target(%dma_start3A_573 : memref<1000xf32, #tpu.memory_space<vmem_shared>>) target_semaphore(%run_scoped3A : memref<!tpu.dma_semaphore, #tpu.memory_space<semaphore_mem>>)
        %dma_wait3A = arith.constant 12000 : i32
        %dma_wait3A_574 = tpu.memref_slice %arg8[%dma_wait3A] : memref<25008xf32, #tpu.memory_space<vmem_shared>> -> memref<1000xf32, #tpu.memory_space<vmem_shared>>
        tpu.wait_dma2 semaphore(%run_scoped3A : memref<!tpu.dma_semaphore, #tpu.memory_space<semaphore_mem>>) src(%arg3 : memref<1000xf32, #tpu.memory_space<hbm>>) dst(%dma_wait3A_574 : memref<1000xf32, #tpu.memory_space<vmem_shared>>)
        tpu.yield
      }) : () -> ()
    } else {
    }
    %eq3A_108 = arith.constant 13 : i32
    %eq3A_109 = arith.cmpi eq, %arg1, %eq3A_108 : i32
    %convert_element_type3A_110 = arith.extui %eq3A_109 : i1 to i32
    %cond3A_111 = arith.constant 0 : i32
    %cond3A_112 = arith.cmpi ne, %convert_element_type3A_110, %cond3A_111 : i32
    scf.if %cond3A_112 {
      "tpu.region"() ({
        %run_scoped3A = tpu.sem_alloc : memref<!tpu.dma_semaphore, #tpu.memory_space<semaphore_mem>>
        %dma_start3A = arith.constant 13000 : i32
        %dma_start3A_573 = tpu.memref_slice %arg8[%dma_start3A] : memref<25008xf32, #tpu.memory_space<vmem_shared>> -> memref<1000xf32, #tpu.memory_space<vmem_shared>>
        tpu.enqueue_dma source(%arg3 : memref<1000xf32, #tpu.memory_space<hbm>>) target(%dma_start3A_573 : memref<1000xf32, #tpu.memory_space<vmem_shared>>) target_semaphore(%run_scoped3A : memref<!tpu.dma_semaphore, #tpu.memory_space<semaphore_mem>>)
        %dma_wait3A = arith.constant 13000 : i32
        %dma_wait3A_574 = tpu.memref_slice %arg8[%dma_wait3A] : memref<25008xf32, #tpu.memory_space<vmem_shared>> -> memref<1000xf32, #tpu.memory_space<vmem_shared>>
        tpu.wait_dma2 semaphore(%run_scoped3A : memref<!tpu.dma_semaphore, #tpu.memory_space<semaphore_mem>>) src(%arg3 : memref<1000xf32, #tpu.memory_space<hbm>>) dst(%dma_wait3A_574 : memref<1000xf32, #tpu.memory_space<vmem_shared>>)
        tpu.yield
      }) : () -> ()
    } else {
    }
    %eq3A_113 = arith.constant 14 : i32
    %eq3A_114 = arith.cmpi eq, %arg1, %eq3A_113 : i32
    %convert_element_type3A_115 = arith.extui %eq3A_114 : i1 to i32
    %cond3A_116 = arith.constant 0 : i32
    %cond3A_117 = arith.cmpi ne, %convert_element_type3A_115, %cond3A_116 : i32
    scf.if %cond3A_117 {
      "tpu.region"() ({
        %run_scoped3A = tpu.sem_alloc : memref<!tpu.dma_semaphore, #tpu.memory_space<semaphore_mem>>
        %dma_start3A = arith.constant 14000 : i32
        %dma_start3A_573 = tpu.memref_slice %arg8[%dma_start3A] : memref<25008xf32, #tpu.memory_space<vmem_shared>> -> memref<1000xf32, #tpu.memory_space<vmem_shared>>
        tpu.enqueue_dma source(%arg3 : memref<1000xf32, #tpu.memory_space<hbm>>) target(%dma_start3A_573 : memref<1000xf32, #tpu.memory_space<vmem_shared>>) target_semaphore(%run_scoped3A : memref<!tpu.dma_semaphore, #tpu.memory_space<semaphore_mem>>)
        %dma_wait3A = arith.constant 14000 : i32
        %dma_wait3A_574 = tpu.memref_slice %arg8[%dma_wait3A] : memref<25008xf32, #tpu.memory_space<vmem_shared>> -> memref<1000xf32, #tpu.memory_space<vmem_shared>>
        tpu.wait_dma2 semaphore(%run_scoped3A : memref<!tpu.dma_semaphore, #tpu.memory_space<semaphore_mem>>) src(%arg3 : memref<1000xf32, #tpu.memory_space<hbm>>) dst(%dma_wait3A_574 : memref<1000xf32, #tpu.memory_space<vmem_shared>>)
        tpu.yield
      }) : () -> ()
    } else {
    }
    %eq3A_118 = arith.constant 15 : i32
    %eq3A_119 = arith.cmpi eq, %arg1, %eq3A_118 : i32
    %convert_element_type3A_120 = arith.extui %eq3A_119 : i1 to i32
    %cond3A_121 = arith.constant 0 : i32
    %cond3A_122 = arith.cmpi ne, %convert_element_type3A_120, %cond3A_121 : i32
    scf.if %cond3A_122 {
      "tpu.region"() ({
        %run_scoped3A = tpu.sem_alloc : memref<!tpu.dma_semaphore, #tpu.memory_space<semaphore_mem>>
        %dma_start3A = arith.constant 15000 : i32
        %dma_start3A_573 = tpu.memref_slice %arg8[%dma_start3A] : memref<25008xf32, #tpu.memory_space<vmem_shared>> -> memref<1000xf32, #tpu.memory_space<vmem_shared>>
        tpu.enqueue_dma source(%arg3 : memref<1000xf32, #tpu.memory_space<hbm>>) target(%dma_start3A_573 : memref<1000xf32, #tpu.memory_space<vmem_shared>>) target_semaphore(%run_scoped3A : memref<!tpu.dma_semaphore, #tpu.memory_space<semaphore_mem>>)
        %dma_wait3A = arith.constant 15000 : i32
        %dma_wait3A_574 = tpu.memref_slice %arg8[%dma_wait3A] : memref<25008xf32, #tpu.memory_space<vmem_shared>> -> memref<1000xf32, #tpu.memory_space<vmem_shared>>
        tpu.wait_dma2 semaphore(%run_scoped3A : memref<!tpu.dma_semaphore, #tpu.memory_space<semaphore_mem>>) src(%arg3 : memref<1000xf32, #tpu.memory_space<hbm>>) dst(%dma_wait3A_574 : memref<1000xf32, #tpu.memory_space<vmem_shared>>)
        tpu.yield
      }) : () -> ()
    } else {
    }
    %eq3A_123 = arith.constant 0 : i32
    %eq3A_124 = arith.cmpi eq, %arg1, %eq3A_123 : i32
    %convert_element_type3A_125 = arith.extui %eq3A_124 : i1 to i32
    %cond3A_126 = arith.constant 0 : i32
    %cond3A_127 = arith.cmpi ne, %convert_element_type3A_125, %cond3A_126 : i32
    scf.if %cond3A_127 {
      "tpu.region"() ({
        %run_scoped3A = tpu.sem_alloc : memref<!tpu.dma_semaphore, #tpu.memory_space<semaphore_mem>>
        %dma_start3A = arith.constant 16000 : i32
        %dma_start3A_573 = tpu.memref_slice %arg8[%dma_start3A] : memref<25008xf32, #tpu.memory_space<vmem_shared>> -> memref<1000xf32, #tpu.memory_space<vmem_shared>>
        tpu.enqueue_dma source(%arg3 : memref<1000xf32, #tpu.memory_space<hbm>>) target(%dma_start3A_573 : memref<1000xf32, #tpu.memory_space<vmem_shared>>) target_semaphore(%run_scoped3A : memref<!tpu.dma_semaphore, #tpu.memory_space<semaphore_mem>>)
        %dma_wait3A = arith.constant 16000 : i32
        %dma_wait3A_574 = tpu.memref_slice %arg8[%dma_wait3A] : memref<25008xf32, #tpu.memory_space<vmem_shared>> -> memref<1000xf32, #tpu.memory_space<vmem_shared>>
        tpu.wait_dma2 semaphore(%run_scoped3A : memref<!tpu.dma_semaphore, #tpu.memory_space<semaphore_mem>>) src(%arg3 : memref<1000xf32, #tpu.memory_space<hbm>>) dst(%dma_wait3A_574 : memref<1000xf32, #tpu.memory_space<vmem_shared>>)
        tpu.yield
      }) : () -> ()
    } else {
    }
    %eq3A_128 = arith.constant 1 : i32
    %eq3A_129 = arith.cmpi eq, %arg1, %eq3A_128 : i32
    %convert_element_type3A_130 = arith.extui %eq3A_129 : i1 to i32
    %cond3A_131 = arith.constant 0 : i32
    %cond3A_132 = arith.cmpi ne, %convert_element_type3A_130, %cond3A_131 : i32
    scf.if %cond3A_132 {
      "tpu.region"() ({
        %run_scoped3A = tpu.sem_alloc : memref<!tpu.dma_semaphore, #tpu.memory_space<semaphore_mem>>
        %dma_start3A = arith.constant 17000 : i32
        %dma_start3A_573 = tpu.memref_slice %arg8[%dma_start3A] : memref<25008xf32, #tpu.memory_space<vmem_shared>> -> memref<1000xf32, #tpu.memory_space<vmem_shared>>
        tpu.enqueue_dma source(%arg3 : memref<1000xf32, #tpu.memory_space<hbm>>) target(%dma_start3A_573 : memref<1000xf32, #tpu.memory_space<vmem_shared>>) target_semaphore(%run_scoped3A : memref<!tpu.dma_semaphore, #tpu.memory_space<semaphore_mem>>)
        %dma_wait3A = arith.constant 17000 : i32
        %dma_wait3A_574 = tpu.memref_slice %arg8[%dma_wait3A] : memref<25008xf32, #tpu.memory_space<vmem_shared>> -> memref<1000xf32, #tpu.memory_space<vmem_shared>>
        tpu.wait_dma2 semaphore(%run_scoped3A : memref<!tpu.dma_semaphore, #tpu.memory_space<semaphore_mem>>) src(%arg3 : memref<1000xf32, #tpu.memory_space<hbm>>) dst(%dma_wait3A_574 : memref<1000xf32, #tpu.memory_space<vmem_shared>>)
        tpu.yield
      }) : () -> ()
    } else {
    }
    %eq3A_133 = arith.constant 2 : i32
    %eq3A_134 = arith.cmpi eq, %arg1, %eq3A_133 : i32
    %convert_element_type3A_135 = arith.extui %eq3A_134 : i1 to i32
    %cond3A_136 = arith.constant 0 : i32
    %cond3A_137 = arith.cmpi ne, %convert_element_type3A_135, %cond3A_136 : i32
    scf.if %cond3A_137 {
      "tpu.region"() ({
        %run_scoped3A = tpu.sem_alloc : memref<!tpu.dma_semaphore, #tpu.memory_space<semaphore_mem>>
        %dma_start3A = arith.constant 18000 : i32
        %dma_start3A_573 = tpu.memref_slice %arg8[%dma_start3A] : memref<25008xf32, #tpu.memory_space<vmem_shared>> -> memref<1000xf32, #tpu.memory_space<vmem_shared>>
        tpu.enqueue_dma source(%arg3 : memref<1000xf32, #tpu.memory_space<hbm>>) target(%dma_start3A_573 : memref<1000xf32, #tpu.memory_space<vmem_shared>>) target_semaphore(%run_scoped3A : memref<!tpu.dma_semaphore, #tpu.memory_space<semaphore_mem>>)
        %dma_wait3A = arith.constant 18000 : i32
        %dma_wait3A_574 = tpu.memref_slice %arg8[%dma_wait3A] : memref<25008xf32, #tpu.memory_space<vmem_shared>> -> memref<1000xf32, #tpu.memory_space<vmem_shared>>
        tpu.wait_dma2 semaphore(%run_scoped3A : memref<!tpu.dma_semaphore, #tpu.memory_space<semaphore_mem>>) src(%arg3 : memref<1000xf32, #tpu.memory_space<hbm>>) dst(%dma_wait3A_574 : memref<1000xf32, #tpu.memory_space<vmem_shared>>)
        tpu.yield
      }) : () -> ()
    } else {
    }
    %eq3A_138 = arith.constant 3 : i32
    %eq3A_139 = arith.cmpi eq, %arg1, %eq3A_138 : i32
    %convert_element_type3A_140 = arith.extui %eq3A_139 : i1 to i32
    %cond3A_141 = arith.constant 0 : i32
    %cond3A_142 = arith.cmpi ne, %convert_element_type3A_140, %cond3A_141 : i32
    scf.if %cond3A_142 {
      "tpu.region"() ({
        %run_scoped3A = tpu.sem_alloc : memref<!tpu.dma_semaphore, #tpu.memory_space<semaphore_mem>>
        %dma_start3A = arith.constant 19000 : i32
        %dma_start3A_573 = tpu.memref_slice %arg8[%dma_start3A] : memref<25008xf32, #tpu.memory_space<vmem_shared>> -> memref<1000xf32, #tpu.memory_space<vmem_shared>>
        tpu.enqueue_dma source(%arg3 : memref<1000xf32, #tpu.memory_space<hbm>>) target(%dma_start3A_573 : memref<1000xf32, #tpu.memory_space<vmem_shared>>) target_semaphore(%run_scoped3A : memref<!tpu.dma_semaphore, #tpu.memory_space<semaphore_mem>>)
        %dma_wait3A = arith.constant 19000 : i32
        %dma_wait3A_574 = tpu.memref_slice %arg8[%dma_wait3A] : memref<25008xf32, #tpu.memory_space<vmem_shared>> -> memref<1000xf32, #tpu.memory_space<vmem_shared>>
        tpu.wait_dma2 semaphore(%run_scoped3A : memref<!tpu.dma_semaphore, #tpu.memory_space<semaphore_mem>>) src(%arg3 : memref<1000xf32, #tpu.memory_space<hbm>>) dst(%dma_wait3A_574 : memref<1000xf32, #tpu.memory_space<vmem_shared>>)
        tpu.yield
      }) : () -> ()
    } else {
    }
    %eq3A_143 = arith.constant 4 : i32
    %eq3A_144 = arith.cmpi eq, %arg1, %eq3A_143 : i32
    %convert_element_type3A_145 = arith.extui %eq3A_144 : i1 to i32
    %cond3A_146 = arith.constant 0 : i32
    %cond3A_147 = arith.cmpi ne, %convert_element_type3A_145, %cond3A_146 : i32
    scf.if %cond3A_147 {
      "tpu.region"() ({
        %run_scoped3A = tpu.sem_alloc : memref<!tpu.dma_semaphore, #tpu.memory_space<semaphore_mem>>
        %dma_start3A = arith.constant 20000 : i32
        %dma_start3A_573 = tpu.memref_slice %arg8[%dma_start3A] : memref<25008xf32, #tpu.memory_space<vmem_shared>> -> memref<1000xf32, #tpu.memory_space<vmem_shared>>
        tpu.enqueue_dma source(%arg3 : memref<1000xf32, #tpu.memory_space<hbm>>) target(%dma_start3A_573 : memref<1000xf32, #tpu.memory_space<vmem_shared>>) target_semaphore(%run_scoped3A : memref<!tpu.dma_semaphore, #tpu.memory_space<semaphore_mem>>)
        %dma_wait3A = arith.constant 20000 : i32
        %dma_wait3A_574 = tpu.memref_slice %arg8[%dma_wait3A] : memref<25008xf32, #tpu.memory_space<vmem_shared>> -> memref<1000xf32, #tpu.memory_space<vmem_shared>>
        tpu.wait_dma2 semaphore(%run_scoped3A : memref<!tpu.dma_semaphore, #tpu.memory_space<semaphore_mem>>) src(%arg3 : memref<1000xf32, #tpu.memory_space<hbm>>) dst(%dma_wait3A_574 : memref<1000xf32, #tpu.memory_space<vmem_shared>>)
        tpu.yield
      }) : () -> ()
    } else {
    }
    %eq3A_148 = arith.constant 5 : i32
    %eq3A_149 = arith.cmpi eq, %arg1, %eq3A_148 : i32
    %convert_element_type3A_150 = arith.extui %eq3A_149 : i1 to i32
    %cond3A_151 = arith.constant 0 : i32
    %cond3A_152 = arith.cmpi ne, %convert_element_type3A_150, %cond3A_151 : i32
    scf.if %cond3A_152 {
      "tpu.region"() ({
        %run_scoped3A = tpu.sem_alloc : memref<!tpu.dma_semaphore, #tpu.memory_space<semaphore_mem>>
        %dma_start3A = arith.constant 21000 : i32
        %dma_start3A_573 = tpu.memref_slice %arg8[%dma_start3A] : memref<25008xf32, #tpu.memory_space<vmem_shared>> -> memref<1000xf32, #tpu.memory_space<vmem_shared>>
        tpu.enqueue_dma source(%arg3 : memref<1000xf32, #tpu.memory_space<hbm>>) target(%dma_start3A_573 : memref<1000xf32, #tpu.memory_space<vmem_shared>>) target_semaphore(%run_scoped3A : memref<!tpu.dma_semaphore, #tpu.memory_space<semaphore_mem>>)
        %dma_wait3A = arith.constant 21000 : i32
        %dma_wait3A_574 = tpu.memref_slice %arg8[%dma_wait3A] : memref<25008xf32, #tpu.memory_space<vmem_shared>> -> memref<1000xf32, #tpu.memory_space<vmem_shared>>
        tpu.wait_dma2 semaphore(%run_scoped3A : memref<!tpu.dma_semaphore, #tpu.memory_space<semaphore_mem>>) src(%arg3 : memref<1000xf32, #tpu.memory_space<hbm>>) dst(%dma_wait3A_574 : memref<1000xf32, #tpu.memory_space<vmem_shared>>)
        tpu.yield
      }) : () -> ()
    } else {
    }
    %eq3A_153 = arith.constant 6 : i32
    %eq3A_154 = arith.cmpi eq, %arg1, %eq3A_153 : i32
    %convert_element_type3A_155 = arith.extui %eq3A_154 : i1 to i32
    %cond3A_156 = arith.constant 0 : i32
    %cond3A_157 = arith.cmpi ne, %convert_element_type3A_155, %cond3A_156 : i32
    scf.if %cond3A_157 {
      "tpu.region"() ({
        %run_scoped3A = tpu.sem_alloc : memref<!tpu.dma_semaphore, #tpu.memory_space<semaphore_mem>>
        %dma_start3A = arith.constant 22000 : i32
        %dma_start3A_573 = tpu.memref_slice %arg8[%dma_start3A] : memref<25008xf32, #tpu.memory_space<vmem_shared>> -> memref<1000xf32, #tpu.memory_space<vmem_shared>>
        tpu.enqueue_dma source(%arg3 : memref<1000xf32, #tpu.memory_space<hbm>>) target(%dma_start3A_573 : memref<1000xf32, #tpu.memory_space<vmem_shared>>) target_semaphore(%run_scoped3A : memref<!tpu.dma_semaphore, #tpu.memory_space<semaphore_mem>>)
        %dma_wait3A = arith.constant 22000 : i32
        %dma_wait3A_574 = tpu.memref_slice %arg8[%dma_wait3A] : memref<25008xf32, #tpu.memory_space<vmem_shared>> -> memref<1000xf32, #tpu.memory_space<vmem_shared>>
        tpu.wait_dma2 semaphore(%run_scoped3A : memref<!tpu.dma_semaphore, #tpu.memory_space<semaphore_mem>>) src(%arg3 : memref<1000xf32, #tpu.memory_space<hbm>>) dst(%dma_wait3A_574 : memref<1000xf32, #tpu.memory_space<vmem_shared>>)
        tpu.yield
      }) : () -> ()
    } else {
    }
    %eq3A_158 = arith.constant 7 : i32
    %eq3A_159 = arith.cmpi eq, %arg1, %eq3A_158 : i32
    %convert_element_type3A_160 = arith.extui %eq3A_159 : i1 to i32
    %cond3A_161 = arith.constant 0 : i32
    %cond3A_162 = arith.cmpi ne, %convert_element_type3A_160, %cond3A_161 : i32
    scf.if %cond3A_162 {
      "tpu.region"() ({
        %run_scoped3A = tpu.sem_alloc : memref<!tpu.dma_semaphore, #tpu.memory_space<semaphore_mem>>
        %dma_start3A = arith.constant 23000 : i32
        %dma_start3A_573 = tpu.memref_slice %arg8[%dma_start3A] : memref<25008xf32, #tpu.memory_space<vmem_shared>> -> memref<1000xf32, #tpu.memory_space<vmem_shared>>
        tpu.enqueue_dma source(%arg3 : memref<1000xf32, #tpu.memory_space<hbm>>) target(%dma_start3A_573 : memref<1000xf32, #tpu.memory_space<vmem_shared>>) target_semaphore(%run_scoped3A : memref<!tpu.dma_semaphore, #tpu.memory_space<semaphore_mem>>)
        %dma_wait3A = arith.constant 23000 : i32
        %dma_wait3A_574 = tpu.memref_slice %arg8[%dma_wait3A] : memref<25008xf32, #tpu.memory_space<vmem_shared>> -> memref<1000xf32, #tpu.memory_space<vmem_shared>>
        tpu.wait_dma2 semaphore(%run_scoped3A : memref<!tpu.dma_semaphore, #tpu.memory_space<semaphore_mem>>) src(%arg3 : memref<1000xf32, #tpu.memory_space<hbm>>) dst(%dma_wait3A_574 : memref<1000xf32, #tpu.memory_space<vmem_shared>>)
        tpu.yield
      }) : () -> ()
    } else {
    }
    %eq3A_163 = arith.constant 8 : i32
    %eq3A_164 = arith.cmpi eq, %arg1, %eq3A_163 : i32
    %convert_element_type3A_165 = arith.extui %eq3A_164 : i1 to i32
    %cond3A_166 = arith.constant 0 : i32
    %cond3A_167 = arith.cmpi ne, %convert_element_type3A_165, %cond3A_166 : i32
    scf.if %cond3A_167 {
      "tpu.region"() ({
        %run_scoped3A = tpu.sem_alloc : memref<!tpu.dma_semaphore, #tpu.memory_space<semaphore_mem>>
        %dma_start3A = arith.constant 24000 : i32
        %dma_start3A_573 = tpu.memref_slice %arg8[%dma_start3A] : memref<25008xf32, #tpu.memory_space<vmem_shared>> -> memref<1000xf32, #tpu.memory_space<vmem_shared>>
        tpu.enqueue_dma source(%arg3 : memref<1000xf32, #tpu.memory_space<hbm>>) target(%dma_start3A_573 : memref<1000xf32, #tpu.memory_space<vmem_shared>>) target_semaphore(%run_scoped3A : memref<!tpu.dma_semaphore, #tpu.memory_space<semaphore_mem>>)
        %dma_wait3A = arith.constant 24000 : i32
        %dma_wait3A_574 = tpu.memref_slice %arg8[%dma_wait3A] : memref<25008xf32, #tpu.memory_space<vmem_shared>> -> memref<1000xf32, #tpu.memory_space<vmem_shared>>
        tpu.wait_dma2 semaphore(%run_scoped3A : memref<!tpu.dma_semaphore, #tpu.memory_space<semaphore_mem>>) src(%arg3 : memref<1000xf32, #tpu.memory_space<hbm>>) dst(%dma_wait3A_574 : memref<1000xf32, #tpu.memory_space<vmem_shared>>)
        tpu.yield
      }) : () -> ()
    } else {
    }
    %barrier3A = arith.constant 0 : index
    tpu.barrier barrier_id(%barrier3A)
    %scan3A = arith.constant 0 : i32
    %scan3A_168 = arith.constant 0 : i32
    %scan3A_169 = arith.constant 25 : i32
    %scan3A_170 = arith.addi %scan3A_168, %scan3A_169 : i32
    %scan3A_171 = arith.constant 1 : i32
    scf.for %scan3A_573 = %scan3A_168 to %scan3A_170 step %scan3A_171  : i32 {
      %mul3A = arith.constant 16 : i32
      %mul3A_574 = arith.muli %scan3A_573, %mul3A : i32
      %add3A = arith.addi %mul3A_574, %arg1 : i32
      %lt3A = arith.constant 391 : i32
      %lt3A_575 = arith.cmpi slt, %add3A, %lt3A : i32
      %convert_element_type3A_576 = arith.extui %lt3A_575 : i1 to i32
      %cond3A_577 = arith.constant 0 : i32
      %cond3A_578 = arith.cmpi ne, %convert_element_type3A_576, %cond3A_577 : i32
      scf.if %cond3A_578 {
        %mul3A_579 = arith.constant 8 : i32
        %mul3A_580 = arith.muli %add3A, %mul3A_579 : i32
        "tpu.region"() ({
          %run_scoped3A_588 = tpu.sem_alloc : memref<!tpu.dma_semaphore, #tpu.memory_space<semaphore_mem>>
          %dma_start3A = arith.constant 0 : i32
          %dma_start3A_589 = tpu.memref_slice %arg2[%arg0, %mul3A_580, %dma_start3A] : memref<2x3128x128xi32, #tpu.memory_space<hbm>> -> memref<1x8x128xi32, #tpu.memory_space<hbm>>
          %dma_start3A_590 = tpu.memref_squeeze %dma_start3A_589 : memref<1x8x128xi32, #tpu.memory_space<hbm>> -> memref<8x128xi32, #tpu.memory_space<hbm>>
          %dma_start3A_591 = arith.constant 0 : i32
          %dma_start3A_592 = tpu.memref_slice %arg2[%arg0, %mul3A_580, %dma_start3A_591] : memref<2x3128x128xi32, #tpu.memory_space<hbm>> -> memref<1x8x128xi32, #tpu.memory_space<hbm>>
          %dma_start3A_593 = tpu.memref_squeeze %dma_start3A_592 : memref<1x8x128xi32, #tpu.memory_space<hbm>> -> memref<8x128xi32, #tpu.memory_space<hbm>>
          tpu.enqueue_dma source(%dma_start3A_593 : memref<8x128xi32, #tpu.memory_space<hbm>>) target(%arg6 : memref<8x128xi32, #tpu.memory_space<vmem>>) target_semaphore(%run_scoped3A_588 : memref<!tpu.dma_semaphore, #tpu.memory_space<semaphore_mem>>)
          %dma_wait3A = arith.constant 0 : i32
          %dma_wait3A_594 = tpu.memref_slice %arg2[%arg0, %mul3A_580, %dma_wait3A] : memref<2x3128x128xi32, #tpu.memory_space<hbm>> -> memref<1x8x128xi32, #tpu.memory_space<hbm>>
          %dma_wait3A_595 = tpu.memref_squeeze %dma_wait3A_594 : memref<1x8x128xi32, #tpu.memory_space<hbm>> -> memref<8x128xi32, #tpu.memory_space<hbm>>
          %dma_wait3A_596 = arith.constant 0 : i32
          %dma_wait3A_597 = tpu.memref_slice %arg2[%arg0, %mul3A_580, %dma_wait3A_596] : memref<2x3128x128xi32, #tpu.memory_space<hbm>> -> memref<1x8x128xi32, #tpu.memory_space<hbm>>
          %dma_wait3A_598 = tpu.memref_squeeze %dma_wait3A_597 : memref<1x8x128xi32, #tpu.memory_space<hbm>> -> memref<8x128xi32, #tpu.memory_space<hbm>>
          tpu.wait_dma2 semaphore(%run_scoped3A_588 : memref<!tpu.dma_semaphore, #tpu.memory_space<semaphore_mem>>) src(%dma_wait3A_598 : memref<8x128xi32, #tpu.memory_space<hbm>>) dst(%arg6 : memref<8x128xi32, #tpu.memory_space<vmem>>)
          tpu.yield
        }) : () -> ()
        %run_scoped3A = arith.constant 0 : i32
        "tpu.region"() ({
          %run_scoped3A_588 = tpu.sem_alloc : memref<!tpu.dma_semaphore, #tpu.memory_space<semaphore_mem>>
          %dma_start3A = arith.constant 0 : i32
          %dma_start3A_589 = tpu.memref_slice %arg6[%run_scoped3A, %dma_start3A] : memref<8x128xi32, #tpu.memory_space<vmem>> -> memref<1x128xi32, #tpu.memory_space<vmem>>
          %dma_start3A_590 = tpu.memref_squeeze %dma_start3A_589 : memref<1x128xi32, #tpu.memory_space<vmem>> -> memref<128xi32, #tpu.memory_space<vmem>>
          %dma_start3A_591 = arith.constant 0 : i32
          %dma_start3A_592 = tpu.memref_slice %arg8[%dma_start3A_591] : memref<25008xf32, #tpu.memory_space<vmem_shared>> -> memref<25008xf32, #tpu.memory_space<vmem_shared>>
          tpu.enqueue_indirect_dma source(%arg7 : memref<128xf32, #tpu.memory_space<vmem>>) target(%dma_start3A_592 : memref<25008xf32, #tpu.memory_space<vmem_shared>>) offsets(%dma_start3A_590 : memref<128xi32, #tpu.memory_space<vmem>>) semaphore(%run_scoped3A_588 : memref<!tpu.dma_semaphore, #tpu.memory_space<semaphore_mem>>) {add = true}
          %dma_wait3A = arith.constant 0 : i32
          %dma_wait3A_593 = tpu.memref_slice %arg6[%run_scoped3A, %dma_wait3A] : memref<8x128xi32, #tpu.memory_space<vmem>> -> memref<1x128xi32, #tpu.memory_space<vmem>>
          %dma_wait3A_594 = tpu.memref_squeeze %dma_wait3A_593 : memref<1x128xi32, #tpu.memory_space<vmem>> -> memref<128xi32, #tpu.memory_space<vmem>>
          %dma_wait3A_595 = arith.constant 0 : i32
          %dma_wait3A_596 = tpu.memref_slice %arg8[%dma_wait3A_595] : memref<25008xf32, #tpu.memory_space<vmem_shared>> -> memref<25008xf32, #tpu.memory_space<vmem_shared>>
          tpu.wait_indirect_dma semaphore(%run_scoped3A_588 : memref<!tpu.dma_semaphore, #tpu.memory_space<semaphore_mem>>) src(%arg7 : memref<128xf32, #tpu.memory_space<vmem>>) dst(%dma_wait3A_596 : memref<25008xf32, #tpu.memory_space<vmem_shared>>)
          tpu.yield
        }) : () -> ()
        %run_scoped3A_581 = arith.constant 1 : i32
        "tpu.region"() ({
          %run_scoped3A_588 = tpu.sem_alloc : memref<!tpu.dma_semaphore, #tpu.memory_space<semaphore_mem>>
          %dma_start3A = arith.constant 0 : i32
          %dma_start3A_589 = tpu.memref_slice %arg6[%run_scoped3A_581, %dma_start3A] : memref<8x128xi32, #tpu.memory_space<vmem>> -> memref<1x128xi32, #tpu.memory_space<vmem>>
          %dma_start3A_590 = tpu.memref_squeeze %dma_start3A_589 : memref<1x128xi32, #tpu.memory_space<vmem>> -> memref<128xi32, #tpu.memory_space<vmem>>
          %dma_start3A_591 = arith.constant 0 : i32
          %dma_start3A_592 = tpu.memref_slice %arg8[%dma_start3A_591] : memref<25008xf32, #tpu.memory_space<vmem_shared>> -> memref<25008xf32, #tpu.memory_space<vmem_shared>>
          tpu.enqueue_indirect_dma source(%arg7 : memref<128xf32, #tpu.memory_space<vmem>>) target(%dma_start3A_592 : memref<25008xf32, #tpu.memory_space<vmem_shared>>) offsets(%dma_start3A_590 : memref<128xi32, #tpu.memory_space<vmem>>) semaphore(%run_scoped3A_588 : memref<!tpu.dma_semaphore, #tpu.memory_space<semaphore_mem>>) {add = true}
          %dma_wait3A = arith.constant 0 : i32
          %dma_wait3A_593 = tpu.memref_slice %arg6[%run_scoped3A_581, %dma_wait3A] : memref<8x128xi32, #tpu.memory_space<vmem>> -> memref<1x128xi32, #tpu.memory_space<vmem>>
          %dma_wait3A_594 = tpu.memref_squeeze %dma_wait3A_593 : memref<1x128xi32, #tpu.memory_space<vmem>> -> memref<128xi32, #tpu.memory_space<vmem>>
          %dma_wait3A_595 = arith.constant 0 : i32
          %dma_wait3A_596 = tpu.memref_slice %arg8[%dma_wait3A_595] : memref<25008xf32, #tpu.memory_space<vmem_shared>> -> memref<25008xf32, #tpu.memory_space<vmem_shared>>
          tpu.wait_indirect_dma semaphore(%run_scoped3A_588 : memref<!tpu.dma_semaphore, #tpu.memory_space<semaphore_mem>>) src(%arg7 : memref<128xf32, #tpu.memory_space<vmem>>) dst(%dma_wait3A_596 : memref<25008xf32, #tpu.memory_space<vmem_shared>>)
          tpu.yield
        }) : () -> ()
        %run_scoped3A_582 = arith.constant 2 : i32
        "tpu.region"() ({
          %run_scoped3A_588 = tpu.sem_alloc : memref<!tpu.dma_semaphore, #tpu.memory_space<semaphore_mem>>
          %dma_start3A = arith.constant 0 : i32
          %dma_start3A_589 = tpu.memref_slice %arg6[%run_scoped3A_582, %dma_start3A] : memref<8x128xi32, #tpu.memory_space<vmem>> -> memref<1x128xi32, #tpu.memory_space<vmem>>
          %dma_start3A_590 = tpu.memref_squeeze %dma_start3A_589 : memref<1x128xi32, #tpu.memory_space<vmem>> -> memref<128xi32, #tpu.memory_space<vmem>>
          %dma_start3A_591 = arith.constant 0 : i32
          %dma_start3A_592 = tpu.memref_slice %arg8[%dma_start3A_591] : memref<25008xf32, #tpu.memory_space<vmem_shared>> -> memref<25008xf32, #tpu.memory_space<vmem_shared>>
          tpu.enqueue_indirect_dma source(%arg7 : memref<128xf32, #tpu.memory_space<vmem>>) target(%dma_start3A_592 : memref<25008xf32, #tpu.memory_space<vmem_shared>>) offsets(%dma_start3A_590 : memref<128xi32, #tpu.memory_space<vmem>>) semaphore(%run_scoped3A_588 : memref<!tpu.dma_semaphore, #tpu.memory_space<semaphore_mem>>) {add = true}
          %dma_wait3A = arith.constant 0 : i32
          %dma_wait3A_593 = tpu.memref_slice %arg6[%run_scoped3A_582, %dma_wait3A] : memref<8x128xi32, #tpu.memory_space<vmem>> -> memref<1x128xi32, #tpu.memory_space<vmem>>
          %dma_wait3A_594 = tpu.memref_squeeze %dma_wait3A_593 : memref<1x128xi32, #tpu.memory_space<vmem>> -> memref<128xi32, #tpu.memory_space<vmem>>
          %dma_wait3A_595 = arith.constant 0 : i32
          %dma_wait3A_596 = tpu.memref_slice %arg8[%dma_wait3A_595] : memref<25008xf32, #tpu.memory_space<vmem_shared>> -> memref<25008xf32, #tpu.memory_space<vmem_shared>>
          tpu.wait_indirect_dma semaphore(%run_scoped3A_588 : memref<!tpu.dma_semaphore, #tpu.memory_space<semaphore_mem>>) src(%arg7 : memref<128xf32, #tpu.memory_space<vmem>>) dst(%dma_wait3A_596 : memref<25008xf32, #tpu.memory_space<vmem_shared>>)
          tpu.yield
        }) : () -> ()
        %run_scoped3A_583 = arith.constant 3 : i32
        "tpu.region"() ({
          %run_scoped3A_588 = tpu.sem_alloc : memref<!tpu.dma_semaphore, #tpu.memory_space<semaphore_mem>>
          %dma_start3A = arith.constant 0 : i32
          %dma_start3A_589 = tpu.memref_slice %arg6[%run_scoped3A_583, %dma_start3A] : memref<8x128xi32, #tpu.memory_space<vmem>> -> memref<1x128xi32, #tpu.memory_space<vmem>>
          %dma_start3A_590 = tpu.memref_squeeze %dma_start3A_589 : memref<1x128xi32, #tpu.memory_space<vmem>> -> memref<128xi32, #tpu.memory_space<vmem>>
          %dma_start3A_591 = arith.constant 0 : i32
          %dma_start3A_592 = tpu.memref_slice %arg8[%dma_start3A_591] : memref<25008xf32, #tpu.memory_space<vmem_shared>> -> memref<25008xf32, #tpu.memory_space<vmem_shared>>
          tpu.enqueue_indirect_dma source(%arg7 : memref<128xf32, #tpu.memory_space<vmem>>) target(%dma_start3A_592 : memref<25008xf32, #tpu.memory_space<vmem_shared>>) offsets(%dma_start3A_590 : memref<128xi32, #tpu.memory_space<vmem>>) semaphore(%run_scoped3A_588 : memref<!tpu.dma_semaphore, #tpu.memory_space<semaphore_mem>>) {add = true}
          %dma_wait3A = arith.constant 0 : i32
          %dma_wait3A_593 = tpu.memref_slice %arg6[%run_scoped3A_583, %dma_wait3A] : memref<8x128xi32, #tpu.memory_space<vmem>> -> memref<1x128xi32, #tpu.memory_space<vmem>>
          %dma_wait3A_594 = tpu.memref_squeeze %dma_wait3A_593 : memref<1x128xi32, #tpu.memory_space<vmem>> -> memref<128xi32, #tpu.memory_space<vmem>>
          %dma_wait3A_595 = arith.constant 0 : i32
          %dma_wait3A_596 = tpu.memref_slice %arg8[%dma_wait3A_595] : memref<25008xf32, #tpu.memory_space<vmem_shared>> -> memref<25008xf32, #tpu.memory_space<vmem_shared>>
          tpu.wait_indirect_dma semaphore(%run_scoped3A_588 : memref<!tpu.dma_semaphore, #tpu.memory_space<semaphore_mem>>) src(%arg7 : memref<128xf32, #tpu.memory_space<vmem>>) dst(%dma_wait3A_596 : memref<25008xf32, #tpu.memory_space<vmem_shared>>)
          tpu.yield
        }) : () -> ()
        %run_scoped3A_584 = arith.constant 4 : i32
        "tpu.region"() ({
          %run_scoped3A_588 = tpu.sem_alloc : memref<!tpu.dma_semaphore, #tpu.memory_space<semaphore_mem>>
          %dma_start3A = arith.constant 0 : i32
          %dma_start3A_589 = tpu.memref_slice %arg6[%run_scoped3A_584, %dma_start3A] : memref<8x128xi32, #tpu.memory_space<vmem>> -> memref<1x128xi32, #tpu.memory_space<vmem>>
          %dma_start3A_590 = tpu.memref_squeeze %dma_start3A_589 : memref<1x128xi32, #tpu.memory_space<vmem>> -> memref<128xi32, #tpu.memory_space<vmem>>
          %dma_start3A_591 = arith.constant 0 : i32
          %dma_start3A_592 = tpu.memref_slice %arg8[%dma_start3A_591] : memref<25008xf32, #tpu.memory_space<vmem_shared>> -> memref<25008xf32, #tpu.memory_space<vmem_shared>>
          tpu.enqueue_indirect_dma source(%arg7 : memref<128xf32, #tpu.memory_space<vmem>>) target(%dma_start3A_592 : memref<25008xf32, #tpu.memory_space<vmem_shared>>) offsets(%dma_start3A_590 : memref<128xi32, #tpu.memory_space<vmem>>) semaphore(%run_scoped3A_588 : memref<!tpu.dma_semaphore, #tpu.memory_space<semaphore_mem>>) {add = true}
          %dma_wait3A = arith.constant 0 : i32
          %dma_wait3A_593 = tpu.memref_slice %arg6[%run_scoped3A_584, %dma_wait3A] : memref<8x128xi32, #tpu.memory_space<vmem>> -> memref<1x128xi32, #tpu.memory_space<vmem>>
          %dma_wait3A_594 = tpu.memref_squeeze %dma_wait3A_593 : memref<1x128xi32, #tpu.memory_space<vmem>> -> memref<128xi32, #tpu.memory_space<vmem>>
          %dma_wait3A_595 = arith.constant 0 : i32
          %dma_wait3A_596 = tpu.memref_slice %arg8[%dma_wait3A_595] : memref<25008xf32, #tpu.memory_space<vmem_shared>> -> memref<25008xf32, #tpu.memory_space<vmem_shared>>
          tpu.wait_indirect_dma semaphore(%run_scoped3A_588 : memref<!tpu.dma_semaphore, #tpu.memory_space<semaphore_mem>>) src(%arg7 : memref<128xf32, #tpu.memory_space<vmem>>) dst(%dma_wait3A_596 : memref<25008xf32, #tpu.memory_space<vmem_shared>>)
          tpu.yield
        }) : () -> ()
        %run_scoped3A_585 = arith.constant 5 : i32
        "tpu.region"() ({
          %run_scoped3A_588 = tpu.sem_alloc : memref<!tpu.dma_semaphore, #tpu.memory_space<semaphore_mem>>
          %dma_start3A = arith.constant 0 : i32
          %dma_start3A_589 = tpu.memref_slice %arg6[%run_scoped3A_585, %dma_start3A] : memref<8x128xi32, #tpu.memory_space<vmem>> -> memref<1x128xi32, #tpu.memory_space<vmem>>
          %dma_start3A_590 = tpu.memref_squeeze %dma_start3A_589 : memref<1x128xi32, #tpu.memory_space<vmem>> -> memref<128xi32, #tpu.memory_space<vmem>>
          %dma_start3A_591 = arith.constant 0 : i32
          %dma_start3A_592 = tpu.memref_slice %arg8[%dma_start3A_591] : memref<25008xf32, #tpu.memory_space<vmem_shared>> -> memref<25008xf32, #tpu.memory_space<vmem_shared>>
          tpu.enqueue_indirect_dma source(%arg7 : memref<128xf32, #tpu.memory_space<vmem>>) target(%dma_start3A_592 : memref<25008xf32, #tpu.memory_space<vmem_shared>>) offsets(%dma_start3A_590 : memref<128xi32, #tpu.memory_space<vmem>>) semaphore(%run_scoped3A_588 : memref<!tpu.dma_semaphore, #tpu.memory_space<semaphore_mem>>) {add = true}
          %dma_wait3A = arith.constant 0 : i32
          %dma_wait3A_593 = tpu.memref_slice %arg6[%run_scoped3A_585, %dma_wait3A] : memref<8x128xi32, #tpu.memory_space<vmem>> -> memref<1x128xi32, #tpu.memory_space<vmem>>
          %dma_wait3A_594 = tpu.memref_squeeze %dma_wait3A_593 : memref<1x128xi32, #tpu.memory_space<vmem>> -> memref<128xi32, #tpu.memory_space<vmem>>
          %dma_wait3A_595 = arith.constant 0 : i32
          %dma_wait3A_596 = tpu.memref_slice %arg8[%dma_wait3A_595] : memref<25008xf32, #tpu.memory_space<vmem_shared>> -> memref<25008xf32, #tpu.memory_space<vmem_shared>>
          tpu.wait_indirect_dma semaphore(%run_scoped3A_588 : memref<!tpu.dma_semaphore, #tpu.memory_space<semaphore_mem>>) src(%arg7 : memref<128xf32, #tpu.memory_space<vmem>>) dst(%dma_wait3A_596 : memref<25008xf32, #tpu.memory_space<vmem_shared>>)
          tpu.yield
        }) : () -> ()
        %run_scoped3A_586 = arith.constant 6 : i32
        "tpu.region"() ({
          %run_scoped3A_588 = tpu.sem_alloc : memref<!tpu.dma_semaphore, #tpu.memory_space<semaphore_mem>>
          %dma_start3A = arith.constant 0 : i32
          %dma_start3A_589 = tpu.memref_slice %arg6[%run_scoped3A_586, %dma_start3A] : memref<8x128xi32, #tpu.memory_space<vmem>> -> memref<1x128xi32, #tpu.memory_space<vmem>>
          %dma_start3A_590 = tpu.memref_squeeze %dma_start3A_589 : memref<1x128xi32, #tpu.memory_space<vmem>> -> memref<128xi32, #tpu.memory_space<vmem>>
          %dma_start3A_591 = arith.constant 0 : i32
          %dma_start3A_592 = tpu.memref_slice %arg8[%dma_start3A_591] : memref<25008xf32, #tpu.memory_space<vmem_shared>> -> memref<25008xf32, #tpu.memory_space<vmem_shared>>
          tpu.enqueue_indirect_dma source(%arg7 : memref<128xf32, #tpu.memory_space<vmem>>) target(%dma_start3A_592 : memref<25008xf32, #tpu.memory_space<vmem_shared>>) offsets(%dma_start3A_590 : memref<128xi32, #tpu.memory_space<vmem>>) semaphore(%run_scoped3A_588 : memref<!tpu.dma_semaphore, #tpu.memory_space<semaphore_mem>>) {add = true}
          %dma_wait3A = arith.constant 0 : i32
          %dma_wait3A_593 = tpu.memref_slice %arg6[%run_scoped3A_586, %dma_wait3A] : memref<8x128xi32, #tpu.memory_space<vmem>> -> memref<1x128xi32, #tpu.memory_space<vmem>>
          %dma_wait3A_594 = tpu.memref_squeeze %dma_wait3A_593 : memref<1x128xi32, #tpu.memory_space<vmem>> -> memref<128xi32, #tpu.memory_space<vmem>>
          %dma_wait3A_595 = arith.constant 0 : i32
          %dma_wait3A_596 = tpu.memref_slice %arg8[%dma_wait3A_595] : memref<25008xf32, #tpu.memory_space<vmem_shared>> -> memref<25008xf32, #tpu.memory_space<vmem_shared>>
          tpu.wait_indirect_dma semaphore(%run_scoped3A_588 : memref<!tpu.dma_semaphore, #tpu.memory_space<semaphore_mem>>) src(%arg7 : memref<128xf32, #tpu.memory_space<vmem>>) dst(%dma_wait3A_596 : memref<25008xf32, #tpu.memory_space<vmem_shared>>)
          tpu.yield
        }) : () -> ()
        %run_scoped3A_587 = arith.constant 7 : i32
        "tpu.region"() ({
          %run_scoped3A_588 = tpu.sem_alloc : memref<!tpu.dma_semaphore, #tpu.memory_space<semaphore_mem>>
          %dma_start3A = arith.constant 0 : i32
          %dma_start3A_589 = tpu.memref_slice %arg6[%run_scoped3A_587, %dma_start3A] : memref<8x128xi32, #tpu.memory_space<vmem>> -> memref<1x128xi32, #tpu.memory_space<vmem>>
          %dma_start3A_590 = tpu.memref_squeeze %dma_start3A_589 : memref<1x128xi32, #tpu.memory_space<vmem>> -> memref<128xi32, #tpu.memory_space<vmem>>
          %dma_start3A_591 = arith.constant 0 : i32
          %dma_start3A_592 = tpu.memref_slice %arg8[%dma_start3A_591] : memref<25008xf32, #tpu.memory_space<vmem_shared>> -> memref<25008xf32, #tpu.memory_space<vmem_shared>>
          tpu.enqueue_indirect_dma source(%arg7 : memref<128xf32, #tpu.memory_space<vmem>>) target(%dma_start3A_592 : memref<25008xf32, #tpu.memory_space<vmem_shared>>) offsets(%dma_start3A_590 : memref<128xi32, #tpu.memory_space<vmem>>) semaphore(%run_scoped3A_588 : memref<!tpu.dma_semaphore, #tpu.memory_space<semaphore_mem>>) {add = true}
          %dma_wait3A = arith.constant 0 : i32
          %dma_wait3A_593 = tpu.memref_slice %arg6[%run_scoped3A_587, %dma_wait3A] : memref<8x128xi32, #tpu.memory_space<vmem>> -> memref<1x128xi32, #tpu.memory_space<vmem>>
          %dma_wait3A_594 = tpu.memref_squeeze %dma_wait3A_593 : memref<1x128xi32, #tpu.memory_space<vmem>> -> memref<128xi32, #tpu.memory_space<vmem>>
          %dma_wait3A_595 = arith.constant 0 : i32
          %dma_wait3A_596 = tpu.memref_slice %arg8[%dma_wait3A_595] : memref<25008xf32, #tpu.memory_space<vmem_shared>> -> memref<25008xf32, #tpu.memory_space<vmem_shared>>
          tpu.wait_indirect_dma semaphore(%run_scoped3A_588 : memref<!tpu.dma_semaphore, #tpu.memory_space<semaphore_mem>>) src(%arg7 : memref<128xf32, #tpu.memory_space<vmem>>) dst(%dma_wait3A_596 : memref<25008xf32, #tpu.memory_space<vmem_shared>>)
          tpu.yield
        }) : () -> ()
      } else {
      }
    }
    %scan3A_172 = arith.constant 25 : i32
    %barrier3A_173 = arith.constant 0 : index
    tpu.barrier barrier_id(%barrier3A_173)
    %eq3A_174 = arith.constant 0 : i32
    %eq3A_175 = arith.cmpi eq, %arg1, %eq3A_174 : i32
    %eq3A_176 = arith.constant 0 : i32
    %eq3A_177 = arith.cmpi eq, %arg0, %eq3A_176 : i32
    %and3A = arith.andi %eq3A_175, %eq3A_177 : i1
    %convert_element_type3A_178 = arith.extui %and3A : i1 to i32
    %cond3A_179 = arith.constant 0 : i32
    %cond3A_180 = arith.cmpi ne, %convert_element_type3A_178, %cond3A_179 : i32
    scf.if %cond3A_180 {
      "tpu.region"() ({
        %run_scoped3A = tpu.sem_alloc : memref<!tpu.dma_semaphore, #tpu.memory_space<semaphore_mem>>
        %dma_start3A = arith.constant 0 : i32
        %dma_start3A_573 = tpu.memref_slice %arg4[%dma_start3A] : memref<25000xf32, #tpu.memory_space<hbm>> -> memref<1000xf32, #tpu.memory_space<hbm>>
        %dma_start3A_574 = arith.constant 0 : i32
        %dma_start3A_575 = tpu.memref_slice %arg8[%dma_start3A_574] : memref<25008xf32, #tpu.memory_space<vmem_shared>> -> memref<1000xf32, #tpu.memory_space<vmem_shared>>
        tpu.enqueue_dma source(%dma_start3A_575 : memref<1000xf32, #tpu.memory_space<vmem_shared>>) target(%dma_start3A_573 : memref<1000xf32, #tpu.memory_space<hbm>>) target_semaphore(%run_scoped3A : memref<!tpu.dma_semaphore, #tpu.memory_space<semaphore_mem>>)
        %dma_wait3A = arith.constant 0 : i32
        %dma_wait3A_576 = tpu.memref_slice %arg4[%dma_wait3A] : memref<25000xf32, #tpu.memory_space<hbm>> -> memref<1000xf32, #tpu.memory_space<hbm>>
        %dma_wait3A_577 = arith.constant 0 : i32
        %dma_wait3A_578 = tpu.memref_slice %arg8[%dma_wait3A_577] : memref<25008xf32, #tpu.memory_space<vmem_shared>> -> memref<1000xf32, #tpu.memory_space<vmem_shared>>
        tpu.wait_dma2 semaphore(%run_scoped3A : memref<!tpu.dma_semaphore, #tpu.memory_space<semaphore_mem>>) src(%dma_wait3A_578 : memref<1000xf32, #tpu.memory_space<vmem_shared>>) dst(%dma_wait3A_576 : memref<1000xf32, #tpu.memory_space<hbm>>)
        tpu.yield
      }) : () -> ()
    } else {
    }
    %eq3A_181 = arith.constant 0 : i32
    %eq3A_182 = arith.cmpi eq, %arg1, %eq3A_181 : i32
    %eq3A_183 = arith.constant 1 : i32
    %eq3A_184 = arith.cmpi eq, %arg0, %eq3A_183 : i32
    %and3A_185 = arith.andi %eq3A_182, %eq3A_184 : i1
    %convert_element_type3A_186 = arith.extui %and3A_185 : i1 to i32
    %cond3A_187 = arith.constant 0 : i32
    %cond3A_188 = arith.cmpi ne, %convert_element_type3A_186, %cond3A_187 : i32
    scf.if %cond3A_188 {
      "tpu.region"() ({
        %run_scoped3A = tpu.sem_alloc : memref<!tpu.dma_semaphore, #tpu.memory_space<semaphore_mem>>
        %dma_start3A = arith.constant 0 : i32
        %dma_start3A_573 = tpu.memref_slice %arg5[%dma_start3A] : memref<25000xf32, #tpu.memory_space<hbm>> -> memref<1000xf32, #tpu.memory_space<hbm>>
        %dma_start3A_574 = arith.constant 0 : i32
        %dma_start3A_575 = tpu.memref_slice %arg8[%dma_start3A_574] : memref<25008xf32, #tpu.memory_space<vmem_shared>> -> memref<1000xf32, #tpu.memory_space<vmem_shared>>
        tpu.enqueue_dma source(%dma_start3A_575 : memref<1000xf32, #tpu.memory_space<vmem_shared>>) target(%dma_start3A_573 : memref<1000xf32, #tpu.memory_space<hbm>>) target_semaphore(%run_scoped3A : memref<!tpu.dma_semaphore, #tpu.memory_space<semaphore_mem>>)
        %dma_wait3A = arith.constant 0 : i32
        %dma_wait3A_576 = tpu.memref_slice %arg5[%dma_wait3A] : memref<25000xf32, #tpu.memory_space<hbm>> -> memref<1000xf32, #tpu.memory_space<hbm>>
        %dma_wait3A_577 = arith.constant 0 : i32
        %dma_wait3A_578 = tpu.memref_slice %arg8[%dma_wait3A_577] : memref<25008xf32, #tpu.memory_space<vmem_shared>> -> memref<1000xf32, #tpu.memory_space<vmem_shared>>
        tpu.wait_dma2 semaphore(%run_scoped3A : memref<!tpu.dma_semaphore, #tpu.memory_space<semaphore_mem>>) src(%dma_wait3A_578 : memref<1000xf32, #tpu.memory_space<vmem_shared>>) dst(%dma_wait3A_576 : memref<1000xf32, #tpu.memory_space<hbm>>)
        tpu.yield
      }) : () -> ()
    } else {
    }
    %eq3A_189 = arith.constant 1 : i32
    %eq3A_190 = arith.cmpi eq, %arg1, %eq3A_189 : i32
    %eq3A_191 = arith.constant 0 : i32
    %eq3A_192 = arith.cmpi eq, %arg0, %eq3A_191 : i32
    %and3A_193 = arith.andi %eq3A_190, %eq3A_192 : i1
    %convert_element_type3A_194 = arith.extui %and3A_193 : i1 to i32
    %cond3A_195 = arith.constant 0 : i32
    %cond3A_196 = arith.cmpi ne, %convert_element_type3A_194, %cond3A_195 : i32
    scf.if %cond3A_196 {
      "tpu.region"() ({
        %run_scoped3A = tpu.sem_alloc : memref<!tpu.dma_semaphore, #tpu.memory_space<semaphore_mem>>
        %dma_start3A = arith.constant 1000 : i32
        %dma_start3A_573 = tpu.memref_slice %arg4[%dma_start3A] : memref<25000xf32, #tpu.memory_space<hbm>> -> memref<1000xf32, #tpu.memory_space<hbm>>
        %dma_start3A_574 = arith.constant 1000 : i32
        %dma_start3A_575 = tpu.memref_slice %arg8[%dma_start3A_574] : memref<25008xf32, #tpu.memory_space<vmem_shared>> -> memref<1000xf32, #tpu.memory_space<vmem_shared>>
        tpu.enqueue_dma source(%dma_start3A_575 : memref<1000xf32, #tpu.memory_space<vmem_shared>>) target(%dma_start3A_573 : memref<1000xf32, #tpu.memory_space<hbm>>) target_semaphore(%run_scoped3A : memref<!tpu.dma_semaphore, #tpu.memory_space<semaphore_mem>>)
        %dma_wait3A = arith.constant 1000 : i32
        %dma_wait3A_576 = tpu.memref_slice %arg4[%dma_wait3A] : memref<25000xf32, #tpu.memory_space<hbm>> -> memref<1000xf32, #tpu.memory_space<hbm>>
        %dma_wait3A_577 = arith.constant 1000 : i32
        %dma_wait3A_578 = tpu.memref_slice %arg8[%dma_wait3A_577] : memref<25008xf32, #tpu.memory_space<vmem_shared>> -> memref<1000xf32, #tpu.memory_space<vmem_shared>>
        tpu.wait_dma2 semaphore(%run_scoped3A : memref<!tpu.dma_semaphore, #tpu.memory_space<semaphore_mem>>) src(%dma_wait3A_578 : memref<1000xf32, #tpu.memory_space<vmem_shared>>) dst(%dma_wait3A_576 : memref<1000xf32, #tpu.memory_space<hbm>>)
        tpu.yield
      }) : () -> ()
    } else {
    }
    %eq3A_197 = arith.constant 1 : i32
    %eq3A_198 = arith.cmpi eq, %arg1, %eq3A_197 : i32
    %eq3A_199 = arith.constant 1 : i32
    %eq3A_200 = arith.cmpi eq, %arg0, %eq3A_199 : i32
    %and3A_201 = arith.andi %eq3A_198, %eq3A_200 : i1
    %convert_element_type3A_202 = arith.extui %and3A_201 : i1 to i32
    %cond3A_203 = arith.constant 0 : i32
    %cond3A_204 = arith.cmpi ne, %convert_element_type3A_202, %cond3A_203 : i32
    scf.if %cond3A_204 {
      "tpu.region"() ({
        %run_scoped3A = tpu.sem_alloc : memref<!tpu.dma_semaphore, #tpu.memory_space<semaphore_mem>>
        %dma_start3A = arith.constant 1000 : i32
        %dma_start3A_573 = tpu.memref_slice %arg5[%dma_start3A] : memref<25000xf32, #tpu.memory_space<hbm>> -> memref<1000xf32, #tpu.memory_space<hbm>>
        %dma_start3A_574 = arith.constant 1000 : i32
        %dma_start3A_575 = tpu.memref_slice %arg8[%dma_start3A_574] : memref<25008xf32, #tpu.memory_space<vmem_shared>> -> memref<1000xf32, #tpu.memory_space<vmem_shared>>
        tpu.enqueue_dma source(%dma_start3A_575 : memref<1000xf32, #tpu.memory_space<vmem_shared>>) target(%dma_start3A_573 : memref<1000xf32, #tpu.memory_space<hbm>>) target_semaphore(%run_scoped3A : memref<!tpu.dma_semaphore, #tpu.memory_space<semaphore_mem>>)
        %dma_wait3A = arith.constant 1000 : i32
        %dma_wait3A_576 = tpu.memref_slice %arg5[%dma_wait3A] : memref<25000xf32, #tpu.memory_space<hbm>> -> memref<1000xf32, #tpu.memory_space<hbm>>
        %dma_wait3A_577 = arith.constant 1000 : i32
        %dma_wait3A_578 = tpu.memref_slice %arg8[%dma_wait3A_577] : memref<25008xf32, #tpu.memory_space<vmem_shared>> -> memref<1000xf32, #tpu.memory_space<vmem_shared>>
        tpu.wait_dma2 semaphore(%run_scoped3A : memref<!tpu.dma_semaphore, #tpu.memory_space<semaphore_mem>>) src(%dma_wait3A_578 : memref<1000xf32, #tpu.memory_space<vmem_shared>>) dst(%dma_wait3A_576 : memref<1000xf32, #tpu.memory_space<hbm>>)
        tpu.yield
      }) : () -> ()
    } else {
    }
    %eq3A_205 = arith.constant 2 : i32
    %eq3A_206 = arith.cmpi eq, %arg1, %eq3A_205 : i32
    %eq3A_207 = arith.constant 0 : i32
    %eq3A_208 = arith.cmpi eq, %arg0, %eq3A_207 : i32
    %and3A_209 = arith.andi %eq3A_206, %eq3A_208 : i1
    %convert_element_type3A_210 = arith.extui %and3A_209 : i1 to i32
    %cond3A_211 = arith.constant 0 : i32
    %cond3A_212 = arith.cmpi ne, %convert_element_type3A_210, %cond3A_211 : i32
    scf.if %cond3A_212 {
      "tpu.region"() ({
        %run_scoped3A = tpu.sem_alloc : memref<!tpu.dma_semaphore, #tpu.memory_space<semaphore_mem>>
        %dma_start3A = arith.constant 2000 : i32
        %dma_start3A_573 = tpu.memref_slice %arg4[%dma_start3A] : memref<25000xf32, #tpu.memory_space<hbm>> -> memref<1000xf32, #tpu.memory_space<hbm>>
        %dma_start3A_574 = arith.constant 2000 : i32
        %dma_start3A_575 = tpu.memref_slice %arg8[%dma_start3A_574] : memref<25008xf32, #tpu.memory_space<vmem_shared>> -> memref<1000xf32, #tpu.memory_space<vmem_shared>>
        tpu.enqueue_dma source(%dma_start3A_575 : memref<1000xf32, #tpu.memory_space<vmem_shared>>) target(%dma_start3A_573 : memref<1000xf32, #tpu.memory_space<hbm>>) target_semaphore(%run_scoped3A : memref<!tpu.dma_semaphore, #tpu.memory_space<semaphore_mem>>)
        %dma_wait3A = arith.constant 2000 : i32
        %dma_wait3A_576 = tpu.memref_slice %arg4[%dma_wait3A] : memref<25000xf32, #tpu.memory_space<hbm>> -> memref<1000xf32, #tpu.memory_space<hbm>>
        %dma_wait3A_577 = arith.constant 2000 : i32
        %dma_wait3A_578 = tpu.memref_slice %arg8[%dma_wait3A_577] : memref<25008xf32, #tpu.memory_space<vmem_shared>> -> memref<1000xf32, #tpu.memory_space<vmem_shared>>
        tpu.wait_dma2 semaphore(%run_scoped3A : memref<!tpu.dma_semaphore, #tpu.memory_space<semaphore_mem>>) src(%dma_wait3A_578 : memref<1000xf32, #tpu.memory_space<vmem_shared>>) dst(%dma_wait3A_576 : memref<1000xf32, #tpu.memory_space<hbm>>)
        tpu.yield
      }) : () -> ()
    } else {
    }
    %eq3A_213 = arith.constant 2 : i32
    %eq3A_214 = arith.cmpi eq, %arg1, %eq3A_213 : i32
    %eq3A_215 = arith.constant 1 : i32
    %eq3A_216 = arith.cmpi eq, %arg0, %eq3A_215 : i32
    %and3A_217 = arith.andi %eq3A_214, %eq3A_216 : i1
    %convert_element_type3A_218 = arith.extui %and3A_217 : i1 to i32
    %cond3A_219 = arith.constant 0 : i32
    %cond3A_220 = arith.cmpi ne, %convert_element_type3A_218, %cond3A_219 : i32
    scf.if %cond3A_220 {
      "tpu.region"() ({
        %run_scoped3A = tpu.sem_alloc : memref<!tpu.dma_semaphore, #tpu.memory_space<semaphore_mem>>
        %dma_start3A = arith.constant 2000 : i32
        %dma_start3A_573 = tpu.memref_slice %arg5[%dma_start3A] : memref<25000xf32, #tpu.memory_space<hbm>> -> memref<1000xf32, #tpu.memory_space<hbm>>
        %dma_start3A_574 = arith.constant 2000 : i32
        %dma_start3A_575 = tpu.memref_slice %arg8[%dma_start3A_574] : memref<25008xf32, #tpu.memory_space<vmem_shared>> -> memref<1000xf32, #tpu.memory_space<vmem_shared>>
        tpu.enqueue_dma source(%dma_start3A_575 : memref<1000xf32, #tpu.memory_space<vmem_shared>>) target(%dma_start3A_573 : memref<1000xf32, #tpu.memory_space<hbm>>) target_semaphore(%run_scoped3A : memref<!tpu.dma_semaphore, #tpu.memory_space<semaphore_mem>>)
        %dma_wait3A = arith.constant 2000 : i32
        %dma_wait3A_576 = tpu.memref_slice %arg5[%dma_wait3A] : memref<25000xf32, #tpu.memory_space<hbm>> -> memref<1000xf32, #tpu.memory_space<hbm>>
        %dma_wait3A_577 = arith.constant 2000 : i32
        %dma_wait3A_578 = tpu.memref_slice %arg8[%dma_wait3A_577] : memref<25008xf32, #tpu.memory_space<vmem_shared>> -> memref<1000xf32, #tpu.memory_space<vmem_shared>>
        tpu.wait_dma2 semaphore(%run_scoped3A : memref<!tpu.dma_semaphore, #tpu.memory_space<semaphore_mem>>) src(%dma_wait3A_578 : memref<1000xf32, #tpu.memory_space<vmem_shared>>) dst(%dma_wait3A_576 : memref<1000xf32, #tpu.memory_space<hbm>>)
        tpu.yield
      }) : () -> ()
    } else {
    }
    %eq3A_221 = arith.constant 3 : i32
    %eq3A_222 = arith.cmpi eq, %arg1, %eq3A_221 : i32
    %eq3A_223 = arith.constant 0 : i32
    %eq3A_224 = arith.cmpi eq, %arg0, %eq3A_223 : i32
    %and3A_225 = arith.andi %eq3A_222, %eq3A_224 : i1
    %convert_element_type3A_226 = arith.extui %and3A_225 : i1 to i32
    %cond3A_227 = arith.constant 0 : i32
    %cond3A_228 = arith.cmpi ne, %convert_element_type3A_226, %cond3A_227 : i32
    scf.if %cond3A_228 {
      "tpu.region"() ({
        %run_scoped3A = tpu.sem_alloc : memref<!tpu.dma_semaphore, #tpu.memory_space<semaphore_mem>>
        %dma_start3A = arith.constant 3000 : i32
        %dma_start3A_573 = tpu.memref_slice %arg4[%dma_start3A] : memref<25000xf32, #tpu.memory_space<hbm>> -> memref<1000xf32, #tpu.memory_space<hbm>>
        %dma_start3A_574 = arith.constant 3000 : i32
        %dma_start3A_575 = tpu.memref_slice %arg8[%dma_start3A_574] : memref<25008xf32, #tpu.memory_space<vmem_shared>> -> memref<1000xf32, #tpu.memory_space<vmem_shared>>
        tpu.enqueue_dma source(%dma_start3A_575 : memref<1000xf32, #tpu.memory_space<vmem_shared>>) target(%dma_start3A_573 : memref<1000xf32, #tpu.memory_space<hbm>>) target_semaphore(%run_scoped3A : memref<!tpu.dma_semaphore, #tpu.memory_space<semaphore_mem>>)
        %dma_wait3A = arith.constant 3000 : i32
        %dma_wait3A_576 = tpu.memref_slice %arg4[%dma_wait3A] : memref<25000xf32, #tpu.memory_space<hbm>> -> memref<1000xf32, #tpu.memory_space<hbm>>
        %dma_wait3A_577 = arith.constant 3000 : i32
        %dma_wait3A_578 = tpu.memref_slice %arg8[%dma_wait3A_577] : memref<25008xf32, #tpu.memory_space<vmem_shared>> -> memref<1000xf32, #tpu.memory_space<vmem_shared>>
        tpu.wait_dma2 semaphore(%run_scoped3A : memref<!tpu.dma_semaphore, #tpu.memory_space<semaphore_mem>>) src(%dma_wait3A_578 : memref<1000xf32, #tpu.memory_space<vmem_shared>>) dst(%dma_wait3A_576 : memref<1000xf32, #tpu.memory_space<hbm>>)
        tpu.yield
      }) : () -> ()
    } else {
    }
    %eq3A_229 = arith.constant 3 : i32
    %eq3A_230 = arith.cmpi eq, %arg1, %eq3A_229 : i32
    %eq3A_231 = arith.constant 1 : i32
    %eq3A_232 = arith.cmpi eq, %arg0, %eq3A_231 : i32
    %and3A_233 = arith.andi %eq3A_230, %eq3A_232 : i1
    %convert_element_type3A_234 = arith.extui %and3A_233 : i1 to i32
    %cond3A_235 = arith.constant 0 : i32
    %cond3A_236 = arith.cmpi ne, %convert_element_type3A_234, %cond3A_235 : i32
    scf.if %cond3A_236 {
      "tpu.region"() ({
        %run_scoped3A = tpu.sem_alloc : memref<!tpu.dma_semaphore, #tpu.memory_space<semaphore_mem>>
        %dma_start3A = arith.constant 3000 : i32
        %dma_start3A_573 = tpu.memref_slice %arg5[%dma_start3A] : memref<25000xf32, #tpu.memory_space<hbm>> -> memref<1000xf32, #tpu.memory_space<hbm>>
        %dma_start3A_574 = arith.constant 3000 : i32
        %dma_start3A_575 = tpu.memref_slice %arg8[%dma_start3A_574] : memref<25008xf32, #tpu.memory_space<vmem_shared>> -> memref<1000xf32, #tpu.memory_space<vmem_shared>>
        tpu.enqueue_dma source(%dma_start3A_575 : memref<1000xf32, #tpu.memory_space<vmem_shared>>) target(%dma_start3A_573 : memref<1000xf32, #tpu.memory_space<hbm>>) target_semaphore(%run_scoped3A : memref<!tpu.dma_semaphore, #tpu.memory_space<semaphore_mem>>)
        %dma_wait3A = arith.constant 3000 : i32
        %dma_wait3A_576 = tpu.memref_slice %arg5[%dma_wait3A] : memref<25000xf32, #tpu.memory_space<hbm>> -> memref<1000xf32, #tpu.memory_space<hbm>>
        %dma_wait3A_577 = arith.constant 3000 : i32
        %dma_wait3A_578 = tpu.memref_slice %arg8[%dma_wait3A_577] : memref<25008xf32, #tpu.memory_space<vmem_shared>> -> memref<1000xf32, #tpu.memory_space<vmem_shared>>
        tpu.wait_dma2 semaphore(%run_scoped3A : memref<!tpu.dma_semaphore, #tpu.memory_space<semaphore_mem>>) src(%dma_wait3A_578 : memref<1000xf32, #tpu.memory_space<vmem_shared>>) dst(%dma_wait3A_576 : memref<1000xf32, #tpu.memory_space<hbm>>)
        tpu.yield
      }) : () -> ()
    } else {
    }
    %eq3A_237 = arith.constant 4 : i32
    %eq3A_238 = arith.cmpi eq, %arg1, %eq3A_237 : i32
    %eq3A_239 = arith.constant 0 : i32
    %eq3A_240 = arith.cmpi eq, %arg0, %eq3A_239 : i32
    %and3A_241 = arith.andi %eq3A_238, %eq3A_240 : i1
    %convert_element_type3A_242 = arith.extui %and3A_241 : i1 to i32
    %cond3A_243 = arith.constant 0 : i32
    %cond3A_244 = arith.cmpi ne, %convert_element_type3A_242, %cond3A_243 : i32
    scf.if %cond3A_244 {
      "tpu.region"() ({
        %run_scoped3A = tpu.sem_alloc : memref<!tpu.dma_semaphore, #tpu.memory_space<semaphore_mem>>
        %dma_start3A = arith.constant 4000 : i32
        %dma_start3A_573 = tpu.memref_slice %arg4[%dma_start3A] : memref<25000xf32, #tpu.memory_space<hbm>> -> memref<1000xf32, #tpu.memory_space<hbm>>
        %dma_start3A_574 = arith.constant 4000 : i32
        %dma_start3A_575 = tpu.memref_slice %arg8[%dma_start3A_574] : memref<25008xf32, #tpu.memory_space<vmem_shared>> -> memref<1000xf32, #tpu.memory_space<vmem_shared>>
        tpu.enqueue_dma source(%dma_start3A_575 : memref<1000xf32, #tpu.memory_space<vmem_shared>>) target(%dma_start3A_573 : memref<1000xf32, #tpu.memory_space<hbm>>) target_semaphore(%run_scoped3A : memref<!tpu.dma_semaphore, #tpu.memory_space<semaphore_mem>>)
        %dma_wait3A = arith.constant 4000 : i32
        %dma_wait3A_576 = tpu.memref_slice %arg4[%dma_wait3A] : memref<25000xf32, #tpu.memory_space<hbm>> -> memref<1000xf32, #tpu.memory_space<hbm>>
        %dma_wait3A_577 = arith.constant 4000 : i32
        %dma_wait3A_578 = tpu.memref_slice %arg8[%dma_wait3A_577] : memref<25008xf32, #tpu.memory_space<vmem_shared>> -> memref<1000xf32, #tpu.memory_space<vmem_shared>>
        tpu.wait_dma2 semaphore(%run_scoped3A : memref<!tpu.dma_semaphore, #tpu.memory_space<semaphore_mem>>) src(%dma_wait3A_578 : memref<1000xf32, #tpu.memory_space<vmem_shared>>) dst(%dma_wait3A_576 : memref<1000xf32, #tpu.memory_space<hbm>>)
        tpu.yield
      }) : () -> ()
    } else {
    }
    %eq3A_245 = arith.constant 4 : i32
    %eq3A_246 = arith.cmpi eq, %arg1, %eq3A_245 : i32
    %eq3A_247 = arith.constant 1 : i32
    %eq3A_248 = arith.cmpi eq, %arg0, %eq3A_247 : i32
    %and3A_249 = arith.andi %eq3A_246, %eq3A_248 : i1
    %convert_element_type3A_250 = arith.extui %and3A_249 : i1 to i32
    %cond3A_251 = arith.constant 0 : i32
    %cond3A_252 = arith.cmpi ne, %convert_element_type3A_250, %cond3A_251 : i32
    scf.if %cond3A_252 {
      "tpu.region"() ({
        %run_scoped3A = tpu.sem_alloc : memref<!tpu.dma_semaphore, #tpu.memory_space<semaphore_mem>>
        %dma_start3A = arith.constant 4000 : i32
        %dma_start3A_573 = tpu.memref_slice %arg5[%dma_start3A] : memref<25000xf32, #tpu.memory_space<hbm>> -> memref<1000xf32, #tpu.memory_space<hbm>>
        %dma_start3A_574 = arith.constant 4000 : i32
        %dma_start3A_575 = tpu.memref_slice %arg8[%dma_start3A_574] : memref<25008xf32, #tpu.memory_space<vmem_shared>> -> memref<1000xf32, #tpu.memory_space<vmem_shared>>
        tpu.enqueue_dma source(%dma_start3A_575 : memref<1000xf32, #tpu.memory_space<vmem_shared>>) target(%dma_start3A_573 : memref<1000xf32, #tpu.memory_space<hbm>>) target_semaphore(%run_scoped3A : memref<!tpu.dma_semaphore, #tpu.memory_space<semaphore_mem>>)
        %dma_wait3A = arith.constant 4000 : i32
        %dma_wait3A_576 = tpu.memref_slice %arg5[%dma_wait3A] : memref<25000xf32, #tpu.memory_space<hbm>> -> memref<1000xf32, #tpu.memory_space<hbm>>
        %dma_wait3A_577 = arith.constant 4000 : i32
        %dma_wait3A_578 = tpu.memref_slice %arg8[%dma_wait3A_577] : memref<25008xf32, #tpu.memory_space<vmem_shared>> -> memref<1000xf32, #tpu.memory_space<vmem_shared>>
        tpu.wait_dma2 semaphore(%run_scoped3A : memref<!tpu.dma_semaphore, #tpu.memory_space<semaphore_mem>>) src(%dma_wait3A_578 : memref<1000xf32, #tpu.memory_space<vmem_shared>>) dst(%dma_wait3A_576 : memref<1000xf32, #tpu.memory_space<hbm>>)
        tpu.yield
      }) : () -> ()
    } else {
    }
    %eq3A_253 = arith.constant 5 : i32
    %eq3A_254 = arith.cmpi eq, %arg1, %eq3A_253 : i32
    %eq3A_255 = arith.constant 0 : i32
    %eq3A_256 = arith.cmpi eq, %arg0, %eq3A_255 : i32
    %and3A_257 = arith.andi %eq3A_254, %eq3A_256 : i1
    %convert_element_type3A_258 = arith.extui %and3A_257 : i1 to i32
    %cond3A_259 = arith.constant 0 : i32
    %cond3A_260 = arith.cmpi ne, %convert_element_type3A_258, %cond3A_259 : i32
    scf.if %cond3A_260 {
      "tpu.region"() ({
        %run_scoped3A = tpu.sem_alloc : memref<!tpu.dma_semaphore, #tpu.memory_space<semaphore_mem>>
        %dma_start3A = arith.constant 5000 : i32
        %dma_start3A_573 = tpu.memref_slice %arg4[%dma_start3A] : memref<25000xf32, #tpu.memory_space<hbm>> -> memref<1000xf32, #tpu.memory_space<hbm>>
        %dma_start3A_574 = arith.constant 5000 : i32
        %dma_start3A_575 = tpu.memref_slice %arg8[%dma_start3A_574] : memref<25008xf32, #tpu.memory_space<vmem_shared>> -> memref<1000xf32, #tpu.memory_space<vmem_shared>>
        tpu.enqueue_dma source(%dma_start3A_575 : memref<1000xf32, #tpu.memory_space<vmem_shared>>) target(%dma_start3A_573 : memref<1000xf32, #tpu.memory_space<hbm>>) target_semaphore(%run_scoped3A : memref<!tpu.dma_semaphore, #tpu.memory_space<semaphore_mem>>)
        %dma_wait3A = arith.constant 5000 : i32
        %dma_wait3A_576 = tpu.memref_slice %arg4[%dma_wait3A] : memref<25000xf32, #tpu.memory_space<hbm>> -> memref<1000xf32, #tpu.memory_space<hbm>>
        %dma_wait3A_577 = arith.constant 5000 : i32
        %dma_wait3A_578 = tpu.memref_slice %arg8[%dma_wait3A_577] : memref<25008xf32, #tpu.memory_space<vmem_shared>> -> memref<1000xf32, #tpu.memory_space<vmem_shared>>
        tpu.wait_dma2 semaphore(%run_scoped3A : memref<!tpu.dma_semaphore, #tpu.memory_space<semaphore_mem>>) src(%dma_wait3A_578 : memref<1000xf32, #tpu.memory_space<vmem_shared>>) dst(%dma_wait3A_576 : memref<1000xf32, #tpu.memory_space<hbm>>)
        tpu.yield
      }) : () -> ()
    } else {
    }
    %eq3A_261 = arith.constant 5 : i32
    %eq3A_262 = arith.cmpi eq, %arg1, %eq3A_261 : i32
    %eq3A_263 = arith.constant 1 : i32
    %eq3A_264 = arith.cmpi eq, %arg0, %eq3A_263 : i32
    %and3A_265 = arith.andi %eq3A_262, %eq3A_264 : i1
    %convert_element_type3A_266 = arith.extui %and3A_265 : i1 to i32
    %cond3A_267 = arith.constant 0 : i32
    %cond3A_268 = arith.cmpi ne, %convert_element_type3A_266, %cond3A_267 : i32
    scf.if %cond3A_268 {
      "tpu.region"() ({
        %run_scoped3A = tpu.sem_alloc : memref<!tpu.dma_semaphore, #tpu.memory_space<semaphore_mem>>
        %dma_start3A = arith.constant 5000 : i32
        %dma_start3A_573 = tpu.memref_slice %arg5[%dma_start3A] : memref<25000xf32, #tpu.memory_space<hbm>> -> memref<1000xf32, #tpu.memory_space<hbm>>
        %dma_start3A_574 = arith.constant 5000 : i32
        %dma_start3A_575 = tpu.memref_slice %arg8[%dma_start3A_574] : memref<25008xf32, #tpu.memory_space<vmem_shared>> -> memref<1000xf32, #tpu.memory_space<vmem_shared>>
        tpu.enqueue_dma source(%dma_start3A_575 : memref<1000xf32, #tpu.memory_space<vmem_shared>>) target(%dma_start3A_573 : memref<1000xf32, #tpu.memory_space<hbm>>) target_semaphore(%run_scoped3A : memref<!tpu.dma_semaphore, #tpu.memory_space<semaphore_mem>>)
        %dma_wait3A = arith.constant 5000 : i32
        %dma_wait3A_576 = tpu.memref_slice %arg5[%dma_wait3A] : memref<25000xf32, #tpu.memory_space<hbm>> -> memref<1000xf32, #tpu.memory_space<hbm>>
        %dma_wait3A_577 = arith.constant 5000 : i32
        %dma_wait3A_578 = tpu.memref_slice %arg8[%dma_wait3A_577] : memref<25008xf32, #tpu.memory_space<vmem_shared>> -> memref<1000xf32, #tpu.memory_space<vmem_shared>>
        tpu.wait_dma2 semaphore(%run_scoped3A : memref<!tpu.dma_semaphore, #tpu.memory_space<semaphore_mem>>) src(%dma_wait3A_578 : memref<1000xf32, #tpu.memory_space<vmem_shared>>) dst(%dma_wait3A_576 : memref<1000xf32, #tpu.memory_space<hbm>>)
        tpu.yield
      }) : () -> ()
    } else {
    }
    %eq3A_269 = arith.constant 6 : i32
    %eq3A_270 = arith.cmpi eq, %arg1, %eq3A_269 : i32
    %eq3A_271 = arith.constant 0 : i32
    %eq3A_272 = arith.cmpi eq, %arg0, %eq3A_271 : i32
    %and3A_273 = arith.andi %eq3A_270, %eq3A_272 : i1
    %convert_element_type3A_274 = arith.extui %and3A_273 : i1 to i32
    %cond3A_275 = arith.constant 0 : i32
    %cond3A_276 = arith.cmpi ne, %convert_element_type3A_274, %cond3A_275 : i32
    scf.if %cond3A_276 {
      "tpu.region"() ({
        %run_scoped3A = tpu.sem_alloc : memref<!tpu.dma_semaphore, #tpu.memory_space<semaphore_mem>>
        %dma_start3A = arith.constant 6000 : i32
        %dma_start3A_573 = tpu.memref_slice %arg4[%dma_start3A] : memref<25000xf32, #tpu.memory_space<hbm>> -> memref<1000xf32, #tpu.memory_space<hbm>>
        %dma_start3A_574 = arith.constant 6000 : i32
        %dma_start3A_575 = tpu.memref_slice %arg8[%dma_start3A_574] : memref<25008xf32, #tpu.memory_space<vmem_shared>> -> memref<1000xf32, #tpu.memory_space<vmem_shared>>
        tpu.enqueue_dma source(%dma_start3A_575 : memref<1000xf32, #tpu.memory_space<vmem_shared>>) target(%dma_start3A_573 : memref<1000xf32, #tpu.memory_space<hbm>>) target_semaphore(%run_scoped3A : memref<!tpu.dma_semaphore, #tpu.memory_space<semaphore_mem>>)
        %dma_wait3A = arith.constant 6000 : i32
        %dma_wait3A_576 = tpu.memref_slice %arg4[%dma_wait3A] : memref<25000xf32, #tpu.memory_space<hbm>> -> memref<1000xf32, #tpu.memory_space<hbm>>
        %dma_wait3A_577 = arith.constant 6000 : i32
        %dma_wait3A_578 = tpu.memref_slice %arg8[%dma_wait3A_577] : memref<25008xf32, #tpu.memory_space<vmem_shared>> -> memref<1000xf32, #tpu.memory_space<vmem_shared>>
        tpu.wait_dma2 semaphore(%run_scoped3A : memref<!tpu.dma_semaphore, #tpu.memory_space<semaphore_mem>>) src(%dma_wait3A_578 : memref<1000xf32, #tpu.memory_space<vmem_shared>>) dst(%dma_wait3A_576 : memref<1000xf32, #tpu.memory_space<hbm>>)
        tpu.yield
      }) : () -> ()
    } else {
    }
    %eq3A_277 = arith.constant 6 : i32
    %eq3A_278 = arith.cmpi eq, %arg1, %eq3A_277 : i32
    %eq3A_279 = arith.constant 1 : i32
    %eq3A_280 = arith.cmpi eq, %arg0, %eq3A_279 : i32
    %and3A_281 = arith.andi %eq3A_278, %eq3A_280 : i1
    %convert_element_type3A_282 = arith.extui %and3A_281 : i1 to i32
    %cond3A_283 = arith.constant 0 : i32
    %cond3A_284 = arith.cmpi ne, %convert_element_type3A_282, %cond3A_283 : i32
    scf.if %cond3A_284 {
      "tpu.region"() ({
        %run_scoped3A = tpu.sem_alloc : memref<!tpu.dma_semaphore, #tpu.memory_space<semaphore_mem>>
        %dma_start3A = arith.constant 6000 : i32
        %dma_start3A_573 = tpu.memref_slice %arg5[%dma_start3A] : memref<25000xf32, #tpu.memory_space<hbm>> -> memref<1000xf32, #tpu.memory_space<hbm>>
        %dma_start3A_574 = arith.constant 6000 : i32
        %dma_start3A_575 = tpu.memref_slice %arg8[%dma_start3A_574] : memref<25008xf32, #tpu.memory_space<vmem_shared>> -> memref<1000xf32, #tpu.memory_space<vmem_shared>>
        tpu.enqueue_dma source(%dma_start3A_575 : memref<1000xf32, #tpu.memory_space<vmem_shared>>) target(%dma_start3A_573 : memref<1000xf32, #tpu.memory_space<hbm>>) target_semaphore(%run_scoped3A : memref<!tpu.dma_semaphore, #tpu.memory_space<semaphore_mem>>)
        %dma_wait3A = arith.constant 6000 : i32
        %dma_wait3A_576 = tpu.memref_slice %arg5[%dma_wait3A] : memref<25000xf32, #tpu.memory_space<hbm>> -> memref<1000xf32, #tpu.memory_space<hbm>>
        %dma_wait3A_577 = arith.constant 6000 : i32
        %dma_wait3A_578 = tpu.memref_slice %arg8[%dma_wait3A_577] : memref<25008xf32, #tpu.memory_space<vmem_shared>> -> memref<1000xf32, #tpu.memory_space<vmem_shared>>
        tpu.wait_dma2 semaphore(%run_scoped3A : memref<!tpu.dma_semaphore, #tpu.memory_space<semaphore_mem>>) src(%dma_wait3A_578 : memref<1000xf32, #tpu.memory_space<vmem_shared>>) dst(%dma_wait3A_576 : memref<1000xf32, #tpu.memory_space<hbm>>)
        tpu.yield
      }) : () -> ()
    } else {
    }
    %eq3A_285 = arith.constant 7 : i32
    %eq3A_286 = arith.cmpi eq, %arg1, %eq3A_285 : i32
    %eq3A_287 = arith.constant 0 : i32
    %eq3A_288 = arith.cmpi eq, %arg0, %eq3A_287 : i32
    %and3A_289 = arith.andi %eq3A_286, %eq3A_288 : i1
    %convert_element_type3A_290 = arith.extui %and3A_289 : i1 to i32
    %cond3A_291 = arith.constant 0 : i32
    %cond3A_292 = arith.cmpi ne, %convert_element_type3A_290, %cond3A_291 : i32
    scf.if %cond3A_292 {
      "tpu.region"() ({
        %run_scoped3A = tpu.sem_alloc : memref<!tpu.dma_semaphore, #tpu.memory_space<semaphore_mem>>
        %dma_start3A = arith.constant 7000 : i32
        %dma_start3A_573 = tpu.memref_slice %arg4[%dma_start3A] : memref<25000xf32, #tpu.memory_space<hbm>> -> memref<1000xf32, #tpu.memory_space<hbm>>
        %dma_start3A_574 = arith.constant 7000 : i32
        %dma_start3A_575 = tpu.memref_slice %arg8[%dma_start3A_574] : memref<25008xf32, #tpu.memory_space<vmem_shared>> -> memref<1000xf32, #tpu.memory_space<vmem_shared>>
        tpu.enqueue_dma source(%dma_start3A_575 : memref<1000xf32, #tpu.memory_space<vmem_shared>>) target(%dma_start3A_573 : memref<1000xf32, #tpu.memory_space<hbm>>) target_semaphore(%run_scoped3A : memref<!tpu.dma_semaphore, #tpu.memory_space<semaphore_mem>>)
        %dma_wait3A = arith.constant 7000 : i32
        %dma_wait3A_576 = tpu.memref_slice %arg4[%dma_wait3A] : memref<25000xf32, #tpu.memory_space<hbm>> -> memref<1000xf32, #tpu.memory_space<hbm>>
        %dma_wait3A_577 = arith.constant 7000 : i32
        %dma_wait3A_578 = tpu.memref_slice %arg8[%dma_wait3A_577] : memref<25008xf32, #tpu.memory_space<vmem_shared>> -> memref<1000xf32, #tpu.memory_space<vmem_shared>>
        tpu.wait_dma2 semaphore(%run_scoped3A : memref<!tpu.dma_semaphore, #tpu.memory_space<semaphore_mem>>) src(%dma_wait3A_578 : memref<1000xf32, #tpu.memory_space<vmem_shared>>) dst(%dma_wait3A_576 : memref<1000xf32, #tpu.memory_space<hbm>>)
        tpu.yield
      }) : () -> ()
    } else {
    }
    %eq3A_293 = arith.constant 7 : i32
    %eq3A_294 = arith.cmpi eq, %arg1, %eq3A_293 : i32
    %eq3A_295 = arith.constant 1 : i32
    %eq3A_296 = arith.cmpi eq, %arg0, %eq3A_295 : i32
    %and3A_297 = arith.andi %eq3A_294, %eq3A_296 : i1
    %convert_element_type3A_298 = arith.extui %and3A_297 : i1 to i32
    %cond3A_299 = arith.constant 0 : i32
    %cond3A_300 = arith.cmpi ne, %convert_element_type3A_298, %cond3A_299 : i32
    scf.if %cond3A_300 {
      "tpu.region"() ({
        %run_scoped3A = tpu.sem_alloc : memref<!tpu.dma_semaphore, #tpu.memory_space<semaphore_mem>>
        %dma_start3A = arith.constant 7000 : i32
        %dma_start3A_573 = tpu.memref_slice %arg5[%dma_start3A] : memref<25000xf32, #tpu.memory_space<hbm>> -> memref<1000xf32, #tpu.memory_space<hbm>>
        %dma_start3A_574 = arith.constant 7000 : i32
        %dma_start3A_575 = tpu.memref_slice %arg8[%dma_start3A_574] : memref<25008xf32, #tpu.memory_space<vmem_shared>> -> memref<1000xf32, #tpu.memory_space<vmem_shared>>
        tpu.enqueue_dma source(%dma_start3A_575 : memref<1000xf32, #tpu.memory_space<vmem_shared>>) target(%dma_start3A_573 : memref<1000xf32, #tpu.memory_space<hbm>>) target_semaphore(%run_scoped3A : memref<!tpu.dma_semaphore, #tpu.memory_space<semaphore_mem>>)
        %dma_wait3A = arith.constant 7000 : i32
        %dma_wait3A_576 = tpu.memref_slice %arg5[%dma_wait3A] : memref<25000xf32, #tpu.memory_space<hbm>> -> memref<1000xf32, #tpu.memory_space<hbm>>
        %dma_wait3A_577 = arith.constant 7000 : i32
        %dma_wait3A_578 = tpu.memref_slice %arg8[%dma_wait3A_577] : memref<25008xf32, #tpu.memory_space<vmem_shared>> -> memref<1000xf32, #tpu.memory_space<vmem_shared>>
        tpu.wait_dma2 semaphore(%run_scoped3A : memref<!tpu.dma_semaphore, #tpu.memory_space<semaphore_mem>>) src(%dma_wait3A_578 : memref<1000xf32, #tpu.memory_space<vmem_shared>>) dst(%dma_wait3A_576 : memref<1000xf32, #tpu.memory_space<hbm>>)
        tpu.yield
      }) : () -> ()
    } else {
    }
    %eq3A_301 = arith.constant 8 : i32
    %eq3A_302 = arith.cmpi eq, %arg1, %eq3A_301 : i32
    %eq3A_303 = arith.constant 0 : i32
    %eq3A_304 = arith.cmpi eq, %arg0, %eq3A_303 : i32
    %and3A_305 = arith.andi %eq3A_302, %eq3A_304 : i1
    %convert_element_type3A_306 = arith.extui %and3A_305 : i1 to i32
    %cond3A_307 = arith.constant 0 : i32
    %cond3A_308 = arith.cmpi ne, %convert_element_type3A_306, %cond3A_307 : i32
    scf.if %cond3A_308 {
      "tpu.region"() ({
        %run_scoped3A = tpu.sem_alloc : memref<!tpu.dma_semaphore, #tpu.memory_space<semaphore_mem>>
        %dma_start3A = arith.constant 8000 : i32
        %dma_start3A_573 = tpu.memref_slice %arg4[%dma_start3A] : memref<25000xf32, #tpu.memory_space<hbm>> -> memref<1000xf32, #tpu.memory_space<hbm>>
        %dma_start3A_574 = arith.constant 8000 : i32
        %dma_start3A_575 = tpu.memref_slice %arg8[%dma_start3A_574] : memref<25008xf32, #tpu.memory_space<vmem_shared>> -> memref<1000xf32, #tpu.memory_space<vmem_shared>>
        tpu.enqueue_dma source(%dma_start3A_575 : memref<1000xf32, #tpu.memory_space<vmem_shared>>) target(%dma_start3A_573 : memref<1000xf32, #tpu.memory_space<hbm>>) target_semaphore(%run_scoped3A : memref<!tpu.dma_semaphore, #tpu.memory_space<semaphore_mem>>)
        %dma_wait3A = arith.constant 8000 : i32
        %dma_wait3A_576 = tpu.memref_slice %arg4[%dma_wait3A] : memref<25000xf32, #tpu.memory_space<hbm>> -> memref<1000xf32, #tpu.memory_space<hbm>>
        %dma_wait3A_577 = arith.constant 8000 : i32
        %dma_wait3A_578 = tpu.memref_slice %arg8[%dma_wait3A_577] : memref<25008xf32, #tpu.memory_space<vmem_shared>> -> memref<1000xf32, #tpu.memory_space<vmem_shared>>
        tpu.wait_dma2 semaphore(%run_scoped3A : memref<!tpu.dma_semaphore, #tpu.memory_space<semaphore_mem>>) src(%dma_wait3A_578 : memref<1000xf32, #tpu.memory_space<vmem_shared>>) dst(%dma_wait3A_576 : memref<1000xf32, #tpu.memory_space<hbm>>)
        tpu.yield
      }) : () -> ()
    } else {
    }
    %eq3A_309 = arith.constant 8 : i32
    %eq3A_310 = arith.cmpi eq, %arg1, %eq3A_309 : i32
    %eq3A_311 = arith.constant 1 : i32
    %eq3A_312 = arith.cmpi eq, %arg0, %eq3A_311 : i32
    %and3A_313 = arith.andi %eq3A_310, %eq3A_312 : i1
    %convert_element_type3A_314 = arith.extui %and3A_313 : i1 to i32
    %cond3A_315 = arith.constant 0 : i32
    %cond3A_316 = arith.cmpi ne, %convert_element_type3A_314, %cond3A_315 : i32
    scf.if %cond3A_316 {
      "tpu.region"() ({
        %run_scoped3A = tpu.sem_alloc : memref<!tpu.dma_semaphore, #tpu.memory_space<semaphore_mem>>
        %dma_start3A = arith.constant 8000 : i32
        %dma_start3A_573 = tpu.memref_slice %arg5[%dma_start3A] : memref<25000xf32, #tpu.memory_space<hbm>> -> memref<1000xf32, #tpu.memory_space<hbm>>
        %dma_start3A_574 = arith.constant 8000 : i32
        %dma_start3A_575 = tpu.memref_slice %arg8[%dma_start3A_574] : memref<25008xf32, #tpu.memory_space<vmem_shared>> -> memref<1000xf32, #tpu.memory_space<vmem_shared>>
        tpu.enqueue_dma source(%dma_start3A_575 : memref<1000xf32, #tpu.memory_space<vmem_shared>>) target(%dma_start3A_573 : memref<1000xf32, #tpu.memory_space<hbm>>) target_semaphore(%run_scoped3A : memref<!tpu.dma_semaphore, #tpu.memory_space<semaphore_mem>>)
        %dma_wait3A = arith.constant 8000 : i32
        %dma_wait3A_576 = tpu.memref_slice %arg5[%dma_wait3A] : memref<25000xf32, #tpu.memory_space<hbm>> -> memref<1000xf32, #tpu.memory_space<hbm>>
        %dma_wait3A_577 = arith.constant 8000 : i32
        %dma_wait3A_578 = tpu.memref_slice %arg8[%dma_wait3A_577] : memref<25008xf32, #tpu.memory_space<vmem_shared>> -> memref<1000xf32, #tpu.memory_space<vmem_shared>>
        tpu.wait_dma2 semaphore(%run_scoped3A : memref<!tpu.dma_semaphore, #tpu.memory_space<semaphore_mem>>) src(%dma_wait3A_578 : memref<1000xf32, #tpu.memory_space<vmem_shared>>) dst(%dma_wait3A_576 : memref<1000xf32, #tpu.memory_space<hbm>>)
        tpu.yield
      }) : () -> ()
    } else {
    }
    %eq3A_317 = arith.constant 9 : i32
    %eq3A_318 = arith.cmpi eq, %arg1, %eq3A_317 : i32
    %eq3A_319 = arith.constant 0 : i32
    %eq3A_320 = arith.cmpi eq, %arg0, %eq3A_319 : i32
    %and3A_321 = arith.andi %eq3A_318, %eq3A_320 : i1
    %convert_element_type3A_322 = arith.extui %and3A_321 : i1 to i32
    %cond3A_323 = arith.constant 0 : i32
    %cond3A_324 = arith.cmpi ne, %convert_element_type3A_322, %cond3A_323 : i32
    scf.if %cond3A_324 {
      "tpu.region"() ({
        %run_scoped3A = tpu.sem_alloc : memref<!tpu.dma_semaphore, #tpu.memory_space<semaphore_mem>>
        %dma_start3A = arith.constant 9000 : i32
        %dma_start3A_573 = tpu.memref_slice %arg4[%dma_start3A] : memref<25000xf32, #tpu.memory_space<hbm>> -> memref<1000xf32, #tpu.memory_space<hbm>>
        %dma_start3A_574 = arith.constant 9000 : i32
        %dma_start3A_575 = tpu.memref_slice %arg8[%dma_start3A_574] : memref<25008xf32, #tpu.memory_space<vmem_shared>> -> memref<1000xf32, #tpu.memory_space<vmem_shared>>
        tpu.enqueue_dma source(%dma_start3A_575 : memref<1000xf32, #tpu.memory_space<vmem_shared>>) target(%dma_start3A_573 : memref<1000xf32, #tpu.memory_space<hbm>>) target_semaphore(%run_scoped3A : memref<!tpu.dma_semaphore, #tpu.memory_space<semaphore_mem>>)
        %dma_wait3A = arith.constant 9000 : i32
        %dma_wait3A_576 = tpu.memref_slice %arg4[%dma_wait3A] : memref<25000xf32, #tpu.memory_space<hbm>> -> memref<1000xf32, #tpu.memory_space<hbm>>
        %dma_wait3A_577 = arith.constant 9000 : i32
        %dma_wait3A_578 = tpu.memref_slice %arg8[%dma_wait3A_577] : memref<25008xf32, #tpu.memory_space<vmem_shared>> -> memref<1000xf32, #tpu.memory_space<vmem_shared>>
        tpu.wait_dma2 semaphore(%run_scoped3A : memref<!tpu.dma_semaphore, #tpu.memory_space<semaphore_mem>>) src(%dma_wait3A_578 : memref<1000xf32, #tpu.memory_space<vmem_shared>>) dst(%dma_wait3A_576 : memref<1000xf32, #tpu.memory_space<hbm>>)
        tpu.yield
      }) : () -> ()
    } else {
    }
    %eq3A_325 = arith.constant 9 : i32
    %eq3A_326 = arith.cmpi eq, %arg1, %eq3A_325 : i32
    %eq3A_327 = arith.constant 1 : i32
    %eq3A_328 = arith.cmpi eq, %arg0, %eq3A_327 : i32
    %and3A_329 = arith.andi %eq3A_326, %eq3A_328 : i1
    %convert_element_type3A_330 = arith.extui %and3A_329 : i1 to i32
    %cond3A_331 = arith.constant 0 : i32
    %cond3A_332 = arith.cmpi ne, %convert_element_type3A_330, %cond3A_331 : i32
    scf.if %cond3A_332 {
      "tpu.region"() ({
        %run_scoped3A = tpu.sem_alloc : memref<!tpu.dma_semaphore, #tpu.memory_space<semaphore_mem>>
        %dma_start3A = arith.constant 9000 : i32
        %dma_start3A_573 = tpu.memref_slice %arg5[%dma_start3A] : memref<25000xf32, #tpu.memory_space<hbm>> -> memref<1000xf32, #tpu.memory_space<hbm>>
        %dma_start3A_574 = arith.constant 9000 : i32
        %dma_start3A_575 = tpu.memref_slice %arg8[%dma_start3A_574] : memref<25008xf32, #tpu.memory_space<vmem_shared>> -> memref<1000xf32, #tpu.memory_space<vmem_shared>>
        tpu.enqueue_dma source(%dma_start3A_575 : memref<1000xf32, #tpu.memory_space<vmem_shared>>) target(%dma_start3A_573 : memref<1000xf32, #tpu.memory_space<hbm>>) target_semaphore(%run_scoped3A : memref<!tpu.dma_semaphore, #tpu.memory_space<semaphore_mem>>)
        %dma_wait3A = arith.constant 9000 : i32
        %dma_wait3A_576 = tpu.memref_slice %arg5[%dma_wait3A] : memref<25000xf32, #tpu.memory_space<hbm>> -> memref<1000xf32, #tpu.memory_space<hbm>>
        %dma_wait3A_577 = arith.constant 9000 : i32
        %dma_wait3A_578 = tpu.memref_slice %arg8[%dma_wait3A_577] : memref<25008xf32, #tpu.memory_space<vmem_shared>> -> memref<1000xf32, #tpu.memory_space<vmem_shared>>
        tpu.wait_dma2 semaphore(%run_scoped3A : memref<!tpu.dma_semaphore, #tpu.memory_space<semaphore_mem>>) src(%dma_wait3A_578 : memref<1000xf32, #tpu.memory_space<vmem_shared>>) dst(%dma_wait3A_576 : memref<1000xf32, #tpu.memory_space<hbm>>)
        tpu.yield
      }) : () -> ()
    } else {
    }
    %eq3A_333 = arith.constant 10 : i32
    %eq3A_334 = arith.cmpi eq, %arg1, %eq3A_333 : i32
    %eq3A_335 = arith.constant 0 : i32
    %eq3A_336 = arith.cmpi eq, %arg0, %eq3A_335 : i32
    %and3A_337 = arith.andi %eq3A_334, %eq3A_336 : i1
    %convert_element_type3A_338 = arith.extui %and3A_337 : i1 to i32
    %cond3A_339 = arith.constant 0 : i32
    %cond3A_340 = arith.cmpi ne, %convert_element_type3A_338, %cond3A_339 : i32
    scf.if %cond3A_340 {
      "tpu.region"() ({
        %run_scoped3A = tpu.sem_alloc : memref<!tpu.dma_semaphore, #tpu.memory_space<semaphore_mem>>
        %dma_start3A = arith.constant 10000 : i32
        %dma_start3A_573 = tpu.memref_slice %arg4[%dma_start3A] : memref<25000xf32, #tpu.memory_space<hbm>> -> memref<1000xf32, #tpu.memory_space<hbm>>
        %dma_start3A_574 = arith.constant 10000 : i32
        %dma_start3A_575 = tpu.memref_slice %arg8[%dma_start3A_574] : memref<25008xf32, #tpu.memory_space<vmem_shared>> -> memref<1000xf32, #tpu.memory_space<vmem_shared>>
        tpu.enqueue_dma source(%dma_start3A_575 : memref<1000xf32, #tpu.memory_space<vmem_shared>>) target(%dma_start3A_573 : memref<1000xf32, #tpu.memory_space<hbm>>) target_semaphore(%run_scoped3A : memref<!tpu.dma_semaphore, #tpu.memory_space<semaphore_mem>>)
        %dma_wait3A = arith.constant 10000 : i32
        %dma_wait3A_576 = tpu.memref_slice %arg4[%dma_wait3A] : memref<25000xf32, #tpu.memory_space<hbm>> -> memref<1000xf32, #tpu.memory_space<hbm>>
        %dma_wait3A_577 = arith.constant 10000 : i32
        %dma_wait3A_578 = tpu.memref_slice %arg8[%dma_wait3A_577] : memref<25008xf32, #tpu.memory_space<vmem_shared>> -> memref<1000xf32, #tpu.memory_space<vmem_shared>>
        tpu.wait_dma2 semaphore(%run_scoped3A : memref<!tpu.dma_semaphore, #tpu.memory_space<semaphore_mem>>) src(%dma_wait3A_578 : memref<1000xf32, #tpu.memory_space<vmem_shared>>) dst(%dma_wait3A_576 : memref<1000xf32, #tpu.memory_space<hbm>>)
        tpu.yield
      }) : () -> ()
    } else {
    }
    %eq3A_341 = arith.constant 10 : i32
    %eq3A_342 = arith.cmpi eq, %arg1, %eq3A_341 : i32
    %eq3A_343 = arith.constant 1 : i32
    %eq3A_344 = arith.cmpi eq, %arg0, %eq3A_343 : i32
    %and3A_345 = arith.andi %eq3A_342, %eq3A_344 : i1
    %convert_element_type3A_346 = arith.extui %and3A_345 : i1 to i32
    %cond3A_347 = arith.constant 0 : i32
    %cond3A_348 = arith.cmpi ne, %convert_element_type3A_346, %cond3A_347 : i32
    scf.if %cond3A_348 {
      "tpu.region"() ({
        %run_scoped3A = tpu.sem_alloc : memref<!tpu.dma_semaphore, #tpu.memory_space<semaphore_mem>>
        %dma_start3A = arith.constant 10000 : i32
        %dma_start3A_573 = tpu.memref_slice %arg5[%dma_start3A] : memref<25000xf32, #tpu.memory_space<hbm>> -> memref<1000xf32, #tpu.memory_space<hbm>>
        %dma_start3A_574 = arith.constant 10000 : i32
        %dma_start3A_575 = tpu.memref_slice %arg8[%dma_start3A_574] : memref<25008xf32, #tpu.memory_space<vmem_shared>> -> memref<1000xf32, #tpu.memory_space<vmem_shared>>
        tpu.enqueue_dma source(%dma_start3A_575 : memref<1000xf32, #tpu.memory_space<vmem_shared>>) target(%dma_start3A_573 : memref<1000xf32, #tpu.memory_space<hbm>>) target_semaphore(%run_scoped3A : memref<!tpu.dma_semaphore, #tpu.memory_space<semaphore_mem>>)
        %dma_wait3A = arith.constant 10000 : i32
        %dma_wait3A_576 = tpu.memref_slice %arg5[%dma_wait3A] : memref<25000xf32, #tpu.memory_space<hbm>> -> memref<1000xf32, #tpu.memory_space<hbm>>
        %dma_wait3A_577 = arith.constant 10000 : i32
        %dma_wait3A_578 = tpu.memref_slice %arg8[%dma_wait3A_577] : memref<25008xf32, #tpu.memory_space<vmem_shared>> -> memref<1000xf32, #tpu.memory_space<vmem_shared>>
        tpu.wait_dma2 semaphore(%run_scoped3A : memref<!tpu.dma_semaphore, #tpu.memory_space<semaphore_mem>>) src(%dma_wait3A_578 : memref<1000xf32, #tpu.memory_space<vmem_shared>>) dst(%dma_wait3A_576 : memref<1000xf32, #tpu.memory_space<hbm>>)
        tpu.yield
      }) : () -> ()
    } else {
    }
    %eq3A_349 = arith.constant 11 : i32
    %eq3A_350 = arith.cmpi eq, %arg1, %eq3A_349 : i32
    %eq3A_351 = arith.constant 0 : i32
    %eq3A_352 = arith.cmpi eq, %arg0, %eq3A_351 : i32
    %and3A_353 = arith.andi %eq3A_350, %eq3A_352 : i1
    %convert_element_type3A_354 = arith.extui %and3A_353 : i1 to i32
    %cond3A_355 = arith.constant 0 : i32
    %cond3A_356 = arith.cmpi ne, %convert_element_type3A_354, %cond3A_355 : i32
    scf.if %cond3A_356 {
      "tpu.region"() ({
        %run_scoped3A = tpu.sem_alloc : memref<!tpu.dma_semaphore, #tpu.memory_space<semaphore_mem>>
        %dma_start3A = arith.constant 11000 : i32
        %dma_start3A_573 = tpu.memref_slice %arg4[%dma_start3A] : memref<25000xf32, #tpu.memory_space<hbm>> -> memref<1000xf32, #tpu.memory_space<hbm>>
        %dma_start3A_574 = arith.constant 11000 : i32
        %dma_start3A_575 = tpu.memref_slice %arg8[%dma_start3A_574] : memref<25008xf32, #tpu.memory_space<vmem_shared>> -> memref<1000xf32, #tpu.memory_space<vmem_shared>>
        tpu.enqueue_dma source(%dma_start3A_575 : memref<1000xf32, #tpu.memory_space<vmem_shared>>) target(%dma_start3A_573 : memref<1000xf32, #tpu.memory_space<hbm>>) target_semaphore(%run_scoped3A : memref<!tpu.dma_semaphore, #tpu.memory_space<semaphore_mem>>)
        %dma_wait3A = arith.constant 11000 : i32
        %dma_wait3A_576 = tpu.memref_slice %arg4[%dma_wait3A] : memref<25000xf32, #tpu.memory_space<hbm>> -> memref<1000xf32, #tpu.memory_space<hbm>>
        %dma_wait3A_577 = arith.constant 11000 : i32
        %dma_wait3A_578 = tpu.memref_slice %arg8[%dma_wait3A_577] : memref<25008xf32, #tpu.memory_space<vmem_shared>> -> memref<1000xf32, #tpu.memory_space<vmem_shared>>
        tpu.wait_dma2 semaphore(%run_scoped3A : memref<!tpu.dma_semaphore, #tpu.memory_space<semaphore_mem>>) src(%dma_wait3A_578 : memref<1000xf32, #tpu.memory_space<vmem_shared>>) dst(%dma_wait3A_576 : memref<1000xf32, #tpu.memory_space<hbm>>)
        tpu.yield
      }) : () -> ()
    } else {
    }
    %eq3A_357 = arith.constant 11 : i32
    %eq3A_358 = arith.cmpi eq, %arg1, %eq3A_357 : i32
    %eq3A_359 = arith.constant 1 : i32
    %eq3A_360 = arith.cmpi eq, %arg0, %eq3A_359 : i32
    %and3A_361 = arith.andi %eq3A_358, %eq3A_360 : i1
    %convert_element_type3A_362 = arith.extui %and3A_361 : i1 to i32
    %cond3A_363 = arith.constant 0 : i32
    %cond3A_364 = arith.cmpi ne, %convert_element_type3A_362, %cond3A_363 : i32
    scf.if %cond3A_364 {
      "tpu.region"() ({
        %run_scoped3A = tpu.sem_alloc : memref<!tpu.dma_semaphore, #tpu.memory_space<semaphore_mem>>
        %dma_start3A = arith.constant 11000 : i32
        %dma_start3A_573 = tpu.memref_slice %arg5[%dma_start3A] : memref<25000xf32, #tpu.memory_space<hbm>> -> memref<1000xf32, #tpu.memory_space<hbm>>
        %dma_start3A_574 = arith.constant 11000 : i32
        %dma_start3A_575 = tpu.memref_slice %arg8[%dma_start3A_574] : memref<25008xf32, #tpu.memory_space<vmem_shared>> -> memref<1000xf32, #tpu.memory_space<vmem_shared>>
        tpu.enqueue_dma source(%dma_start3A_575 : memref<1000xf32, #tpu.memory_space<vmem_shared>>) target(%dma_start3A_573 : memref<1000xf32, #tpu.memory_space<hbm>>) target_semaphore(%run_scoped3A : memref<!tpu.dma_semaphore, #tpu.memory_space<semaphore_mem>>)
        %dma_wait3A = arith.constant 11000 : i32
        %dma_wait3A_576 = tpu.memref_slice %arg5[%dma_wait3A] : memref<25000xf32, #tpu.memory_space<hbm>> -> memref<1000xf32, #tpu.memory_space<hbm>>
        %dma_wait3A_577 = arith.constant 11000 : i32
        %dma_wait3A_578 = tpu.memref_slice %arg8[%dma_wait3A_577] : memref<25008xf32, #tpu.memory_space<vmem_shared>> -> memref<1000xf32, #tpu.memory_space<vmem_shared>>
        tpu.wait_dma2 semaphore(%run_scoped3A : memref<!tpu.dma_semaphore, #tpu.memory_space<semaphore_mem>>) src(%dma_wait3A_578 : memref<1000xf32, #tpu.memory_space<vmem_shared>>) dst(%dma_wait3A_576 : memref<1000xf32, #tpu.memory_space<hbm>>)
        tpu.yield
      }) : () -> ()
    } else {
    }
    %eq3A_365 = arith.constant 12 : i32
    %eq3A_366 = arith.cmpi eq, %arg1, %eq3A_365 : i32
    %eq3A_367 = arith.constant 0 : i32
    %eq3A_368 = arith.cmpi eq, %arg0, %eq3A_367 : i32
    %and3A_369 = arith.andi %eq3A_366, %eq3A_368 : i1
    %convert_element_type3A_370 = arith.extui %and3A_369 : i1 to i32
    %cond3A_371 = arith.constant 0 : i32
    %cond3A_372 = arith.cmpi ne, %convert_element_type3A_370, %cond3A_371 : i32
    scf.if %cond3A_372 {
      "tpu.region"() ({
        %run_scoped3A = tpu.sem_alloc : memref<!tpu.dma_semaphore, #tpu.memory_space<semaphore_mem>>
        %dma_start3A = arith.constant 12000 : i32
        %dma_start3A_573 = tpu.memref_slice %arg4[%dma_start3A] : memref<25000xf32, #tpu.memory_space<hbm>> -> memref<1000xf32, #tpu.memory_space<hbm>>
        %dma_start3A_574 = arith.constant 12000 : i32
        %dma_start3A_575 = tpu.memref_slice %arg8[%dma_start3A_574] : memref<25008xf32, #tpu.memory_space<vmem_shared>> -> memref<1000xf32, #tpu.memory_space<vmem_shared>>
        tpu.enqueue_dma source(%dma_start3A_575 : memref<1000xf32, #tpu.memory_space<vmem_shared>>) target(%dma_start3A_573 : memref<1000xf32, #tpu.memory_space<hbm>>) target_semaphore(%run_scoped3A : memref<!tpu.dma_semaphore, #tpu.memory_space<semaphore_mem>>)
        %dma_wait3A = arith.constant 12000 : i32
        %dma_wait3A_576 = tpu.memref_slice %arg4[%dma_wait3A] : memref<25000xf32, #tpu.memory_space<hbm>> -> memref<1000xf32, #tpu.memory_space<hbm>>
        %dma_wait3A_577 = arith.constant 12000 : i32
        %dma_wait3A_578 = tpu.memref_slice %arg8[%dma_wait3A_577] : memref<25008xf32, #tpu.memory_space<vmem_shared>> -> memref<1000xf32, #tpu.memory_space<vmem_shared>>
        tpu.wait_dma2 semaphore(%run_scoped3A : memref<!tpu.dma_semaphore, #tpu.memory_space<semaphore_mem>>) src(%dma_wait3A_578 : memref<1000xf32, #tpu.memory_space<vmem_shared>>) dst(%dma_wait3A_576 : memref<1000xf32, #tpu.memory_space<hbm>>)
        tpu.yield
      }) : () -> ()
    } else {
    }
    %eq3A_373 = arith.constant 12 : i32
    %eq3A_374 = arith.cmpi eq, %arg1, %eq3A_373 : i32
    %eq3A_375 = arith.constant 1 : i32
    %eq3A_376 = arith.cmpi eq, %arg0, %eq3A_375 : i32
    %and3A_377 = arith.andi %eq3A_374, %eq3A_376 : i1
    %convert_element_type3A_378 = arith.extui %and3A_377 : i1 to i32
    %cond3A_379 = arith.constant 0 : i32
    %cond3A_380 = arith.cmpi ne, %convert_element_type3A_378, %cond3A_379 : i32
    scf.if %cond3A_380 {
      "tpu.region"() ({
        %run_scoped3A = tpu.sem_alloc : memref<!tpu.dma_semaphore, #tpu.memory_space<semaphore_mem>>
        %dma_start3A = arith.constant 12000 : i32
        %dma_start3A_573 = tpu.memref_slice %arg5[%dma_start3A] : memref<25000xf32, #tpu.memory_space<hbm>> -> memref<1000xf32, #tpu.memory_space<hbm>>
        %dma_start3A_574 = arith.constant 12000 : i32
        %dma_start3A_575 = tpu.memref_slice %arg8[%dma_start3A_574] : memref<25008xf32, #tpu.memory_space<vmem_shared>> -> memref<1000xf32, #tpu.memory_space<vmem_shared>>
        tpu.enqueue_dma source(%dma_start3A_575 : memref<1000xf32, #tpu.memory_space<vmem_shared>>) target(%dma_start3A_573 : memref<1000xf32, #tpu.memory_space<hbm>>) target_semaphore(%run_scoped3A : memref<!tpu.dma_semaphore, #tpu.memory_space<semaphore_mem>>)
        %dma_wait3A = arith.constant 12000 : i32
        %dma_wait3A_576 = tpu.memref_slice %arg5[%dma_wait3A] : memref<25000xf32, #tpu.memory_space<hbm>> -> memref<1000xf32, #tpu.memory_space<hbm>>
        %dma_wait3A_577 = arith.constant 12000 : i32
        %dma_wait3A_578 = tpu.memref_slice %arg8[%dma_wait3A_577] : memref<25008xf32, #tpu.memory_space<vmem_shared>> -> memref<1000xf32, #tpu.memory_space<vmem_shared>>
        tpu.wait_dma2 semaphore(%run_scoped3A : memref<!tpu.dma_semaphore, #tpu.memory_space<semaphore_mem>>) src(%dma_wait3A_578 : memref<1000xf32, #tpu.memory_space<vmem_shared>>) dst(%dma_wait3A_576 : memref<1000xf32, #tpu.memory_space<hbm>>)
        tpu.yield
      }) : () -> ()
    } else {
    }
    %eq3A_381 = arith.constant 13 : i32
    %eq3A_382 = arith.cmpi eq, %arg1, %eq3A_381 : i32
    %eq3A_383 = arith.constant 0 : i32
    %eq3A_384 = arith.cmpi eq, %arg0, %eq3A_383 : i32
    %and3A_385 = arith.andi %eq3A_382, %eq3A_384 : i1
    %convert_element_type3A_386 = arith.extui %and3A_385 : i1 to i32
    %cond3A_387 = arith.constant 0 : i32
    %cond3A_388 = arith.cmpi ne, %convert_element_type3A_386, %cond3A_387 : i32
    scf.if %cond3A_388 {
      "tpu.region"() ({
        %run_scoped3A = tpu.sem_alloc : memref<!tpu.dma_semaphore, #tpu.memory_space<semaphore_mem>>
        %dma_start3A = arith.constant 13000 : i32
        %dma_start3A_573 = tpu.memref_slice %arg4[%dma_start3A] : memref<25000xf32, #tpu.memory_space<hbm>> -> memref<1000xf32, #tpu.memory_space<hbm>>
        %dma_start3A_574 = arith.constant 13000 : i32
        %dma_start3A_575 = tpu.memref_slice %arg8[%dma_start3A_574] : memref<25008xf32, #tpu.memory_space<vmem_shared>> -> memref<1000xf32, #tpu.memory_space<vmem_shared>>
        tpu.enqueue_dma source(%dma_start3A_575 : memref<1000xf32, #tpu.memory_space<vmem_shared>>) target(%dma_start3A_573 : memref<1000xf32, #tpu.memory_space<hbm>>) target_semaphore(%run_scoped3A : memref<!tpu.dma_semaphore, #tpu.memory_space<semaphore_mem>>)
        %dma_wait3A = arith.constant 13000 : i32
        %dma_wait3A_576 = tpu.memref_slice %arg4[%dma_wait3A] : memref<25000xf32, #tpu.memory_space<hbm>> -> memref<1000xf32, #tpu.memory_space<hbm>>
        %dma_wait3A_577 = arith.constant 13000 : i32
        %dma_wait3A_578 = tpu.memref_slice %arg8[%dma_wait3A_577] : memref<25008xf32, #tpu.memory_space<vmem_shared>> -> memref<1000xf32, #tpu.memory_space<vmem_shared>>
        tpu.wait_dma2 semaphore(%run_scoped3A : memref<!tpu.dma_semaphore, #tpu.memory_space<semaphore_mem>>) src(%dma_wait3A_578 : memref<1000xf32, #tpu.memory_space<vmem_shared>>) dst(%dma_wait3A_576 : memref<1000xf32, #tpu.memory_space<hbm>>)
        tpu.yield
      }) : () -> ()
    } else {
    }
    %eq3A_389 = arith.constant 13 : i32
    %eq3A_390 = arith.cmpi eq, %arg1, %eq3A_389 : i32
    %eq3A_391 = arith.constant 1 : i32
    %eq3A_392 = arith.cmpi eq, %arg0, %eq3A_391 : i32
    %and3A_393 = arith.andi %eq3A_390, %eq3A_392 : i1
    %convert_element_type3A_394 = arith.extui %and3A_393 : i1 to i32
    %cond3A_395 = arith.constant 0 : i32
    %cond3A_396 = arith.cmpi ne, %convert_element_type3A_394, %cond3A_395 : i32
    scf.if %cond3A_396 {
      "tpu.region"() ({
        %run_scoped3A = tpu.sem_alloc : memref<!tpu.dma_semaphore, #tpu.memory_space<semaphore_mem>>
        %dma_start3A = arith.constant 13000 : i32
        %dma_start3A_573 = tpu.memref_slice %arg5[%dma_start3A] : memref<25000xf32, #tpu.memory_space<hbm>> -> memref<1000xf32, #tpu.memory_space<hbm>>
        %dma_start3A_574 = arith.constant 13000 : i32
        %dma_start3A_575 = tpu.memref_slice %arg8[%dma_start3A_574] : memref<25008xf32, #tpu.memory_space<vmem_shared>> -> memref<1000xf32, #tpu.memory_space<vmem_shared>>
        tpu.enqueue_dma source(%dma_start3A_575 : memref<1000xf32, #tpu.memory_space<vmem_shared>>) target(%dma_start3A_573 : memref<1000xf32, #tpu.memory_space<hbm>>) target_semaphore(%run_scoped3A : memref<!tpu.dma_semaphore, #tpu.memory_space<semaphore_mem>>)
        %dma_wait3A = arith.constant 13000 : i32
        %dma_wait3A_576 = tpu.memref_slice %arg5[%dma_wait3A] : memref<25000xf32, #tpu.memory_space<hbm>> -> memref<1000xf32, #tpu.memory_space<hbm>>
        %dma_wait3A_577 = arith.constant 13000 : i32
        %dma_wait3A_578 = tpu.memref_slice %arg8[%dma_wait3A_577] : memref<25008xf32, #tpu.memory_space<vmem_shared>> -> memref<1000xf32, #tpu.memory_space<vmem_shared>>
        tpu.wait_dma2 semaphore(%run_scoped3A : memref<!tpu.dma_semaphore, #tpu.memory_space<semaphore_mem>>) src(%dma_wait3A_578 : memref<1000xf32, #tpu.memory_space<vmem_shared>>) dst(%dma_wait3A_576 : memref<1000xf32, #tpu.memory_space<hbm>>)
        tpu.yield
      }) : () -> ()
    } else {
    }
    %eq3A_397 = arith.constant 14 : i32
    %eq3A_398 = arith.cmpi eq, %arg1, %eq3A_397 : i32
    %eq3A_399 = arith.constant 0 : i32
    %eq3A_400 = arith.cmpi eq, %arg0, %eq3A_399 : i32
    %and3A_401 = arith.andi %eq3A_398, %eq3A_400 : i1
    %convert_element_type3A_402 = arith.extui %and3A_401 : i1 to i32
    %cond3A_403 = arith.constant 0 : i32
    %cond3A_404 = arith.cmpi ne, %convert_element_type3A_402, %cond3A_403 : i32
    scf.if %cond3A_404 {
      "tpu.region"() ({
        %run_scoped3A = tpu.sem_alloc : memref<!tpu.dma_semaphore, #tpu.memory_space<semaphore_mem>>
        %dma_start3A = arith.constant 14000 : i32
        %dma_start3A_573 = tpu.memref_slice %arg4[%dma_start3A] : memref<25000xf32, #tpu.memory_space<hbm>> -> memref<1000xf32, #tpu.memory_space<hbm>>
        %dma_start3A_574 = arith.constant 14000 : i32
        %dma_start3A_575 = tpu.memref_slice %arg8[%dma_start3A_574] : memref<25008xf32, #tpu.memory_space<vmem_shared>> -> memref<1000xf32, #tpu.memory_space<vmem_shared>>
        tpu.enqueue_dma source(%dma_start3A_575 : memref<1000xf32, #tpu.memory_space<vmem_shared>>) target(%dma_start3A_573 : memref<1000xf32, #tpu.memory_space<hbm>>) target_semaphore(%run_scoped3A : memref<!tpu.dma_semaphore, #tpu.memory_space<semaphore_mem>>)
        %dma_wait3A = arith.constant 14000 : i32
        %dma_wait3A_576 = tpu.memref_slice %arg4[%dma_wait3A] : memref<25000xf32, #tpu.memory_space<hbm>> -> memref<1000xf32, #tpu.memory_space<hbm>>
        %dma_wait3A_577 = arith.constant 14000 : i32
        %dma_wait3A_578 = tpu.memref_slice %arg8[%dma_wait3A_577] : memref<25008xf32, #tpu.memory_space<vmem_shared>> -> memref<1000xf32, #tpu.memory_space<vmem_shared>>
        tpu.wait_dma2 semaphore(%run_scoped3A : memref<!tpu.dma_semaphore, #tpu.memory_space<semaphore_mem>>) src(%dma_wait3A_578 : memref<1000xf32, #tpu.memory_space<vmem_shared>>) dst(%dma_wait3A_576 : memref<1000xf32, #tpu.memory_space<hbm>>)
        tpu.yield
      }) : () -> ()
    } else {
    }
    %eq3A_405 = arith.constant 14 : i32
    %eq3A_406 = arith.cmpi eq, %arg1, %eq3A_405 : i32
    %eq3A_407 = arith.constant 1 : i32
    %eq3A_408 = arith.cmpi eq, %arg0, %eq3A_407 : i32
    %and3A_409 = arith.andi %eq3A_406, %eq3A_408 : i1
    %convert_element_type3A_410 = arith.extui %and3A_409 : i1 to i32
    %cond3A_411 = arith.constant 0 : i32
    %cond3A_412 = arith.cmpi ne, %convert_element_type3A_410, %cond3A_411 : i32
    scf.if %cond3A_412 {
      "tpu.region"() ({
        %run_scoped3A = tpu.sem_alloc : memref<!tpu.dma_semaphore, #tpu.memory_space<semaphore_mem>>
        %dma_start3A = arith.constant 14000 : i32
        %dma_start3A_573 = tpu.memref_slice %arg5[%dma_start3A] : memref<25000xf32, #tpu.memory_space<hbm>> -> memref<1000xf32, #tpu.memory_space<hbm>>
        %dma_start3A_574 = arith.constant 14000 : i32
        %dma_start3A_575 = tpu.memref_slice %arg8[%dma_start3A_574] : memref<25008xf32, #tpu.memory_space<vmem_shared>> -> memref<1000xf32, #tpu.memory_space<vmem_shared>>
        tpu.enqueue_dma source(%dma_start3A_575 : memref<1000xf32, #tpu.memory_space<vmem_shared>>) target(%dma_start3A_573 : memref<1000xf32, #tpu.memory_space<hbm>>) target_semaphore(%run_scoped3A : memref<!tpu.dma_semaphore, #tpu.memory_space<semaphore_mem>>)
        %dma_wait3A = arith.constant 14000 : i32
        %dma_wait3A_576 = tpu.memref_slice %arg5[%dma_wait3A] : memref<25000xf32, #tpu.memory_space<hbm>> -> memref<1000xf32, #tpu.memory_space<hbm>>
        %dma_wait3A_577 = arith.constant 14000 : i32
        %dma_wait3A_578 = tpu.memref_slice %arg8[%dma_wait3A_577] : memref<25008xf32, #tpu.memory_space<vmem_shared>> -> memref<1000xf32, #tpu.memory_space<vmem_shared>>
        tpu.wait_dma2 semaphore(%run_scoped3A : memref<!tpu.dma_semaphore, #tpu.memory_space<semaphore_mem>>) src(%dma_wait3A_578 : memref<1000xf32, #tpu.memory_space<vmem_shared>>) dst(%dma_wait3A_576 : memref<1000xf32, #tpu.memory_space<hbm>>)
        tpu.yield
      }) : () -> ()
    } else {
    }
    %eq3A_413 = arith.constant 15 : i32
    %eq3A_414 = arith.cmpi eq, %arg1, %eq3A_413 : i32
    %eq3A_415 = arith.constant 0 : i32
    %eq3A_416 = arith.cmpi eq, %arg0, %eq3A_415 : i32
    %and3A_417 = arith.andi %eq3A_414, %eq3A_416 : i1
    %convert_element_type3A_418 = arith.extui %and3A_417 : i1 to i32
    %cond3A_419 = arith.constant 0 : i32
    %cond3A_420 = arith.cmpi ne, %convert_element_type3A_418, %cond3A_419 : i32
    scf.if %cond3A_420 {
      "tpu.region"() ({
        %run_scoped3A = tpu.sem_alloc : memref<!tpu.dma_semaphore, #tpu.memory_space<semaphore_mem>>
        %dma_start3A = arith.constant 15000 : i32
        %dma_start3A_573 = tpu.memref_slice %arg4[%dma_start3A] : memref<25000xf32, #tpu.memory_space<hbm>> -> memref<1000xf32, #tpu.memory_space<hbm>>
        %dma_start3A_574 = arith.constant 15000 : i32
        %dma_start3A_575 = tpu.memref_slice %arg8[%dma_start3A_574] : memref<25008xf32, #tpu.memory_space<vmem_shared>> -> memref<1000xf32, #tpu.memory_space<vmem_shared>>
        tpu.enqueue_dma source(%dma_start3A_575 : memref<1000xf32, #tpu.memory_space<vmem_shared>>) target(%dma_start3A_573 : memref<1000xf32, #tpu.memory_space<hbm>>) target_semaphore(%run_scoped3A : memref<!tpu.dma_semaphore, #tpu.memory_space<semaphore_mem>>)
        %dma_wait3A = arith.constant 15000 : i32
        %dma_wait3A_576 = tpu.memref_slice %arg4[%dma_wait3A] : memref<25000xf32, #tpu.memory_space<hbm>> -> memref<1000xf32, #tpu.memory_space<hbm>>
        %dma_wait3A_577 = arith.constant 15000 : i32
        %dma_wait3A_578 = tpu.memref_slice %arg8[%dma_wait3A_577] : memref<25008xf32, #tpu.memory_space<vmem_shared>> -> memref<1000xf32, #tpu.memory_space<vmem_shared>>
        tpu.wait_dma2 semaphore(%run_scoped3A : memref<!tpu.dma_semaphore, #tpu.memory_space<semaphore_mem>>) src(%dma_wait3A_578 : memref<1000xf32, #tpu.memory_space<vmem_shared>>) dst(%dma_wait3A_576 : memref<1000xf32, #tpu.memory_space<hbm>>)
        tpu.yield
      }) : () -> ()
    } else {
    }
    %eq3A_421 = arith.constant 15 : i32
    %eq3A_422 = arith.cmpi eq, %arg1, %eq3A_421 : i32
    %eq3A_423 = arith.constant 1 : i32
    %eq3A_424 = arith.cmpi eq, %arg0, %eq3A_423 : i32
    %and3A_425 = arith.andi %eq3A_422, %eq3A_424 : i1
    %convert_element_type3A_426 = arith.extui %and3A_425 : i1 to i32
    %cond3A_427 = arith.constant 0 : i32
    %cond3A_428 = arith.cmpi ne, %convert_element_type3A_426, %cond3A_427 : i32
    scf.if %cond3A_428 {
      "tpu.region"() ({
        %run_scoped3A = tpu.sem_alloc : memref<!tpu.dma_semaphore, #tpu.memory_space<semaphore_mem>>
        %dma_start3A = arith.constant 15000 : i32
        %dma_start3A_573 = tpu.memref_slice %arg5[%dma_start3A] : memref<25000xf32, #tpu.memory_space<hbm>> -> memref<1000xf32, #tpu.memory_space<hbm>>
        %dma_start3A_574 = arith.constant 15000 : i32
        %dma_start3A_575 = tpu.memref_slice %arg8[%dma_start3A_574] : memref<25008xf32, #tpu.memory_space<vmem_shared>> -> memref<1000xf32, #tpu.memory_space<vmem_shared>>
        tpu.enqueue_dma source(%dma_start3A_575 : memref<1000xf32, #tpu.memory_space<vmem_shared>>) target(%dma_start3A_573 : memref<1000xf32, #tpu.memory_space<hbm>>) target_semaphore(%run_scoped3A : memref<!tpu.dma_semaphore, #tpu.memory_space<semaphore_mem>>)
        %dma_wait3A = arith.constant 15000 : i32
        %dma_wait3A_576 = tpu.memref_slice %arg5[%dma_wait3A] : memref<25000xf32, #tpu.memory_space<hbm>> -> memref<1000xf32, #tpu.memory_space<hbm>>
        %dma_wait3A_577 = arith.constant 15000 : i32
        %dma_wait3A_578 = tpu.memref_slice %arg8[%dma_wait3A_577] : memref<25008xf32, #tpu.memory_space<vmem_shared>> -> memref<1000xf32, #tpu.memory_space<vmem_shared>>
        tpu.wait_dma2 semaphore(%run_scoped3A : memref<!tpu.dma_semaphore, #tpu.memory_space<semaphore_mem>>) src(%dma_wait3A_578 : memref<1000xf32, #tpu.memory_space<vmem_shared>>) dst(%dma_wait3A_576 : memref<1000xf32, #tpu.memory_space<hbm>>)
        tpu.yield
      }) : () -> ()
    } else {
    }
    %eq3A_429 = arith.constant 0 : i32
    %eq3A_430 = arith.cmpi eq, %arg1, %eq3A_429 : i32
    %eq3A_431 = arith.constant 0 : i32
    %eq3A_432 = arith.cmpi eq, %arg0, %eq3A_431 : i32
    %and3A_433 = arith.andi %eq3A_430, %eq3A_432 : i1
    %convert_element_type3A_434 = arith.extui %and3A_433 : i1 to i32
    %cond3A_435 = arith.constant 0 : i32
    %cond3A_436 = arith.cmpi ne, %convert_element_type3A_434, %cond3A_435 : i32
    scf.if %cond3A_436 {
      "tpu.region"() ({
        %run_scoped3A = tpu.sem_alloc : memref<!tpu.dma_semaphore, #tpu.memory_space<semaphore_mem>>
        %dma_start3A = arith.constant 16000 : i32
        %dma_start3A_573 = tpu.memref_slice %arg4[%dma_start3A] : memref<25000xf32, #tpu.memory_space<hbm>> -> memref<1000xf32, #tpu.memory_space<hbm>>
        %dma_start3A_574 = arith.constant 16000 : i32
        %dma_start3A_575 = tpu.memref_slice %arg8[%dma_start3A_574] : memref<25008xf32, #tpu.memory_space<vmem_shared>> -> memref<1000xf32, #tpu.memory_space<vmem_shared>>
        tpu.enqueue_dma source(%dma_start3A_575 : memref<1000xf32, #tpu.memory_space<vmem_shared>>) target(%dma_start3A_573 : memref<1000xf32, #tpu.memory_space<hbm>>) target_semaphore(%run_scoped3A : memref<!tpu.dma_semaphore, #tpu.memory_space<semaphore_mem>>)
        %dma_wait3A = arith.constant 16000 : i32
        %dma_wait3A_576 = tpu.memref_slice %arg4[%dma_wait3A] : memref<25000xf32, #tpu.memory_space<hbm>> -> memref<1000xf32, #tpu.memory_space<hbm>>
        %dma_wait3A_577 = arith.constant 16000 : i32
        %dma_wait3A_578 = tpu.memref_slice %arg8[%dma_wait3A_577] : memref<25008xf32, #tpu.memory_space<vmem_shared>> -> memref<1000xf32, #tpu.memory_space<vmem_shared>>
        tpu.wait_dma2 semaphore(%run_scoped3A : memref<!tpu.dma_semaphore, #tpu.memory_space<semaphore_mem>>) src(%dma_wait3A_578 : memref<1000xf32, #tpu.memory_space<vmem_shared>>) dst(%dma_wait3A_576 : memref<1000xf32, #tpu.memory_space<hbm>>)
        tpu.yield
      }) : () -> ()
    } else {
    }
    %eq3A_437 = arith.constant 0 : i32
    %eq3A_438 = arith.cmpi eq, %arg1, %eq3A_437 : i32
    %eq3A_439 = arith.constant 1 : i32
    %eq3A_440 = arith.cmpi eq, %arg0, %eq3A_439 : i32
    %and3A_441 = arith.andi %eq3A_438, %eq3A_440 : i1
    %convert_element_type3A_442 = arith.extui %and3A_441 : i1 to i32
    %cond3A_443 = arith.constant 0 : i32
    %cond3A_444 = arith.cmpi ne, %convert_element_type3A_442, %cond3A_443 : i32
    scf.if %cond3A_444 {
      "tpu.region"() ({
        %run_scoped3A = tpu.sem_alloc : memref<!tpu.dma_semaphore, #tpu.memory_space<semaphore_mem>>
        %dma_start3A = arith.constant 16000 : i32
        %dma_start3A_573 = tpu.memref_slice %arg5[%dma_start3A] : memref<25000xf32, #tpu.memory_space<hbm>> -> memref<1000xf32, #tpu.memory_space<hbm>>
        %dma_start3A_574 = arith.constant 16000 : i32
        %dma_start3A_575 = tpu.memref_slice %arg8[%dma_start3A_574] : memref<25008xf32, #tpu.memory_space<vmem_shared>> -> memref<1000xf32, #tpu.memory_space<vmem_shared>>
        tpu.enqueue_dma source(%dma_start3A_575 : memref<1000xf32, #tpu.memory_space<vmem_shared>>) target(%dma_start3A_573 : memref<1000xf32, #tpu.memory_space<hbm>>) target_semaphore(%run_scoped3A : memref<!tpu.dma_semaphore, #tpu.memory_space<semaphore_mem>>)
        %dma_wait3A = arith.constant 16000 : i32
        %dma_wait3A_576 = tpu.memref_slice %arg5[%dma_wait3A] : memref<25000xf32, #tpu.memory_space<hbm>> -> memref<1000xf32, #tpu.memory_space<hbm>>
        %dma_wait3A_577 = arith.constant 16000 : i32
        %dma_wait3A_578 = tpu.memref_slice %arg8[%dma_wait3A_577] : memref<25008xf32, #tpu.memory_space<vmem_shared>> -> memref<1000xf32, #tpu.memory_space<vmem_shared>>
        tpu.wait_dma2 semaphore(%run_scoped3A : memref<!tpu.dma_semaphore, #tpu.memory_space<semaphore_mem>>) src(%dma_wait3A_578 : memref<1000xf32, #tpu.memory_space<vmem_shared>>) dst(%dma_wait3A_576 : memref<1000xf32, #tpu.memory_space<hbm>>)
        tpu.yield
      }) : () -> ()
    } else {
    }
    %eq3A_445 = arith.constant 1 : i32
    %eq3A_446 = arith.cmpi eq, %arg1, %eq3A_445 : i32
    %eq3A_447 = arith.constant 0 : i32
    %eq3A_448 = arith.cmpi eq, %arg0, %eq3A_447 : i32
    %and3A_449 = arith.andi %eq3A_446, %eq3A_448 : i1
    %convert_element_type3A_450 = arith.extui %and3A_449 : i1 to i32
    %cond3A_451 = arith.constant 0 : i32
    %cond3A_452 = arith.cmpi ne, %convert_element_type3A_450, %cond3A_451 : i32
    scf.if %cond3A_452 {
      "tpu.region"() ({
        %run_scoped3A = tpu.sem_alloc : memref<!tpu.dma_semaphore, #tpu.memory_space<semaphore_mem>>
        %dma_start3A = arith.constant 17000 : i32
        %dma_start3A_573 = tpu.memref_slice %arg4[%dma_start3A] : memref<25000xf32, #tpu.memory_space<hbm>> -> memref<1000xf32, #tpu.memory_space<hbm>>
        %dma_start3A_574 = arith.constant 17000 : i32
        %dma_start3A_575 = tpu.memref_slice %arg8[%dma_start3A_574] : memref<25008xf32, #tpu.memory_space<vmem_shared>> -> memref<1000xf32, #tpu.memory_space<vmem_shared>>
        tpu.enqueue_dma source(%dma_start3A_575 : memref<1000xf32, #tpu.memory_space<vmem_shared>>) target(%dma_start3A_573 : memref<1000xf32, #tpu.memory_space<hbm>>) target_semaphore(%run_scoped3A : memref<!tpu.dma_semaphore, #tpu.memory_space<semaphore_mem>>)
        %dma_wait3A = arith.constant 17000 : i32
        %dma_wait3A_576 = tpu.memref_slice %arg4[%dma_wait3A] : memref<25000xf32, #tpu.memory_space<hbm>> -> memref<1000xf32, #tpu.memory_space<hbm>>
        %dma_wait3A_577 = arith.constant 17000 : i32
        %dma_wait3A_578 = tpu.memref_slice %arg8[%dma_wait3A_577] : memref<25008xf32, #tpu.memory_space<vmem_shared>> -> memref<1000xf32, #tpu.memory_space<vmem_shared>>
        tpu.wait_dma2 semaphore(%run_scoped3A : memref<!tpu.dma_semaphore, #tpu.memory_space<semaphore_mem>>) src(%dma_wait3A_578 : memref<1000xf32, #tpu.memory_space<vmem_shared>>) dst(%dma_wait3A_576 : memref<1000xf32, #tpu.memory_space<hbm>>)
        tpu.yield
      }) : () -> ()
    } else {
    }
    %eq3A_453 = arith.constant 1 : i32
    %eq3A_454 = arith.cmpi eq, %arg1, %eq3A_453 : i32
    %eq3A_455 = arith.constant 1 : i32
    %eq3A_456 = arith.cmpi eq, %arg0, %eq3A_455 : i32
    %and3A_457 = arith.andi %eq3A_454, %eq3A_456 : i1
    %convert_element_type3A_458 = arith.extui %and3A_457 : i1 to i32
    %cond3A_459 = arith.constant 0 : i32
    %cond3A_460 = arith.cmpi ne, %convert_element_type3A_458, %cond3A_459 : i32
    scf.if %cond3A_460 {
      "tpu.region"() ({
        %run_scoped3A = tpu.sem_alloc : memref<!tpu.dma_semaphore, #tpu.memory_space<semaphore_mem>>
        %dma_start3A = arith.constant 17000 : i32
        %dma_start3A_573 = tpu.memref_slice %arg5[%dma_start3A] : memref<25000xf32, #tpu.memory_space<hbm>> -> memref<1000xf32, #tpu.memory_space<hbm>>
        %dma_start3A_574 = arith.constant 17000 : i32
        %dma_start3A_575 = tpu.memref_slice %arg8[%dma_start3A_574] : memref<25008xf32, #tpu.memory_space<vmem_shared>> -> memref<1000xf32, #tpu.memory_space<vmem_shared>>
        tpu.enqueue_dma source(%dma_start3A_575 : memref<1000xf32, #tpu.memory_space<vmem_shared>>) target(%dma_start3A_573 : memref<1000xf32, #tpu.memory_space<hbm>>) target_semaphore(%run_scoped3A : memref<!tpu.dma_semaphore, #tpu.memory_space<semaphore_mem>>)
        %dma_wait3A = arith.constant 17000 : i32
        %dma_wait3A_576 = tpu.memref_slice %arg5[%dma_wait3A] : memref<25000xf32, #tpu.memory_space<hbm>> -> memref<1000xf32, #tpu.memory_space<hbm>>
        %dma_wait3A_577 = arith.constant 17000 : i32
        %dma_wait3A_578 = tpu.memref_slice %arg8[%dma_wait3A_577] : memref<25008xf32, #tpu.memory_space<vmem_shared>> -> memref<1000xf32, #tpu.memory_space<vmem_shared>>
        tpu.wait_dma2 semaphore(%run_scoped3A : memref<!tpu.dma_semaphore, #tpu.memory_space<semaphore_mem>>) src(%dma_wait3A_578 : memref<1000xf32, #tpu.memory_space<vmem_shared>>) dst(%dma_wait3A_576 : memref<1000xf32, #tpu.memory_space<hbm>>)
        tpu.yield
      }) : () -> ()
    } else {
    }
    %eq3A_461 = arith.constant 2 : i32
    %eq3A_462 = arith.cmpi eq, %arg1, %eq3A_461 : i32
    %eq3A_463 = arith.constant 0 : i32
    %eq3A_464 = arith.cmpi eq, %arg0, %eq3A_463 : i32
    %and3A_465 = arith.andi %eq3A_462, %eq3A_464 : i1
    %convert_element_type3A_466 = arith.extui %and3A_465 : i1 to i32
    %cond3A_467 = arith.constant 0 : i32
    %cond3A_468 = arith.cmpi ne, %convert_element_type3A_466, %cond3A_467 : i32
    scf.if %cond3A_468 {
      "tpu.region"() ({
        %run_scoped3A = tpu.sem_alloc : memref<!tpu.dma_semaphore, #tpu.memory_space<semaphore_mem>>
        %dma_start3A = arith.constant 18000 : i32
        %dma_start3A_573 = tpu.memref_slice %arg4[%dma_start3A] : memref<25000xf32, #tpu.memory_space<hbm>> -> memref<1000xf32, #tpu.memory_space<hbm>>
        %dma_start3A_574 = arith.constant 18000 : i32
        %dma_start3A_575 = tpu.memref_slice %arg8[%dma_start3A_574] : memref<25008xf32, #tpu.memory_space<vmem_shared>> -> memref<1000xf32, #tpu.memory_space<vmem_shared>>
        tpu.enqueue_dma source(%dma_start3A_575 : memref<1000xf32, #tpu.memory_space<vmem_shared>>) target(%dma_start3A_573 : memref<1000xf32, #tpu.memory_space<hbm>>) target_semaphore(%run_scoped3A : memref<!tpu.dma_semaphore, #tpu.memory_space<semaphore_mem>>)
        %dma_wait3A = arith.constant 18000 : i32
        %dma_wait3A_576 = tpu.memref_slice %arg4[%dma_wait3A] : memref<25000xf32, #tpu.memory_space<hbm>> -> memref<1000xf32, #tpu.memory_space<hbm>>
        %dma_wait3A_577 = arith.constant 18000 : i32
        %dma_wait3A_578 = tpu.memref_slice %arg8[%dma_wait3A_577] : memref<25008xf32, #tpu.memory_space<vmem_shared>> -> memref<1000xf32, #tpu.memory_space<vmem_shared>>
        tpu.wait_dma2 semaphore(%run_scoped3A : memref<!tpu.dma_semaphore, #tpu.memory_space<semaphore_mem>>) src(%dma_wait3A_578 : memref<1000xf32, #tpu.memory_space<vmem_shared>>) dst(%dma_wait3A_576 : memref<1000xf32, #tpu.memory_space<hbm>>)
        tpu.yield
      }) : () -> ()
    } else {
    }
    %eq3A_469 = arith.constant 2 : i32
    %eq3A_470 = arith.cmpi eq, %arg1, %eq3A_469 : i32
    %eq3A_471 = arith.constant 1 : i32
    %eq3A_472 = arith.cmpi eq, %arg0, %eq3A_471 : i32
    %and3A_473 = arith.andi %eq3A_470, %eq3A_472 : i1
    %convert_element_type3A_474 = arith.extui %and3A_473 : i1 to i32
    %cond3A_475 = arith.constant 0 : i32
    %cond3A_476 = arith.cmpi ne, %convert_element_type3A_474, %cond3A_475 : i32
    scf.if %cond3A_476 {
      "tpu.region"() ({
        %run_scoped3A = tpu.sem_alloc : memref<!tpu.dma_semaphore, #tpu.memory_space<semaphore_mem>>
        %dma_start3A = arith.constant 18000 : i32
        %dma_start3A_573 = tpu.memref_slice %arg5[%dma_start3A] : memref<25000xf32, #tpu.memory_space<hbm>> -> memref<1000xf32, #tpu.memory_space<hbm>>
        %dma_start3A_574 = arith.constant 18000 : i32
        %dma_start3A_575 = tpu.memref_slice %arg8[%dma_start3A_574] : memref<25008xf32, #tpu.memory_space<vmem_shared>> -> memref<1000xf32, #tpu.memory_space<vmem_shared>>
        tpu.enqueue_dma source(%dma_start3A_575 : memref<1000xf32, #tpu.memory_space<vmem_shared>>) target(%dma_start3A_573 : memref<1000xf32, #tpu.memory_space<hbm>>) target_semaphore(%run_scoped3A : memref<!tpu.dma_semaphore, #tpu.memory_space<semaphore_mem>>)
        %dma_wait3A = arith.constant 18000 : i32
        %dma_wait3A_576 = tpu.memref_slice %arg5[%dma_wait3A] : memref<25000xf32, #tpu.memory_space<hbm>> -> memref<1000xf32, #tpu.memory_space<hbm>>
        %dma_wait3A_577 = arith.constant 18000 : i32
        %dma_wait3A_578 = tpu.memref_slice %arg8[%dma_wait3A_577] : memref<25008xf32, #tpu.memory_space<vmem_shared>> -> memref<1000xf32, #tpu.memory_space<vmem_shared>>
        tpu.wait_dma2 semaphore(%run_scoped3A : memref<!tpu.dma_semaphore, #tpu.memory_space<semaphore_mem>>) src(%dma_wait3A_578 : memref<1000xf32, #tpu.memory_space<vmem_shared>>) dst(%dma_wait3A_576 : memref<1000xf32, #tpu.memory_space<hbm>>)
        tpu.yield
      }) : () -> ()
    } else {
    }
    %eq3A_477 = arith.constant 3 : i32
    %eq3A_478 = arith.cmpi eq, %arg1, %eq3A_477 : i32
    %eq3A_479 = arith.constant 0 : i32
    %eq3A_480 = arith.cmpi eq, %arg0, %eq3A_479 : i32
    %and3A_481 = arith.andi %eq3A_478, %eq3A_480 : i1
    %convert_element_type3A_482 = arith.extui %and3A_481 : i1 to i32
    %cond3A_483 = arith.constant 0 : i32
    %cond3A_484 = arith.cmpi ne, %convert_element_type3A_482, %cond3A_483 : i32
    scf.if %cond3A_484 {
      "tpu.region"() ({
        %run_scoped3A = tpu.sem_alloc : memref<!tpu.dma_semaphore, #tpu.memory_space<semaphore_mem>>
        %dma_start3A = arith.constant 19000 : i32
        %dma_start3A_573 = tpu.memref_slice %arg4[%dma_start3A] : memref<25000xf32, #tpu.memory_space<hbm>> -> memref<1000xf32, #tpu.memory_space<hbm>>
        %dma_start3A_574 = arith.constant 19000 : i32
        %dma_start3A_575 = tpu.memref_slice %arg8[%dma_start3A_574] : memref<25008xf32, #tpu.memory_space<vmem_shared>> -> memref<1000xf32, #tpu.memory_space<vmem_shared>>
        tpu.enqueue_dma source(%dma_start3A_575 : memref<1000xf32, #tpu.memory_space<vmem_shared>>) target(%dma_start3A_573 : memref<1000xf32, #tpu.memory_space<hbm>>) target_semaphore(%run_scoped3A : memref<!tpu.dma_semaphore, #tpu.memory_space<semaphore_mem>>)
        %dma_wait3A = arith.constant 19000 : i32
        %dma_wait3A_576 = tpu.memref_slice %arg4[%dma_wait3A] : memref<25000xf32, #tpu.memory_space<hbm>> -> memref<1000xf32, #tpu.memory_space<hbm>>
        %dma_wait3A_577 = arith.constant 19000 : i32
        %dma_wait3A_578 = tpu.memref_slice %arg8[%dma_wait3A_577] : memref<25008xf32, #tpu.memory_space<vmem_shared>> -> memref<1000xf32, #tpu.memory_space<vmem_shared>>
        tpu.wait_dma2 semaphore(%run_scoped3A : memref<!tpu.dma_semaphore, #tpu.memory_space<semaphore_mem>>) src(%dma_wait3A_578 : memref<1000xf32, #tpu.memory_space<vmem_shared>>) dst(%dma_wait3A_576 : memref<1000xf32, #tpu.memory_space<hbm>>)
        tpu.yield
      }) : () -> ()
    } else {
    }
    %eq3A_485 = arith.constant 3 : i32
    %eq3A_486 = arith.cmpi eq, %arg1, %eq3A_485 : i32
    %eq3A_487 = arith.constant 1 : i32
    %eq3A_488 = arith.cmpi eq, %arg0, %eq3A_487 : i32
    %and3A_489 = arith.andi %eq3A_486, %eq3A_488 : i1
    %convert_element_type3A_490 = arith.extui %and3A_489 : i1 to i32
    %cond3A_491 = arith.constant 0 : i32
    %cond3A_492 = arith.cmpi ne, %convert_element_type3A_490, %cond3A_491 : i32
    scf.if %cond3A_492 {
      "tpu.region"() ({
        %run_scoped3A = tpu.sem_alloc : memref<!tpu.dma_semaphore, #tpu.memory_space<semaphore_mem>>
        %dma_start3A = arith.constant 19000 : i32
        %dma_start3A_573 = tpu.memref_slice %arg5[%dma_start3A] : memref<25000xf32, #tpu.memory_space<hbm>> -> memref<1000xf32, #tpu.memory_space<hbm>>
        %dma_start3A_574 = arith.constant 19000 : i32
        %dma_start3A_575 = tpu.memref_slice %arg8[%dma_start3A_574] : memref<25008xf32, #tpu.memory_space<vmem_shared>> -> memref<1000xf32, #tpu.memory_space<vmem_shared>>
        tpu.enqueue_dma source(%dma_start3A_575 : memref<1000xf32, #tpu.memory_space<vmem_shared>>) target(%dma_start3A_573 : memref<1000xf32, #tpu.memory_space<hbm>>) target_semaphore(%run_scoped3A : memref<!tpu.dma_semaphore, #tpu.memory_space<semaphore_mem>>)
        %dma_wait3A = arith.constant 19000 : i32
        %dma_wait3A_576 = tpu.memref_slice %arg5[%dma_wait3A] : memref<25000xf32, #tpu.memory_space<hbm>> -> memref<1000xf32, #tpu.memory_space<hbm>>
        %dma_wait3A_577 = arith.constant 19000 : i32
        %dma_wait3A_578 = tpu.memref_slice %arg8[%dma_wait3A_577] : memref<25008xf32, #tpu.memory_space<vmem_shared>> -> memref<1000xf32, #tpu.memory_space<vmem_shared>>
        tpu.wait_dma2 semaphore(%run_scoped3A : memref<!tpu.dma_semaphore, #tpu.memory_space<semaphore_mem>>) src(%dma_wait3A_578 : memref<1000xf32, #tpu.memory_space<vmem_shared>>) dst(%dma_wait3A_576 : memref<1000xf32, #tpu.memory_space<hbm>>)
        tpu.yield
      }) : () -> ()
    } else {
    }
    %eq3A_493 = arith.constant 4 : i32
    %eq3A_494 = arith.cmpi eq, %arg1, %eq3A_493 : i32
    %eq3A_495 = arith.constant 0 : i32
    %eq3A_496 = arith.cmpi eq, %arg0, %eq3A_495 : i32
    %and3A_497 = arith.andi %eq3A_494, %eq3A_496 : i1
    %convert_element_type3A_498 = arith.extui %and3A_497 : i1 to i32
    %cond3A_499 = arith.constant 0 : i32
    %cond3A_500 = arith.cmpi ne, %convert_element_type3A_498, %cond3A_499 : i32
    scf.if %cond3A_500 {
      "tpu.region"() ({
        %run_scoped3A = tpu.sem_alloc : memref<!tpu.dma_semaphore, #tpu.memory_space<semaphore_mem>>
        %dma_start3A = arith.constant 20000 : i32
        %dma_start3A_573 = tpu.memref_slice %arg4[%dma_start3A] : memref<25000xf32, #tpu.memory_space<hbm>> -> memref<1000xf32, #tpu.memory_space<hbm>>
        %dma_start3A_574 = arith.constant 20000 : i32
        %dma_start3A_575 = tpu.memref_slice %arg8[%dma_start3A_574] : memref<25008xf32, #tpu.memory_space<vmem_shared>> -> memref<1000xf32, #tpu.memory_space<vmem_shared>>
        tpu.enqueue_dma source(%dma_start3A_575 : memref<1000xf32, #tpu.memory_space<vmem_shared>>) target(%dma_start3A_573 : memref<1000xf32, #tpu.memory_space<hbm>>) target_semaphore(%run_scoped3A : memref<!tpu.dma_semaphore, #tpu.memory_space<semaphore_mem>>)
        %dma_wait3A = arith.constant 20000 : i32
        %dma_wait3A_576 = tpu.memref_slice %arg4[%dma_wait3A] : memref<25000xf32, #tpu.memory_space<hbm>> -> memref<1000xf32, #tpu.memory_space<hbm>>
        %dma_wait3A_577 = arith.constant 20000 : i32
        %dma_wait3A_578 = tpu.memref_slice %arg8[%dma_wait3A_577] : memref<25008xf32, #tpu.memory_space<vmem_shared>> -> memref<1000xf32, #tpu.memory_space<vmem_shared>>
        tpu.wait_dma2 semaphore(%run_scoped3A : memref<!tpu.dma_semaphore, #tpu.memory_space<semaphore_mem>>) src(%dma_wait3A_578 : memref<1000xf32, #tpu.memory_space<vmem_shared>>) dst(%dma_wait3A_576 : memref<1000xf32, #tpu.memory_space<hbm>>)
        tpu.yield
      }) : () -> ()
    } else {
    }
    %eq3A_501 = arith.constant 4 : i32
    %eq3A_502 = arith.cmpi eq, %arg1, %eq3A_501 : i32
    %eq3A_503 = arith.constant 1 : i32
    %eq3A_504 = arith.cmpi eq, %arg0, %eq3A_503 : i32
    %and3A_505 = arith.andi %eq3A_502, %eq3A_504 : i1
    %convert_element_type3A_506 = arith.extui %and3A_505 : i1 to i32
    %cond3A_507 = arith.constant 0 : i32
    %cond3A_508 = arith.cmpi ne, %convert_element_type3A_506, %cond3A_507 : i32
    scf.if %cond3A_508 {
      "tpu.region"() ({
        %run_scoped3A = tpu.sem_alloc : memref<!tpu.dma_semaphore, #tpu.memory_space<semaphore_mem>>
        %dma_start3A = arith.constant 20000 : i32
        %dma_start3A_573 = tpu.memref_slice %arg5[%dma_start3A] : memref<25000xf32, #tpu.memory_space<hbm>> -> memref<1000xf32, #tpu.memory_space<hbm>>
        %dma_start3A_574 = arith.constant 20000 : i32
        %dma_start3A_575 = tpu.memref_slice %arg8[%dma_start3A_574] : memref<25008xf32, #tpu.memory_space<vmem_shared>> -> memref<1000xf32, #tpu.memory_space<vmem_shared>>
        tpu.enqueue_dma source(%dma_start3A_575 : memref<1000xf32, #tpu.memory_space<vmem_shared>>) target(%dma_start3A_573 : memref<1000xf32, #tpu.memory_space<hbm>>) target_semaphore(%run_scoped3A : memref<!tpu.dma_semaphore, #tpu.memory_space<semaphore_mem>>)
        %dma_wait3A = arith.constant 20000 : i32
        %dma_wait3A_576 = tpu.memref_slice %arg5[%dma_wait3A] : memref<25000xf32, #tpu.memory_space<hbm>> -> memref<1000xf32, #tpu.memory_space<hbm>>
        %dma_wait3A_577 = arith.constant 20000 : i32
        %dma_wait3A_578 = tpu.memref_slice %arg8[%dma_wait3A_577] : memref<25008xf32, #tpu.memory_space<vmem_shared>> -> memref<1000xf32, #tpu.memory_space<vmem_shared>>
        tpu.wait_dma2 semaphore(%run_scoped3A : memref<!tpu.dma_semaphore, #tpu.memory_space<semaphore_mem>>) src(%dma_wait3A_578 : memref<1000xf32, #tpu.memory_space<vmem_shared>>) dst(%dma_wait3A_576 : memref<1000xf32, #tpu.memory_space<hbm>>)
        tpu.yield
      }) : () -> ()
    } else {
    }
    %eq3A_509 = arith.constant 5 : i32
    %eq3A_510 = arith.cmpi eq, %arg1, %eq3A_509 : i32
    %eq3A_511 = arith.constant 0 : i32
    %eq3A_512 = arith.cmpi eq, %arg0, %eq3A_511 : i32
    %and3A_513 = arith.andi %eq3A_510, %eq3A_512 : i1
    %convert_element_type3A_514 = arith.extui %and3A_513 : i1 to i32
    %cond3A_515 = arith.constant 0 : i32
    %cond3A_516 = arith.cmpi ne, %convert_element_type3A_514, %cond3A_515 : i32
    scf.if %cond3A_516 {
      "tpu.region"() ({
        %run_scoped3A = tpu.sem_alloc : memref<!tpu.dma_semaphore, #tpu.memory_space<semaphore_mem>>
        %dma_start3A = arith.constant 21000 : i32
        %dma_start3A_573 = tpu.memref_slice %arg4[%dma_start3A] : memref<25000xf32, #tpu.memory_space<hbm>> -> memref<1000xf32, #tpu.memory_space<hbm>>
        %dma_start3A_574 = arith.constant 21000 : i32
        %dma_start3A_575 = tpu.memref_slice %arg8[%dma_start3A_574] : memref<25008xf32, #tpu.memory_space<vmem_shared>> -> memref<1000xf32, #tpu.memory_space<vmem_shared>>
        tpu.enqueue_dma source(%dma_start3A_575 : memref<1000xf32, #tpu.memory_space<vmem_shared>>) target(%dma_start3A_573 : memref<1000xf32, #tpu.memory_space<hbm>>) target_semaphore(%run_scoped3A : memref<!tpu.dma_semaphore, #tpu.memory_space<semaphore_mem>>)
        %dma_wait3A = arith.constant 21000 : i32
        %dma_wait3A_576 = tpu.memref_slice %arg4[%dma_wait3A] : memref<25000xf32, #tpu.memory_space<hbm>> -> memref<1000xf32, #tpu.memory_space<hbm>>
        %dma_wait3A_577 = arith.constant 21000 : i32
        %dma_wait3A_578 = tpu.memref_slice %arg8[%dma_wait3A_577] : memref<25008xf32, #tpu.memory_space<vmem_shared>> -> memref<1000xf32, #tpu.memory_space<vmem_shared>>
        tpu.wait_dma2 semaphore(%run_scoped3A : memref<!tpu.dma_semaphore, #tpu.memory_space<semaphore_mem>>) src(%dma_wait3A_578 : memref<1000xf32, #tpu.memory_space<vmem_shared>>) dst(%dma_wait3A_576 : memref<1000xf32, #tpu.memory_space<hbm>>)
        tpu.yield
      }) : () -> ()
    } else {
    }
    %eq3A_517 = arith.constant 5 : i32
    %eq3A_518 = arith.cmpi eq, %arg1, %eq3A_517 : i32
    %eq3A_519 = arith.constant 1 : i32
    %eq3A_520 = arith.cmpi eq, %arg0, %eq3A_519 : i32
    %and3A_521 = arith.andi %eq3A_518, %eq3A_520 : i1
    %convert_element_type3A_522 = arith.extui %and3A_521 : i1 to i32
    %cond3A_523 = arith.constant 0 : i32
    %cond3A_524 = arith.cmpi ne, %convert_element_type3A_522, %cond3A_523 : i32
    scf.if %cond3A_524 {
      "tpu.region"() ({
        %run_scoped3A = tpu.sem_alloc : memref<!tpu.dma_semaphore, #tpu.memory_space<semaphore_mem>>
        %dma_start3A = arith.constant 21000 : i32
        %dma_start3A_573 = tpu.memref_slice %arg5[%dma_start3A] : memref<25000xf32, #tpu.memory_space<hbm>> -> memref<1000xf32, #tpu.memory_space<hbm>>
        %dma_start3A_574 = arith.constant 21000 : i32
        %dma_start3A_575 = tpu.memref_slice %arg8[%dma_start3A_574] : memref<25008xf32, #tpu.memory_space<vmem_shared>> -> memref<1000xf32, #tpu.memory_space<vmem_shared>>
        tpu.enqueue_dma source(%dma_start3A_575 : memref<1000xf32, #tpu.memory_space<vmem_shared>>) target(%dma_start3A_573 : memref<1000xf32, #tpu.memory_space<hbm>>) target_semaphore(%run_scoped3A : memref<!tpu.dma_semaphore, #tpu.memory_space<semaphore_mem>>)
        %dma_wait3A = arith.constant 21000 : i32
        %dma_wait3A_576 = tpu.memref_slice %arg5[%dma_wait3A] : memref<25000xf32, #tpu.memory_space<hbm>> -> memref<1000xf32, #tpu.memory_space<hbm>>
        %dma_wait3A_577 = arith.constant 21000 : i32
        %dma_wait3A_578 = tpu.memref_slice %arg8[%dma_wait3A_577] : memref<25008xf32, #tpu.memory_space<vmem_shared>> -> memref<1000xf32, #tpu.memory_space<vmem_shared>>
        tpu.wait_dma2 semaphore(%run_scoped3A : memref<!tpu.dma_semaphore, #tpu.memory_space<semaphore_mem>>) src(%dma_wait3A_578 : memref<1000xf32, #tpu.memory_space<vmem_shared>>) dst(%dma_wait3A_576 : memref<1000xf32, #tpu.memory_space<hbm>>)
        tpu.yield
      }) : () -> ()
    } else {
    }
    %eq3A_525 = arith.constant 6 : i32
    %eq3A_526 = arith.cmpi eq, %arg1, %eq3A_525 : i32
    %eq3A_527 = arith.constant 0 : i32
    %eq3A_528 = arith.cmpi eq, %arg0, %eq3A_527 : i32
    %and3A_529 = arith.andi %eq3A_526, %eq3A_528 : i1
    %convert_element_type3A_530 = arith.extui %and3A_529 : i1 to i32
    %cond3A_531 = arith.constant 0 : i32
    %cond3A_532 = arith.cmpi ne, %convert_element_type3A_530, %cond3A_531 : i32
    scf.if %cond3A_532 {
      "tpu.region"() ({
        %run_scoped3A = tpu.sem_alloc : memref<!tpu.dma_semaphore, #tpu.memory_space<semaphore_mem>>
        %dma_start3A = arith.constant 22000 : i32
        %dma_start3A_573 = tpu.memref_slice %arg4[%dma_start3A] : memref<25000xf32, #tpu.memory_space<hbm>> -> memref<1000xf32, #tpu.memory_space<hbm>>
        %dma_start3A_574 = arith.constant 22000 : i32
        %dma_start3A_575 = tpu.memref_slice %arg8[%dma_start3A_574] : memref<25008xf32, #tpu.memory_space<vmem_shared>> -> memref<1000xf32, #tpu.memory_space<vmem_shared>>
        tpu.enqueue_dma source(%dma_start3A_575 : memref<1000xf32, #tpu.memory_space<vmem_shared>>) target(%dma_start3A_573 : memref<1000xf32, #tpu.memory_space<hbm>>) target_semaphore(%run_scoped3A : memref<!tpu.dma_semaphore, #tpu.memory_space<semaphore_mem>>)
        %dma_wait3A = arith.constant 22000 : i32
        %dma_wait3A_576 = tpu.memref_slice %arg4[%dma_wait3A] : memref<25000xf32, #tpu.memory_space<hbm>> -> memref<1000xf32, #tpu.memory_space<hbm>>
        %dma_wait3A_577 = arith.constant 22000 : i32
        %dma_wait3A_578 = tpu.memref_slice %arg8[%dma_wait3A_577] : memref<25008xf32, #tpu.memory_space<vmem_shared>> -> memref<1000xf32, #tpu.memory_space<vmem_shared>>
        tpu.wait_dma2 semaphore(%run_scoped3A : memref<!tpu.dma_semaphore, #tpu.memory_space<semaphore_mem>>) src(%dma_wait3A_578 : memref<1000xf32, #tpu.memory_space<vmem_shared>>) dst(%dma_wait3A_576 : memref<1000xf32, #tpu.memory_space<hbm>>)
        tpu.yield
      }) : () -> ()
    } else {
    }
    %eq3A_533 = arith.constant 6 : i32
    %eq3A_534 = arith.cmpi eq, %arg1, %eq3A_533 : i32
    %eq3A_535 = arith.constant 1 : i32
    %eq3A_536 = arith.cmpi eq, %arg0, %eq3A_535 : i32
    %and3A_537 = arith.andi %eq3A_534, %eq3A_536 : i1
    %convert_element_type3A_538 = arith.extui %and3A_537 : i1 to i32
    %cond3A_539 = arith.constant 0 : i32
    %cond3A_540 = arith.cmpi ne, %convert_element_type3A_538, %cond3A_539 : i32
    scf.if %cond3A_540 {
      "tpu.region"() ({
        %run_scoped3A = tpu.sem_alloc : memref<!tpu.dma_semaphore, #tpu.memory_space<semaphore_mem>>
        %dma_start3A = arith.constant 22000 : i32
        %dma_start3A_573 = tpu.memref_slice %arg5[%dma_start3A] : memref<25000xf32, #tpu.memory_space<hbm>> -> memref<1000xf32, #tpu.memory_space<hbm>>
        %dma_start3A_574 = arith.constant 22000 : i32
        %dma_start3A_575 = tpu.memref_slice %arg8[%dma_start3A_574] : memref<25008xf32, #tpu.memory_space<vmem_shared>> -> memref<1000xf32, #tpu.memory_space<vmem_shared>>
        tpu.enqueue_dma source(%dma_start3A_575 : memref<1000xf32, #tpu.memory_space<vmem_shared>>) target(%dma_start3A_573 : memref<1000xf32, #tpu.memory_space<hbm>>) target_semaphore(%run_scoped3A : memref<!tpu.dma_semaphore, #tpu.memory_space<semaphore_mem>>)
        %dma_wait3A = arith.constant 22000 : i32
        %dma_wait3A_576 = tpu.memref_slice %arg5[%dma_wait3A] : memref<25000xf32, #tpu.memory_space<hbm>> -> memref<1000xf32, #tpu.memory_space<hbm>>
        %dma_wait3A_577 = arith.constant 22000 : i32
        %dma_wait3A_578 = tpu.memref_slice %arg8[%dma_wait3A_577] : memref<25008xf32, #tpu.memory_space<vmem_shared>> -> memref<1000xf32, #tpu.memory_space<vmem_shared>>
        tpu.wait_dma2 semaphore(%run_scoped3A : memref<!tpu.dma_semaphore, #tpu.memory_space<semaphore_mem>>) src(%dma_wait3A_578 : memref<1000xf32, #tpu.memory_space<vmem_shared>>) dst(%dma_wait3A_576 : memref<1000xf32, #tpu.memory_space<hbm>>)
        tpu.yield
      }) : () -> ()
    } else {
    }
    %eq3A_541 = arith.constant 7 : i32
    %eq3A_542 = arith.cmpi eq, %arg1, %eq3A_541 : i32
    %eq3A_543 = arith.constant 0 : i32
    %eq3A_544 = arith.cmpi eq, %arg0, %eq3A_543 : i32
    %and3A_545 = arith.andi %eq3A_542, %eq3A_544 : i1
    %convert_element_type3A_546 = arith.extui %and3A_545 : i1 to i32
    %cond3A_547 = arith.constant 0 : i32
    %cond3A_548 = arith.cmpi ne, %convert_element_type3A_546, %cond3A_547 : i32
    scf.if %cond3A_548 {
      "tpu.region"() ({
        %run_scoped3A = tpu.sem_alloc : memref<!tpu.dma_semaphore, #tpu.memory_space<semaphore_mem>>
        %dma_start3A = arith.constant 23000 : i32
        %dma_start3A_573 = tpu.memref_slice %arg4[%dma_start3A] : memref<25000xf32, #tpu.memory_space<hbm>> -> memref<1000xf32, #tpu.memory_space<hbm>>
        %dma_start3A_574 = arith.constant 23000 : i32
        %dma_start3A_575 = tpu.memref_slice %arg8[%dma_start3A_574] : memref<25008xf32, #tpu.memory_space<vmem_shared>> -> memref<1000xf32, #tpu.memory_space<vmem_shared>>
        tpu.enqueue_dma source(%dma_start3A_575 : memref<1000xf32, #tpu.memory_space<vmem_shared>>) target(%dma_start3A_573 : memref<1000xf32, #tpu.memory_space<hbm>>) target_semaphore(%run_scoped3A : memref<!tpu.dma_semaphore, #tpu.memory_space<semaphore_mem>>)
        %dma_wait3A = arith.constant 23000 : i32
        %dma_wait3A_576 = tpu.memref_slice %arg4[%dma_wait3A] : memref<25000xf32, #tpu.memory_space<hbm>> -> memref<1000xf32, #tpu.memory_space<hbm>>
        %dma_wait3A_577 = arith.constant 23000 : i32
        %dma_wait3A_578 = tpu.memref_slice %arg8[%dma_wait3A_577] : memref<25008xf32, #tpu.memory_space<vmem_shared>> -> memref<1000xf32, #tpu.memory_space<vmem_shared>>
        tpu.wait_dma2 semaphore(%run_scoped3A : memref<!tpu.dma_semaphore, #tpu.memory_space<semaphore_mem>>) src(%dma_wait3A_578 : memref<1000xf32, #tpu.memory_space<vmem_shared>>) dst(%dma_wait3A_576 : memref<1000xf32, #tpu.memory_space<hbm>>)
        tpu.yield
      }) : () -> ()
    } else {
    }
    %eq3A_549 = arith.constant 7 : i32
    %eq3A_550 = arith.cmpi eq, %arg1, %eq3A_549 : i32
    %eq3A_551 = arith.constant 1 : i32
    %eq3A_552 = arith.cmpi eq, %arg0, %eq3A_551 : i32
    %and3A_553 = arith.andi %eq3A_550, %eq3A_552 : i1
    %convert_element_type3A_554 = arith.extui %and3A_553 : i1 to i32
    %cond3A_555 = arith.constant 0 : i32
    %cond3A_556 = arith.cmpi ne, %convert_element_type3A_554, %cond3A_555 : i32
    scf.if %cond3A_556 {
      "tpu.region"() ({
        %run_scoped3A = tpu.sem_alloc : memref<!tpu.dma_semaphore, #tpu.memory_space<semaphore_mem>>
        %dma_start3A = arith.constant 23000 : i32
        %dma_start3A_573 = tpu.memref_slice %arg5[%dma_start3A] : memref<25000xf32, #tpu.memory_space<hbm>> -> memref<1000xf32, #tpu.memory_space<hbm>>
        %dma_start3A_574 = arith.constant 23000 : i32
        %dma_start3A_575 = tpu.memref_slice %arg8[%dma_start3A_574] : memref<25008xf32, #tpu.memory_space<vmem_shared>> -> memref<1000xf32, #tpu.memory_space<vmem_shared>>
        tpu.enqueue_dma source(%dma_start3A_575 : memref<1000xf32, #tpu.memory_space<vmem_shared>>) target(%dma_start3A_573 : memref<1000xf32, #tpu.memory_space<hbm>>) target_semaphore(%run_scoped3A : memref<!tpu.dma_semaphore, #tpu.memory_space<semaphore_mem>>)
        %dma_wait3A = arith.constant 23000 : i32
        %dma_wait3A_576 = tpu.memref_slice %arg5[%dma_wait3A] : memref<25000xf32, #tpu.memory_space<hbm>> -> memref<1000xf32, #tpu.memory_space<hbm>>
        %dma_wait3A_577 = arith.constant 23000 : i32
        %dma_wait3A_578 = tpu.memref_slice %arg8[%dma_wait3A_577] : memref<25008xf32, #tpu.memory_space<vmem_shared>> -> memref<1000xf32, #tpu.memory_space<vmem_shared>>
        tpu.wait_dma2 semaphore(%run_scoped3A : memref<!tpu.dma_semaphore, #tpu.memory_space<semaphore_mem>>) src(%dma_wait3A_578 : memref<1000xf32, #tpu.memory_space<vmem_shared>>) dst(%dma_wait3A_576 : memref<1000xf32, #tpu.memory_space<hbm>>)
        tpu.yield
      }) : () -> ()
    } else {
    }
    %eq3A_557 = arith.constant 8 : i32
    %eq3A_558 = arith.cmpi eq, %arg1, %eq3A_557 : i32
    %eq3A_559 = arith.constant 0 : i32
    %eq3A_560 = arith.cmpi eq, %arg0, %eq3A_559 : i32
    %and3A_561 = arith.andi %eq3A_558, %eq3A_560 : i1
    %convert_element_type3A_562 = arith.extui %and3A_561 : i1 to i32
    %cond3A_563 = arith.constant 0 : i32
    %cond3A_564 = arith.cmpi ne, %convert_element_type3A_562, %cond3A_563 : i32
    scf.if %cond3A_564 {
      "tpu.region"() ({
        %run_scoped3A = tpu.sem_alloc : memref<!tpu.dma_semaphore, #tpu.memory_space<semaphore_mem>>
        %dma_start3A = arith.constant 24000 : i32
        %dma_start3A_573 = tpu.memref_slice %arg4[%dma_start3A] : memref<25000xf32, #tpu.memory_space<hbm>> -> memref<1000xf32, #tpu.memory_space<hbm>>
        %dma_start3A_574 = arith.constant 24000 : i32
        %dma_start3A_575 = tpu.memref_slice %arg8[%dma_start3A_574] : memref<25008xf32, #tpu.memory_space<vmem_shared>> -> memref<1000xf32, #tpu.memory_space<vmem_shared>>
        tpu.enqueue_dma source(%dma_start3A_575 : memref<1000xf32, #tpu.memory_space<vmem_shared>>) target(%dma_start3A_573 : memref<1000xf32, #tpu.memory_space<hbm>>) target_semaphore(%run_scoped3A : memref<!tpu.dma_semaphore, #tpu.memory_space<semaphore_mem>>)
        %dma_wait3A = arith.constant 24000 : i32
        %dma_wait3A_576 = tpu.memref_slice %arg4[%dma_wait3A] : memref<25000xf32, #tpu.memory_space<hbm>> -> memref<1000xf32, #tpu.memory_space<hbm>>
        %dma_wait3A_577 = arith.constant 24000 : i32
        %dma_wait3A_578 = tpu.memref_slice %arg8[%dma_wait3A_577] : memref<25008xf32, #tpu.memory_space<vmem_shared>> -> memref<1000xf32, #tpu.memory_space<vmem_shared>>
        tpu.wait_dma2 semaphore(%run_scoped3A : memref<!tpu.dma_semaphore, #tpu.memory_space<semaphore_mem>>) src(%dma_wait3A_578 : memref<1000xf32, #tpu.memory_space<vmem_shared>>) dst(%dma_wait3A_576 : memref<1000xf32, #tpu.memory_space<hbm>>)
        tpu.yield
      }) : () -> ()
    } else {
    }
    %eq3A_565 = arith.constant 8 : i32
    %eq3A_566 = arith.cmpi eq, %arg1, %eq3A_565 : i32
    %eq3A_567 = arith.constant 1 : i32
    %eq3A_568 = arith.cmpi eq, %arg0, %eq3A_567 : i32
    %and3A_569 = arith.andi %eq3A_566, %eq3A_568 : i1
    %convert_element_type3A_570 = arith.extui %and3A_569 : i1 to i32
    %cond3A_571 = arith.constant 0 : i32
    %cond3A_572 = arith.cmpi ne, %convert_element_type3A_570, %cond3A_571 : i32
    scf.if %cond3A_572 {
      "tpu.region"() ({
        %run_scoped3A = tpu.sem_alloc : memref<!tpu.dma_semaphore, #tpu.memory_space<semaphore_mem>>
        %dma_start3A = arith.constant 24000 : i32
        %dma_start3A_573 = tpu.memref_slice %arg5[%dma_start3A] : memref<25000xf32, #tpu.memory_space<hbm>> -> memref<1000xf32, #tpu.memory_space<hbm>>
        %dma_start3A_574 = arith.constant 24000 : i32
        %dma_start3A_575 = tpu.memref_slice %arg8[%dma_start3A_574] : memref<25008xf32, #tpu.memory_space<vmem_shared>> -> memref<1000xf32, #tpu.memory_space<vmem_shared>>
        tpu.enqueue_dma source(%dma_start3A_575 : memref<1000xf32, #tpu.memory_space<vmem_shared>>) target(%dma_start3A_573 : memref<1000xf32, #tpu.memory_space<hbm>>) target_semaphore(%run_scoped3A : memref<!tpu.dma_semaphore, #tpu.memory_space<semaphore_mem>>)
        %dma_wait3A = arith.constant 24000 : i32
        %dma_wait3A_576 = tpu.memref_slice %arg5[%dma_wait3A] : memref<25000xf32, #tpu.memory_space<hbm>> -> memref<1000xf32, #tpu.memory_space<hbm>>
        %dma_wait3A_577 = arith.constant 24000 : i32
        %dma_wait3A_578 = tpu.memref_slice %arg8[%dma_wait3A_577] : memref<25008xf32, #tpu.memory_space<vmem_shared>> -> memref<1000xf32, #tpu.memory_space<vmem_shared>>
        tpu.wait_dma2 semaphore(%run_scoped3A : memref<!tpu.dma_semaphore, #tpu.memory_space<semaphore_mem>>) src(%dma_wait3A_578 : memref<1000xf32, #tpu.memory_space<vmem_shared>>) dst(%dma_wait3A_576 : memref<1000xf32, #tpu.memory_space<hbm>>)
        tpu.yield
      }) : () -> ()
    } else {
    }
    return
  }
}

#map = affine_map<(d0, d1) -> (0, 0)>
#map1 = affine_map<(d0, d1) -> (0, 0, 0)>
module attributes {stable_mosaic.version = 14 : i64} {
  func.func @_spmm_body(%arg0: i32, %arg1: i32, %arg2: memref<50000x64xf32, #tpu.memory_space<hbm>>, %arg3: memref<2x3128x128xi32, #tpu.memory_space<hbm>>, %arg4: memref<2x3128x128xi32, #tpu.memory_space<hbm>>, %arg5: memref<1000x64xf32, #tpu.memory_space<hbm>>, %arg6: memref<2x25000x64xf32, #tpu.memory_space<hbm>>, %arg7: memref<8x128xi32, #tpu.memory_space<vmem>>, %arg8: memref<8x128xi32, #tpu.memory_space<vmem>>, %arg9: memref<384x64xf32, #tpu.memory_space<vmem>>, %arg10: memref<25008x64xf32, #tpu.memory_space<vmem_shared>>, %arg11: memref<!tpu.dma_semaphore, #tpu.memory_space<semaphore_mem>>) attributes {dimension_semantics = [#tpu.dimension_semantics<core_parallel>, #tpu.dimension_semantics<subcore_parallel>], iteration_bounds = array<i64: 2, 16>, scalar_prefetch = 0 : i64, scratch_operands = 5 : i64, tpu.core_type = #tpu.core_type<sc_vector_subcore>, window_params = [{transform_indices = #map}, {transform_indices = #map1}, {transform_indices = #map1}, {transform_indices = #map}, {transform_indices = #map1}]} {
    %eq3A = arith.constant 0 : i32
    %eq3A_0 = arith.cmpi eq, %arg1, %eq3A : i32
    %convert_element_type3A = arith.extui %eq3A_0 : i1 to i32
    %cond3A = arith.constant 0 : i32
    %cond3A_1 = arith.cmpi ne, %convert_element_type3A, %cond3A : i32
    scf.if %cond3A_1 {
      "tpu.region"() ({
        %run_scoped3A = tpu.sem_alloc : memref<!tpu.dma_semaphore, #tpu.memory_space<semaphore_mem>>
        %dma_start3A = arith.constant 0 : i32
        %dma_start3A_253 = arith.constant 0 : i32
        %dma_start3A_254 = tpu.memref_slice %arg10[%dma_start3A, %dma_start3A_253] : memref<25008x64xf32, #tpu.memory_space<vmem_shared>> -> memref<1000x64xf32, #tpu.memory_space<vmem_shared>>
        tpu.enqueue_dma source(%arg5 : memref<1000x64xf32, #tpu.memory_space<hbm>>) target(%dma_start3A_254 : memref<1000x64xf32, #tpu.memory_space<vmem_shared>>) target_semaphore(%run_scoped3A : memref<!tpu.dma_semaphore, #tpu.memory_space<semaphore_mem>>)
        %dma_wait3A = arith.constant 0 : i32
        %dma_wait3A_255 = arith.constant 0 : i32
        %dma_wait3A_256 = tpu.memref_slice %arg10[%dma_wait3A, %dma_wait3A_255] : memref<25008x64xf32, #tpu.memory_space<vmem_shared>> -> memref<1000x64xf32, #tpu.memory_space<vmem_shared>>
        tpu.wait_dma2 semaphore(%run_scoped3A : memref<!tpu.dma_semaphore, #tpu.memory_space<semaphore_mem>>) src(%arg5 : memref<1000x64xf32, #tpu.memory_space<hbm>>) dst(%dma_wait3A_256 : memref<1000x64xf32, #tpu.memory_space<vmem_shared>>)
        tpu.yield
      }) : () -> ()
    } else {
    }
    %eq3A_2 = arith.constant 1 : i32
    %eq3A_3 = arith.cmpi eq, %arg1, %eq3A_2 : i32
    %convert_element_type3A_4 = arith.extui %eq3A_3 : i1 to i32
    %cond3A_5 = arith.constant 0 : i32
    %cond3A_6 = arith.cmpi ne, %convert_element_type3A_4, %cond3A_5 : i32
    scf.if %cond3A_6 {
      "tpu.region"() ({
        %run_scoped3A = tpu.sem_alloc : memref<!tpu.dma_semaphore, #tpu.memory_space<semaphore_mem>>
        %dma_start3A = arith.constant 1000 : i32
        %dma_start3A_253 = arith.constant 0 : i32
        %dma_start3A_254 = tpu.memref_slice %arg10[%dma_start3A, %dma_start3A_253] : memref<25008x64xf32, #tpu.memory_space<vmem_shared>> -> memref<1000x64xf32, #tpu.memory_space<vmem_shared>>
        tpu.enqueue_dma source(%arg5 : memref<1000x64xf32, #tpu.memory_space<hbm>>) target(%dma_start3A_254 : memref<1000x64xf32, #tpu.memory_space<vmem_shared>>) target_semaphore(%run_scoped3A : memref<!tpu.dma_semaphore, #tpu.memory_space<semaphore_mem>>)
        %dma_wait3A = arith.constant 1000 : i32
        %dma_wait3A_255 = arith.constant 0 : i32
        %dma_wait3A_256 = tpu.memref_slice %arg10[%dma_wait3A, %dma_wait3A_255] : memref<25008x64xf32, #tpu.memory_space<vmem_shared>> -> memref<1000x64xf32, #tpu.memory_space<vmem_shared>>
        tpu.wait_dma2 semaphore(%run_scoped3A : memref<!tpu.dma_semaphore, #tpu.memory_space<semaphore_mem>>) src(%arg5 : memref<1000x64xf32, #tpu.memory_space<hbm>>) dst(%dma_wait3A_256 : memref<1000x64xf32, #tpu.memory_space<vmem_shared>>)
        tpu.yield
      }) : () -> ()
    } else {
    }
    %eq3A_7 = arith.constant 2 : i32
    %eq3A_8 = arith.cmpi eq, %arg1, %eq3A_7 : i32
    %convert_element_type3A_9 = arith.extui %eq3A_8 : i1 to i32
    %cond3A_10 = arith.constant 0 : i32
    %cond3A_11 = arith.cmpi ne, %convert_element_type3A_9, %cond3A_10 : i32
    scf.if %cond3A_11 {
      "tpu.region"() ({
        %run_scoped3A = tpu.sem_alloc : memref<!tpu.dma_semaphore, #tpu.memory_space<semaphore_mem>>
        %dma_start3A = arith.constant 2000 : i32
        %dma_start3A_253 = arith.constant 0 : i32
        %dma_start3A_254 = tpu.memref_slice %arg10[%dma_start3A, %dma_start3A_253] : memref<25008x64xf32, #tpu.memory_space<vmem_shared>> -> memref<1000x64xf32, #tpu.memory_space<vmem_shared>>
        tpu.enqueue_dma source(%arg5 : memref<1000x64xf32, #tpu.memory_space<hbm>>) target(%dma_start3A_254 : memref<1000x64xf32, #tpu.memory_space<vmem_shared>>) target_semaphore(%run_scoped3A : memref<!tpu.dma_semaphore, #tpu.memory_space<semaphore_mem>>)
        %dma_wait3A = arith.constant 2000 : i32
        %dma_wait3A_255 = arith.constant 0 : i32
        %dma_wait3A_256 = tpu.memref_slice %arg10[%dma_wait3A, %dma_wait3A_255] : memref<25008x64xf32, #tpu.memory_space<vmem_shared>> -> memref<1000x64xf32, #tpu.memory_space<vmem_shared>>
        tpu.wait_dma2 semaphore(%run_scoped3A : memref<!tpu.dma_semaphore, #tpu.memory_space<semaphore_mem>>) src(%arg5 : memref<1000x64xf32, #tpu.memory_space<hbm>>) dst(%dma_wait3A_256 : memref<1000x64xf32, #tpu.memory_space<vmem_shared>>)
        tpu.yield
      }) : () -> ()
    } else {
    }
    %eq3A_12 = arith.constant 3 : i32
    %eq3A_13 = arith.cmpi eq, %arg1, %eq3A_12 : i32
    %convert_element_type3A_14 = arith.extui %eq3A_13 : i1 to i32
    %cond3A_15 = arith.constant 0 : i32
    %cond3A_16 = arith.cmpi ne, %convert_element_type3A_14, %cond3A_15 : i32
    scf.if %cond3A_16 {
      "tpu.region"() ({
        %run_scoped3A = tpu.sem_alloc : memref<!tpu.dma_semaphore, #tpu.memory_space<semaphore_mem>>
        %dma_start3A = arith.constant 3000 : i32
        %dma_start3A_253 = arith.constant 0 : i32
        %dma_start3A_254 = tpu.memref_slice %arg10[%dma_start3A, %dma_start3A_253] : memref<25008x64xf32, #tpu.memory_space<vmem_shared>> -> memref<1000x64xf32, #tpu.memory_space<vmem_shared>>
        tpu.enqueue_dma source(%arg5 : memref<1000x64xf32, #tpu.memory_space<hbm>>) target(%dma_start3A_254 : memref<1000x64xf32, #tpu.memory_space<vmem_shared>>) target_semaphore(%run_scoped3A : memref<!tpu.dma_semaphore, #tpu.memory_space<semaphore_mem>>)
        %dma_wait3A = arith.constant 3000 : i32
        %dma_wait3A_255 = arith.constant 0 : i32
        %dma_wait3A_256 = tpu.memref_slice %arg10[%dma_wait3A, %dma_wait3A_255] : memref<25008x64xf32, #tpu.memory_space<vmem_shared>> -> memref<1000x64xf32, #tpu.memory_space<vmem_shared>>
        tpu.wait_dma2 semaphore(%run_scoped3A : memref<!tpu.dma_semaphore, #tpu.memory_space<semaphore_mem>>) src(%arg5 : memref<1000x64xf32, #tpu.memory_space<hbm>>) dst(%dma_wait3A_256 : memref<1000x64xf32, #tpu.memory_space<vmem_shared>>)
        tpu.yield
      }) : () -> ()
    } else {
    }
    %eq3A_17 = arith.constant 4 : i32
    %eq3A_18 = arith.cmpi eq, %arg1, %eq3A_17 : i32
    %convert_element_type3A_19 = arith.extui %eq3A_18 : i1 to i32
    %cond3A_20 = arith.constant 0 : i32
    %cond3A_21 = arith.cmpi ne, %convert_element_type3A_19, %cond3A_20 : i32
    scf.if %cond3A_21 {
      "tpu.region"() ({
        %run_scoped3A = tpu.sem_alloc : memref<!tpu.dma_semaphore, #tpu.memory_space<semaphore_mem>>
        %dma_start3A = arith.constant 4000 : i32
        %dma_start3A_253 = arith.constant 0 : i32
        %dma_start3A_254 = tpu.memref_slice %arg10[%dma_start3A, %dma_start3A_253] : memref<25008x64xf32, #tpu.memory_space<vmem_shared>> -> memref<1000x64xf32, #tpu.memory_space<vmem_shared>>
        tpu.enqueue_dma source(%arg5 : memref<1000x64xf32, #tpu.memory_space<hbm>>) target(%dma_start3A_254 : memref<1000x64xf32, #tpu.memory_space<vmem_shared>>) target_semaphore(%run_scoped3A : memref<!tpu.dma_semaphore, #tpu.memory_space<semaphore_mem>>)
        %dma_wait3A = arith.constant 4000 : i32
        %dma_wait3A_255 = arith.constant 0 : i32
        %dma_wait3A_256 = tpu.memref_slice %arg10[%dma_wait3A, %dma_wait3A_255] : memref<25008x64xf32, #tpu.memory_space<vmem_shared>> -> memref<1000x64xf32, #tpu.memory_space<vmem_shared>>
        tpu.wait_dma2 semaphore(%run_scoped3A : memref<!tpu.dma_semaphore, #tpu.memory_space<semaphore_mem>>) src(%arg5 : memref<1000x64xf32, #tpu.memory_space<hbm>>) dst(%dma_wait3A_256 : memref<1000x64xf32, #tpu.memory_space<vmem_shared>>)
        tpu.yield
      }) : () -> ()
    } else {
    }
    %eq3A_22 = arith.constant 5 : i32
    %eq3A_23 = arith.cmpi eq, %arg1, %eq3A_22 : i32
    %convert_element_type3A_24 = arith.extui %eq3A_23 : i1 to i32
    %cond3A_25 = arith.constant 0 : i32
    %cond3A_26 = arith.cmpi ne, %convert_element_type3A_24, %cond3A_25 : i32
    scf.if %cond3A_26 {
      "tpu.region"() ({
        %run_scoped3A = tpu.sem_alloc : memref<!tpu.dma_semaphore, #tpu.memory_space<semaphore_mem>>
        %dma_start3A = arith.constant 5000 : i32
        %dma_start3A_253 = arith.constant 0 : i32
        %dma_start3A_254 = tpu.memref_slice %arg10[%dma_start3A, %dma_start3A_253] : memref<25008x64xf32, #tpu.memory_space<vmem_shared>> -> memref<1000x64xf32, #tpu.memory_space<vmem_shared>>
        tpu.enqueue_dma source(%arg5 : memref<1000x64xf32, #tpu.memory_space<hbm>>) target(%dma_start3A_254 : memref<1000x64xf32, #tpu.memory_space<vmem_shared>>) target_semaphore(%run_scoped3A : memref<!tpu.dma_semaphore, #tpu.memory_space<semaphore_mem>>)
        %dma_wait3A = arith.constant 5000 : i32
        %dma_wait3A_255 = arith.constant 0 : i32
        %dma_wait3A_256 = tpu.memref_slice %arg10[%dma_wait3A, %dma_wait3A_255] : memref<25008x64xf32, #tpu.memory_space<vmem_shared>> -> memref<1000x64xf32, #tpu.memory_space<vmem_shared>>
        tpu.wait_dma2 semaphore(%run_scoped3A : memref<!tpu.dma_semaphore, #tpu.memory_space<semaphore_mem>>) src(%arg5 : memref<1000x64xf32, #tpu.memory_space<hbm>>) dst(%dma_wait3A_256 : memref<1000x64xf32, #tpu.memory_space<vmem_shared>>)
        tpu.yield
      }) : () -> ()
    } else {
    }
    %eq3A_27 = arith.constant 6 : i32
    %eq3A_28 = arith.cmpi eq, %arg1, %eq3A_27 : i32
    %convert_element_type3A_29 = arith.extui %eq3A_28 : i1 to i32
    %cond3A_30 = arith.constant 0 : i32
    %cond3A_31 = arith.cmpi ne, %convert_element_type3A_29, %cond3A_30 : i32
    scf.if %cond3A_31 {
      "tpu.region"() ({
        %run_scoped3A = tpu.sem_alloc : memref<!tpu.dma_semaphore, #tpu.memory_space<semaphore_mem>>
        %dma_start3A = arith.constant 6000 : i32
        %dma_start3A_253 = arith.constant 0 : i32
        %dma_start3A_254 = tpu.memref_slice %arg10[%dma_start3A, %dma_start3A_253] : memref<25008x64xf32, #tpu.memory_space<vmem_shared>> -> memref<1000x64xf32, #tpu.memory_space<vmem_shared>>
        tpu.enqueue_dma source(%arg5 : memref<1000x64xf32, #tpu.memory_space<hbm>>) target(%dma_start3A_254 : memref<1000x64xf32, #tpu.memory_space<vmem_shared>>) target_semaphore(%run_scoped3A : memref<!tpu.dma_semaphore, #tpu.memory_space<semaphore_mem>>)
        %dma_wait3A = arith.constant 6000 : i32
        %dma_wait3A_255 = arith.constant 0 : i32
        %dma_wait3A_256 = tpu.memref_slice %arg10[%dma_wait3A, %dma_wait3A_255] : memref<25008x64xf32, #tpu.memory_space<vmem_shared>> -> memref<1000x64xf32, #tpu.memory_space<vmem_shared>>
        tpu.wait_dma2 semaphore(%run_scoped3A : memref<!tpu.dma_semaphore, #tpu.memory_space<semaphore_mem>>) src(%arg5 : memref<1000x64xf32, #tpu.memory_space<hbm>>) dst(%dma_wait3A_256 : memref<1000x64xf32, #tpu.memory_space<vmem_shared>>)
        tpu.yield
      }) : () -> ()
    } else {
    }
    %eq3A_32 = arith.constant 7 : i32
    %eq3A_33 = arith.cmpi eq, %arg1, %eq3A_32 : i32
    %convert_element_type3A_34 = arith.extui %eq3A_33 : i1 to i32
    %cond3A_35 = arith.constant 0 : i32
    %cond3A_36 = arith.cmpi ne, %convert_element_type3A_34, %cond3A_35 : i32
    scf.if %cond3A_36 {
      "tpu.region"() ({
        %run_scoped3A = tpu.sem_alloc : memref<!tpu.dma_semaphore, #tpu.memory_space<semaphore_mem>>
        %dma_start3A = arith.constant 7000 : i32
        %dma_start3A_253 = arith.constant 0 : i32
        %dma_start3A_254 = tpu.memref_slice %arg10[%dma_start3A, %dma_start3A_253] : memref<25008x64xf32, #tpu.memory_space<vmem_shared>> -> memref<1000x64xf32, #tpu.memory_space<vmem_shared>>
        tpu.enqueue_dma source(%arg5 : memref<1000x64xf32, #tpu.memory_space<hbm>>) target(%dma_start3A_254 : memref<1000x64xf32, #tpu.memory_space<vmem_shared>>) target_semaphore(%run_scoped3A : memref<!tpu.dma_semaphore, #tpu.memory_space<semaphore_mem>>)
        %dma_wait3A = arith.constant 7000 : i32
        %dma_wait3A_255 = arith.constant 0 : i32
        %dma_wait3A_256 = tpu.memref_slice %arg10[%dma_wait3A, %dma_wait3A_255] : memref<25008x64xf32, #tpu.memory_space<vmem_shared>> -> memref<1000x64xf32, #tpu.memory_space<vmem_shared>>
        tpu.wait_dma2 semaphore(%run_scoped3A : memref<!tpu.dma_semaphore, #tpu.memory_space<semaphore_mem>>) src(%arg5 : memref<1000x64xf32, #tpu.memory_space<hbm>>) dst(%dma_wait3A_256 : memref<1000x64xf32, #tpu.memory_space<vmem_shared>>)
        tpu.yield
      }) : () -> ()
    } else {
    }
    %eq3A_37 = arith.constant 8 : i32
    %eq3A_38 = arith.cmpi eq, %arg1, %eq3A_37 : i32
    %convert_element_type3A_39 = arith.extui %eq3A_38 : i1 to i32
    %cond3A_40 = arith.constant 0 : i32
    %cond3A_41 = arith.cmpi ne, %convert_element_type3A_39, %cond3A_40 : i32
    scf.if %cond3A_41 {
      "tpu.region"() ({
        %run_scoped3A = tpu.sem_alloc : memref<!tpu.dma_semaphore, #tpu.memory_space<semaphore_mem>>
        %dma_start3A = arith.constant 8000 : i32
        %dma_start3A_253 = arith.constant 0 : i32
        %dma_start3A_254 = tpu.memref_slice %arg10[%dma_start3A, %dma_start3A_253] : memref<25008x64xf32, #tpu.memory_space<vmem_shared>> -> memref<1000x64xf32, #tpu.memory_space<vmem_shared>>
        tpu.enqueue_dma source(%arg5 : memref<1000x64xf32, #tpu.memory_space<hbm>>) target(%dma_start3A_254 : memref<1000x64xf32, #tpu.memory_space<vmem_shared>>) target_semaphore(%run_scoped3A : memref<!tpu.dma_semaphore, #tpu.memory_space<semaphore_mem>>)
        %dma_wait3A = arith.constant 8000 : i32
        %dma_wait3A_255 = arith.constant 0 : i32
        %dma_wait3A_256 = tpu.memref_slice %arg10[%dma_wait3A, %dma_wait3A_255] : memref<25008x64xf32, #tpu.memory_space<vmem_shared>> -> memref<1000x64xf32, #tpu.memory_space<vmem_shared>>
        tpu.wait_dma2 semaphore(%run_scoped3A : memref<!tpu.dma_semaphore, #tpu.memory_space<semaphore_mem>>) src(%arg5 : memref<1000x64xf32, #tpu.memory_space<hbm>>) dst(%dma_wait3A_256 : memref<1000x64xf32, #tpu.memory_space<vmem_shared>>)
        tpu.yield
      }) : () -> ()
    } else {
    }
    %eq3A_42 = arith.constant 9 : i32
    %eq3A_43 = arith.cmpi eq, %arg1, %eq3A_42 : i32
    %convert_element_type3A_44 = arith.extui %eq3A_43 : i1 to i32
    %cond3A_45 = arith.constant 0 : i32
    %cond3A_46 = arith.cmpi ne, %convert_element_type3A_44, %cond3A_45 : i32
    scf.if %cond3A_46 {
      "tpu.region"() ({
        %run_scoped3A = tpu.sem_alloc : memref<!tpu.dma_semaphore, #tpu.memory_space<semaphore_mem>>
        %dma_start3A = arith.constant 9000 : i32
        %dma_start3A_253 = arith.constant 0 : i32
        %dma_start3A_254 = tpu.memref_slice %arg10[%dma_start3A, %dma_start3A_253] : memref<25008x64xf32, #tpu.memory_space<vmem_shared>> -> memref<1000x64xf32, #tpu.memory_space<vmem_shared>>
        tpu.enqueue_dma source(%arg5 : memref<1000x64xf32, #tpu.memory_space<hbm>>) target(%dma_start3A_254 : memref<1000x64xf32, #tpu.memory_space<vmem_shared>>) target_semaphore(%run_scoped3A : memref<!tpu.dma_semaphore, #tpu.memory_space<semaphore_mem>>)
        %dma_wait3A = arith.constant 9000 : i32
        %dma_wait3A_255 = arith.constant 0 : i32
        %dma_wait3A_256 = tpu.memref_slice %arg10[%dma_wait3A, %dma_wait3A_255] : memref<25008x64xf32, #tpu.memory_space<vmem_shared>> -> memref<1000x64xf32, #tpu.memory_space<vmem_shared>>
        tpu.wait_dma2 semaphore(%run_scoped3A : memref<!tpu.dma_semaphore, #tpu.memory_space<semaphore_mem>>) src(%arg5 : memref<1000x64xf32, #tpu.memory_space<hbm>>) dst(%dma_wait3A_256 : memref<1000x64xf32, #tpu.memory_space<vmem_shared>>)
        tpu.yield
      }) : () -> ()
    } else {
    }
    %eq3A_47 = arith.constant 10 : i32
    %eq3A_48 = arith.cmpi eq, %arg1, %eq3A_47 : i32
    %convert_element_type3A_49 = arith.extui %eq3A_48 : i1 to i32
    %cond3A_50 = arith.constant 0 : i32
    %cond3A_51 = arith.cmpi ne, %convert_element_type3A_49, %cond3A_50 : i32
    scf.if %cond3A_51 {
      "tpu.region"() ({
        %run_scoped3A = tpu.sem_alloc : memref<!tpu.dma_semaphore, #tpu.memory_space<semaphore_mem>>
        %dma_start3A = arith.constant 10000 : i32
        %dma_start3A_253 = arith.constant 0 : i32
        %dma_start3A_254 = tpu.memref_slice %arg10[%dma_start3A, %dma_start3A_253] : memref<25008x64xf32, #tpu.memory_space<vmem_shared>> -> memref<1000x64xf32, #tpu.memory_space<vmem_shared>>
        tpu.enqueue_dma source(%arg5 : memref<1000x64xf32, #tpu.memory_space<hbm>>) target(%dma_start3A_254 : memref<1000x64xf32, #tpu.memory_space<vmem_shared>>) target_semaphore(%run_scoped3A : memref<!tpu.dma_semaphore, #tpu.memory_space<semaphore_mem>>)
        %dma_wait3A = arith.constant 10000 : i32
        %dma_wait3A_255 = arith.constant 0 : i32
        %dma_wait3A_256 = tpu.memref_slice %arg10[%dma_wait3A, %dma_wait3A_255] : memref<25008x64xf32, #tpu.memory_space<vmem_shared>> -> memref<1000x64xf32, #tpu.memory_space<vmem_shared>>
        tpu.wait_dma2 semaphore(%run_scoped3A : memref<!tpu.dma_semaphore, #tpu.memory_space<semaphore_mem>>) src(%arg5 : memref<1000x64xf32, #tpu.memory_space<hbm>>) dst(%dma_wait3A_256 : memref<1000x64xf32, #tpu.memory_space<vmem_shared>>)
        tpu.yield
      }) : () -> ()
    } else {
    }
    %eq3A_52 = arith.constant 11 : i32
    %eq3A_53 = arith.cmpi eq, %arg1, %eq3A_52 : i32
    %convert_element_type3A_54 = arith.extui %eq3A_53 : i1 to i32
    %cond3A_55 = arith.constant 0 : i32
    %cond3A_56 = arith.cmpi ne, %convert_element_type3A_54, %cond3A_55 : i32
    scf.if %cond3A_56 {
      "tpu.region"() ({
        %run_scoped3A = tpu.sem_alloc : memref<!tpu.dma_semaphore, #tpu.memory_space<semaphore_mem>>
        %dma_start3A = arith.constant 11000 : i32
        %dma_start3A_253 = arith.constant 0 : i32
        %dma_start3A_254 = tpu.memref_slice %arg10[%dma_start3A, %dma_start3A_253] : memref<25008x64xf32, #tpu.memory_space<vmem_shared>> -> memref<1000x64xf32, #tpu.memory_space<vmem_shared>>
        tpu.enqueue_dma source(%arg5 : memref<1000x64xf32, #tpu.memory_space<hbm>>) target(%dma_start3A_254 : memref<1000x64xf32, #tpu.memory_space<vmem_shared>>) target_semaphore(%run_scoped3A : memref<!tpu.dma_semaphore, #tpu.memory_space<semaphore_mem>>)
        %dma_wait3A = arith.constant 11000 : i32
        %dma_wait3A_255 = arith.constant 0 : i32
        %dma_wait3A_256 = tpu.memref_slice %arg10[%dma_wait3A, %dma_wait3A_255] : memref<25008x64xf32, #tpu.memory_space<vmem_shared>> -> memref<1000x64xf32, #tpu.memory_space<vmem_shared>>
        tpu.wait_dma2 semaphore(%run_scoped3A : memref<!tpu.dma_semaphore, #tpu.memory_space<semaphore_mem>>) src(%arg5 : memref<1000x64xf32, #tpu.memory_space<hbm>>) dst(%dma_wait3A_256 : memref<1000x64xf32, #tpu.memory_space<vmem_shared>>)
        tpu.yield
      }) : () -> ()
    } else {
    }
    %eq3A_57 = arith.constant 12 : i32
    %eq3A_58 = arith.cmpi eq, %arg1, %eq3A_57 : i32
    %convert_element_type3A_59 = arith.extui %eq3A_58 : i1 to i32
    %cond3A_60 = arith.constant 0 : i32
    %cond3A_61 = arith.cmpi ne, %convert_element_type3A_59, %cond3A_60 : i32
    scf.if %cond3A_61 {
      "tpu.region"() ({
        %run_scoped3A = tpu.sem_alloc : memref<!tpu.dma_semaphore, #tpu.memory_space<semaphore_mem>>
        %dma_start3A = arith.constant 12000 : i32
        %dma_start3A_253 = arith.constant 0 : i32
        %dma_start3A_254 = tpu.memref_slice %arg10[%dma_start3A, %dma_start3A_253] : memref<25008x64xf32, #tpu.memory_space<vmem_shared>> -> memref<1000x64xf32, #tpu.memory_space<vmem_shared>>
        tpu.enqueue_dma source(%arg5 : memref<1000x64xf32, #tpu.memory_space<hbm>>) target(%dma_start3A_254 : memref<1000x64xf32, #tpu.memory_space<vmem_shared>>) target_semaphore(%run_scoped3A : memref<!tpu.dma_semaphore, #tpu.memory_space<semaphore_mem>>)
        %dma_wait3A = arith.constant 12000 : i32
        %dma_wait3A_255 = arith.constant 0 : i32
        %dma_wait3A_256 = tpu.memref_slice %arg10[%dma_wait3A, %dma_wait3A_255] : memref<25008x64xf32, #tpu.memory_space<vmem_shared>> -> memref<1000x64xf32, #tpu.memory_space<vmem_shared>>
        tpu.wait_dma2 semaphore(%run_scoped3A : memref<!tpu.dma_semaphore, #tpu.memory_space<semaphore_mem>>) src(%arg5 : memref<1000x64xf32, #tpu.memory_space<hbm>>) dst(%dma_wait3A_256 : memref<1000x64xf32, #tpu.memory_space<vmem_shared>>)
        tpu.yield
      }) : () -> ()
    } else {
    }
    %eq3A_62 = arith.constant 13 : i32
    %eq3A_63 = arith.cmpi eq, %arg1, %eq3A_62 : i32
    %convert_element_type3A_64 = arith.extui %eq3A_63 : i1 to i32
    %cond3A_65 = arith.constant 0 : i32
    %cond3A_66 = arith.cmpi ne, %convert_element_type3A_64, %cond3A_65 : i32
    scf.if %cond3A_66 {
      "tpu.region"() ({
        %run_scoped3A = tpu.sem_alloc : memref<!tpu.dma_semaphore, #tpu.memory_space<semaphore_mem>>
        %dma_start3A = arith.constant 13000 : i32
        %dma_start3A_253 = arith.constant 0 : i32
        %dma_start3A_254 = tpu.memref_slice %arg10[%dma_start3A, %dma_start3A_253] : memref<25008x64xf32, #tpu.memory_space<vmem_shared>> -> memref<1000x64xf32, #tpu.memory_space<vmem_shared>>
        tpu.enqueue_dma source(%arg5 : memref<1000x64xf32, #tpu.memory_space<hbm>>) target(%dma_start3A_254 : memref<1000x64xf32, #tpu.memory_space<vmem_shared>>) target_semaphore(%run_scoped3A : memref<!tpu.dma_semaphore, #tpu.memory_space<semaphore_mem>>)
        %dma_wait3A = arith.constant 13000 : i32
        %dma_wait3A_255 = arith.constant 0 : i32
        %dma_wait3A_256 = tpu.memref_slice %arg10[%dma_wait3A, %dma_wait3A_255] : memref<25008x64xf32, #tpu.memory_space<vmem_shared>> -> memref<1000x64xf32, #tpu.memory_space<vmem_shared>>
        tpu.wait_dma2 semaphore(%run_scoped3A : memref<!tpu.dma_semaphore, #tpu.memory_space<semaphore_mem>>) src(%arg5 : memref<1000x64xf32, #tpu.memory_space<hbm>>) dst(%dma_wait3A_256 : memref<1000x64xf32, #tpu.memory_space<vmem_shared>>)
        tpu.yield
      }) : () -> ()
    } else {
    }
    %eq3A_67 = arith.constant 14 : i32
    %eq3A_68 = arith.cmpi eq, %arg1, %eq3A_67 : i32
    %convert_element_type3A_69 = arith.extui %eq3A_68 : i1 to i32
    %cond3A_70 = arith.constant 0 : i32
    %cond3A_71 = arith.cmpi ne, %convert_element_type3A_69, %cond3A_70 : i32
    scf.if %cond3A_71 {
      "tpu.region"() ({
        %run_scoped3A = tpu.sem_alloc : memref<!tpu.dma_semaphore, #tpu.memory_space<semaphore_mem>>
        %dma_start3A = arith.constant 14000 : i32
        %dma_start3A_253 = arith.constant 0 : i32
        %dma_start3A_254 = tpu.memref_slice %arg10[%dma_start3A, %dma_start3A_253] : memref<25008x64xf32, #tpu.memory_space<vmem_shared>> -> memref<1000x64xf32, #tpu.memory_space<vmem_shared>>
        tpu.enqueue_dma source(%arg5 : memref<1000x64xf32, #tpu.memory_space<hbm>>) target(%dma_start3A_254 : memref<1000x64xf32, #tpu.memory_space<vmem_shared>>) target_semaphore(%run_scoped3A : memref<!tpu.dma_semaphore, #tpu.memory_space<semaphore_mem>>)
        %dma_wait3A = arith.constant 14000 : i32
        %dma_wait3A_255 = arith.constant 0 : i32
        %dma_wait3A_256 = tpu.memref_slice %arg10[%dma_wait3A, %dma_wait3A_255] : memref<25008x64xf32, #tpu.memory_space<vmem_shared>> -> memref<1000x64xf32, #tpu.memory_space<vmem_shared>>
        tpu.wait_dma2 semaphore(%run_scoped3A : memref<!tpu.dma_semaphore, #tpu.memory_space<semaphore_mem>>) src(%arg5 : memref<1000x64xf32, #tpu.memory_space<hbm>>) dst(%dma_wait3A_256 : memref<1000x64xf32, #tpu.memory_space<vmem_shared>>)
        tpu.yield
      }) : () -> ()
    } else {
    }
    %eq3A_72 = arith.constant 15 : i32
    %eq3A_73 = arith.cmpi eq, %arg1, %eq3A_72 : i32
    %convert_element_type3A_74 = arith.extui %eq3A_73 : i1 to i32
    %cond3A_75 = arith.constant 0 : i32
    %cond3A_76 = arith.cmpi ne, %convert_element_type3A_74, %cond3A_75 : i32
    scf.if %cond3A_76 {
      "tpu.region"() ({
        %run_scoped3A = tpu.sem_alloc : memref<!tpu.dma_semaphore, #tpu.memory_space<semaphore_mem>>
        %dma_start3A = arith.constant 15000 : i32
        %dma_start3A_253 = arith.constant 0 : i32
        %dma_start3A_254 = tpu.memref_slice %arg10[%dma_start3A, %dma_start3A_253] : memref<25008x64xf32, #tpu.memory_space<vmem_shared>> -> memref<1000x64xf32, #tpu.memory_space<vmem_shared>>
        tpu.enqueue_dma source(%arg5 : memref<1000x64xf32, #tpu.memory_space<hbm>>) target(%dma_start3A_254 : memref<1000x64xf32, #tpu.memory_space<vmem_shared>>) target_semaphore(%run_scoped3A : memref<!tpu.dma_semaphore, #tpu.memory_space<semaphore_mem>>)
        %dma_wait3A = arith.constant 15000 : i32
        %dma_wait3A_255 = arith.constant 0 : i32
        %dma_wait3A_256 = tpu.memref_slice %arg10[%dma_wait3A, %dma_wait3A_255] : memref<25008x64xf32, #tpu.memory_space<vmem_shared>> -> memref<1000x64xf32, #tpu.memory_space<vmem_shared>>
        tpu.wait_dma2 semaphore(%run_scoped3A : memref<!tpu.dma_semaphore, #tpu.memory_space<semaphore_mem>>) src(%arg5 : memref<1000x64xf32, #tpu.memory_space<hbm>>) dst(%dma_wait3A_256 : memref<1000x64xf32, #tpu.memory_space<vmem_shared>>)
        tpu.yield
      }) : () -> ()
    } else {
    }
    %eq3A_77 = arith.constant 0 : i32
    %eq3A_78 = arith.cmpi eq, %arg1, %eq3A_77 : i32
    %convert_element_type3A_79 = arith.extui %eq3A_78 : i1 to i32
    %cond3A_80 = arith.constant 0 : i32
    %cond3A_81 = arith.cmpi ne, %convert_element_type3A_79, %cond3A_80 : i32
    scf.if %cond3A_81 {
      "tpu.region"() ({
        %run_scoped3A = tpu.sem_alloc : memref<!tpu.dma_semaphore, #tpu.memory_space<semaphore_mem>>
        %dma_start3A = arith.constant 16000 : i32
        %dma_start3A_253 = arith.constant 0 : i32
        %dma_start3A_254 = tpu.memref_slice %arg10[%dma_start3A, %dma_start3A_253] : memref<25008x64xf32, #tpu.memory_space<vmem_shared>> -> memref<1000x64xf32, #tpu.memory_space<vmem_shared>>
        tpu.enqueue_dma source(%arg5 : memref<1000x64xf32, #tpu.memory_space<hbm>>) target(%dma_start3A_254 : memref<1000x64xf32, #tpu.memory_space<vmem_shared>>) target_semaphore(%run_scoped3A : memref<!tpu.dma_semaphore, #tpu.memory_space<semaphore_mem>>)
        %dma_wait3A = arith.constant 16000 : i32
        %dma_wait3A_255 = arith.constant 0 : i32
        %dma_wait3A_256 = tpu.memref_slice %arg10[%dma_wait3A, %dma_wait3A_255] : memref<25008x64xf32, #tpu.memory_space<vmem_shared>> -> memref<1000x64xf32, #tpu.memory_space<vmem_shared>>
        tpu.wait_dma2 semaphore(%run_scoped3A : memref<!tpu.dma_semaphore, #tpu.memory_space<semaphore_mem>>) src(%arg5 : memref<1000x64xf32, #tpu.memory_space<hbm>>) dst(%dma_wait3A_256 : memref<1000x64xf32, #tpu.memory_space<vmem_shared>>)
        tpu.yield
      }) : () -> ()
    } else {
    }
    %eq3A_82 = arith.constant 1 : i32
    %eq3A_83 = arith.cmpi eq, %arg1, %eq3A_82 : i32
    %convert_element_type3A_84 = arith.extui %eq3A_83 : i1 to i32
    %cond3A_85 = arith.constant 0 : i32
    %cond3A_86 = arith.cmpi ne, %convert_element_type3A_84, %cond3A_85 : i32
    scf.if %cond3A_86 {
      "tpu.region"() ({
        %run_scoped3A = tpu.sem_alloc : memref<!tpu.dma_semaphore, #tpu.memory_space<semaphore_mem>>
        %dma_start3A = arith.constant 17000 : i32
        %dma_start3A_253 = arith.constant 0 : i32
        %dma_start3A_254 = tpu.memref_slice %arg10[%dma_start3A, %dma_start3A_253] : memref<25008x64xf32, #tpu.memory_space<vmem_shared>> -> memref<1000x64xf32, #tpu.memory_space<vmem_shared>>
        tpu.enqueue_dma source(%arg5 : memref<1000x64xf32, #tpu.memory_space<hbm>>) target(%dma_start3A_254 : memref<1000x64xf32, #tpu.memory_space<vmem_shared>>) target_semaphore(%run_scoped3A : memref<!tpu.dma_semaphore, #tpu.memory_space<semaphore_mem>>)
        %dma_wait3A = arith.constant 17000 : i32
        %dma_wait3A_255 = arith.constant 0 : i32
        %dma_wait3A_256 = tpu.memref_slice %arg10[%dma_wait3A, %dma_wait3A_255] : memref<25008x64xf32, #tpu.memory_space<vmem_shared>> -> memref<1000x64xf32, #tpu.memory_space<vmem_shared>>
        tpu.wait_dma2 semaphore(%run_scoped3A : memref<!tpu.dma_semaphore, #tpu.memory_space<semaphore_mem>>) src(%arg5 : memref<1000x64xf32, #tpu.memory_space<hbm>>) dst(%dma_wait3A_256 : memref<1000x64xf32, #tpu.memory_space<vmem_shared>>)
        tpu.yield
      }) : () -> ()
    } else {
    }
    %eq3A_87 = arith.constant 2 : i32
    %eq3A_88 = arith.cmpi eq, %arg1, %eq3A_87 : i32
    %convert_element_type3A_89 = arith.extui %eq3A_88 : i1 to i32
    %cond3A_90 = arith.constant 0 : i32
    %cond3A_91 = arith.cmpi ne, %convert_element_type3A_89, %cond3A_90 : i32
    scf.if %cond3A_91 {
      "tpu.region"() ({
        %run_scoped3A = tpu.sem_alloc : memref<!tpu.dma_semaphore, #tpu.memory_space<semaphore_mem>>
        %dma_start3A = arith.constant 18000 : i32
        %dma_start3A_253 = arith.constant 0 : i32
        %dma_start3A_254 = tpu.memref_slice %arg10[%dma_start3A, %dma_start3A_253] : memref<25008x64xf32, #tpu.memory_space<vmem_shared>> -> memref<1000x64xf32, #tpu.memory_space<vmem_shared>>
        tpu.enqueue_dma source(%arg5 : memref<1000x64xf32, #tpu.memory_space<hbm>>) target(%dma_start3A_254 : memref<1000x64xf32, #tpu.memory_space<vmem_shared>>) target_semaphore(%run_scoped3A : memref<!tpu.dma_semaphore, #tpu.memory_space<semaphore_mem>>)
        %dma_wait3A = arith.constant 18000 : i32
        %dma_wait3A_255 = arith.constant 0 : i32
        %dma_wait3A_256 = tpu.memref_slice %arg10[%dma_wait3A, %dma_wait3A_255] : memref<25008x64xf32, #tpu.memory_space<vmem_shared>> -> memref<1000x64xf32, #tpu.memory_space<vmem_shared>>
        tpu.wait_dma2 semaphore(%run_scoped3A : memref<!tpu.dma_semaphore, #tpu.memory_space<semaphore_mem>>) src(%arg5 : memref<1000x64xf32, #tpu.memory_space<hbm>>) dst(%dma_wait3A_256 : memref<1000x64xf32, #tpu.memory_space<vmem_shared>>)
        tpu.yield
      }) : () -> ()
    } else {
    }
    %eq3A_92 = arith.constant 3 : i32
    %eq3A_93 = arith.cmpi eq, %arg1, %eq3A_92 : i32
    %convert_element_type3A_94 = arith.extui %eq3A_93 : i1 to i32
    %cond3A_95 = arith.constant 0 : i32
    %cond3A_96 = arith.cmpi ne, %convert_element_type3A_94, %cond3A_95 : i32
    scf.if %cond3A_96 {
      "tpu.region"() ({
        %run_scoped3A = tpu.sem_alloc : memref<!tpu.dma_semaphore, #tpu.memory_space<semaphore_mem>>
        %dma_start3A = arith.constant 19000 : i32
        %dma_start3A_253 = arith.constant 0 : i32
        %dma_start3A_254 = tpu.memref_slice %arg10[%dma_start3A, %dma_start3A_253] : memref<25008x64xf32, #tpu.memory_space<vmem_shared>> -> memref<1000x64xf32, #tpu.memory_space<vmem_shared>>
        tpu.enqueue_dma source(%arg5 : memref<1000x64xf32, #tpu.memory_space<hbm>>) target(%dma_start3A_254 : memref<1000x64xf32, #tpu.memory_space<vmem_shared>>) target_semaphore(%run_scoped3A : memref<!tpu.dma_semaphore, #tpu.memory_space<semaphore_mem>>)
        %dma_wait3A = arith.constant 19000 : i32
        %dma_wait3A_255 = arith.constant 0 : i32
        %dma_wait3A_256 = tpu.memref_slice %arg10[%dma_wait3A, %dma_wait3A_255] : memref<25008x64xf32, #tpu.memory_space<vmem_shared>> -> memref<1000x64xf32, #tpu.memory_space<vmem_shared>>
        tpu.wait_dma2 semaphore(%run_scoped3A : memref<!tpu.dma_semaphore, #tpu.memory_space<semaphore_mem>>) src(%arg5 : memref<1000x64xf32, #tpu.memory_space<hbm>>) dst(%dma_wait3A_256 : memref<1000x64xf32, #tpu.memory_space<vmem_shared>>)
        tpu.yield
      }) : () -> ()
    } else {
    }
    %eq3A_97 = arith.constant 4 : i32
    %eq3A_98 = arith.cmpi eq, %arg1, %eq3A_97 : i32
    %convert_element_type3A_99 = arith.extui %eq3A_98 : i1 to i32
    %cond3A_100 = arith.constant 0 : i32
    %cond3A_101 = arith.cmpi ne, %convert_element_type3A_99, %cond3A_100 : i32
    scf.if %cond3A_101 {
      "tpu.region"() ({
        %run_scoped3A = tpu.sem_alloc : memref<!tpu.dma_semaphore, #tpu.memory_space<semaphore_mem>>
        %dma_start3A = arith.constant 20000 : i32
        %dma_start3A_253 = arith.constant 0 : i32
        %dma_start3A_254 = tpu.memref_slice %arg10[%dma_start3A, %dma_start3A_253] : memref<25008x64xf32, #tpu.memory_space<vmem_shared>> -> memref<1000x64xf32, #tpu.memory_space<vmem_shared>>
        tpu.enqueue_dma source(%arg5 : memref<1000x64xf32, #tpu.memory_space<hbm>>) target(%dma_start3A_254 : memref<1000x64xf32, #tpu.memory_space<vmem_shared>>) target_semaphore(%run_scoped3A : memref<!tpu.dma_semaphore, #tpu.memory_space<semaphore_mem>>)
        %dma_wait3A = arith.constant 20000 : i32
        %dma_wait3A_255 = arith.constant 0 : i32
        %dma_wait3A_256 = tpu.memref_slice %arg10[%dma_wait3A, %dma_wait3A_255] : memref<25008x64xf32, #tpu.memory_space<vmem_shared>> -> memref<1000x64xf32, #tpu.memory_space<vmem_shared>>
        tpu.wait_dma2 semaphore(%run_scoped3A : memref<!tpu.dma_semaphore, #tpu.memory_space<semaphore_mem>>) src(%arg5 : memref<1000x64xf32, #tpu.memory_space<hbm>>) dst(%dma_wait3A_256 : memref<1000x64xf32, #tpu.memory_space<vmem_shared>>)
        tpu.yield
      }) : () -> ()
    } else {
    }
    %eq3A_102 = arith.constant 5 : i32
    %eq3A_103 = arith.cmpi eq, %arg1, %eq3A_102 : i32
    %convert_element_type3A_104 = arith.extui %eq3A_103 : i1 to i32
    %cond3A_105 = arith.constant 0 : i32
    %cond3A_106 = arith.cmpi ne, %convert_element_type3A_104, %cond3A_105 : i32
    scf.if %cond3A_106 {
      "tpu.region"() ({
        %run_scoped3A = tpu.sem_alloc : memref<!tpu.dma_semaphore, #tpu.memory_space<semaphore_mem>>
        %dma_start3A = arith.constant 21000 : i32
        %dma_start3A_253 = arith.constant 0 : i32
        %dma_start3A_254 = tpu.memref_slice %arg10[%dma_start3A, %dma_start3A_253] : memref<25008x64xf32, #tpu.memory_space<vmem_shared>> -> memref<1000x64xf32, #tpu.memory_space<vmem_shared>>
        tpu.enqueue_dma source(%arg5 : memref<1000x64xf32, #tpu.memory_space<hbm>>) target(%dma_start3A_254 : memref<1000x64xf32, #tpu.memory_space<vmem_shared>>) target_semaphore(%run_scoped3A : memref<!tpu.dma_semaphore, #tpu.memory_space<semaphore_mem>>)
        %dma_wait3A = arith.constant 21000 : i32
        %dma_wait3A_255 = arith.constant 0 : i32
        %dma_wait3A_256 = tpu.memref_slice %arg10[%dma_wait3A, %dma_wait3A_255] : memref<25008x64xf32, #tpu.memory_space<vmem_shared>> -> memref<1000x64xf32, #tpu.memory_space<vmem_shared>>
        tpu.wait_dma2 semaphore(%run_scoped3A : memref<!tpu.dma_semaphore, #tpu.memory_space<semaphore_mem>>) src(%arg5 : memref<1000x64xf32, #tpu.memory_space<hbm>>) dst(%dma_wait3A_256 : memref<1000x64xf32, #tpu.memory_space<vmem_shared>>)
        tpu.yield
      }) : () -> ()
    } else {
    }
    %eq3A_107 = arith.constant 6 : i32
    %eq3A_108 = arith.cmpi eq, %arg1, %eq3A_107 : i32
    %convert_element_type3A_109 = arith.extui %eq3A_108 : i1 to i32
    %cond3A_110 = arith.constant 0 : i32
    %cond3A_111 = arith.cmpi ne, %convert_element_type3A_109, %cond3A_110 : i32
    scf.if %cond3A_111 {
      "tpu.region"() ({
        %run_scoped3A = tpu.sem_alloc : memref<!tpu.dma_semaphore, #tpu.memory_space<semaphore_mem>>
        %dma_start3A = arith.constant 22000 : i32
        %dma_start3A_253 = arith.constant 0 : i32
        %dma_start3A_254 = tpu.memref_slice %arg10[%dma_start3A, %dma_start3A_253] : memref<25008x64xf32, #tpu.memory_space<vmem_shared>> -> memref<1000x64xf32, #tpu.memory_space<vmem_shared>>
        tpu.enqueue_dma source(%arg5 : memref<1000x64xf32, #tpu.memory_space<hbm>>) target(%dma_start3A_254 : memref<1000x64xf32, #tpu.memory_space<vmem_shared>>) target_semaphore(%run_scoped3A : memref<!tpu.dma_semaphore, #tpu.memory_space<semaphore_mem>>)
        %dma_wait3A = arith.constant 22000 : i32
        %dma_wait3A_255 = arith.constant 0 : i32
        %dma_wait3A_256 = tpu.memref_slice %arg10[%dma_wait3A, %dma_wait3A_255] : memref<25008x64xf32, #tpu.memory_space<vmem_shared>> -> memref<1000x64xf32, #tpu.memory_space<vmem_shared>>
        tpu.wait_dma2 semaphore(%run_scoped3A : memref<!tpu.dma_semaphore, #tpu.memory_space<semaphore_mem>>) src(%arg5 : memref<1000x64xf32, #tpu.memory_space<hbm>>) dst(%dma_wait3A_256 : memref<1000x64xf32, #tpu.memory_space<vmem_shared>>)
        tpu.yield
      }) : () -> ()
    } else {
    }
    %eq3A_112 = arith.constant 7 : i32
    %eq3A_113 = arith.cmpi eq, %arg1, %eq3A_112 : i32
    %convert_element_type3A_114 = arith.extui %eq3A_113 : i1 to i32
    %cond3A_115 = arith.constant 0 : i32
    %cond3A_116 = arith.cmpi ne, %convert_element_type3A_114, %cond3A_115 : i32
    scf.if %cond3A_116 {
      "tpu.region"() ({
        %run_scoped3A = tpu.sem_alloc : memref<!tpu.dma_semaphore, #tpu.memory_space<semaphore_mem>>
        %dma_start3A = arith.constant 23000 : i32
        %dma_start3A_253 = arith.constant 0 : i32
        %dma_start3A_254 = tpu.memref_slice %arg10[%dma_start3A, %dma_start3A_253] : memref<25008x64xf32, #tpu.memory_space<vmem_shared>> -> memref<1000x64xf32, #tpu.memory_space<vmem_shared>>
        tpu.enqueue_dma source(%arg5 : memref<1000x64xf32, #tpu.memory_space<hbm>>) target(%dma_start3A_254 : memref<1000x64xf32, #tpu.memory_space<vmem_shared>>) target_semaphore(%run_scoped3A : memref<!tpu.dma_semaphore, #tpu.memory_space<semaphore_mem>>)
        %dma_wait3A = arith.constant 23000 : i32
        %dma_wait3A_255 = arith.constant 0 : i32
        %dma_wait3A_256 = tpu.memref_slice %arg10[%dma_wait3A, %dma_wait3A_255] : memref<25008x64xf32, #tpu.memory_space<vmem_shared>> -> memref<1000x64xf32, #tpu.memory_space<vmem_shared>>
        tpu.wait_dma2 semaphore(%run_scoped3A : memref<!tpu.dma_semaphore, #tpu.memory_space<semaphore_mem>>) src(%arg5 : memref<1000x64xf32, #tpu.memory_space<hbm>>) dst(%dma_wait3A_256 : memref<1000x64xf32, #tpu.memory_space<vmem_shared>>)
        tpu.yield
      }) : () -> ()
    } else {
    }
    %eq3A_117 = arith.constant 8 : i32
    %eq3A_118 = arith.cmpi eq, %arg1, %eq3A_117 : i32
    %convert_element_type3A_119 = arith.extui %eq3A_118 : i1 to i32
    %cond3A_120 = arith.constant 0 : i32
    %cond3A_121 = arith.cmpi ne, %convert_element_type3A_119, %cond3A_120 : i32
    scf.if %cond3A_121 {
      "tpu.region"() ({
        %run_scoped3A = tpu.sem_alloc : memref<!tpu.dma_semaphore, #tpu.memory_space<semaphore_mem>>
        %dma_start3A = arith.constant 24000 : i32
        %dma_start3A_253 = arith.constant 0 : i32
        %dma_start3A_254 = tpu.memref_slice %arg10[%dma_start3A, %dma_start3A_253] : memref<25008x64xf32, #tpu.memory_space<vmem_shared>> -> memref<1000x64xf32, #tpu.memory_space<vmem_shared>>
        tpu.enqueue_dma source(%arg5 : memref<1000x64xf32, #tpu.memory_space<hbm>>) target(%dma_start3A_254 : memref<1000x64xf32, #tpu.memory_space<vmem_shared>>) target_semaphore(%run_scoped3A : memref<!tpu.dma_semaphore, #tpu.memory_space<semaphore_mem>>)
        %dma_wait3A = arith.constant 24000 : i32
        %dma_wait3A_255 = arith.constant 0 : i32
        %dma_wait3A_256 = tpu.memref_slice %arg10[%dma_wait3A, %dma_wait3A_255] : memref<25008x64xf32, #tpu.memory_space<vmem_shared>> -> memref<1000x64xf32, #tpu.memory_space<vmem_shared>>
        tpu.wait_dma2 semaphore(%run_scoped3A : memref<!tpu.dma_semaphore, #tpu.memory_space<semaphore_mem>>) src(%arg5 : memref<1000x64xf32, #tpu.memory_space<hbm>>) dst(%dma_wait3A_256 : memref<1000x64xf32, #tpu.memory_space<vmem_shared>>)
        tpu.yield
      }) : () -> ()
    } else {
    }
    %barrier3A = arith.constant 0 : index
    tpu.barrier barrier_id(%barrier3A)
    %scan3A = arith.constant 0 : i32
    %scan3A_122 = arith.constant 0 : i32
    %scan3A_123 = arith.constant 25 : i32
    %scan3A_124 = arith.addi %scan3A_122, %scan3A_123 : i32
    %scan3A_125 = arith.constant 1 : i32
    scf.for %scan3A_253 = %scan3A_122 to %scan3A_124 step %scan3A_125  : i32 {
      %mul3A = arith.constant 16 : i32
      %mul3A_254 = arith.muli %scan3A_253, %mul3A : i32
      %add3A = arith.addi %mul3A_254, %arg1 : i32
      %lt3A = arith.constant 391 : i32
      %lt3A_255 = arith.cmpi slt, %add3A, %lt3A : i32
      %convert_element_type3A_256 = arith.extui %lt3A_255 : i1 to i32
      %cond3A_257 = arith.constant 0 : i32
      %cond3A_258 = arith.cmpi ne, %convert_element_type3A_256, %cond3A_257 : i32
      scf.if %cond3A_258 {
        %mul3A_259 = arith.constant 8 : i32
        %mul3A_260 = arith.muli %add3A, %mul3A_259 : i32
        "tpu.region"() ({
          %run_scoped3A_428 = tpu.sem_alloc : memref<!tpu.dma_semaphore, #tpu.memory_space<semaphore_mem>>
          %dma_start3A_429 = arith.constant 0 : i32
          %dma_start3A_430 = tpu.memref_slice %arg3[%arg0, %mul3A_260, %dma_start3A_429] : memref<2x3128x128xi32, #tpu.memory_space<hbm>> -> memref<1x8x128xi32, #tpu.memory_space<hbm>>
          %dma_start3A_431 = tpu.memref_squeeze %dma_start3A_430 : memref<1x8x128xi32, #tpu.memory_space<hbm>> -> memref<8x128xi32, #tpu.memory_space<hbm>>
          %dma_start3A_432 = arith.constant 0 : i32
          %dma_start3A_433 = tpu.memref_slice %arg3[%arg0, %mul3A_260, %dma_start3A_432] : memref<2x3128x128xi32, #tpu.memory_space<hbm>> -> memref<1x8x128xi32, #tpu.memory_space<hbm>>
          %dma_start3A_434 = tpu.memref_squeeze %dma_start3A_433 : memref<1x8x128xi32, #tpu.memory_space<hbm>> -> memref<8x128xi32, #tpu.memory_space<hbm>>
          tpu.enqueue_dma source(%dma_start3A_434 : memref<8x128xi32, #tpu.memory_space<hbm>>) target(%arg7 : memref<8x128xi32, #tpu.memory_space<vmem>>) target_semaphore(%run_scoped3A_428 : memref<!tpu.dma_semaphore, #tpu.memory_space<semaphore_mem>>)
          %dma_wait3A_435 = arith.constant 0 : i32
          %dma_wait3A_436 = tpu.memref_slice %arg3[%arg0, %mul3A_260, %dma_wait3A_435] : memref<2x3128x128xi32, #tpu.memory_space<hbm>> -> memref<1x8x128xi32, #tpu.memory_space<hbm>>
          %dma_wait3A_437 = tpu.memref_squeeze %dma_wait3A_436 : memref<1x8x128xi32, #tpu.memory_space<hbm>> -> memref<8x128xi32, #tpu.memory_space<hbm>>
          %dma_wait3A_438 = arith.constant 0 : i32
          %dma_wait3A_439 = tpu.memref_slice %arg3[%arg0, %mul3A_260, %dma_wait3A_438] : memref<2x3128x128xi32, #tpu.memory_space<hbm>> -> memref<1x8x128xi32, #tpu.memory_space<hbm>>
          %dma_wait3A_440 = tpu.memref_squeeze %dma_wait3A_439 : memref<1x8x128xi32, #tpu.memory_space<hbm>> -> memref<8x128xi32, #tpu.memory_space<hbm>>
          tpu.wait_dma2 semaphore(%run_scoped3A_428 : memref<!tpu.dma_semaphore, #tpu.memory_space<semaphore_mem>>) src(%dma_wait3A_440 : memref<8x128xi32, #tpu.memory_space<hbm>>) dst(%arg7 : memref<8x128xi32, #tpu.memory_space<vmem>>)
          tpu.yield
        }) : () -> ()
        %mul3A_261 = arith.constant 8 : i32
        %mul3A_262 = arith.muli %add3A, %mul3A_261 : i32
        "tpu.region"() ({
          %run_scoped3A_428 = tpu.sem_alloc : memref<!tpu.dma_semaphore, #tpu.memory_space<semaphore_mem>>
          %dma_start3A_429 = arith.constant 0 : i32
          %dma_start3A_430 = tpu.memref_slice %arg4[%arg0, %mul3A_262, %dma_start3A_429] : memref<2x3128x128xi32, #tpu.memory_space<hbm>> -> memref<1x8x128xi32, #tpu.memory_space<hbm>>
          %dma_start3A_431 = tpu.memref_squeeze %dma_start3A_430 : memref<1x8x128xi32, #tpu.memory_space<hbm>> -> memref<8x128xi32, #tpu.memory_space<hbm>>
          %dma_start3A_432 = arith.constant 0 : i32
          %dma_start3A_433 = tpu.memref_slice %arg4[%arg0, %mul3A_262, %dma_start3A_432] : memref<2x3128x128xi32, #tpu.memory_space<hbm>> -> memref<1x8x128xi32, #tpu.memory_space<hbm>>
          %dma_start3A_434 = tpu.memref_squeeze %dma_start3A_433 : memref<1x8x128xi32, #tpu.memory_space<hbm>> -> memref<8x128xi32, #tpu.memory_space<hbm>>
          tpu.enqueue_dma source(%dma_start3A_434 : memref<8x128xi32, #tpu.memory_space<hbm>>) target(%arg8 : memref<8x128xi32, #tpu.memory_space<vmem>>) target_semaphore(%run_scoped3A_428 : memref<!tpu.dma_semaphore, #tpu.memory_space<semaphore_mem>>)
          %dma_wait3A_435 = arith.constant 0 : i32
          %dma_wait3A_436 = tpu.memref_slice %arg4[%arg0, %mul3A_262, %dma_wait3A_435] : memref<2x3128x128xi32, #tpu.memory_space<hbm>> -> memref<1x8x128xi32, #tpu.memory_space<hbm>>
          %dma_wait3A_437 = tpu.memref_squeeze %dma_wait3A_436 : memref<1x8x128xi32, #tpu.memory_space<hbm>> -> memref<8x128xi32, #tpu.memory_space<hbm>>
          %dma_wait3A_438 = arith.constant 0 : i32
          %dma_wait3A_439 = tpu.memref_slice %arg4[%arg0, %mul3A_262, %dma_wait3A_438] : memref<2x3128x128xi32, #tpu.memory_space<hbm>> -> memref<1x8x128xi32, #tpu.memory_space<hbm>>
          %dma_wait3A_440 = tpu.memref_squeeze %dma_wait3A_439 : memref<1x8x128xi32, #tpu.memory_space<hbm>> -> memref<8x128xi32, #tpu.memory_space<hbm>>
          tpu.wait_dma2 semaphore(%run_scoped3A_428 : memref<!tpu.dma_semaphore, #tpu.memory_space<semaphore_mem>>) src(%dma_wait3A_440 : memref<8x128xi32, #tpu.memory_space<hbm>>) dst(%arg8 : memref<8x128xi32, #tpu.memory_space<vmem>>)
          tpu.yield
        }) : () -> ()
        %dma_start3A = arith.constant 0 : i32
        %dma_start3A_263 = arith.constant 0 : i32
        %dma_start3A_264 = arith.constant 0 : i32
        %dma_start3A_265 = tpu.memref_slice %arg9[%dma_start3A_263, %dma_start3A_264] : memref<384x64xf32, #tpu.memory_space<vmem>> -> memref<128x64xf32, #tpu.memory_space<vmem>>
        %dma_start3A_266 = arith.constant 0 : i32
        %dma_start3A_267 = tpu.memref_slice %arg7[%dma_start3A, %dma_start3A_266] : memref<8x128xi32, #tpu.memory_space<vmem>> -> memref<1x128xi32, #tpu.memory_space<vmem>>
        %dma_start3A_268 = tpu.memref_squeeze %dma_start3A_267 : memref<1x128xi32, #tpu.memory_space<vmem>> -> memref<128xi32, #tpu.memory_space<vmem>>
        %dma_start3A_269 = arith.constant 0 : i32
        %dma_start3A_270 = arith.constant 0 : i32
        %dma_start3A_271 = tpu.memref_slice %arg2[%dma_start3A_269, %dma_start3A_270] : memref<50000x64xf32, #tpu.memory_space<hbm>> -> memref<50000x64xf32, #tpu.memory_space<hbm>>
        tpu.enqueue_indirect_dma source(%dma_start3A_271 : memref<50000x64xf32, #tpu.memory_space<hbm>>) target(%dma_start3A_265 : memref<128x64xf32, #tpu.memory_space<vmem>>) offsets(%dma_start3A_268 : memref<128xi32, #tpu.memory_space<vmem>>) semaphore(%arg11 : memref<!tpu.dma_semaphore, #tpu.memory_space<semaphore_mem>>)
        %dma_start3A_272 = arith.constant 1 : i32
        %dma_start3A_273 = arith.constant 128 : i32
        %dma_start3A_274 = arith.constant 0 : i32
        %dma_start3A_275 = tpu.memref_slice %arg9[%dma_start3A_273, %dma_start3A_274] : memref<384x64xf32, #tpu.memory_space<vmem>> -> memref<128x64xf32, #tpu.memory_space<vmem>>
        %dma_start3A_276 = arith.constant 0 : i32
        %dma_start3A_277 = tpu.memref_slice %arg7[%dma_start3A_272, %dma_start3A_276] : memref<8x128xi32, #tpu.memory_space<vmem>> -> memref<1x128xi32, #tpu.memory_space<vmem>>
        %dma_start3A_278 = tpu.memref_squeeze %dma_start3A_277 : memref<1x128xi32, #tpu.memory_space<vmem>> -> memref<128xi32, #tpu.memory_space<vmem>>
        %dma_start3A_279 = arith.constant 0 : i32
        %dma_start3A_280 = arith.constant 0 : i32
        %dma_start3A_281 = tpu.memref_slice %arg2[%dma_start3A_279, %dma_start3A_280] : memref<50000x64xf32, #tpu.memory_space<hbm>> -> memref<50000x64xf32, #tpu.memory_space<hbm>>
        tpu.enqueue_indirect_dma source(%dma_start3A_281 : memref<50000x64xf32, #tpu.memory_space<hbm>>) target(%dma_start3A_275 : memref<128x64xf32, #tpu.memory_space<vmem>>) offsets(%dma_start3A_278 : memref<128xi32, #tpu.memory_space<vmem>>) semaphore(%arg11 : memref<!tpu.dma_semaphore, #tpu.memory_space<semaphore_mem>>)
        %dma_start3A_282 = arith.constant 2 : i32
        %dma_start3A_283 = arith.constant 256 : i32
        %dma_start3A_284 = arith.constant 0 : i32
        %dma_start3A_285 = tpu.memref_slice %arg9[%dma_start3A_283, %dma_start3A_284] : memref<384x64xf32, #tpu.memory_space<vmem>> -> memref<128x64xf32, #tpu.memory_space<vmem>>
        %dma_start3A_286 = arith.constant 0 : i32
        %dma_start3A_287 = tpu.memref_slice %arg7[%dma_start3A_282, %dma_start3A_286] : memref<8x128xi32, #tpu.memory_space<vmem>> -> memref<1x128xi32, #tpu.memory_space<vmem>>
        %dma_start3A_288 = tpu.memref_squeeze %dma_start3A_287 : memref<1x128xi32, #tpu.memory_space<vmem>> -> memref<128xi32, #tpu.memory_space<vmem>>
        %dma_start3A_289 = arith.constant 0 : i32
        %dma_start3A_290 = arith.constant 0 : i32
        %dma_start3A_291 = tpu.memref_slice %arg2[%dma_start3A_289, %dma_start3A_290] : memref<50000x64xf32, #tpu.memory_space<hbm>> -> memref<50000x64xf32, #tpu.memory_space<hbm>>
        tpu.enqueue_indirect_dma source(%dma_start3A_291 : memref<50000x64xf32, #tpu.memory_space<hbm>>) target(%dma_start3A_285 : memref<128x64xf32, #tpu.memory_space<vmem>>) offsets(%dma_start3A_288 : memref<128xi32, #tpu.memory_space<vmem>>) semaphore(%arg11 : memref<!tpu.dma_semaphore, #tpu.memory_space<semaphore_mem>>)
        %dma_wait3A = arith.constant 0 : i32
        %dma_wait3A_292 = arith.constant 0 : i32
        %dma_wait3A_293 = arith.constant 0 : i32
        %dma_wait3A_294 = tpu.memref_slice %arg9[%dma_wait3A_292, %dma_wait3A_293] : memref<384x64xf32, #tpu.memory_space<vmem>> -> memref<128x64xf32, #tpu.memory_space<vmem>>
        %dma_wait3A_295 = arith.constant 0 : i32
        %dma_wait3A_296 = tpu.memref_slice %arg7[%dma_wait3A, %dma_wait3A_295] : memref<8x128xi32, #tpu.memory_space<vmem>> -> memref<1x128xi32, #tpu.memory_space<vmem>>
        %dma_wait3A_297 = tpu.memref_squeeze %dma_wait3A_296 : memref<1x128xi32, #tpu.memory_space<vmem>> -> memref<128xi32, #tpu.memory_space<vmem>>
        %dma_wait3A_298 = arith.constant 0 : i32
        %dma_wait3A_299 = arith.constant 0 : i32
        %dma_wait3A_300 = tpu.memref_slice %arg2[%dma_wait3A_298, %dma_wait3A_299] : memref<50000x64xf32, #tpu.memory_space<hbm>> -> memref<50000x64xf32, #tpu.memory_space<hbm>>
        tpu.wait_indirect_dma semaphore(%arg11 : memref<!tpu.dma_semaphore, #tpu.memory_space<semaphore_mem>>) src(%dma_wait3A_300 : memref<50000x64xf32, #tpu.memory_space<hbm>>) dst(%dma_wait3A_294 : memref<128x64xf32, #tpu.memory_space<vmem>>)
        %dma_wait3A_301 = arith.constant 1 : i32
        %dma_wait3A_302 = arith.constant 128 : i32
        %dma_wait3A_303 = arith.constant 0 : i32
        %dma_wait3A_304 = tpu.memref_slice %arg9[%dma_wait3A_302, %dma_wait3A_303] : memref<384x64xf32, #tpu.memory_space<vmem>> -> memref<128x64xf32, #tpu.memory_space<vmem>>
        %dma_wait3A_305 = arith.constant 0 : i32
        %dma_wait3A_306 = tpu.memref_slice %arg7[%dma_wait3A_301, %dma_wait3A_305] : memref<8x128xi32, #tpu.memory_space<vmem>> -> memref<1x128xi32, #tpu.memory_space<vmem>>
        %dma_wait3A_307 = tpu.memref_squeeze %dma_wait3A_306 : memref<1x128xi32, #tpu.memory_space<vmem>> -> memref<128xi32, #tpu.memory_space<vmem>>
        %dma_wait3A_308 = arith.constant 0 : i32
        %dma_wait3A_309 = arith.constant 0 : i32
        %dma_wait3A_310 = tpu.memref_slice %arg2[%dma_wait3A_308, %dma_wait3A_309] : memref<50000x64xf32, #tpu.memory_space<hbm>> -> memref<50000x64xf32, #tpu.memory_space<hbm>>
        tpu.wait_indirect_dma semaphore(%arg11 : memref<!tpu.dma_semaphore, #tpu.memory_space<semaphore_mem>>) src(%dma_wait3A_310 : memref<50000x64xf32, #tpu.memory_space<hbm>>) dst(%dma_wait3A_304 : memref<128x64xf32, #tpu.memory_space<vmem>>)
        %dma_wait3A_311 = arith.constant 2 : i32
        %dma_wait3A_312 = arith.constant 256 : i32
        %dma_wait3A_313 = arith.constant 0 : i32
        %dma_wait3A_314 = tpu.memref_slice %arg9[%dma_wait3A_312, %dma_wait3A_313] : memref<384x64xf32, #tpu.memory_space<vmem>> -> memref<128x64xf32, #tpu.memory_space<vmem>>
        %dma_wait3A_315 = arith.constant 0 : i32
        %dma_wait3A_316 = tpu.memref_slice %arg7[%dma_wait3A_311, %dma_wait3A_315] : memref<8x128xi32, #tpu.memory_space<vmem>> -> memref<1x128xi32, #tpu.memory_space<vmem>>
        %dma_wait3A_317 = tpu.memref_squeeze %dma_wait3A_316 : memref<1x128xi32, #tpu.memory_space<vmem>> -> memref<128xi32, #tpu.memory_space<vmem>>
        %dma_wait3A_318 = arith.constant 0 : i32
        %dma_wait3A_319 = arith.constant 0 : i32
        %dma_wait3A_320 = tpu.memref_slice %arg2[%dma_wait3A_318, %dma_wait3A_319] : memref<50000x64xf32, #tpu.memory_space<hbm>> -> memref<50000x64xf32, #tpu.memory_space<hbm>>
        tpu.wait_indirect_dma semaphore(%arg11 : memref<!tpu.dma_semaphore, #tpu.memory_space<semaphore_mem>>) src(%dma_wait3A_320 : memref<50000x64xf32, #tpu.memory_space<hbm>>) dst(%dma_wait3A_314 : memref<128x64xf32, #tpu.memory_space<vmem>>)
        %run_scoped3A = arith.constant 0 : i32
        "tpu.region"() ({
          %run_scoped3A_428 = tpu.sem_alloc : memref<!tpu.dma_semaphore, #tpu.memory_space<semaphore_mem>>
          %dma_start3A_429 = arith.constant 0 : i32
          %dma_start3A_430 = arith.constant 0 : i32
          %dma_start3A_431 = tpu.memref_slice %arg9[%dma_start3A_429, %dma_start3A_430] : memref<384x64xf32, #tpu.memory_space<vmem>> -> memref<128x64xf32, #tpu.memory_space<vmem>>
          %dma_start3A_432 = arith.constant 0 : i32
          %dma_start3A_433 = tpu.memref_slice %arg8[%run_scoped3A, %dma_start3A_432] : memref<8x128xi32, #tpu.memory_space<vmem>> -> memref<1x128xi32, #tpu.memory_space<vmem>>
          %dma_start3A_434 = tpu.memref_squeeze %dma_start3A_433 : memref<1x128xi32, #tpu.memory_space<vmem>> -> memref<128xi32, #tpu.memory_space<vmem>>
          %dma_start3A_435 = arith.constant 0 : i32
          %dma_start3A_436 = arith.constant 0 : i32
          %dma_start3A_437 = tpu.memref_slice %arg10[%dma_start3A_435, %dma_start3A_436] : memref<25008x64xf32, #tpu.memory_space<vmem_shared>> -> memref<25008x64xf32, #tpu.memory_space<vmem_shared>>
          tpu.enqueue_indirect_dma source(%dma_start3A_431 : memref<128x64xf32, #tpu.memory_space<vmem>>) target(%dma_start3A_437 : memref<25008x64xf32, #tpu.memory_space<vmem_shared>>) offsets(%dma_start3A_434 : memref<128xi32, #tpu.memory_space<vmem>>) semaphore(%run_scoped3A_428 : memref<!tpu.dma_semaphore, #tpu.memory_space<semaphore_mem>>) {add = true}
          %dma_wait3A_438 = arith.constant 0 : i32
          %dma_wait3A_439 = arith.constant 0 : i32
          %dma_wait3A_440 = tpu.memref_slice %arg9[%dma_wait3A_438, %dma_wait3A_439] : memref<384x64xf32, #tpu.memory_space<vmem>> -> memref<128x64xf32, #tpu.memory_space<vmem>>
          %dma_wait3A_441 = arith.constant 0 : i32
          %dma_wait3A_442 = tpu.memref_slice %arg8[%run_scoped3A, %dma_wait3A_441] : memref<8x128xi32, #tpu.memory_space<vmem>> -> memref<1x128xi32, #tpu.memory_space<vmem>>
          %dma_wait3A_443 = tpu.memref_squeeze %dma_wait3A_442 : memref<1x128xi32, #tpu.memory_space<vmem>> -> memref<128xi32, #tpu.memory_space<vmem>>
          %dma_wait3A_444 = arith.constant 0 : i32
          %dma_wait3A_445 = arith.constant 0 : i32
          %dma_wait3A_446 = tpu.memref_slice %arg10[%dma_wait3A_444, %dma_wait3A_445] : memref<25008x64xf32, #tpu.memory_space<vmem_shared>> -> memref<25008x64xf32, #tpu.memory_space<vmem_shared>>
          tpu.wait_indirect_dma semaphore(%run_scoped3A_428 : memref<!tpu.dma_semaphore, #tpu.memory_space<semaphore_mem>>) src(%dma_wait3A_440 : memref<128x64xf32, #tpu.memory_space<vmem>>) dst(%dma_wait3A_446 : memref<25008x64xf32, #tpu.memory_space<vmem_shared>>)
          tpu.yield
        }) : () -> ()
        %run_scoped3A_321 = arith.constant 1 : i32
        "tpu.region"() ({
          %run_scoped3A_428 = tpu.sem_alloc : memref<!tpu.dma_semaphore, #tpu.memory_space<semaphore_mem>>
          %dma_start3A_429 = arith.constant 128 : i32
          %dma_start3A_430 = arith.constant 0 : i32
          %dma_start3A_431 = tpu.memref_slice %arg9[%dma_start3A_429, %dma_start3A_430] : memref<384x64xf32, #tpu.memory_space<vmem>> -> memref<128x64xf32, #tpu.memory_space<vmem>>
          %dma_start3A_432 = arith.constant 0 : i32
          %dma_start3A_433 = tpu.memref_slice %arg8[%run_scoped3A_321, %dma_start3A_432] : memref<8x128xi32, #tpu.memory_space<vmem>> -> memref<1x128xi32, #tpu.memory_space<vmem>>
          %dma_start3A_434 = tpu.memref_squeeze %dma_start3A_433 : memref<1x128xi32, #tpu.memory_space<vmem>> -> memref<128xi32, #tpu.memory_space<vmem>>
          %dma_start3A_435 = arith.constant 0 : i32
          %dma_start3A_436 = arith.constant 0 : i32
          %dma_start3A_437 = tpu.memref_slice %arg10[%dma_start3A_435, %dma_start3A_436] : memref<25008x64xf32, #tpu.memory_space<vmem_shared>> -> memref<25008x64xf32, #tpu.memory_space<vmem_shared>>
          tpu.enqueue_indirect_dma source(%dma_start3A_431 : memref<128x64xf32, #tpu.memory_space<vmem>>) target(%dma_start3A_437 : memref<25008x64xf32, #tpu.memory_space<vmem_shared>>) offsets(%dma_start3A_434 : memref<128xi32, #tpu.memory_space<vmem>>) semaphore(%run_scoped3A_428 : memref<!tpu.dma_semaphore, #tpu.memory_space<semaphore_mem>>) {add = true}
          %dma_wait3A_438 = arith.constant 128 : i32
          %dma_wait3A_439 = arith.constant 0 : i32
          %dma_wait3A_440 = tpu.memref_slice %arg9[%dma_wait3A_438, %dma_wait3A_439] : memref<384x64xf32, #tpu.memory_space<vmem>> -> memref<128x64xf32, #tpu.memory_space<vmem>>
          %dma_wait3A_441 = arith.constant 0 : i32
          %dma_wait3A_442 = tpu.memref_slice %arg8[%run_scoped3A_321, %dma_wait3A_441] : memref<8x128xi32, #tpu.memory_space<vmem>> -> memref<1x128xi32, #tpu.memory_space<vmem>>
          %dma_wait3A_443 = tpu.memref_squeeze %dma_wait3A_442 : memref<1x128xi32, #tpu.memory_space<vmem>> -> memref<128xi32, #tpu.memory_space<vmem>>
          %dma_wait3A_444 = arith.constant 0 : i32
          %dma_wait3A_445 = arith.constant 0 : i32
          %dma_wait3A_446 = tpu.memref_slice %arg10[%dma_wait3A_444, %dma_wait3A_445] : memref<25008x64xf32, #tpu.memory_space<vmem_shared>> -> memref<25008x64xf32, #tpu.memory_space<vmem_shared>>
          tpu.wait_indirect_dma semaphore(%run_scoped3A_428 : memref<!tpu.dma_semaphore, #tpu.memory_space<semaphore_mem>>) src(%dma_wait3A_440 : memref<128x64xf32, #tpu.memory_space<vmem>>) dst(%dma_wait3A_446 : memref<25008x64xf32, #tpu.memory_space<vmem_shared>>)
          tpu.yield
        }) : () -> ()
        %run_scoped3A_322 = arith.constant 2 : i32
        "tpu.region"() ({
          %run_scoped3A_428 = tpu.sem_alloc : memref<!tpu.dma_semaphore, #tpu.memory_space<semaphore_mem>>
          %dma_start3A_429 = arith.constant 256 : i32
          %dma_start3A_430 = arith.constant 0 : i32
          %dma_start3A_431 = tpu.memref_slice %arg9[%dma_start3A_429, %dma_start3A_430] : memref<384x64xf32, #tpu.memory_space<vmem>> -> memref<128x64xf32, #tpu.memory_space<vmem>>
          %dma_start3A_432 = arith.constant 0 : i32
          %dma_start3A_433 = tpu.memref_slice %arg8[%run_scoped3A_322, %dma_start3A_432] : memref<8x128xi32, #tpu.memory_space<vmem>> -> memref<1x128xi32, #tpu.memory_space<vmem>>
          %dma_start3A_434 = tpu.memref_squeeze %dma_start3A_433 : memref<1x128xi32, #tpu.memory_space<vmem>> -> memref<128xi32, #tpu.memory_space<vmem>>
          %dma_start3A_435 = arith.constant 0 : i32
          %dma_start3A_436 = arith.constant 0 : i32
          %dma_start3A_437 = tpu.memref_slice %arg10[%dma_start3A_435, %dma_start3A_436] : memref<25008x64xf32, #tpu.memory_space<vmem_shared>> -> memref<25008x64xf32, #tpu.memory_space<vmem_shared>>
          tpu.enqueue_indirect_dma source(%dma_start3A_431 : memref<128x64xf32, #tpu.memory_space<vmem>>) target(%dma_start3A_437 : memref<25008x64xf32, #tpu.memory_space<vmem_shared>>) offsets(%dma_start3A_434 : memref<128xi32, #tpu.memory_space<vmem>>) semaphore(%run_scoped3A_428 : memref<!tpu.dma_semaphore, #tpu.memory_space<semaphore_mem>>) {add = true}
          %dma_wait3A_438 = arith.constant 256 : i32
          %dma_wait3A_439 = arith.constant 0 : i32
          %dma_wait3A_440 = tpu.memref_slice %arg9[%dma_wait3A_438, %dma_wait3A_439] : memref<384x64xf32, #tpu.memory_space<vmem>> -> memref<128x64xf32, #tpu.memory_space<vmem>>
          %dma_wait3A_441 = arith.constant 0 : i32
          %dma_wait3A_442 = tpu.memref_slice %arg8[%run_scoped3A_322, %dma_wait3A_441] : memref<8x128xi32, #tpu.memory_space<vmem>> -> memref<1x128xi32, #tpu.memory_space<vmem>>
          %dma_wait3A_443 = tpu.memref_squeeze %dma_wait3A_442 : memref<1x128xi32, #tpu.memory_space<vmem>> -> memref<128xi32, #tpu.memory_space<vmem>>
          %dma_wait3A_444 = arith.constant 0 : i32
          %dma_wait3A_445 = arith.constant 0 : i32
          %dma_wait3A_446 = tpu.memref_slice %arg10[%dma_wait3A_444, %dma_wait3A_445] : memref<25008x64xf32, #tpu.memory_space<vmem_shared>> -> memref<25008x64xf32, #tpu.memory_space<vmem_shared>>
          tpu.wait_indirect_dma semaphore(%run_scoped3A_428 : memref<!tpu.dma_semaphore, #tpu.memory_space<semaphore_mem>>) src(%dma_wait3A_440 : memref<128x64xf32, #tpu.memory_space<vmem>>) dst(%dma_wait3A_446 : memref<25008x64xf32, #tpu.memory_space<vmem_shared>>)
          tpu.yield
        }) : () -> ()
        %dma_start3A_323 = arith.constant 3 : i32
        %dma_start3A_324 = arith.constant 0 : i32
        %dma_start3A_325 = arith.constant 0 : i32
        %dma_start3A_326 = tpu.memref_slice %arg9[%dma_start3A_324, %dma_start3A_325] : memref<384x64xf32, #tpu.memory_space<vmem>> -> memref<128x64xf32, #tpu.memory_space<vmem>>
        %dma_start3A_327 = arith.constant 0 : i32
        %dma_start3A_328 = tpu.memref_slice %arg7[%dma_start3A_323, %dma_start3A_327] : memref<8x128xi32, #tpu.memory_space<vmem>> -> memref<1x128xi32, #tpu.memory_space<vmem>>
        %dma_start3A_329 = tpu.memref_squeeze %dma_start3A_328 : memref<1x128xi32, #tpu.memory_space<vmem>> -> memref<128xi32, #tpu.memory_space<vmem>>
        %dma_start3A_330 = arith.constant 0 : i32
        %dma_start3A_331 = arith.constant 0 : i32
        %dma_start3A_332 = tpu.memref_slice %arg2[%dma_start3A_330, %dma_start3A_331] : memref<50000x64xf32, #tpu.memory_space<hbm>> -> memref<50000x64xf32, #tpu.memory_space<hbm>>
        tpu.enqueue_indirect_dma source(%dma_start3A_332 : memref<50000x64xf32, #tpu.memory_space<hbm>>) target(%dma_start3A_326 : memref<128x64xf32, #tpu.memory_space<vmem>>) offsets(%dma_start3A_329 : memref<128xi32, #tpu.memory_space<vmem>>) semaphore(%arg11 : memref<!tpu.dma_semaphore, #tpu.memory_space<semaphore_mem>>)
        %dma_start3A_333 = arith.constant 4 : i32
        %dma_start3A_334 = arith.constant 128 : i32
        %dma_start3A_335 = arith.constant 0 : i32
        %dma_start3A_336 = tpu.memref_slice %arg9[%dma_start3A_334, %dma_start3A_335] : memref<384x64xf32, #tpu.memory_space<vmem>> -> memref<128x64xf32, #tpu.memory_space<vmem>>
        %dma_start3A_337 = arith.constant 0 : i32
        %dma_start3A_338 = tpu.memref_slice %arg7[%dma_start3A_333, %dma_start3A_337] : memref<8x128xi32, #tpu.memory_space<vmem>> -> memref<1x128xi32, #tpu.memory_space<vmem>>
        %dma_start3A_339 = tpu.memref_squeeze %dma_start3A_338 : memref<1x128xi32, #tpu.memory_space<vmem>> -> memref<128xi32, #tpu.memory_space<vmem>>
        %dma_start3A_340 = arith.constant 0 : i32
        %dma_start3A_341 = arith.constant 0 : i32
        %dma_start3A_342 = tpu.memref_slice %arg2[%dma_start3A_340, %dma_start3A_341] : memref<50000x64xf32, #tpu.memory_space<hbm>> -> memref<50000x64xf32, #tpu.memory_space<hbm>>
        tpu.enqueue_indirect_dma source(%dma_start3A_342 : memref<50000x64xf32, #tpu.memory_space<hbm>>) target(%dma_start3A_336 : memref<128x64xf32, #tpu.memory_space<vmem>>) offsets(%dma_start3A_339 : memref<128xi32, #tpu.memory_space<vmem>>) semaphore(%arg11 : memref<!tpu.dma_semaphore, #tpu.memory_space<semaphore_mem>>)
        %dma_start3A_343 = arith.constant 5 : i32
        %dma_start3A_344 = arith.constant 256 : i32
        %dma_start3A_345 = arith.constant 0 : i32
        %dma_start3A_346 = tpu.memref_slice %arg9[%dma_start3A_344, %dma_start3A_345] : memref<384x64xf32, #tpu.memory_space<vmem>> -> memref<128x64xf32, #tpu.memory_space<vmem>>
        %dma_start3A_347 = arith.constant 0 : i32
        %dma_start3A_348 = tpu.memref_slice %arg7[%dma_start3A_343, %dma_start3A_347] : memref<8x128xi32, #tpu.memory_space<vmem>> -> memref<1x128xi32, #tpu.memory_space<vmem>>
        %dma_start3A_349 = tpu.memref_squeeze %dma_start3A_348 : memref<1x128xi32, #tpu.memory_space<vmem>> -> memref<128xi32, #tpu.memory_space<vmem>>
        %dma_start3A_350 = arith.constant 0 : i32
        %dma_start3A_351 = arith.constant 0 : i32
        %dma_start3A_352 = tpu.memref_slice %arg2[%dma_start3A_350, %dma_start3A_351] : memref<50000x64xf32, #tpu.memory_space<hbm>> -> memref<50000x64xf32, #tpu.memory_space<hbm>>
        tpu.enqueue_indirect_dma source(%dma_start3A_352 : memref<50000x64xf32, #tpu.memory_space<hbm>>) target(%dma_start3A_346 : memref<128x64xf32, #tpu.memory_space<vmem>>) offsets(%dma_start3A_349 : memref<128xi32, #tpu.memory_space<vmem>>) semaphore(%arg11 : memref<!tpu.dma_semaphore, #tpu.memory_space<semaphore_mem>>)
        %dma_wait3A_353 = arith.constant 3 : i32
        %dma_wait3A_354 = arith.constant 0 : i32
        %dma_wait3A_355 = arith.constant 0 : i32
        %dma_wait3A_356 = tpu.memref_slice %arg9[%dma_wait3A_354, %dma_wait3A_355] : memref<384x64xf32, #tpu.memory_space<vmem>> -> memref<128x64xf32, #tpu.memory_space<vmem>>
        %dma_wait3A_357 = arith.constant 0 : i32
        %dma_wait3A_358 = tpu.memref_slice %arg7[%dma_wait3A_353, %dma_wait3A_357] : memref<8x128xi32, #tpu.memory_space<vmem>> -> memref<1x128xi32, #tpu.memory_space<vmem>>
        %dma_wait3A_359 = tpu.memref_squeeze %dma_wait3A_358 : memref<1x128xi32, #tpu.memory_space<vmem>> -> memref<128xi32, #tpu.memory_space<vmem>>
        %dma_wait3A_360 = arith.constant 0 : i32
        %dma_wait3A_361 = arith.constant 0 : i32
        %dma_wait3A_362 = tpu.memref_slice %arg2[%dma_wait3A_360, %dma_wait3A_361] : memref<50000x64xf32, #tpu.memory_space<hbm>> -> memref<50000x64xf32, #tpu.memory_space<hbm>>
        tpu.wait_indirect_dma semaphore(%arg11 : memref<!tpu.dma_semaphore, #tpu.memory_space<semaphore_mem>>) src(%dma_wait3A_362 : memref<50000x64xf32, #tpu.memory_space<hbm>>) dst(%dma_wait3A_356 : memref<128x64xf32, #tpu.memory_space<vmem>>)
        %dma_wait3A_363 = arith.constant 4 : i32
        %dma_wait3A_364 = arith.constant 128 : i32
        %dma_wait3A_365 = arith.constant 0 : i32
        %dma_wait3A_366 = tpu.memref_slice %arg9[%dma_wait3A_364, %dma_wait3A_365] : memref<384x64xf32, #tpu.memory_space<vmem>> -> memref<128x64xf32, #tpu.memory_space<vmem>>
        %dma_wait3A_367 = arith.constant 0 : i32
        %dma_wait3A_368 = tpu.memref_slice %arg7[%dma_wait3A_363, %dma_wait3A_367] : memref<8x128xi32, #tpu.memory_space<vmem>> -> memref<1x128xi32, #tpu.memory_space<vmem>>
        %dma_wait3A_369 = tpu.memref_squeeze %dma_wait3A_368 : memref<1x128xi32, #tpu.memory_space<vmem>> -> memref<128xi32, #tpu.memory_space<vmem>>
        %dma_wait3A_370 = arith.constant 0 : i32
        %dma_wait3A_371 = arith.constant 0 : i32
        %dma_wait3A_372 = tpu.memref_slice %arg2[%dma_wait3A_370, %dma_wait3A_371] : memref<50000x64xf32, #tpu.memory_space<hbm>> -> memref<50000x64xf32, #tpu.memory_space<hbm>>
        tpu.wait_indirect_dma semaphore(%arg11 : memref<!tpu.dma_semaphore, #tpu.memory_space<semaphore_mem>>) src(%dma_wait3A_372 : memref<50000x64xf32, #tpu.memory_space<hbm>>) dst(%dma_wait3A_366 : memref<128x64xf32, #tpu.memory_space<vmem>>)
        %dma_wait3A_373 = arith.constant 5 : i32
        %dma_wait3A_374 = arith.constant 256 : i32
        %dma_wait3A_375 = arith.constant 0 : i32
        %dma_wait3A_376 = tpu.memref_slice %arg9[%dma_wait3A_374, %dma_wait3A_375] : memref<384x64xf32, #tpu.memory_space<vmem>> -> memref<128x64xf32, #tpu.memory_space<vmem>>
        %dma_wait3A_377 = arith.constant 0 : i32
        %dma_wait3A_378 = tpu.memref_slice %arg7[%dma_wait3A_373, %dma_wait3A_377] : memref<8x128xi32, #tpu.memory_space<vmem>> -> memref<1x128xi32, #tpu.memory_space<vmem>>
        %dma_wait3A_379 = tpu.memref_squeeze %dma_wait3A_378 : memref<1x128xi32, #tpu.memory_space<vmem>> -> memref<128xi32, #tpu.memory_space<vmem>>
        %dma_wait3A_380 = arith.constant 0 : i32
        %dma_wait3A_381 = arith.constant 0 : i32
        %dma_wait3A_382 = tpu.memref_slice %arg2[%dma_wait3A_380, %dma_wait3A_381] : memref<50000x64xf32, #tpu.memory_space<hbm>> -> memref<50000x64xf32, #tpu.memory_space<hbm>>
        tpu.wait_indirect_dma semaphore(%arg11 : memref<!tpu.dma_semaphore, #tpu.memory_space<semaphore_mem>>) src(%dma_wait3A_382 : memref<50000x64xf32, #tpu.memory_space<hbm>>) dst(%dma_wait3A_376 : memref<128x64xf32, #tpu.memory_space<vmem>>)
        %run_scoped3A_383 = arith.constant 3 : i32
        "tpu.region"() ({
          %run_scoped3A_428 = tpu.sem_alloc : memref<!tpu.dma_semaphore, #tpu.memory_space<semaphore_mem>>
          %dma_start3A_429 = arith.constant 0 : i32
          %dma_start3A_430 = arith.constant 0 : i32
          %dma_start3A_431 = tpu.memref_slice %arg9[%dma_start3A_429, %dma_start3A_430] : memref<384x64xf32, #tpu.memory_space<vmem>> -> memref<128x64xf32, #tpu.memory_space<vmem>>
          %dma_start3A_432 = arith.constant 0 : i32
          %dma_start3A_433 = tpu.memref_slice %arg8[%run_scoped3A_383, %dma_start3A_432] : memref<8x128xi32, #tpu.memory_space<vmem>> -> memref<1x128xi32, #tpu.memory_space<vmem>>
          %dma_start3A_434 = tpu.memref_squeeze %dma_start3A_433 : memref<1x128xi32, #tpu.memory_space<vmem>> -> memref<128xi32, #tpu.memory_space<vmem>>
          %dma_start3A_435 = arith.constant 0 : i32
          %dma_start3A_436 = arith.constant 0 : i32
          %dma_start3A_437 = tpu.memref_slice %arg10[%dma_start3A_435, %dma_start3A_436] : memref<25008x64xf32, #tpu.memory_space<vmem_shared>> -> memref<25008x64xf32, #tpu.memory_space<vmem_shared>>
          tpu.enqueue_indirect_dma source(%dma_start3A_431 : memref<128x64xf32, #tpu.memory_space<vmem>>) target(%dma_start3A_437 : memref<25008x64xf32, #tpu.memory_space<vmem_shared>>) offsets(%dma_start3A_434 : memref<128xi32, #tpu.memory_space<vmem>>) semaphore(%run_scoped3A_428 : memref<!tpu.dma_semaphore, #tpu.memory_space<semaphore_mem>>) {add = true}
          %dma_wait3A_438 = arith.constant 0 : i32
          %dma_wait3A_439 = arith.constant 0 : i32
          %dma_wait3A_440 = tpu.memref_slice %arg9[%dma_wait3A_438, %dma_wait3A_439] : memref<384x64xf32, #tpu.memory_space<vmem>> -> memref<128x64xf32, #tpu.memory_space<vmem>>
          %dma_wait3A_441 = arith.constant 0 : i32
          %dma_wait3A_442 = tpu.memref_slice %arg8[%run_scoped3A_383, %dma_wait3A_441] : memref<8x128xi32, #tpu.memory_space<vmem>> -> memref<1x128xi32, #tpu.memory_space<vmem>>
          %dma_wait3A_443 = tpu.memref_squeeze %dma_wait3A_442 : memref<1x128xi32, #tpu.memory_space<vmem>> -> memref<128xi32, #tpu.memory_space<vmem>>
          %dma_wait3A_444 = arith.constant 0 : i32
          %dma_wait3A_445 = arith.constant 0 : i32
          %dma_wait3A_446 = tpu.memref_slice %arg10[%dma_wait3A_444, %dma_wait3A_445] : memref<25008x64xf32, #tpu.memory_space<vmem_shared>> -> memref<25008x64xf32, #tpu.memory_space<vmem_shared>>
          tpu.wait_indirect_dma semaphore(%run_scoped3A_428 : memref<!tpu.dma_semaphore, #tpu.memory_space<semaphore_mem>>) src(%dma_wait3A_440 : memref<128x64xf32, #tpu.memory_space<vmem>>) dst(%dma_wait3A_446 : memref<25008x64xf32, #tpu.memory_space<vmem_shared>>)
          tpu.yield
        }) : () -> ()
        %run_scoped3A_384 = arith.constant 4 : i32
        "tpu.region"() ({
          %run_scoped3A_428 = tpu.sem_alloc : memref<!tpu.dma_semaphore, #tpu.memory_space<semaphore_mem>>
          %dma_start3A_429 = arith.constant 128 : i32
          %dma_start3A_430 = arith.constant 0 : i32
          %dma_start3A_431 = tpu.memref_slice %arg9[%dma_start3A_429, %dma_start3A_430] : memref<384x64xf32, #tpu.memory_space<vmem>> -> memref<128x64xf32, #tpu.memory_space<vmem>>
          %dma_start3A_432 = arith.constant 0 : i32
          %dma_start3A_433 = tpu.memref_slice %arg8[%run_scoped3A_384, %dma_start3A_432] : memref<8x128xi32, #tpu.memory_space<vmem>> -> memref<1x128xi32, #tpu.memory_space<vmem>>
          %dma_start3A_434 = tpu.memref_squeeze %dma_start3A_433 : memref<1x128xi32, #tpu.memory_space<vmem>> -> memref<128xi32, #tpu.memory_space<vmem>>
          %dma_start3A_435 = arith.constant 0 : i32
          %dma_start3A_436 = arith.constant 0 : i32
          %dma_start3A_437 = tpu.memref_slice %arg10[%dma_start3A_435, %dma_start3A_436] : memref<25008x64xf32, #tpu.memory_space<vmem_shared>> -> memref<25008x64xf32, #tpu.memory_space<vmem_shared>>
          tpu.enqueue_indirect_dma source(%dma_start3A_431 : memref<128x64xf32, #tpu.memory_space<vmem>>) target(%dma_start3A_437 : memref<25008x64xf32, #tpu.memory_space<vmem_shared>>) offsets(%dma_start3A_434 : memref<128xi32, #tpu.memory_space<vmem>>) semaphore(%run_scoped3A_428 : memref<!tpu.dma_semaphore, #tpu.memory_space<semaphore_mem>>) {add = true}
          %dma_wait3A_438 = arith.constant 128 : i32
          %dma_wait3A_439 = arith.constant 0 : i32
          %dma_wait3A_440 = tpu.memref_slice %arg9[%dma_wait3A_438, %dma_wait3A_439] : memref<384x64xf32, #tpu.memory_space<vmem>> -> memref<128x64xf32, #tpu.memory_space<vmem>>
          %dma_wait3A_441 = arith.constant 0 : i32
          %dma_wait3A_442 = tpu.memref_slice %arg8[%run_scoped3A_384, %dma_wait3A_441] : memref<8x128xi32, #tpu.memory_space<vmem>> -> memref<1x128xi32, #tpu.memory_space<vmem>>
          %dma_wait3A_443 = tpu.memref_squeeze %dma_wait3A_442 : memref<1x128xi32, #tpu.memory_space<vmem>> -> memref<128xi32, #tpu.memory_space<vmem>>
          %dma_wait3A_444 = arith.constant 0 : i32
          %dma_wait3A_445 = arith.constant 0 : i32
          %dma_wait3A_446 = tpu.memref_slice %arg10[%dma_wait3A_444, %dma_wait3A_445] : memref<25008x64xf32, #tpu.memory_space<vmem_shared>> -> memref<25008x64xf32, #tpu.memory_space<vmem_shared>>
          tpu.wait_indirect_dma semaphore(%run_scoped3A_428 : memref<!tpu.dma_semaphore, #tpu.memory_space<semaphore_mem>>) src(%dma_wait3A_440 : memref<128x64xf32, #tpu.memory_space<vmem>>) dst(%dma_wait3A_446 : memref<25008x64xf32, #tpu.memory_space<vmem_shared>>)
          tpu.yield
        }) : () -> ()
        %run_scoped3A_385 = arith.constant 5 : i32
        "tpu.region"() ({
          %run_scoped3A_428 = tpu.sem_alloc : memref<!tpu.dma_semaphore, #tpu.memory_space<semaphore_mem>>
          %dma_start3A_429 = arith.constant 256 : i32
          %dma_start3A_430 = arith.constant 0 : i32
          %dma_start3A_431 = tpu.memref_slice %arg9[%dma_start3A_429, %dma_start3A_430] : memref<384x64xf32, #tpu.memory_space<vmem>> -> memref<128x64xf32, #tpu.memory_space<vmem>>
          %dma_start3A_432 = arith.constant 0 : i32
          %dma_start3A_433 = tpu.memref_slice %arg8[%run_scoped3A_385, %dma_start3A_432] : memref<8x128xi32, #tpu.memory_space<vmem>> -> memref<1x128xi32, #tpu.memory_space<vmem>>
          %dma_start3A_434 = tpu.memref_squeeze %dma_start3A_433 : memref<1x128xi32, #tpu.memory_space<vmem>> -> memref<128xi32, #tpu.memory_space<vmem>>
          %dma_start3A_435 = arith.constant 0 : i32
          %dma_start3A_436 = arith.constant 0 : i32
          %dma_start3A_437 = tpu.memref_slice %arg10[%dma_start3A_435, %dma_start3A_436] : memref<25008x64xf32, #tpu.memory_space<vmem_shared>> -> memref<25008x64xf32, #tpu.memory_space<vmem_shared>>
          tpu.enqueue_indirect_dma source(%dma_start3A_431 : memref<128x64xf32, #tpu.memory_space<vmem>>) target(%dma_start3A_437 : memref<25008x64xf32, #tpu.memory_space<vmem_shared>>) offsets(%dma_start3A_434 : memref<128xi32, #tpu.memory_space<vmem>>) semaphore(%run_scoped3A_428 : memref<!tpu.dma_semaphore, #tpu.memory_space<semaphore_mem>>) {add = true}
          %dma_wait3A_438 = arith.constant 256 : i32
          %dma_wait3A_439 = arith.constant 0 : i32
          %dma_wait3A_440 = tpu.memref_slice %arg9[%dma_wait3A_438, %dma_wait3A_439] : memref<384x64xf32, #tpu.memory_space<vmem>> -> memref<128x64xf32, #tpu.memory_space<vmem>>
          %dma_wait3A_441 = arith.constant 0 : i32
          %dma_wait3A_442 = tpu.memref_slice %arg8[%run_scoped3A_385, %dma_wait3A_441] : memref<8x128xi32, #tpu.memory_space<vmem>> -> memref<1x128xi32, #tpu.memory_space<vmem>>
          %dma_wait3A_443 = tpu.memref_squeeze %dma_wait3A_442 : memref<1x128xi32, #tpu.memory_space<vmem>> -> memref<128xi32, #tpu.memory_space<vmem>>
          %dma_wait3A_444 = arith.constant 0 : i32
          %dma_wait3A_445 = arith.constant 0 : i32
          %dma_wait3A_446 = tpu.memref_slice %arg10[%dma_wait3A_444, %dma_wait3A_445] : memref<25008x64xf32, #tpu.memory_space<vmem_shared>> -> memref<25008x64xf32, #tpu.memory_space<vmem_shared>>
          tpu.wait_indirect_dma semaphore(%run_scoped3A_428 : memref<!tpu.dma_semaphore, #tpu.memory_space<semaphore_mem>>) src(%dma_wait3A_440 : memref<128x64xf32, #tpu.memory_space<vmem>>) dst(%dma_wait3A_446 : memref<25008x64xf32, #tpu.memory_space<vmem_shared>>)
          tpu.yield
        }) : () -> ()
        %dma_start3A_386 = arith.constant 6 : i32
        %dma_start3A_387 = arith.constant 0 : i32
        %dma_start3A_388 = arith.constant 0 : i32
        %dma_start3A_389 = tpu.memref_slice %arg9[%dma_start3A_387, %dma_start3A_388] : memref<384x64xf32, #tpu.memory_space<vmem>> -> memref<128x64xf32, #tpu.memory_space<vmem>>
        %dma_start3A_390 = arith.constant 0 : i32
        %dma_start3A_391 = tpu.memref_slice %arg7[%dma_start3A_386, %dma_start3A_390] : memref<8x128xi32, #tpu.memory_space<vmem>> -> memref<1x128xi32, #tpu.memory_space<vmem>>
        %dma_start3A_392 = tpu.memref_squeeze %dma_start3A_391 : memref<1x128xi32, #tpu.memory_space<vmem>> -> memref<128xi32, #tpu.memory_space<vmem>>
        %dma_start3A_393 = arith.constant 0 : i32
        %dma_start3A_394 = arith.constant 0 : i32
        %dma_start3A_395 = tpu.memref_slice %arg2[%dma_start3A_393, %dma_start3A_394] : memref<50000x64xf32, #tpu.memory_space<hbm>> -> memref<50000x64xf32, #tpu.memory_space<hbm>>
        tpu.enqueue_indirect_dma source(%dma_start3A_395 : memref<50000x64xf32, #tpu.memory_space<hbm>>) target(%dma_start3A_389 : memref<128x64xf32, #tpu.memory_space<vmem>>) offsets(%dma_start3A_392 : memref<128xi32, #tpu.memory_space<vmem>>) semaphore(%arg11 : memref<!tpu.dma_semaphore, #tpu.memory_space<semaphore_mem>>)
        %dma_start3A_396 = arith.constant 7 : i32
        %dma_start3A_397 = arith.constant 128 : i32
        %dma_start3A_398 = arith.constant 0 : i32
        %dma_start3A_399 = tpu.memref_slice %arg9[%dma_start3A_397, %dma_start3A_398] : memref<384x64xf32, #tpu.memory_space<vmem>> -> memref<128x64xf32, #tpu.memory_space<vmem>>
        %dma_start3A_400 = arith.constant 0 : i32
        %dma_start3A_401 = tpu.memref_slice %arg7[%dma_start3A_396, %dma_start3A_400] : memref<8x128xi32, #tpu.memory_space<vmem>> -> memref<1x128xi32, #tpu.memory_space<vmem>>
        %dma_start3A_402 = tpu.memref_squeeze %dma_start3A_401 : memref<1x128xi32, #tpu.memory_space<vmem>> -> memref<128xi32, #tpu.memory_space<vmem>>
        %dma_start3A_403 = arith.constant 0 : i32
        %dma_start3A_404 = arith.constant 0 : i32
        %dma_start3A_405 = tpu.memref_slice %arg2[%dma_start3A_403, %dma_start3A_404] : memref<50000x64xf32, #tpu.memory_space<hbm>> -> memref<50000x64xf32, #tpu.memory_space<hbm>>
        tpu.enqueue_indirect_dma source(%dma_start3A_405 : memref<50000x64xf32, #tpu.memory_space<hbm>>) target(%dma_start3A_399 : memref<128x64xf32, #tpu.memory_space<vmem>>) offsets(%dma_start3A_402 : memref<128xi32, #tpu.memory_space<vmem>>) semaphore(%arg11 : memref<!tpu.dma_semaphore, #tpu.memory_space<semaphore_mem>>)
        %dma_wait3A_406 = arith.constant 6 : i32
        %dma_wait3A_407 = arith.constant 0 : i32
        %dma_wait3A_408 = arith.constant 0 : i32
        %dma_wait3A_409 = tpu.memref_slice %arg9[%dma_wait3A_407, %dma_wait3A_408] : memref<384x64xf32, #tpu.memory_space<vmem>> -> memref<128x64xf32, #tpu.memory_space<vmem>>
        %dma_wait3A_410 = arith.constant 0 : i32
        %dma_wait3A_411 = tpu.memref_slice %arg7[%dma_wait3A_406, %dma_wait3A_410] : memref<8x128xi32, #tpu.memory_space<vmem>> -> memref<1x128xi32, #tpu.memory_space<vmem>>
        %dma_wait3A_412 = tpu.memref_squeeze %dma_wait3A_411 : memref<1x128xi32, #tpu.memory_space<vmem>> -> memref<128xi32, #tpu.memory_space<vmem>>
        %dma_wait3A_413 = arith.constant 0 : i32
        %dma_wait3A_414 = arith.constant 0 : i32
        %dma_wait3A_415 = tpu.memref_slice %arg2[%dma_wait3A_413, %dma_wait3A_414] : memref<50000x64xf32, #tpu.memory_space<hbm>> -> memref<50000x64xf32, #tpu.memory_space<hbm>>
        tpu.wait_indirect_dma semaphore(%arg11 : memref<!tpu.dma_semaphore, #tpu.memory_space<semaphore_mem>>) src(%dma_wait3A_415 : memref<50000x64xf32, #tpu.memory_space<hbm>>) dst(%dma_wait3A_409 : memref<128x64xf32, #tpu.memory_space<vmem>>)
        %dma_wait3A_416 = arith.constant 7 : i32
        %dma_wait3A_417 = arith.constant 128 : i32
        %dma_wait3A_418 = arith.constant 0 : i32
        %dma_wait3A_419 = tpu.memref_slice %arg9[%dma_wait3A_417, %dma_wait3A_418] : memref<384x64xf32, #tpu.memory_space<vmem>> -> memref<128x64xf32, #tpu.memory_space<vmem>>
        %dma_wait3A_420 = arith.constant 0 : i32
        %dma_wait3A_421 = tpu.memref_slice %arg7[%dma_wait3A_416, %dma_wait3A_420] : memref<8x128xi32, #tpu.memory_space<vmem>> -> memref<1x128xi32, #tpu.memory_space<vmem>>
        %dma_wait3A_422 = tpu.memref_squeeze %dma_wait3A_421 : memref<1x128xi32, #tpu.memory_space<vmem>> -> memref<128xi32, #tpu.memory_space<vmem>>
        %dma_wait3A_423 = arith.constant 0 : i32
        %dma_wait3A_424 = arith.constant 0 : i32
        %dma_wait3A_425 = tpu.memref_slice %arg2[%dma_wait3A_423, %dma_wait3A_424] : memref<50000x64xf32, #tpu.memory_space<hbm>> -> memref<50000x64xf32, #tpu.memory_space<hbm>>
        tpu.wait_indirect_dma semaphore(%arg11 : memref<!tpu.dma_semaphore, #tpu.memory_space<semaphore_mem>>) src(%dma_wait3A_425 : memref<50000x64xf32, #tpu.memory_space<hbm>>) dst(%dma_wait3A_419 : memref<128x64xf32, #tpu.memory_space<vmem>>)
        %run_scoped3A_426 = arith.constant 6 : i32
        "tpu.region"() ({
          %run_scoped3A_428 = tpu.sem_alloc : memref<!tpu.dma_semaphore, #tpu.memory_space<semaphore_mem>>
          %dma_start3A_429 = arith.constant 0 : i32
          %dma_start3A_430 = arith.constant 0 : i32
          %dma_start3A_431 = tpu.memref_slice %arg9[%dma_start3A_429, %dma_start3A_430] : memref<384x64xf32, #tpu.memory_space<vmem>> -> memref<128x64xf32, #tpu.memory_space<vmem>>
          %dma_start3A_432 = arith.constant 0 : i32
          %dma_start3A_433 = tpu.memref_slice %arg8[%run_scoped3A_426, %dma_start3A_432] : memref<8x128xi32, #tpu.memory_space<vmem>> -> memref<1x128xi32, #tpu.memory_space<vmem>>
          %dma_start3A_434 = tpu.memref_squeeze %dma_start3A_433 : memref<1x128xi32, #tpu.memory_space<vmem>> -> memref<128xi32, #tpu.memory_space<vmem>>
          %dma_start3A_435 = arith.constant 0 : i32
          %dma_start3A_436 = arith.constant 0 : i32
          %dma_start3A_437 = tpu.memref_slice %arg10[%dma_start3A_435, %dma_start3A_436] : memref<25008x64xf32, #tpu.memory_space<vmem_shared>> -> memref<25008x64xf32, #tpu.memory_space<vmem_shared>>
          tpu.enqueue_indirect_dma source(%dma_start3A_431 : memref<128x64xf32, #tpu.memory_space<vmem>>) target(%dma_start3A_437 : memref<25008x64xf32, #tpu.memory_space<vmem_shared>>) offsets(%dma_start3A_434 : memref<128xi32, #tpu.memory_space<vmem>>) semaphore(%run_scoped3A_428 : memref<!tpu.dma_semaphore, #tpu.memory_space<semaphore_mem>>) {add = true}
          %dma_wait3A_438 = arith.constant 0 : i32
          %dma_wait3A_439 = arith.constant 0 : i32
          %dma_wait3A_440 = tpu.memref_slice %arg9[%dma_wait3A_438, %dma_wait3A_439] : memref<384x64xf32, #tpu.memory_space<vmem>> -> memref<128x64xf32, #tpu.memory_space<vmem>>
          %dma_wait3A_441 = arith.constant 0 : i32
          %dma_wait3A_442 = tpu.memref_slice %arg8[%run_scoped3A_426, %dma_wait3A_441] : memref<8x128xi32, #tpu.memory_space<vmem>> -> memref<1x128xi32, #tpu.memory_space<vmem>>
          %dma_wait3A_443 = tpu.memref_squeeze %dma_wait3A_442 : memref<1x128xi32, #tpu.memory_space<vmem>> -> memref<128xi32, #tpu.memory_space<vmem>>
          %dma_wait3A_444 = arith.constant 0 : i32
          %dma_wait3A_445 = arith.constant 0 : i32
          %dma_wait3A_446 = tpu.memref_slice %arg10[%dma_wait3A_444, %dma_wait3A_445] : memref<25008x64xf32, #tpu.memory_space<vmem_shared>> -> memref<25008x64xf32, #tpu.memory_space<vmem_shared>>
          tpu.wait_indirect_dma semaphore(%run_scoped3A_428 : memref<!tpu.dma_semaphore, #tpu.memory_space<semaphore_mem>>) src(%dma_wait3A_440 : memref<128x64xf32, #tpu.memory_space<vmem>>) dst(%dma_wait3A_446 : memref<25008x64xf32, #tpu.memory_space<vmem_shared>>)
          tpu.yield
        }) : () -> ()
        %run_scoped3A_427 = arith.constant 7 : i32
        "tpu.region"() ({
          %run_scoped3A_428 = tpu.sem_alloc : memref<!tpu.dma_semaphore, #tpu.memory_space<semaphore_mem>>
          %dma_start3A_429 = arith.constant 128 : i32
          %dma_start3A_430 = arith.constant 0 : i32
          %dma_start3A_431 = tpu.memref_slice %arg9[%dma_start3A_429, %dma_start3A_430] : memref<384x64xf32, #tpu.memory_space<vmem>> -> memref<128x64xf32, #tpu.memory_space<vmem>>
          %dma_start3A_432 = arith.constant 0 : i32
          %dma_start3A_433 = tpu.memref_slice %arg8[%run_scoped3A_427, %dma_start3A_432] : memref<8x128xi32, #tpu.memory_space<vmem>> -> memref<1x128xi32, #tpu.memory_space<vmem>>
          %dma_start3A_434 = tpu.memref_squeeze %dma_start3A_433 : memref<1x128xi32, #tpu.memory_space<vmem>> -> memref<128xi32, #tpu.memory_space<vmem>>
          %dma_start3A_435 = arith.constant 0 : i32
          %dma_start3A_436 = arith.constant 0 : i32
          %dma_start3A_437 = tpu.memref_slice %arg10[%dma_start3A_435, %dma_start3A_436] : memref<25008x64xf32, #tpu.memory_space<vmem_shared>> -> memref<25008x64xf32, #tpu.memory_space<vmem_shared>>
          tpu.enqueue_indirect_dma source(%dma_start3A_431 : memref<128x64xf32, #tpu.memory_space<vmem>>) target(%dma_start3A_437 : memref<25008x64xf32, #tpu.memory_space<vmem_shared>>) offsets(%dma_start3A_434 : memref<128xi32, #tpu.memory_space<vmem>>) semaphore(%run_scoped3A_428 : memref<!tpu.dma_semaphore, #tpu.memory_space<semaphore_mem>>) {add = true}
          %dma_wait3A_438 = arith.constant 128 : i32
          %dma_wait3A_439 = arith.constant 0 : i32
          %dma_wait3A_440 = tpu.memref_slice %arg9[%dma_wait3A_438, %dma_wait3A_439] : memref<384x64xf32, #tpu.memory_space<vmem>> -> memref<128x64xf32, #tpu.memory_space<vmem>>
          %dma_wait3A_441 = arith.constant 0 : i32
          %dma_wait3A_442 = tpu.memref_slice %arg8[%run_scoped3A_427, %dma_wait3A_441] : memref<8x128xi32, #tpu.memory_space<vmem>> -> memref<1x128xi32, #tpu.memory_space<vmem>>
          %dma_wait3A_443 = tpu.memref_squeeze %dma_wait3A_442 : memref<1x128xi32, #tpu.memory_space<vmem>> -> memref<128xi32, #tpu.memory_space<vmem>>
          %dma_wait3A_444 = arith.constant 0 : i32
          %dma_wait3A_445 = arith.constant 0 : i32
          %dma_wait3A_446 = tpu.memref_slice %arg10[%dma_wait3A_444, %dma_wait3A_445] : memref<25008x64xf32, #tpu.memory_space<vmem_shared>> -> memref<25008x64xf32, #tpu.memory_space<vmem_shared>>
          tpu.wait_indirect_dma semaphore(%run_scoped3A_428 : memref<!tpu.dma_semaphore, #tpu.memory_space<semaphore_mem>>) src(%dma_wait3A_440 : memref<128x64xf32, #tpu.memory_space<vmem>>) dst(%dma_wait3A_446 : memref<25008x64xf32, #tpu.memory_space<vmem_shared>>)
          tpu.yield
        }) : () -> ()
      } else {
      }
    }
    %scan3A_126 = arith.constant 25 : i32
    %barrier3A_127 = arith.constant 0 : index
    tpu.barrier barrier_id(%barrier3A_127)
    %eq3A_128 = arith.constant 0 : i32
    %eq3A_129 = arith.cmpi eq, %arg1, %eq3A_128 : i32
    %convert_element_type3A_130 = arith.extui %eq3A_129 : i1 to i32
    %cond3A_131 = arith.constant 0 : i32
    %cond3A_132 = arith.cmpi ne, %convert_element_type3A_130, %cond3A_131 : i32
    scf.if %cond3A_132 {
      "tpu.region"() ({
        %run_scoped3A = tpu.sem_alloc : memref<!tpu.dma_semaphore, #tpu.memory_space<semaphore_mem>>
        %dma_start3A = arith.constant 0 : i32
        %dma_start3A_253 = arith.constant 0 : i32
        %dma_start3A_254 = tpu.memref_slice %arg6[%arg0, %dma_start3A, %dma_start3A_253] : memref<2x25000x64xf32, #tpu.memory_space<hbm>> -> memref<1x1000x64xf32, #tpu.memory_space<hbm>>
        %dma_start3A_255 = tpu.memref_squeeze %dma_start3A_254 : memref<1x1000x64xf32, #tpu.memory_space<hbm>> -> memref<1000x64xf32, #tpu.memory_space<hbm>>
        %dma_start3A_256 = arith.constant 0 : i32
        %dma_start3A_257 = arith.constant 0 : i32
        %dma_start3A_258 = tpu.memref_slice %arg10[%dma_start3A_256, %dma_start3A_257] : memref<25008x64xf32, #tpu.memory_space<vmem_shared>> -> memref<1000x64xf32, #tpu.memory_space<vmem_shared>>
        tpu.enqueue_dma source(%dma_start3A_258 : memref<1000x64xf32, #tpu.memory_space<vmem_shared>>) target(%dma_start3A_255 : memref<1000x64xf32, #tpu.memory_space<hbm>>) target_semaphore(%run_scoped3A : memref<!tpu.dma_semaphore, #tpu.memory_space<semaphore_mem>>)
        %dma_wait3A = arith.constant 0 : i32
        %dma_wait3A_259 = arith.constant 0 : i32
        %dma_wait3A_260 = tpu.memref_slice %arg6[%arg0, %dma_wait3A, %dma_wait3A_259] : memref<2x25000x64xf32, #tpu.memory_space<hbm>> -> memref<1x1000x64xf32, #tpu.memory_space<hbm>>
        %dma_wait3A_261 = tpu.memref_squeeze %dma_wait3A_260 : memref<1x1000x64xf32, #tpu.memory_space<hbm>> -> memref<1000x64xf32, #tpu.memory_space<hbm>>
        %dma_wait3A_262 = arith.constant 0 : i32
        %dma_wait3A_263 = arith.constant 0 : i32
        %dma_wait3A_264 = tpu.memref_slice %arg10[%dma_wait3A_262, %dma_wait3A_263] : memref<25008x64xf32, #tpu.memory_space<vmem_shared>> -> memref<1000x64xf32, #tpu.memory_space<vmem_shared>>
        tpu.wait_dma2 semaphore(%run_scoped3A : memref<!tpu.dma_semaphore, #tpu.memory_space<semaphore_mem>>) src(%dma_wait3A_264 : memref<1000x64xf32, #tpu.memory_space<vmem_shared>>) dst(%dma_wait3A_261 : memref<1000x64xf32, #tpu.memory_space<hbm>>)
        tpu.yield
      }) : () -> ()
    } else {
    }
    %eq3A_133 = arith.constant 1 : i32
    %eq3A_134 = arith.cmpi eq, %arg1, %eq3A_133 : i32
    %convert_element_type3A_135 = arith.extui %eq3A_134 : i1 to i32
    %cond3A_136 = arith.constant 0 : i32
    %cond3A_137 = arith.cmpi ne, %convert_element_type3A_135, %cond3A_136 : i32
    scf.if %cond3A_137 {
      "tpu.region"() ({
        %run_scoped3A = tpu.sem_alloc : memref<!tpu.dma_semaphore, #tpu.memory_space<semaphore_mem>>
        %dma_start3A = arith.constant 1000 : i32
        %dma_start3A_253 = arith.constant 0 : i32
        %dma_start3A_254 = tpu.memref_slice %arg6[%arg0, %dma_start3A, %dma_start3A_253] : memref<2x25000x64xf32, #tpu.memory_space<hbm>> -> memref<1x1000x64xf32, #tpu.memory_space<hbm>>
        %dma_start3A_255 = tpu.memref_squeeze %dma_start3A_254 : memref<1x1000x64xf32, #tpu.memory_space<hbm>> -> memref<1000x64xf32, #tpu.memory_space<hbm>>
        %dma_start3A_256 = arith.constant 1000 : i32
        %dma_start3A_257 = arith.constant 0 : i32
        %dma_start3A_258 = tpu.memref_slice %arg10[%dma_start3A_256, %dma_start3A_257] : memref<25008x64xf32, #tpu.memory_space<vmem_shared>> -> memref<1000x64xf32, #tpu.memory_space<vmem_shared>>
        tpu.enqueue_dma source(%dma_start3A_258 : memref<1000x64xf32, #tpu.memory_space<vmem_shared>>) target(%dma_start3A_255 : memref<1000x64xf32, #tpu.memory_space<hbm>>) target_semaphore(%run_scoped3A : memref<!tpu.dma_semaphore, #tpu.memory_space<semaphore_mem>>)
        %dma_wait3A = arith.constant 1000 : i32
        %dma_wait3A_259 = arith.constant 0 : i32
        %dma_wait3A_260 = tpu.memref_slice %arg6[%arg0, %dma_wait3A, %dma_wait3A_259] : memref<2x25000x64xf32, #tpu.memory_space<hbm>> -> memref<1x1000x64xf32, #tpu.memory_space<hbm>>
        %dma_wait3A_261 = tpu.memref_squeeze %dma_wait3A_260 : memref<1x1000x64xf32, #tpu.memory_space<hbm>> -> memref<1000x64xf32, #tpu.memory_space<hbm>>
        %dma_wait3A_262 = arith.constant 1000 : i32
        %dma_wait3A_263 = arith.constant 0 : i32
        %dma_wait3A_264 = tpu.memref_slice %arg10[%dma_wait3A_262, %dma_wait3A_263] : memref<25008x64xf32, #tpu.memory_space<vmem_shared>> -> memref<1000x64xf32, #tpu.memory_space<vmem_shared>>
        tpu.wait_dma2 semaphore(%run_scoped3A : memref<!tpu.dma_semaphore, #tpu.memory_space<semaphore_mem>>) src(%dma_wait3A_264 : memref<1000x64xf32, #tpu.memory_space<vmem_shared>>) dst(%dma_wait3A_261 : memref<1000x64xf32, #tpu.memory_space<hbm>>)
        tpu.yield
      }) : () -> ()
    } else {
    }
    %eq3A_138 = arith.constant 2 : i32
    %eq3A_139 = arith.cmpi eq, %arg1, %eq3A_138 : i32
    %convert_element_type3A_140 = arith.extui %eq3A_139 : i1 to i32
    %cond3A_141 = arith.constant 0 : i32
    %cond3A_142 = arith.cmpi ne, %convert_element_type3A_140, %cond3A_141 : i32
    scf.if %cond3A_142 {
      "tpu.region"() ({
        %run_scoped3A = tpu.sem_alloc : memref<!tpu.dma_semaphore, #tpu.memory_space<semaphore_mem>>
        %dma_start3A = arith.constant 2000 : i32
        %dma_start3A_253 = arith.constant 0 : i32
        %dma_start3A_254 = tpu.memref_slice %arg6[%arg0, %dma_start3A, %dma_start3A_253] : memref<2x25000x64xf32, #tpu.memory_space<hbm>> -> memref<1x1000x64xf32, #tpu.memory_space<hbm>>
        %dma_start3A_255 = tpu.memref_squeeze %dma_start3A_254 : memref<1x1000x64xf32, #tpu.memory_space<hbm>> -> memref<1000x64xf32, #tpu.memory_space<hbm>>
        %dma_start3A_256 = arith.constant 2000 : i32
        %dma_start3A_257 = arith.constant 0 : i32
        %dma_start3A_258 = tpu.memref_slice %arg10[%dma_start3A_256, %dma_start3A_257] : memref<25008x64xf32, #tpu.memory_space<vmem_shared>> -> memref<1000x64xf32, #tpu.memory_space<vmem_shared>>
        tpu.enqueue_dma source(%dma_start3A_258 : memref<1000x64xf32, #tpu.memory_space<vmem_shared>>) target(%dma_start3A_255 : memref<1000x64xf32, #tpu.memory_space<hbm>>) target_semaphore(%run_scoped3A : memref<!tpu.dma_semaphore, #tpu.memory_space<semaphore_mem>>)
        %dma_wait3A = arith.constant 2000 : i32
        %dma_wait3A_259 = arith.constant 0 : i32
        %dma_wait3A_260 = tpu.memref_slice %arg6[%arg0, %dma_wait3A, %dma_wait3A_259] : memref<2x25000x64xf32, #tpu.memory_space<hbm>> -> memref<1x1000x64xf32, #tpu.memory_space<hbm>>
        %dma_wait3A_261 = tpu.memref_squeeze %dma_wait3A_260 : memref<1x1000x64xf32, #tpu.memory_space<hbm>> -> memref<1000x64xf32, #tpu.memory_space<hbm>>
        %dma_wait3A_262 = arith.constant 2000 : i32
        %dma_wait3A_263 = arith.constant 0 : i32
        %dma_wait3A_264 = tpu.memref_slice %arg10[%dma_wait3A_262, %dma_wait3A_263] : memref<25008x64xf32, #tpu.memory_space<vmem_shared>> -> memref<1000x64xf32, #tpu.memory_space<vmem_shared>>
        tpu.wait_dma2 semaphore(%run_scoped3A : memref<!tpu.dma_semaphore, #tpu.memory_space<semaphore_mem>>) src(%dma_wait3A_264 : memref<1000x64xf32, #tpu.memory_space<vmem_shared>>) dst(%dma_wait3A_261 : memref<1000x64xf32, #tpu.memory_space<hbm>>)
        tpu.yield
      }) : () -> ()
    } else {
    }
    %eq3A_143 = arith.constant 3 : i32
    %eq3A_144 = arith.cmpi eq, %arg1, %eq3A_143 : i32
    %convert_element_type3A_145 = arith.extui %eq3A_144 : i1 to i32
    %cond3A_146 = arith.constant 0 : i32
    %cond3A_147 = arith.cmpi ne, %convert_element_type3A_145, %cond3A_146 : i32
    scf.if %cond3A_147 {
      "tpu.region"() ({
        %run_scoped3A = tpu.sem_alloc : memref<!tpu.dma_semaphore, #tpu.memory_space<semaphore_mem>>
        %dma_start3A = arith.constant 3000 : i32
        %dma_start3A_253 = arith.constant 0 : i32
        %dma_start3A_254 = tpu.memref_slice %arg6[%arg0, %dma_start3A, %dma_start3A_253] : memref<2x25000x64xf32, #tpu.memory_space<hbm>> -> memref<1x1000x64xf32, #tpu.memory_space<hbm>>
        %dma_start3A_255 = tpu.memref_squeeze %dma_start3A_254 : memref<1x1000x64xf32, #tpu.memory_space<hbm>> -> memref<1000x64xf32, #tpu.memory_space<hbm>>
        %dma_start3A_256 = arith.constant 3000 : i32
        %dma_start3A_257 = arith.constant 0 : i32
        %dma_start3A_258 = tpu.memref_slice %arg10[%dma_start3A_256, %dma_start3A_257] : memref<25008x64xf32, #tpu.memory_space<vmem_shared>> -> memref<1000x64xf32, #tpu.memory_space<vmem_shared>>
        tpu.enqueue_dma source(%dma_start3A_258 : memref<1000x64xf32, #tpu.memory_space<vmem_shared>>) target(%dma_start3A_255 : memref<1000x64xf32, #tpu.memory_space<hbm>>) target_semaphore(%run_scoped3A : memref<!tpu.dma_semaphore, #tpu.memory_space<semaphore_mem>>)
        %dma_wait3A = arith.constant 3000 : i32
        %dma_wait3A_259 = arith.constant 0 : i32
        %dma_wait3A_260 = tpu.memref_slice %arg6[%arg0, %dma_wait3A, %dma_wait3A_259] : memref<2x25000x64xf32, #tpu.memory_space<hbm>> -> memref<1x1000x64xf32, #tpu.memory_space<hbm>>
        %dma_wait3A_261 = tpu.memref_squeeze %dma_wait3A_260 : memref<1x1000x64xf32, #tpu.memory_space<hbm>> -> memref<1000x64xf32, #tpu.memory_space<hbm>>
        %dma_wait3A_262 = arith.constant 3000 : i32
        %dma_wait3A_263 = arith.constant 0 : i32
        %dma_wait3A_264 = tpu.memref_slice %arg10[%dma_wait3A_262, %dma_wait3A_263] : memref<25008x64xf32, #tpu.memory_space<vmem_shared>> -> memref<1000x64xf32, #tpu.memory_space<vmem_shared>>
        tpu.wait_dma2 semaphore(%run_scoped3A : memref<!tpu.dma_semaphore, #tpu.memory_space<semaphore_mem>>) src(%dma_wait3A_264 : memref<1000x64xf32, #tpu.memory_space<vmem_shared>>) dst(%dma_wait3A_261 : memref<1000x64xf32, #tpu.memory_space<hbm>>)
        tpu.yield
      }) : () -> ()
    } else {
    }
    %eq3A_148 = arith.constant 4 : i32
    %eq3A_149 = arith.cmpi eq, %arg1, %eq3A_148 : i32
    %convert_element_type3A_150 = arith.extui %eq3A_149 : i1 to i32
    %cond3A_151 = arith.constant 0 : i32
    %cond3A_152 = arith.cmpi ne, %convert_element_type3A_150, %cond3A_151 : i32
    scf.if %cond3A_152 {
      "tpu.region"() ({
        %run_scoped3A = tpu.sem_alloc : memref<!tpu.dma_semaphore, #tpu.memory_space<semaphore_mem>>
        %dma_start3A = arith.constant 4000 : i32
        %dma_start3A_253 = arith.constant 0 : i32
        %dma_start3A_254 = tpu.memref_slice %arg6[%arg0, %dma_start3A, %dma_start3A_253] : memref<2x25000x64xf32, #tpu.memory_space<hbm>> -> memref<1x1000x64xf32, #tpu.memory_space<hbm>>
        %dma_start3A_255 = tpu.memref_squeeze %dma_start3A_254 : memref<1x1000x64xf32, #tpu.memory_space<hbm>> -> memref<1000x64xf32, #tpu.memory_space<hbm>>
        %dma_start3A_256 = arith.constant 4000 : i32
        %dma_start3A_257 = arith.constant 0 : i32
        %dma_start3A_258 = tpu.memref_slice %arg10[%dma_start3A_256, %dma_start3A_257] : memref<25008x64xf32, #tpu.memory_space<vmem_shared>> -> memref<1000x64xf32, #tpu.memory_space<vmem_shared>>
        tpu.enqueue_dma source(%dma_start3A_258 : memref<1000x64xf32, #tpu.memory_space<vmem_shared>>) target(%dma_start3A_255 : memref<1000x64xf32, #tpu.memory_space<hbm>>) target_semaphore(%run_scoped3A : memref<!tpu.dma_semaphore, #tpu.memory_space<semaphore_mem>>)
        %dma_wait3A = arith.constant 4000 : i32
        %dma_wait3A_259 = arith.constant 0 : i32
        %dma_wait3A_260 = tpu.memref_slice %arg6[%arg0, %dma_wait3A, %dma_wait3A_259] : memref<2x25000x64xf32, #tpu.memory_space<hbm>> -> memref<1x1000x64xf32, #tpu.memory_space<hbm>>
        %dma_wait3A_261 = tpu.memref_squeeze %dma_wait3A_260 : memref<1x1000x64xf32, #tpu.memory_space<hbm>> -> memref<1000x64xf32, #tpu.memory_space<hbm>>
        %dma_wait3A_262 = arith.constant 4000 : i32
        %dma_wait3A_263 = arith.constant 0 : i32
        %dma_wait3A_264 = tpu.memref_slice %arg10[%dma_wait3A_262, %dma_wait3A_263] : memref<25008x64xf32, #tpu.memory_space<vmem_shared>> -> memref<1000x64xf32, #tpu.memory_space<vmem_shared>>
        tpu.wait_dma2 semaphore(%run_scoped3A : memref<!tpu.dma_semaphore, #tpu.memory_space<semaphore_mem>>) src(%dma_wait3A_264 : memref<1000x64xf32, #tpu.memory_space<vmem_shared>>) dst(%dma_wait3A_261 : memref<1000x64xf32, #tpu.memory_space<hbm>>)
        tpu.yield
      }) : () -> ()
    } else {
    }
    %eq3A_153 = arith.constant 5 : i32
    %eq3A_154 = arith.cmpi eq, %arg1, %eq3A_153 : i32
    %convert_element_type3A_155 = arith.extui %eq3A_154 : i1 to i32
    %cond3A_156 = arith.constant 0 : i32
    %cond3A_157 = arith.cmpi ne, %convert_element_type3A_155, %cond3A_156 : i32
    scf.if %cond3A_157 {
      "tpu.region"() ({
        %run_scoped3A = tpu.sem_alloc : memref<!tpu.dma_semaphore, #tpu.memory_space<semaphore_mem>>
        %dma_start3A = arith.constant 5000 : i32
        %dma_start3A_253 = arith.constant 0 : i32
        %dma_start3A_254 = tpu.memref_slice %arg6[%arg0, %dma_start3A, %dma_start3A_253] : memref<2x25000x64xf32, #tpu.memory_space<hbm>> -> memref<1x1000x64xf32, #tpu.memory_space<hbm>>
        %dma_start3A_255 = tpu.memref_squeeze %dma_start3A_254 : memref<1x1000x64xf32, #tpu.memory_space<hbm>> -> memref<1000x64xf32, #tpu.memory_space<hbm>>
        %dma_start3A_256 = arith.constant 5000 : i32
        %dma_start3A_257 = arith.constant 0 : i32
        %dma_start3A_258 = tpu.memref_slice %arg10[%dma_start3A_256, %dma_start3A_257] : memref<25008x64xf32, #tpu.memory_space<vmem_shared>> -> memref<1000x64xf32, #tpu.memory_space<vmem_shared>>
        tpu.enqueue_dma source(%dma_start3A_258 : memref<1000x64xf32, #tpu.memory_space<vmem_shared>>) target(%dma_start3A_255 : memref<1000x64xf32, #tpu.memory_space<hbm>>) target_semaphore(%run_scoped3A : memref<!tpu.dma_semaphore, #tpu.memory_space<semaphore_mem>>)
        %dma_wait3A = arith.constant 5000 : i32
        %dma_wait3A_259 = arith.constant 0 : i32
        %dma_wait3A_260 = tpu.memref_slice %arg6[%arg0, %dma_wait3A, %dma_wait3A_259] : memref<2x25000x64xf32, #tpu.memory_space<hbm>> -> memref<1x1000x64xf32, #tpu.memory_space<hbm>>
        %dma_wait3A_261 = tpu.memref_squeeze %dma_wait3A_260 : memref<1x1000x64xf32, #tpu.memory_space<hbm>> -> memref<1000x64xf32, #tpu.memory_space<hbm>>
        %dma_wait3A_262 = arith.constant 5000 : i32
        %dma_wait3A_263 = arith.constant 0 : i32
        %dma_wait3A_264 = tpu.memref_slice %arg10[%dma_wait3A_262, %dma_wait3A_263] : memref<25008x64xf32, #tpu.memory_space<vmem_shared>> -> memref<1000x64xf32, #tpu.memory_space<vmem_shared>>
        tpu.wait_dma2 semaphore(%run_scoped3A : memref<!tpu.dma_semaphore, #tpu.memory_space<semaphore_mem>>) src(%dma_wait3A_264 : memref<1000x64xf32, #tpu.memory_space<vmem_shared>>) dst(%dma_wait3A_261 : memref<1000x64xf32, #tpu.memory_space<hbm>>)
        tpu.yield
      }) : () -> ()
    } else {
    }
    %eq3A_158 = arith.constant 6 : i32
    %eq3A_159 = arith.cmpi eq, %arg1, %eq3A_158 : i32
    %convert_element_type3A_160 = arith.extui %eq3A_159 : i1 to i32
    %cond3A_161 = arith.constant 0 : i32
    %cond3A_162 = arith.cmpi ne, %convert_element_type3A_160, %cond3A_161 : i32
    scf.if %cond3A_162 {
      "tpu.region"() ({
        %run_scoped3A = tpu.sem_alloc : memref<!tpu.dma_semaphore, #tpu.memory_space<semaphore_mem>>
        %dma_start3A = arith.constant 6000 : i32
        %dma_start3A_253 = arith.constant 0 : i32
        %dma_start3A_254 = tpu.memref_slice %arg6[%arg0, %dma_start3A, %dma_start3A_253] : memref<2x25000x64xf32, #tpu.memory_space<hbm>> -> memref<1x1000x64xf32, #tpu.memory_space<hbm>>
        %dma_start3A_255 = tpu.memref_squeeze %dma_start3A_254 : memref<1x1000x64xf32, #tpu.memory_space<hbm>> -> memref<1000x64xf32, #tpu.memory_space<hbm>>
        %dma_start3A_256 = arith.constant 6000 : i32
        %dma_start3A_257 = arith.constant 0 : i32
        %dma_start3A_258 = tpu.memref_slice %arg10[%dma_start3A_256, %dma_start3A_257] : memref<25008x64xf32, #tpu.memory_space<vmem_shared>> -> memref<1000x64xf32, #tpu.memory_space<vmem_shared>>
        tpu.enqueue_dma source(%dma_start3A_258 : memref<1000x64xf32, #tpu.memory_space<vmem_shared>>) target(%dma_start3A_255 : memref<1000x64xf32, #tpu.memory_space<hbm>>) target_semaphore(%run_scoped3A : memref<!tpu.dma_semaphore, #tpu.memory_space<semaphore_mem>>)
        %dma_wait3A = arith.constant 6000 : i32
        %dma_wait3A_259 = arith.constant 0 : i32
        %dma_wait3A_260 = tpu.memref_slice %arg6[%arg0, %dma_wait3A, %dma_wait3A_259] : memref<2x25000x64xf32, #tpu.memory_space<hbm>> -> memref<1x1000x64xf32, #tpu.memory_space<hbm>>
        %dma_wait3A_261 = tpu.memref_squeeze %dma_wait3A_260 : memref<1x1000x64xf32, #tpu.memory_space<hbm>> -> memref<1000x64xf32, #tpu.memory_space<hbm>>
        %dma_wait3A_262 = arith.constant 6000 : i32
        %dma_wait3A_263 = arith.constant 0 : i32
        %dma_wait3A_264 = tpu.memref_slice %arg10[%dma_wait3A_262, %dma_wait3A_263] : memref<25008x64xf32, #tpu.memory_space<vmem_shared>> -> memref<1000x64xf32, #tpu.memory_space<vmem_shared>>
        tpu.wait_dma2 semaphore(%run_scoped3A : memref<!tpu.dma_semaphore, #tpu.memory_space<semaphore_mem>>) src(%dma_wait3A_264 : memref<1000x64xf32, #tpu.memory_space<vmem_shared>>) dst(%dma_wait3A_261 : memref<1000x64xf32, #tpu.memory_space<hbm>>)
        tpu.yield
      }) : () -> ()
    } else {
    }
    %eq3A_163 = arith.constant 7 : i32
    %eq3A_164 = arith.cmpi eq, %arg1, %eq3A_163 : i32
    %convert_element_type3A_165 = arith.extui %eq3A_164 : i1 to i32
    %cond3A_166 = arith.constant 0 : i32
    %cond3A_167 = arith.cmpi ne, %convert_element_type3A_165, %cond3A_166 : i32
    scf.if %cond3A_167 {
      "tpu.region"() ({
        %run_scoped3A = tpu.sem_alloc : memref<!tpu.dma_semaphore, #tpu.memory_space<semaphore_mem>>
        %dma_start3A = arith.constant 7000 : i32
        %dma_start3A_253 = arith.constant 0 : i32
        %dma_start3A_254 = tpu.memref_slice %arg6[%arg0, %dma_start3A, %dma_start3A_253] : memref<2x25000x64xf32, #tpu.memory_space<hbm>> -> memref<1x1000x64xf32, #tpu.memory_space<hbm>>
        %dma_start3A_255 = tpu.memref_squeeze %dma_start3A_254 : memref<1x1000x64xf32, #tpu.memory_space<hbm>> -> memref<1000x64xf32, #tpu.memory_space<hbm>>
        %dma_start3A_256 = arith.constant 7000 : i32
        %dma_start3A_257 = arith.constant 0 : i32
        %dma_start3A_258 = tpu.memref_slice %arg10[%dma_start3A_256, %dma_start3A_257] : memref<25008x64xf32, #tpu.memory_space<vmem_shared>> -> memref<1000x64xf32, #tpu.memory_space<vmem_shared>>
        tpu.enqueue_dma source(%dma_start3A_258 : memref<1000x64xf32, #tpu.memory_space<vmem_shared>>) target(%dma_start3A_255 : memref<1000x64xf32, #tpu.memory_space<hbm>>) target_semaphore(%run_scoped3A : memref<!tpu.dma_semaphore, #tpu.memory_space<semaphore_mem>>)
        %dma_wait3A = arith.constant 7000 : i32
        %dma_wait3A_259 = arith.constant 0 : i32
        %dma_wait3A_260 = tpu.memref_slice %arg6[%arg0, %dma_wait3A, %dma_wait3A_259] : memref<2x25000x64xf32, #tpu.memory_space<hbm>> -> memref<1x1000x64xf32, #tpu.memory_space<hbm>>
        %dma_wait3A_261 = tpu.memref_squeeze %dma_wait3A_260 : memref<1x1000x64xf32, #tpu.memory_space<hbm>> -> memref<1000x64xf32, #tpu.memory_space<hbm>>
        %dma_wait3A_262 = arith.constant 7000 : i32
        %dma_wait3A_263 = arith.constant 0 : i32
        %dma_wait3A_264 = tpu.memref_slice %arg10[%dma_wait3A_262, %dma_wait3A_263] : memref<25008x64xf32, #tpu.memory_space<vmem_shared>> -> memref<1000x64xf32, #tpu.memory_space<vmem_shared>>
        tpu.wait_dma2 semaphore(%run_scoped3A : memref<!tpu.dma_semaphore, #tpu.memory_space<semaphore_mem>>) src(%dma_wait3A_264 : memref<1000x64xf32, #tpu.memory_space<vmem_shared>>) dst(%dma_wait3A_261 : memref<1000x64xf32, #tpu.memory_space<hbm>>)
        tpu.yield
      }) : () -> ()
    } else {
    }
    %eq3A_168 = arith.constant 8 : i32
    %eq3A_169 = arith.cmpi eq, %arg1, %eq3A_168 : i32
    %convert_element_type3A_170 = arith.extui %eq3A_169 : i1 to i32
    %cond3A_171 = arith.constant 0 : i32
    %cond3A_172 = arith.cmpi ne, %convert_element_type3A_170, %cond3A_171 : i32
    scf.if %cond3A_172 {
      "tpu.region"() ({
        %run_scoped3A = tpu.sem_alloc : memref<!tpu.dma_semaphore, #tpu.memory_space<semaphore_mem>>
        %dma_start3A = arith.constant 8000 : i32
        %dma_start3A_253 = arith.constant 0 : i32
        %dma_start3A_254 = tpu.memref_slice %arg6[%arg0, %dma_start3A, %dma_start3A_253] : memref<2x25000x64xf32, #tpu.memory_space<hbm>> -> memref<1x1000x64xf32, #tpu.memory_space<hbm>>
        %dma_start3A_255 = tpu.memref_squeeze %dma_start3A_254 : memref<1x1000x64xf32, #tpu.memory_space<hbm>> -> memref<1000x64xf32, #tpu.memory_space<hbm>>
        %dma_start3A_256 = arith.constant 8000 : i32
        %dma_start3A_257 = arith.constant 0 : i32
        %dma_start3A_258 = tpu.memref_slice %arg10[%dma_start3A_256, %dma_start3A_257] : memref<25008x64xf32, #tpu.memory_space<vmem_shared>> -> memref<1000x64xf32, #tpu.memory_space<vmem_shared>>
        tpu.enqueue_dma source(%dma_start3A_258 : memref<1000x64xf32, #tpu.memory_space<vmem_shared>>) target(%dma_start3A_255 : memref<1000x64xf32, #tpu.memory_space<hbm>>) target_semaphore(%run_scoped3A : memref<!tpu.dma_semaphore, #tpu.memory_space<semaphore_mem>>)
        %dma_wait3A = arith.constant 8000 : i32
        %dma_wait3A_259 = arith.constant 0 : i32
        %dma_wait3A_260 = tpu.memref_slice %arg6[%arg0, %dma_wait3A, %dma_wait3A_259] : memref<2x25000x64xf32, #tpu.memory_space<hbm>> -> memref<1x1000x64xf32, #tpu.memory_space<hbm>>
        %dma_wait3A_261 = tpu.memref_squeeze %dma_wait3A_260 : memref<1x1000x64xf32, #tpu.memory_space<hbm>> -> memref<1000x64xf32, #tpu.memory_space<hbm>>
        %dma_wait3A_262 = arith.constant 8000 : i32
        %dma_wait3A_263 = arith.constant 0 : i32
        %dma_wait3A_264 = tpu.memref_slice %arg10[%dma_wait3A_262, %dma_wait3A_263] : memref<25008x64xf32, #tpu.memory_space<vmem_shared>> -> memref<1000x64xf32, #tpu.memory_space<vmem_shared>>
        tpu.wait_dma2 semaphore(%run_scoped3A : memref<!tpu.dma_semaphore, #tpu.memory_space<semaphore_mem>>) src(%dma_wait3A_264 : memref<1000x64xf32, #tpu.memory_space<vmem_shared>>) dst(%dma_wait3A_261 : memref<1000x64xf32, #tpu.memory_space<hbm>>)
        tpu.yield
      }) : () -> ()
    } else {
    }
    %eq3A_173 = arith.constant 9 : i32
    %eq3A_174 = arith.cmpi eq, %arg1, %eq3A_173 : i32
    %convert_element_type3A_175 = arith.extui %eq3A_174 : i1 to i32
    %cond3A_176 = arith.constant 0 : i32
    %cond3A_177 = arith.cmpi ne, %convert_element_type3A_175, %cond3A_176 : i32
    scf.if %cond3A_177 {
      "tpu.region"() ({
        %run_scoped3A = tpu.sem_alloc : memref<!tpu.dma_semaphore, #tpu.memory_space<semaphore_mem>>
        %dma_start3A = arith.constant 9000 : i32
        %dma_start3A_253 = arith.constant 0 : i32
        %dma_start3A_254 = tpu.memref_slice %arg6[%arg0, %dma_start3A, %dma_start3A_253] : memref<2x25000x64xf32, #tpu.memory_space<hbm>> -> memref<1x1000x64xf32, #tpu.memory_space<hbm>>
        %dma_start3A_255 = tpu.memref_squeeze %dma_start3A_254 : memref<1x1000x64xf32, #tpu.memory_space<hbm>> -> memref<1000x64xf32, #tpu.memory_space<hbm>>
        %dma_start3A_256 = arith.constant 9000 : i32
        %dma_start3A_257 = arith.constant 0 : i32
        %dma_start3A_258 = tpu.memref_slice %arg10[%dma_start3A_256, %dma_start3A_257] : memref<25008x64xf32, #tpu.memory_space<vmem_shared>> -> memref<1000x64xf32, #tpu.memory_space<vmem_shared>>
        tpu.enqueue_dma source(%dma_start3A_258 : memref<1000x64xf32, #tpu.memory_space<vmem_shared>>) target(%dma_start3A_255 : memref<1000x64xf32, #tpu.memory_space<hbm>>) target_semaphore(%run_scoped3A : memref<!tpu.dma_semaphore, #tpu.memory_space<semaphore_mem>>)
        %dma_wait3A = arith.constant 9000 : i32
        %dma_wait3A_259 = arith.constant 0 : i32
        %dma_wait3A_260 = tpu.memref_slice %arg6[%arg0, %dma_wait3A, %dma_wait3A_259] : memref<2x25000x64xf32, #tpu.memory_space<hbm>> -> memref<1x1000x64xf32, #tpu.memory_space<hbm>>
        %dma_wait3A_261 = tpu.memref_squeeze %dma_wait3A_260 : memref<1x1000x64xf32, #tpu.memory_space<hbm>> -> memref<1000x64xf32, #tpu.memory_space<hbm>>
        %dma_wait3A_262 = arith.constant 9000 : i32
        %dma_wait3A_263 = arith.constant 0 : i32
        %dma_wait3A_264 = tpu.memref_slice %arg10[%dma_wait3A_262, %dma_wait3A_263] : memref<25008x64xf32, #tpu.memory_space<vmem_shared>> -> memref<1000x64xf32, #tpu.memory_space<vmem_shared>>
        tpu.wait_dma2 semaphore(%run_scoped3A : memref<!tpu.dma_semaphore, #tpu.memory_space<semaphore_mem>>) src(%dma_wait3A_264 : memref<1000x64xf32, #tpu.memory_space<vmem_shared>>) dst(%dma_wait3A_261 : memref<1000x64xf32, #tpu.memory_space<hbm>>)
        tpu.yield
      }) : () -> ()
    } else {
    }
    %eq3A_178 = arith.constant 10 : i32
    %eq3A_179 = arith.cmpi eq, %arg1, %eq3A_178 : i32
    %convert_element_type3A_180 = arith.extui %eq3A_179 : i1 to i32
    %cond3A_181 = arith.constant 0 : i32
    %cond3A_182 = arith.cmpi ne, %convert_element_type3A_180, %cond3A_181 : i32
    scf.if %cond3A_182 {
      "tpu.region"() ({
        %run_scoped3A = tpu.sem_alloc : memref<!tpu.dma_semaphore, #tpu.memory_space<semaphore_mem>>
        %dma_start3A = arith.constant 10000 : i32
        %dma_start3A_253 = arith.constant 0 : i32
        %dma_start3A_254 = tpu.memref_slice %arg6[%arg0, %dma_start3A, %dma_start3A_253] : memref<2x25000x64xf32, #tpu.memory_space<hbm>> -> memref<1x1000x64xf32, #tpu.memory_space<hbm>>
        %dma_start3A_255 = tpu.memref_squeeze %dma_start3A_254 : memref<1x1000x64xf32, #tpu.memory_space<hbm>> -> memref<1000x64xf32, #tpu.memory_space<hbm>>
        %dma_start3A_256 = arith.constant 10000 : i32
        %dma_start3A_257 = arith.constant 0 : i32
        %dma_start3A_258 = tpu.memref_slice %arg10[%dma_start3A_256, %dma_start3A_257] : memref<25008x64xf32, #tpu.memory_space<vmem_shared>> -> memref<1000x64xf32, #tpu.memory_space<vmem_shared>>
        tpu.enqueue_dma source(%dma_start3A_258 : memref<1000x64xf32, #tpu.memory_space<vmem_shared>>) target(%dma_start3A_255 : memref<1000x64xf32, #tpu.memory_space<hbm>>) target_semaphore(%run_scoped3A : memref<!tpu.dma_semaphore, #tpu.memory_space<semaphore_mem>>)
        %dma_wait3A = arith.constant 10000 : i32
        %dma_wait3A_259 = arith.constant 0 : i32
        %dma_wait3A_260 = tpu.memref_slice %arg6[%arg0, %dma_wait3A, %dma_wait3A_259] : memref<2x25000x64xf32, #tpu.memory_space<hbm>> -> memref<1x1000x64xf32, #tpu.memory_space<hbm>>
        %dma_wait3A_261 = tpu.memref_squeeze %dma_wait3A_260 : memref<1x1000x64xf32, #tpu.memory_space<hbm>> -> memref<1000x64xf32, #tpu.memory_space<hbm>>
        %dma_wait3A_262 = arith.constant 10000 : i32
        %dma_wait3A_263 = arith.constant 0 : i32
        %dma_wait3A_264 = tpu.memref_slice %arg10[%dma_wait3A_262, %dma_wait3A_263] : memref<25008x64xf32, #tpu.memory_space<vmem_shared>> -> memref<1000x64xf32, #tpu.memory_space<vmem_shared>>
        tpu.wait_dma2 semaphore(%run_scoped3A : memref<!tpu.dma_semaphore, #tpu.memory_space<semaphore_mem>>) src(%dma_wait3A_264 : memref<1000x64xf32, #tpu.memory_space<vmem_shared>>) dst(%dma_wait3A_261 : memref<1000x64xf32, #tpu.memory_space<hbm>>)
        tpu.yield
      }) : () -> ()
    } else {
    }
    %eq3A_183 = arith.constant 11 : i32
    %eq3A_184 = arith.cmpi eq, %arg1, %eq3A_183 : i32
    %convert_element_type3A_185 = arith.extui %eq3A_184 : i1 to i32
    %cond3A_186 = arith.constant 0 : i32
    %cond3A_187 = arith.cmpi ne, %convert_element_type3A_185, %cond3A_186 : i32
    scf.if %cond3A_187 {
      "tpu.region"() ({
        %run_scoped3A = tpu.sem_alloc : memref<!tpu.dma_semaphore, #tpu.memory_space<semaphore_mem>>
        %dma_start3A = arith.constant 11000 : i32
        %dma_start3A_253 = arith.constant 0 : i32
        %dma_start3A_254 = tpu.memref_slice %arg6[%arg0, %dma_start3A, %dma_start3A_253] : memref<2x25000x64xf32, #tpu.memory_space<hbm>> -> memref<1x1000x64xf32, #tpu.memory_space<hbm>>
        %dma_start3A_255 = tpu.memref_squeeze %dma_start3A_254 : memref<1x1000x64xf32, #tpu.memory_space<hbm>> -> memref<1000x64xf32, #tpu.memory_space<hbm>>
        %dma_start3A_256 = arith.constant 11000 : i32
        %dma_start3A_257 = arith.constant 0 : i32
        %dma_start3A_258 = tpu.memref_slice %arg10[%dma_start3A_256, %dma_start3A_257] : memref<25008x64xf32, #tpu.memory_space<vmem_shared>> -> memref<1000x64xf32, #tpu.memory_space<vmem_shared>>
        tpu.enqueue_dma source(%dma_start3A_258 : memref<1000x64xf32, #tpu.memory_space<vmem_shared>>) target(%dma_start3A_255 : memref<1000x64xf32, #tpu.memory_space<hbm>>) target_semaphore(%run_scoped3A : memref<!tpu.dma_semaphore, #tpu.memory_space<semaphore_mem>>)
        %dma_wait3A = arith.constant 11000 : i32
        %dma_wait3A_259 = arith.constant 0 : i32
        %dma_wait3A_260 = tpu.memref_slice %arg6[%arg0, %dma_wait3A, %dma_wait3A_259] : memref<2x25000x64xf32, #tpu.memory_space<hbm>> -> memref<1x1000x64xf32, #tpu.memory_space<hbm>>
        %dma_wait3A_261 = tpu.memref_squeeze %dma_wait3A_260 : memref<1x1000x64xf32, #tpu.memory_space<hbm>> -> memref<1000x64xf32, #tpu.memory_space<hbm>>
        %dma_wait3A_262 = arith.constant 11000 : i32
        %dma_wait3A_263 = arith.constant 0 : i32
        %dma_wait3A_264 = tpu.memref_slice %arg10[%dma_wait3A_262, %dma_wait3A_263] : memref<25008x64xf32, #tpu.memory_space<vmem_shared>> -> memref<1000x64xf32, #tpu.memory_space<vmem_shared>>
        tpu.wait_dma2 semaphore(%run_scoped3A : memref<!tpu.dma_semaphore, #tpu.memory_space<semaphore_mem>>) src(%dma_wait3A_264 : memref<1000x64xf32, #tpu.memory_space<vmem_shared>>) dst(%dma_wait3A_261 : memref<1000x64xf32, #tpu.memory_space<hbm>>)
        tpu.yield
      }) : () -> ()
    } else {
    }
    %eq3A_188 = arith.constant 12 : i32
    %eq3A_189 = arith.cmpi eq, %arg1, %eq3A_188 : i32
    %convert_element_type3A_190 = arith.extui %eq3A_189 : i1 to i32
    %cond3A_191 = arith.constant 0 : i32
    %cond3A_192 = arith.cmpi ne, %convert_element_type3A_190, %cond3A_191 : i32
    scf.if %cond3A_192 {
      "tpu.region"() ({
        %run_scoped3A = tpu.sem_alloc : memref<!tpu.dma_semaphore, #tpu.memory_space<semaphore_mem>>
        %dma_start3A = arith.constant 12000 : i32
        %dma_start3A_253 = arith.constant 0 : i32
        %dma_start3A_254 = tpu.memref_slice %arg6[%arg0, %dma_start3A, %dma_start3A_253] : memref<2x25000x64xf32, #tpu.memory_space<hbm>> -> memref<1x1000x64xf32, #tpu.memory_space<hbm>>
        %dma_start3A_255 = tpu.memref_squeeze %dma_start3A_254 : memref<1x1000x64xf32, #tpu.memory_space<hbm>> -> memref<1000x64xf32, #tpu.memory_space<hbm>>
        %dma_start3A_256 = arith.constant 12000 : i32
        %dma_start3A_257 = arith.constant 0 : i32
        %dma_start3A_258 = tpu.memref_slice %arg10[%dma_start3A_256, %dma_start3A_257] : memref<25008x64xf32, #tpu.memory_space<vmem_shared>> -> memref<1000x64xf32, #tpu.memory_space<vmem_shared>>
        tpu.enqueue_dma source(%dma_start3A_258 : memref<1000x64xf32, #tpu.memory_space<vmem_shared>>) target(%dma_start3A_255 : memref<1000x64xf32, #tpu.memory_space<hbm>>) target_semaphore(%run_scoped3A : memref<!tpu.dma_semaphore, #tpu.memory_space<semaphore_mem>>)
        %dma_wait3A = arith.constant 12000 : i32
        %dma_wait3A_259 = arith.constant 0 : i32
        %dma_wait3A_260 = tpu.memref_slice %arg6[%arg0, %dma_wait3A, %dma_wait3A_259] : memref<2x25000x64xf32, #tpu.memory_space<hbm>> -> memref<1x1000x64xf32, #tpu.memory_space<hbm>>
        %dma_wait3A_261 = tpu.memref_squeeze %dma_wait3A_260 : memref<1x1000x64xf32, #tpu.memory_space<hbm>> -> memref<1000x64xf32, #tpu.memory_space<hbm>>
        %dma_wait3A_262 = arith.constant 12000 : i32
        %dma_wait3A_263 = arith.constant 0 : i32
        %dma_wait3A_264 = tpu.memref_slice %arg10[%dma_wait3A_262, %dma_wait3A_263] : memref<25008x64xf32, #tpu.memory_space<vmem_shared>> -> memref<1000x64xf32, #tpu.memory_space<vmem_shared>>
        tpu.wait_dma2 semaphore(%run_scoped3A : memref<!tpu.dma_semaphore, #tpu.memory_space<semaphore_mem>>) src(%dma_wait3A_264 : memref<1000x64xf32, #tpu.memory_space<vmem_shared>>) dst(%dma_wait3A_261 : memref<1000x64xf32, #tpu.memory_space<hbm>>)
        tpu.yield
      }) : () -> ()
    } else {
    }
    %eq3A_193 = arith.constant 13 : i32
    %eq3A_194 = arith.cmpi eq, %arg1, %eq3A_193 : i32
    %convert_element_type3A_195 = arith.extui %eq3A_194 : i1 to i32
    %cond3A_196 = arith.constant 0 : i32
    %cond3A_197 = arith.cmpi ne, %convert_element_type3A_195, %cond3A_196 : i32
    scf.if %cond3A_197 {
      "tpu.region"() ({
        %run_scoped3A = tpu.sem_alloc : memref<!tpu.dma_semaphore, #tpu.memory_space<semaphore_mem>>
        %dma_start3A = arith.constant 13000 : i32
        %dma_start3A_253 = arith.constant 0 : i32
        %dma_start3A_254 = tpu.memref_slice %arg6[%arg0, %dma_start3A, %dma_start3A_253] : memref<2x25000x64xf32, #tpu.memory_space<hbm>> -> memref<1x1000x64xf32, #tpu.memory_space<hbm>>
        %dma_start3A_255 = tpu.memref_squeeze %dma_start3A_254 : memref<1x1000x64xf32, #tpu.memory_space<hbm>> -> memref<1000x64xf32, #tpu.memory_space<hbm>>
        %dma_start3A_256 = arith.constant 13000 : i32
        %dma_start3A_257 = arith.constant 0 : i32
        %dma_start3A_258 = tpu.memref_slice %arg10[%dma_start3A_256, %dma_start3A_257] : memref<25008x64xf32, #tpu.memory_space<vmem_shared>> -> memref<1000x64xf32, #tpu.memory_space<vmem_shared>>
        tpu.enqueue_dma source(%dma_start3A_258 : memref<1000x64xf32, #tpu.memory_space<vmem_shared>>) target(%dma_start3A_255 : memref<1000x64xf32, #tpu.memory_space<hbm>>) target_semaphore(%run_scoped3A : memref<!tpu.dma_semaphore, #tpu.memory_space<semaphore_mem>>)
        %dma_wait3A = arith.constant 13000 : i32
        %dma_wait3A_259 = arith.constant 0 : i32
        %dma_wait3A_260 = tpu.memref_slice %arg6[%arg0, %dma_wait3A, %dma_wait3A_259] : memref<2x25000x64xf32, #tpu.memory_space<hbm>> -> memref<1x1000x64xf32, #tpu.memory_space<hbm>>
        %dma_wait3A_261 = tpu.memref_squeeze %dma_wait3A_260 : memref<1x1000x64xf32, #tpu.memory_space<hbm>> -> memref<1000x64xf32, #tpu.memory_space<hbm>>
        %dma_wait3A_262 = arith.constant 13000 : i32
        %dma_wait3A_263 = arith.constant 0 : i32
        %dma_wait3A_264 = tpu.memref_slice %arg10[%dma_wait3A_262, %dma_wait3A_263] : memref<25008x64xf32, #tpu.memory_space<vmem_shared>> -> memref<1000x64xf32, #tpu.memory_space<vmem_shared>>
        tpu.wait_dma2 semaphore(%run_scoped3A : memref<!tpu.dma_semaphore, #tpu.memory_space<semaphore_mem>>) src(%dma_wait3A_264 : memref<1000x64xf32, #tpu.memory_space<vmem_shared>>) dst(%dma_wait3A_261 : memref<1000x64xf32, #tpu.memory_space<hbm>>)
        tpu.yield
      }) : () -> ()
    } else {
    }
    %eq3A_198 = arith.constant 14 : i32
    %eq3A_199 = arith.cmpi eq, %arg1, %eq3A_198 : i32
    %convert_element_type3A_200 = arith.extui %eq3A_199 : i1 to i32
    %cond3A_201 = arith.constant 0 : i32
    %cond3A_202 = arith.cmpi ne, %convert_element_type3A_200, %cond3A_201 : i32
    scf.if %cond3A_202 {
      "tpu.region"() ({
        %run_scoped3A = tpu.sem_alloc : memref<!tpu.dma_semaphore, #tpu.memory_space<semaphore_mem>>
        %dma_start3A = arith.constant 14000 : i32
        %dma_start3A_253 = arith.constant 0 : i32
        %dma_start3A_254 = tpu.memref_slice %arg6[%arg0, %dma_start3A, %dma_start3A_253] : memref<2x25000x64xf32, #tpu.memory_space<hbm>> -> memref<1x1000x64xf32, #tpu.memory_space<hbm>>
        %dma_start3A_255 = tpu.memref_squeeze %dma_start3A_254 : memref<1x1000x64xf32, #tpu.memory_space<hbm>> -> memref<1000x64xf32, #tpu.memory_space<hbm>>
        %dma_start3A_256 = arith.constant 14000 : i32
        %dma_start3A_257 = arith.constant 0 : i32
        %dma_start3A_258 = tpu.memref_slice %arg10[%dma_start3A_256, %dma_start3A_257] : memref<25008x64xf32, #tpu.memory_space<vmem_shared>> -> memref<1000x64xf32, #tpu.memory_space<vmem_shared>>
        tpu.enqueue_dma source(%dma_start3A_258 : memref<1000x64xf32, #tpu.memory_space<vmem_shared>>) target(%dma_start3A_255 : memref<1000x64xf32, #tpu.memory_space<hbm>>) target_semaphore(%run_scoped3A : memref<!tpu.dma_semaphore, #tpu.memory_space<semaphore_mem>>)
        %dma_wait3A = arith.constant 14000 : i32
        %dma_wait3A_259 = arith.constant 0 : i32
        %dma_wait3A_260 = tpu.memref_slice %arg6[%arg0, %dma_wait3A, %dma_wait3A_259] : memref<2x25000x64xf32, #tpu.memory_space<hbm>> -> memref<1x1000x64xf32, #tpu.memory_space<hbm>>
        %dma_wait3A_261 = tpu.memref_squeeze %dma_wait3A_260 : memref<1x1000x64xf32, #tpu.memory_space<hbm>> -> memref<1000x64xf32, #tpu.memory_space<hbm>>
        %dma_wait3A_262 = arith.constant 14000 : i32
        %dma_wait3A_263 = arith.constant 0 : i32
        %dma_wait3A_264 = tpu.memref_slice %arg10[%dma_wait3A_262, %dma_wait3A_263] : memref<25008x64xf32, #tpu.memory_space<vmem_shared>> -> memref<1000x64xf32, #tpu.memory_space<vmem_shared>>
        tpu.wait_dma2 semaphore(%run_scoped3A : memref<!tpu.dma_semaphore, #tpu.memory_space<semaphore_mem>>) src(%dma_wait3A_264 : memref<1000x64xf32, #tpu.memory_space<vmem_shared>>) dst(%dma_wait3A_261 : memref<1000x64xf32, #tpu.memory_space<hbm>>)
        tpu.yield
      }) : () -> ()
    } else {
    }
    %eq3A_203 = arith.constant 15 : i32
    %eq3A_204 = arith.cmpi eq, %arg1, %eq3A_203 : i32
    %convert_element_type3A_205 = arith.extui %eq3A_204 : i1 to i32
    %cond3A_206 = arith.constant 0 : i32
    %cond3A_207 = arith.cmpi ne, %convert_element_type3A_205, %cond3A_206 : i32
    scf.if %cond3A_207 {
      "tpu.region"() ({
        %run_scoped3A = tpu.sem_alloc : memref<!tpu.dma_semaphore, #tpu.memory_space<semaphore_mem>>
        %dma_start3A = arith.constant 15000 : i32
        %dma_start3A_253 = arith.constant 0 : i32
        %dma_start3A_254 = tpu.memref_slice %arg6[%arg0, %dma_start3A, %dma_start3A_253] : memref<2x25000x64xf32, #tpu.memory_space<hbm>> -> memref<1x1000x64xf32, #tpu.memory_space<hbm>>
        %dma_start3A_255 = tpu.memref_squeeze %dma_start3A_254 : memref<1x1000x64xf32, #tpu.memory_space<hbm>> -> memref<1000x64xf32, #tpu.memory_space<hbm>>
        %dma_start3A_256 = arith.constant 15000 : i32
        %dma_start3A_257 = arith.constant 0 : i32
        %dma_start3A_258 = tpu.memref_slice %arg10[%dma_start3A_256, %dma_start3A_257] : memref<25008x64xf32, #tpu.memory_space<vmem_shared>> -> memref<1000x64xf32, #tpu.memory_space<vmem_shared>>
        tpu.enqueue_dma source(%dma_start3A_258 : memref<1000x64xf32, #tpu.memory_space<vmem_shared>>) target(%dma_start3A_255 : memref<1000x64xf32, #tpu.memory_space<hbm>>) target_semaphore(%run_scoped3A : memref<!tpu.dma_semaphore, #tpu.memory_space<semaphore_mem>>)
        %dma_wait3A = arith.constant 15000 : i32
        %dma_wait3A_259 = arith.constant 0 : i32
        %dma_wait3A_260 = tpu.memref_slice %arg6[%arg0, %dma_wait3A, %dma_wait3A_259] : memref<2x25000x64xf32, #tpu.memory_space<hbm>> -> memref<1x1000x64xf32, #tpu.memory_space<hbm>>
        %dma_wait3A_261 = tpu.memref_squeeze %dma_wait3A_260 : memref<1x1000x64xf32, #tpu.memory_space<hbm>> -> memref<1000x64xf32, #tpu.memory_space<hbm>>
        %dma_wait3A_262 = arith.constant 15000 : i32
        %dma_wait3A_263 = arith.constant 0 : i32
        %dma_wait3A_264 = tpu.memref_slice %arg10[%dma_wait3A_262, %dma_wait3A_263] : memref<25008x64xf32, #tpu.memory_space<vmem_shared>> -> memref<1000x64xf32, #tpu.memory_space<vmem_shared>>
        tpu.wait_dma2 semaphore(%run_scoped3A : memref<!tpu.dma_semaphore, #tpu.memory_space<semaphore_mem>>) src(%dma_wait3A_264 : memref<1000x64xf32, #tpu.memory_space<vmem_shared>>) dst(%dma_wait3A_261 : memref<1000x64xf32, #tpu.memory_space<hbm>>)
        tpu.yield
      }) : () -> ()
    } else {
    }
    %eq3A_208 = arith.constant 0 : i32
    %eq3A_209 = arith.cmpi eq, %arg1, %eq3A_208 : i32
    %convert_element_type3A_210 = arith.extui %eq3A_209 : i1 to i32
    %cond3A_211 = arith.constant 0 : i32
    %cond3A_212 = arith.cmpi ne, %convert_element_type3A_210, %cond3A_211 : i32
    scf.if %cond3A_212 {
      "tpu.region"() ({
        %run_scoped3A = tpu.sem_alloc : memref<!tpu.dma_semaphore, #tpu.memory_space<semaphore_mem>>
        %dma_start3A = arith.constant 16000 : i32
        %dma_start3A_253 = arith.constant 0 : i32
        %dma_start3A_254 = tpu.memref_slice %arg6[%arg0, %dma_start3A, %dma_start3A_253] : memref<2x25000x64xf32, #tpu.memory_space<hbm>> -> memref<1x1000x64xf32, #tpu.memory_space<hbm>>
        %dma_start3A_255 = tpu.memref_squeeze %dma_start3A_254 : memref<1x1000x64xf32, #tpu.memory_space<hbm>> -> memref<1000x64xf32, #tpu.memory_space<hbm>>
        %dma_start3A_256 = arith.constant 16000 : i32
        %dma_start3A_257 = arith.constant 0 : i32
        %dma_start3A_258 = tpu.memref_slice %arg10[%dma_start3A_256, %dma_start3A_257] : memref<25008x64xf32, #tpu.memory_space<vmem_shared>> -> memref<1000x64xf32, #tpu.memory_space<vmem_shared>>
        tpu.enqueue_dma source(%dma_start3A_258 : memref<1000x64xf32, #tpu.memory_space<vmem_shared>>) target(%dma_start3A_255 : memref<1000x64xf32, #tpu.memory_space<hbm>>) target_semaphore(%run_scoped3A : memref<!tpu.dma_semaphore, #tpu.memory_space<semaphore_mem>>)
        %dma_wait3A = arith.constant 16000 : i32
        %dma_wait3A_259 = arith.constant 0 : i32
        %dma_wait3A_260 = tpu.memref_slice %arg6[%arg0, %dma_wait3A, %dma_wait3A_259] : memref<2x25000x64xf32, #tpu.memory_space<hbm>> -> memref<1x1000x64xf32, #tpu.memory_space<hbm>>
        %dma_wait3A_261 = tpu.memref_squeeze %dma_wait3A_260 : memref<1x1000x64xf32, #tpu.memory_space<hbm>> -> memref<1000x64xf32, #tpu.memory_space<hbm>>
        %dma_wait3A_262 = arith.constant 16000 : i32
        %dma_wait3A_263 = arith.constant 0 : i32
        %dma_wait3A_264 = tpu.memref_slice %arg10[%dma_wait3A_262, %dma_wait3A_263] : memref<25008x64xf32, #tpu.memory_space<vmem_shared>> -> memref<1000x64xf32, #tpu.memory_space<vmem_shared>>
        tpu.wait_dma2 semaphore(%run_scoped3A : memref<!tpu.dma_semaphore, #tpu.memory_space<semaphore_mem>>) src(%dma_wait3A_264 : memref<1000x64xf32, #tpu.memory_space<vmem_shared>>) dst(%dma_wait3A_261 : memref<1000x64xf32, #tpu.memory_space<hbm>>)
        tpu.yield
      }) : () -> ()
    } else {
    }
    %eq3A_213 = arith.constant 1 : i32
    %eq3A_214 = arith.cmpi eq, %arg1, %eq3A_213 : i32
    %convert_element_type3A_215 = arith.extui %eq3A_214 : i1 to i32
    %cond3A_216 = arith.constant 0 : i32
    %cond3A_217 = arith.cmpi ne, %convert_element_type3A_215, %cond3A_216 : i32
    scf.if %cond3A_217 {
      "tpu.region"() ({
        %run_scoped3A = tpu.sem_alloc : memref<!tpu.dma_semaphore, #tpu.memory_space<semaphore_mem>>
        %dma_start3A = arith.constant 17000 : i32
        %dma_start3A_253 = arith.constant 0 : i32
        %dma_start3A_254 = tpu.memref_slice %arg6[%arg0, %dma_start3A, %dma_start3A_253] : memref<2x25000x64xf32, #tpu.memory_space<hbm>> -> memref<1x1000x64xf32, #tpu.memory_space<hbm>>
        %dma_start3A_255 = tpu.memref_squeeze %dma_start3A_254 : memref<1x1000x64xf32, #tpu.memory_space<hbm>> -> memref<1000x64xf32, #tpu.memory_space<hbm>>
        %dma_start3A_256 = arith.constant 17000 : i32
        %dma_start3A_257 = arith.constant 0 : i32
        %dma_start3A_258 = tpu.memref_slice %arg10[%dma_start3A_256, %dma_start3A_257] : memref<25008x64xf32, #tpu.memory_space<vmem_shared>> -> memref<1000x64xf32, #tpu.memory_space<vmem_shared>>
        tpu.enqueue_dma source(%dma_start3A_258 : memref<1000x64xf32, #tpu.memory_space<vmem_shared>>) target(%dma_start3A_255 : memref<1000x64xf32, #tpu.memory_space<hbm>>) target_semaphore(%run_scoped3A : memref<!tpu.dma_semaphore, #tpu.memory_space<semaphore_mem>>)
        %dma_wait3A = arith.constant 17000 : i32
        %dma_wait3A_259 = arith.constant 0 : i32
        %dma_wait3A_260 = tpu.memref_slice %arg6[%arg0, %dma_wait3A, %dma_wait3A_259] : memref<2x25000x64xf32, #tpu.memory_space<hbm>> -> memref<1x1000x64xf32, #tpu.memory_space<hbm>>
        %dma_wait3A_261 = tpu.memref_squeeze %dma_wait3A_260 : memref<1x1000x64xf32, #tpu.memory_space<hbm>> -> memref<1000x64xf32, #tpu.memory_space<hbm>>
        %dma_wait3A_262 = arith.constant 17000 : i32
        %dma_wait3A_263 = arith.constant 0 : i32
        %dma_wait3A_264 = tpu.memref_slice %arg10[%dma_wait3A_262, %dma_wait3A_263] : memref<25008x64xf32, #tpu.memory_space<vmem_shared>> -> memref<1000x64xf32, #tpu.memory_space<vmem_shared>>
        tpu.wait_dma2 semaphore(%run_scoped3A : memref<!tpu.dma_semaphore, #tpu.memory_space<semaphore_mem>>) src(%dma_wait3A_264 : memref<1000x64xf32, #tpu.memory_space<vmem_shared>>) dst(%dma_wait3A_261 : memref<1000x64xf32, #tpu.memory_space<hbm>>)
        tpu.yield
      }) : () -> ()
    } else {
    }
    %eq3A_218 = arith.constant 2 : i32
    %eq3A_219 = arith.cmpi eq, %arg1, %eq3A_218 : i32
    %convert_element_type3A_220 = arith.extui %eq3A_219 : i1 to i32
    %cond3A_221 = arith.constant 0 : i32
    %cond3A_222 = arith.cmpi ne, %convert_element_type3A_220, %cond3A_221 : i32
    scf.if %cond3A_222 {
      "tpu.region"() ({
        %run_scoped3A = tpu.sem_alloc : memref<!tpu.dma_semaphore, #tpu.memory_space<semaphore_mem>>
        %dma_start3A = arith.constant 18000 : i32
        %dma_start3A_253 = arith.constant 0 : i32
        %dma_start3A_254 = tpu.memref_slice %arg6[%arg0, %dma_start3A, %dma_start3A_253] : memref<2x25000x64xf32, #tpu.memory_space<hbm>> -> memref<1x1000x64xf32, #tpu.memory_space<hbm>>
        %dma_start3A_255 = tpu.memref_squeeze %dma_start3A_254 : memref<1x1000x64xf32, #tpu.memory_space<hbm>> -> memref<1000x64xf32, #tpu.memory_space<hbm>>
        %dma_start3A_256 = arith.constant 18000 : i32
        %dma_start3A_257 = arith.constant 0 : i32
        %dma_start3A_258 = tpu.memref_slice %arg10[%dma_start3A_256, %dma_start3A_257] : memref<25008x64xf32, #tpu.memory_space<vmem_shared>> -> memref<1000x64xf32, #tpu.memory_space<vmem_shared>>
        tpu.enqueue_dma source(%dma_start3A_258 : memref<1000x64xf32, #tpu.memory_space<vmem_shared>>) target(%dma_start3A_255 : memref<1000x64xf32, #tpu.memory_space<hbm>>) target_semaphore(%run_scoped3A : memref<!tpu.dma_semaphore, #tpu.memory_space<semaphore_mem>>)
        %dma_wait3A = arith.constant 18000 : i32
        %dma_wait3A_259 = arith.constant 0 : i32
        %dma_wait3A_260 = tpu.memref_slice %arg6[%arg0, %dma_wait3A, %dma_wait3A_259] : memref<2x25000x64xf32, #tpu.memory_space<hbm>> -> memref<1x1000x64xf32, #tpu.memory_space<hbm>>
        %dma_wait3A_261 = tpu.memref_squeeze %dma_wait3A_260 : memref<1x1000x64xf32, #tpu.memory_space<hbm>> -> memref<1000x64xf32, #tpu.memory_space<hbm>>
        %dma_wait3A_262 = arith.constant 18000 : i32
        %dma_wait3A_263 = arith.constant 0 : i32
        %dma_wait3A_264 = tpu.memref_slice %arg10[%dma_wait3A_262, %dma_wait3A_263] : memref<25008x64xf32, #tpu.memory_space<vmem_shared>> -> memref<1000x64xf32, #tpu.memory_space<vmem_shared>>
        tpu.wait_dma2 semaphore(%run_scoped3A : memref<!tpu.dma_semaphore, #tpu.memory_space<semaphore_mem>>) src(%dma_wait3A_264 : memref<1000x64xf32, #tpu.memory_space<vmem_shared>>) dst(%dma_wait3A_261 : memref<1000x64xf32, #tpu.memory_space<hbm>>)
        tpu.yield
      }) : () -> ()
    } else {
    }
    %eq3A_223 = arith.constant 3 : i32
    %eq3A_224 = arith.cmpi eq, %arg1, %eq3A_223 : i32
    %convert_element_type3A_225 = arith.extui %eq3A_224 : i1 to i32
    %cond3A_226 = arith.constant 0 : i32
    %cond3A_227 = arith.cmpi ne, %convert_element_type3A_225, %cond3A_226 : i32
    scf.if %cond3A_227 {
      "tpu.region"() ({
        %run_scoped3A = tpu.sem_alloc : memref<!tpu.dma_semaphore, #tpu.memory_space<semaphore_mem>>
        %dma_start3A = arith.constant 19000 : i32
        %dma_start3A_253 = arith.constant 0 : i32
        %dma_start3A_254 = tpu.memref_slice %arg6[%arg0, %dma_start3A, %dma_start3A_253] : memref<2x25000x64xf32, #tpu.memory_space<hbm>> -> memref<1x1000x64xf32, #tpu.memory_space<hbm>>
        %dma_start3A_255 = tpu.memref_squeeze %dma_start3A_254 : memref<1x1000x64xf32, #tpu.memory_space<hbm>> -> memref<1000x64xf32, #tpu.memory_space<hbm>>
        %dma_start3A_256 = arith.constant 19000 : i32
        %dma_start3A_257 = arith.constant 0 : i32
        %dma_start3A_258 = tpu.memref_slice %arg10[%dma_start3A_256, %dma_start3A_257] : memref<25008x64xf32, #tpu.memory_space<vmem_shared>> -> memref<1000x64xf32, #tpu.memory_space<vmem_shared>>
        tpu.enqueue_dma source(%dma_start3A_258 : memref<1000x64xf32, #tpu.memory_space<vmem_shared>>) target(%dma_start3A_255 : memref<1000x64xf32, #tpu.memory_space<hbm>>) target_semaphore(%run_scoped3A : memref<!tpu.dma_semaphore, #tpu.memory_space<semaphore_mem>>)
        %dma_wait3A = arith.constant 19000 : i32
        %dma_wait3A_259 = arith.constant 0 : i32
        %dma_wait3A_260 = tpu.memref_slice %arg6[%arg0, %dma_wait3A, %dma_wait3A_259] : memref<2x25000x64xf32, #tpu.memory_space<hbm>> -> memref<1x1000x64xf32, #tpu.memory_space<hbm>>
        %dma_wait3A_261 = tpu.memref_squeeze %dma_wait3A_260 : memref<1x1000x64xf32, #tpu.memory_space<hbm>> -> memref<1000x64xf32, #tpu.memory_space<hbm>>
        %dma_wait3A_262 = arith.constant 19000 : i32
        %dma_wait3A_263 = arith.constant 0 : i32
        %dma_wait3A_264 = tpu.memref_slice %arg10[%dma_wait3A_262, %dma_wait3A_263] : memref<25008x64xf32, #tpu.memory_space<vmem_shared>> -> memref<1000x64xf32, #tpu.memory_space<vmem_shared>>
        tpu.wait_dma2 semaphore(%run_scoped3A : memref<!tpu.dma_semaphore, #tpu.memory_space<semaphore_mem>>) src(%dma_wait3A_264 : memref<1000x64xf32, #tpu.memory_space<vmem_shared>>) dst(%dma_wait3A_261 : memref<1000x64xf32, #tpu.memory_space<hbm>>)
        tpu.yield
      }) : () -> ()
    } else {
    }
    %eq3A_228 = arith.constant 4 : i32
    %eq3A_229 = arith.cmpi eq, %arg1, %eq3A_228 : i32
    %convert_element_type3A_230 = arith.extui %eq3A_229 : i1 to i32
    %cond3A_231 = arith.constant 0 : i32
    %cond3A_232 = arith.cmpi ne, %convert_element_type3A_230, %cond3A_231 : i32
    scf.if %cond3A_232 {
      "tpu.region"() ({
        %run_scoped3A = tpu.sem_alloc : memref<!tpu.dma_semaphore, #tpu.memory_space<semaphore_mem>>
        %dma_start3A = arith.constant 20000 : i32
        %dma_start3A_253 = arith.constant 0 : i32
        %dma_start3A_254 = tpu.memref_slice %arg6[%arg0, %dma_start3A, %dma_start3A_253] : memref<2x25000x64xf32, #tpu.memory_space<hbm>> -> memref<1x1000x64xf32, #tpu.memory_space<hbm>>
        %dma_start3A_255 = tpu.memref_squeeze %dma_start3A_254 : memref<1x1000x64xf32, #tpu.memory_space<hbm>> -> memref<1000x64xf32, #tpu.memory_space<hbm>>
        %dma_start3A_256 = arith.constant 20000 : i32
        %dma_start3A_257 = arith.constant 0 : i32
        %dma_start3A_258 = tpu.memref_slice %arg10[%dma_start3A_256, %dma_start3A_257] : memref<25008x64xf32, #tpu.memory_space<vmem_shared>> -> memref<1000x64xf32, #tpu.memory_space<vmem_shared>>
        tpu.enqueue_dma source(%dma_start3A_258 : memref<1000x64xf32, #tpu.memory_space<vmem_shared>>) target(%dma_start3A_255 : memref<1000x64xf32, #tpu.memory_space<hbm>>) target_semaphore(%run_scoped3A : memref<!tpu.dma_semaphore, #tpu.memory_space<semaphore_mem>>)
        %dma_wait3A = arith.constant 20000 : i32
        %dma_wait3A_259 = arith.constant 0 : i32
        %dma_wait3A_260 = tpu.memref_slice %arg6[%arg0, %dma_wait3A, %dma_wait3A_259] : memref<2x25000x64xf32, #tpu.memory_space<hbm>> -> memref<1x1000x64xf32, #tpu.memory_space<hbm>>
        %dma_wait3A_261 = tpu.memref_squeeze %dma_wait3A_260 : memref<1x1000x64xf32, #tpu.memory_space<hbm>> -> memref<1000x64xf32, #tpu.memory_space<hbm>>
        %dma_wait3A_262 = arith.constant 20000 : i32
        %dma_wait3A_263 = arith.constant 0 : i32
        %dma_wait3A_264 = tpu.memref_slice %arg10[%dma_wait3A_262, %dma_wait3A_263] : memref<25008x64xf32, #tpu.memory_space<vmem_shared>> -> memref<1000x64xf32, #tpu.memory_space<vmem_shared>>
        tpu.wait_dma2 semaphore(%run_scoped3A : memref<!tpu.dma_semaphore, #tpu.memory_space<semaphore_mem>>) src(%dma_wait3A_264 : memref<1000x64xf32, #tpu.memory_space<vmem_shared>>) dst(%dma_wait3A_261 : memref<1000x64xf32, #tpu.memory_space<hbm>>)
        tpu.yield
      }) : () -> ()
    } else {
    }
    %eq3A_233 = arith.constant 5 : i32
    %eq3A_234 = arith.cmpi eq, %arg1, %eq3A_233 : i32
    %convert_element_type3A_235 = arith.extui %eq3A_234 : i1 to i32
    %cond3A_236 = arith.constant 0 : i32
    %cond3A_237 = arith.cmpi ne, %convert_element_type3A_235, %cond3A_236 : i32
    scf.if %cond3A_237 {
      "tpu.region"() ({
        %run_scoped3A = tpu.sem_alloc : memref<!tpu.dma_semaphore, #tpu.memory_space<semaphore_mem>>
        %dma_start3A = arith.constant 21000 : i32
        %dma_start3A_253 = arith.constant 0 : i32
        %dma_start3A_254 = tpu.memref_slice %arg6[%arg0, %dma_start3A, %dma_start3A_253] : memref<2x25000x64xf32, #tpu.memory_space<hbm>> -> memref<1x1000x64xf32, #tpu.memory_space<hbm>>
        %dma_start3A_255 = tpu.memref_squeeze %dma_start3A_254 : memref<1x1000x64xf32, #tpu.memory_space<hbm>> -> memref<1000x64xf32, #tpu.memory_space<hbm>>
        %dma_start3A_256 = arith.constant 21000 : i32
        %dma_start3A_257 = arith.constant 0 : i32
        %dma_start3A_258 = tpu.memref_slice %arg10[%dma_start3A_256, %dma_start3A_257] : memref<25008x64xf32, #tpu.memory_space<vmem_shared>> -> memref<1000x64xf32, #tpu.memory_space<vmem_shared>>
        tpu.enqueue_dma source(%dma_start3A_258 : memref<1000x64xf32, #tpu.memory_space<vmem_shared>>) target(%dma_start3A_255 : memref<1000x64xf32, #tpu.memory_space<hbm>>) target_semaphore(%run_scoped3A : memref<!tpu.dma_semaphore, #tpu.memory_space<semaphore_mem>>)
        %dma_wait3A = arith.constant 21000 : i32
        %dma_wait3A_259 = arith.constant 0 : i32
        %dma_wait3A_260 = tpu.memref_slice %arg6[%arg0, %dma_wait3A, %dma_wait3A_259] : memref<2x25000x64xf32, #tpu.memory_space<hbm>> -> memref<1x1000x64xf32, #tpu.memory_space<hbm>>
        %dma_wait3A_261 = tpu.memref_squeeze %dma_wait3A_260 : memref<1x1000x64xf32, #tpu.memory_space<hbm>> -> memref<1000x64xf32, #tpu.memory_space<hbm>>
        %dma_wait3A_262 = arith.constant 21000 : i32
        %dma_wait3A_263 = arith.constant 0 : i32
        %dma_wait3A_264 = tpu.memref_slice %arg10[%dma_wait3A_262, %dma_wait3A_263] : memref<25008x64xf32, #tpu.memory_space<vmem_shared>> -> memref<1000x64xf32, #tpu.memory_space<vmem_shared>>
        tpu.wait_dma2 semaphore(%run_scoped3A : memref<!tpu.dma_semaphore, #tpu.memory_space<semaphore_mem>>) src(%dma_wait3A_264 : memref<1000x64xf32, #tpu.memory_space<vmem_shared>>) dst(%dma_wait3A_261 : memref<1000x64xf32, #tpu.memory_space<hbm>>)
        tpu.yield
      }) : () -> ()
    } else {
    }
    %eq3A_238 = arith.constant 6 : i32
    %eq3A_239 = arith.cmpi eq, %arg1, %eq3A_238 : i32
    %convert_element_type3A_240 = arith.extui %eq3A_239 : i1 to i32
    %cond3A_241 = arith.constant 0 : i32
    %cond3A_242 = arith.cmpi ne, %convert_element_type3A_240, %cond3A_241 : i32
    scf.if %cond3A_242 {
      "tpu.region"() ({
        %run_scoped3A = tpu.sem_alloc : memref<!tpu.dma_semaphore, #tpu.memory_space<semaphore_mem>>
        %dma_start3A = arith.constant 22000 : i32
        %dma_start3A_253 = arith.constant 0 : i32
        %dma_start3A_254 = tpu.memref_slice %arg6[%arg0, %dma_start3A, %dma_start3A_253] : memref<2x25000x64xf32, #tpu.memory_space<hbm>> -> memref<1x1000x64xf32, #tpu.memory_space<hbm>>
        %dma_start3A_255 = tpu.memref_squeeze %dma_start3A_254 : memref<1x1000x64xf32, #tpu.memory_space<hbm>> -> memref<1000x64xf32, #tpu.memory_space<hbm>>
        %dma_start3A_256 = arith.constant 22000 : i32
        %dma_start3A_257 = arith.constant 0 : i32
        %dma_start3A_258 = tpu.memref_slice %arg10[%dma_start3A_256, %dma_start3A_257] : memref<25008x64xf32, #tpu.memory_space<vmem_shared>> -> memref<1000x64xf32, #tpu.memory_space<vmem_shared>>
        tpu.enqueue_dma source(%dma_start3A_258 : memref<1000x64xf32, #tpu.memory_space<vmem_shared>>) target(%dma_start3A_255 : memref<1000x64xf32, #tpu.memory_space<hbm>>) target_semaphore(%run_scoped3A : memref<!tpu.dma_semaphore, #tpu.memory_space<semaphore_mem>>)
        %dma_wait3A = arith.constant 22000 : i32
        %dma_wait3A_259 = arith.constant 0 : i32
        %dma_wait3A_260 = tpu.memref_slice %arg6[%arg0, %dma_wait3A, %dma_wait3A_259] : memref<2x25000x64xf32, #tpu.memory_space<hbm>> -> memref<1x1000x64xf32, #tpu.memory_space<hbm>>
        %dma_wait3A_261 = tpu.memref_squeeze %dma_wait3A_260 : memref<1x1000x64xf32, #tpu.memory_space<hbm>> -> memref<1000x64xf32, #tpu.memory_space<hbm>>
        %dma_wait3A_262 = arith.constant 22000 : i32
        %dma_wait3A_263 = arith.constant 0 : i32
        %dma_wait3A_264 = tpu.memref_slice %arg10[%dma_wait3A_262, %dma_wait3A_263] : memref<25008x64xf32, #tpu.memory_space<vmem_shared>> -> memref<1000x64xf32, #tpu.memory_space<vmem_shared>>
        tpu.wait_dma2 semaphore(%run_scoped3A : memref<!tpu.dma_semaphore, #tpu.memory_space<semaphore_mem>>) src(%dma_wait3A_264 : memref<1000x64xf32, #tpu.memory_space<vmem_shared>>) dst(%dma_wait3A_261 : memref<1000x64xf32, #tpu.memory_space<hbm>>)
        tpu.yield
      }) : () -> ()
    } else {
    }
    %eq3A_243 = arith.constant 7 : i32
    %eq3A_244 = arith.cmpi eq, %arg1, %eq3A_243 : i32
    %convert_element_type3A_245 = arith.extui %eq3A_244 : i1 to i32
    %cond3A_246 = arith.constant 0 : i32
    %cond3A_247 = arith.cmpi ne, %convert_element_type3A_245, %cond3A_246 : i32
    scf.if %cond3A_247 {
      "tpu.region"() ({
        %run_scoped3A = tpu.sem_alloc : memref<!tpu.dma_semaphore, #tpu.memory_space<semaphore_mem>>
        %dma_start3A = arith.constant 23000 : i32
        %dma_start3A_253 = arith.constant 0 : i32
        %dma_start3A_254 = tpu.memref_slice %arg6[%arg0, %dma_start3A, %dma_start3A_253] : memref<2x25000x64xf32, #tpu.memory_space<hbm>> -> memref<1x1000x64xf32, #tpu.memory_space<hbm>>
        %dma_start3A_255 = tpu.memref_squeeze %dma_start3A_254 : memref<1x1000x64xf32, #tpu.memory_space<hbm>> -> memref<1000x64xf32, #tpu.memory_space<hbm>>
        %dma_start3A_256 = arith.constant 23000 : i32
        %dma_start3A_257 = arith.constant 0 : i32
        %dma_start3A_258 = tpu.memref_slice %arg10[%dma_start3A_256, %dma_start3A_257] : memref<25008x64xf32, #tpu.memory_space<vmem_shared>> -> memref<1000x64xf32, #tpu.memory_space<vmem_shared>>
        tpu.enqueue_dma source(%dma_start3A_258 : memref<1000x64xf32, #tpu.memory_space<vmem_shared>>) target(%dma_start3A_255 : memref<1000x64xf32, #tpu.memory_space<hbm>>) target_semaphore(%run_scoped3A : memref<!tpu.dma_semaphore, #tpu.memory_space<semaphore_mem>>)
        %dma_wait3A = arith.constant 23000 : i32
        %dma_wait3A_259 = arith.constant 0 : i32
        %dma_wait3A_260 = tpu.memref_slice %arg6[%arg0, %dma_wait3A, %dma_wait3A_259] : memref<2x25000x64xf32, #tpu.memory_space<hbm>> -> memref<1x1000x64xf32, #tpu.memory_space<hbm>>
        %dma_wait3A_261 = tpu.memref_squeeze %dma_wait3A_260 : memref<1x1000x64xf32, #tpu.memory_space<hbm>> -> memref<1000x64xf32, #tpu.memory_space<hbm>>
        %dma_wait3A_262 = arith.constant 23000 : i32
        %dma_wait3A_263 = arith.constant 0 : i32
        %dma_wait3A_264 = tpu.memref_slice %arg10[%dma_wait3A_262, %dma_wait3A_263] : memref<25008x64xf32, #tpu.memory_space<vmem_shared>> -> memref<1000x64xf32, #tpu.memory_space<vmem_shared>>
        tpu.wait_dma2 semaphore(%run_scoped3A : memref<!tpu.dma_semaphore, #tpu.memory_space<semaphore_mem>>) src(%dma_wait3A_264 : memref<1000x64xf32, #tpu.memory_space<vmem_shared>>) dst(%dma_wait3A_261 : memref<1000x64xf32, #tpu.memory_space<hbm>>)
        tpu.yield
      }) : () -> ()
    } else {
    }
    %eq3A_248 = arith.constant 8 : i32
    %eq3A_249 = arith.cmpi eq, %arg1, %eq3A_248 : i32
    %convert_element_type3A_250 = arith.extui %eq3A_249 : i1 to i32
    %cond3A_251 = arith.constant 0 : i32
    %cond3A_252 = arith.cmpi ne, %convert_element_type3A_250, %cond3A_251 : i32
    scf.if %cond3A_252 {
      "tpu.region"() ({
        %run_scoped3A = tpu.sem_alloc : memref<!tpu.dma_semaphore, #tpu.memory_space<semaphore_mem>>
        %dma_start3A = arith.constant 24000 : i32
        %dma_start3A_253 = arith.constant 0 : i32
        %dma_start3A_254 = tpu.memref_slice %arg6[%arg0, %dma_start3A, %dma_start3A_253] : memref<2x25000x64xf32, #tpu.memory_space<hbm>> -> memref<1x1000x64xf32, #tpu.memory_space<hbm>>
        %dma_start3A_255 = tpu.memref_squeeze %dma_start3A_254 : memref<1x1000x64xf32, #tpu.memory_space<hbm>> -> memref<1000x64xf32, #tpu.memory_space<hbm>>
        %dma_start3A_256 = arith.constant 24000 : i32
        %dma_start3A_257 = arith.constant 0 : i32
        %dma_start3A_258 = tpu.memref_slice %arg10[%dma_start3A_256, %dma_start3A_257] : memref<25008x64xf32, #tpu.memory_space<vmem_shared>> -> memref<1000x64xf32, #tpu.memory_space<vmem_shared>>
        tpu.enqueue_dma source(%dma_start3A_258 : memref<1000x64xf32, #tpu.memory_space<vmem_shared>>) target(%dma_start3A_255 : memref<1000x64xf32, #tpu.memory_space<hbm>>) target_semaphore(%run_scoped3A : memref<!tpu.dma_semaphore, #tpu.memory_space<semaphore_mem>>)
        %dma_wait3A = arith.constant 24000 : i32
        %dma_wait3A_259 = arith.constant 0 : i32
        %dma_wait3A_260 = tpu.memref_slice %arg6[%arg0, %dma_wait3A, %dma_wait3A_259] : memref<2x25000x64xf32, #tpu.memory_space<hbm>> -> memref<1x1000x64xf32, #tpu.memory_space<hbm>>
        %dma_wait3A_261 = tpu.memref_squeeze %dma_wait3A_260 : memref<1x1000x64xf32, #tpu.memory_space<hbm>> -> memref<1000x64xf32, #tpu.memory_space<hbm>>
        %dma_wait3A_262 = arith.constant 24000 : i32
        %dma_wait3A_263 = arith.constant 0 : i32
        %dma_wait3A_264 = tpu.memref_slice %arg10[%dma_wait3A_262, %dma_wait3A_263] : memref<25008x64xf32, #tpu.memory_space<vmem_shared>> -> memref<1000x64xf32, #tpu.memory_space<vmem_shared>>
        tpu.wait_dma2 semaphore(%run_scoped3A : memref<!tpu.dma_semaphore, #tpu.memory_space<semaphore_mem>>) src(%dma_wait3A_264 : memref<1000x64xf32, #tpu.memory_space<vmem_shared>>) dst(%dma_wait3A_261 : memref<1000x64xf32, #tpu.memory_space<hbm>>)
        tpu.yield
      }) : () -> ()
    } else {
    }
    return
  }
}

module attributes {stable_mosaic.version = 14 : i64} {
  func.func @_scale_body(%arg0: i32, %arg1: memref<1x1000x1xf32, #tpu.memory_space<vmem>>, %arg2: memref<1000x64xf32, #tpu.memory_space<vmem>>, %arg3: memref<1000x64xf32, #tpu.memory_space<vmem>>) attributes {dimension_semantics = [#tpu.dimension_semantics<arbitrary>], iteration_bounds = array<i64: 50>, scalar_prefetch = 0 : i64, scratch_operands = 0 : i64, tpu.core_type = #tpu.core_type<tc>, window_params = [{transform_indices = @transform_0, window_bounds = array<i64: 1, 1000, 1>}, {transform_indices = @transform_1, window_bounds = array<i64: 1000, 64>}, {transform_indices = @transform_2, window_bounds = array<i64: 1000, 64>}]} {
    %get3A = arith.constant 0 : index
    %get3A_0 = arith.constant 0 : index
    %get3A_1 = arith.constant 0 : index
    %get3A_2 = vector.load %arg1[%get3A, %get3A_0, %get3A_1] : memref<1x1000x1xf32, #tpu.memory_space<vmem>>, vector<1x1000x1xf32>
    %reshape3A = vector.shape_cast %get3A_2 : vector<1x1000x1xf32> to vector<1000x1xf32>
    %gt3A = arith.constant 0.000000e+00 : f32
    %gt3A_3 = vector.broadcast %gt3A : f32 to vector<1000x1xf32>
    %gt3A_4 = arith.cmpf ogt, %reshape3A, %gt3A_3 : vector<1000x1xf32>
    %max3A = arith.constant 9.99999996E-13 : f32
    %max3A_5 = vector.broadcast %max3A : f32 to vector<1000x1xf32>
    %max3A_6 = arith.maximumf %reshape3A, %max3A_5 : vector<1000x1xf32>
    %rsqrt3A = math.rsqrt %max3A_6 : vector<1000x1xf32>
    %jit3A = arith.constant 0.000000e+00 : f32
    %broadcast_in_dim3A = vector.broadcast %jit3A : f32 to vector<1000x1xf32>
    %select_n3A = arith.select %gt3A_4, %rsqrt3A, %broadcast_in_dim3A : vector<1000x1xi1>, vector<1000x1xf32>
    %get3A_7 = arith.constant 0 : index
    %get3A_8 = arith.constant 0 : index
    %get3A_9 = vector.load %arg2[%get3A_7, %get3A_8] : memref<1000x64xf32, #tpu.memory_space<vmem>>, vector<1000x64xf32>
    %mul3A = vector.broadcast %select_n3A : vector<1000x1xf32> to vector<1000x64xf32>
    %mul3A_10 = arith.mulf %get3A_9, %mul3A : vector<1000x64xf32>
    %swap3A = arith.constant 0 : index
    %swap3A_11 = arith.constant 0 : index
    %swap3A_12 = vector.load %arg3[%swap3A, %swap3A_11] : memref<1000x64xf32, #tpu.memory_space<vmem>>, vector<1000x64xf32>
    tpu.vector_store %arg3[%swap3A, %swap3A_11], %mul3A_10 {strides = array<i32>} : memref<1000x64xf32, #tpu.memory_space<vmem>>, vector<1000x64xf32>,
    return
  }
  func.func @transform_0(%arg0: i32) -> (i32, i32, i32) {
    %jit3A = arith.constant 25 : i32
    %div3A = arith.divsi %arg0, %jit3A : i32
    %sign3A = arith.constant 0 : i32
    %sign3A_0 = arith.cmpi sgt, %arg0, %sign3A : i32
    %sign3A_1 = arith.extui %sign3A_0 : i1 to i32
    %sign3A_2 = arith.constant 0 : i32
    %sign3A_3 = arith.cmpi slt, %arg0, %sign3A_2 : i32
    %sign3A_4 = arith.extui %sign3A_3 : i1 to i32
    %sign3A_5 = arith.subi %sign3A_1, %sign3A_4 : i32
    %sign3A_6 = arith.constant 0 : i32
    %sign3A_7 = arith.cmpi sgt, %jit3A, %sign3A_6 : i32
    %sign3A_8 = arith.extui %sign3A_7 : i1 to i32
    %sign3A_9 = arith.constant 0 : i32
    %sign3A_10 = arith.cmpi slt, %jit3A, %sign3A_9 : i32
    %sign3A_11 = arith.extui %sign3A_10 : i1 to i32
    %sign3A_12 = arith.subi %sign3A_8, %sign3A_11 : i32
    %ne3A = arith.cmpi ne, %sign3A_5, %sign3A_12 : i32
    %rem3A = arith.remsi %arg0, %jit3A : i32
    %ne3A_13 = arith.constant 0 : i32
    %ne3A_14 = arith.cmpi ne, %rem3A, %ne3A_13 : i32
    %and3A = arith.andi %ne3A, %ne3A_14 : i1
    %sub3A = arith.constant 1 : i32
    %sub3A_15 = arith.subi %div3A, %sub3A : i32
    %select_n3A = arith.select %and3A, %sub3A_15, %div3A : i32
    %jit3A_16 = arith.constant 25 : i32
    %eq3A = arith.constant 0 : i32
    %eq3A_17 = arith.cmpi eq, %jit3A_16, %eq3A : i32
    %jit3A_18 = arith.constant 1 : i32
    %select_n3A_19 = arith.select %eq3A_17, %jit3A_18, %jit3A_16 : i32
    %rem3A_20 = arith.remsi %arg0, %select_n3A_19 : i32
    %ne3A_21 = arith.constant 0 : i32
    %ne3A_22 = arith.cmpi ne, %rem3A_20, %ne3A_21 : i32
    %lt3A = arith.constant 0 : i32
    %lt3A_23 = arith.cmpi slt, %rem3A_20, %lt3A : i32
    %lt3A_24 = arith.constant 0 : i32
    %lt3A_25 = arith.cmpi slt, %select_n3A_19, %lt3A_24 : i32
    %ne3A_26 = arith.xori %lt3A_23, %lt3A_25 : i1
    %and3A_27 = arith.andi %ne3A_26, %ne3A_22 : i1
    %add3A = arith.addi %rem3A_20, %select_n3A_19 : i32
    %select_n3A_28 = arith.select %and3A_27, %add3A, %rem3A_20 : i32
    %c0_i32 = arith.constant 0 : i32
    %c0_i32_29 = arith.constant 0 : i32
    return %select_n3A, %select_n3A_28, %c0_i32 : i32, i32, i32
  }
  func.func @transform_1(%arg0: i32) -> (i32, i32) {
    %c0_i32 = arith.constant 0 : i32
    %c0_i32_0 = arith.constant 0 : i32
    return %arg0, %c0_i32 : i32, i32
  }
  func.func @transform_2(%arg0: i32) -> (i32, i32) {
    %c0_i32 = arith.constant 0 : i32
    %c0_i32_0 = arith.constant 0 : i32
    return %arg0, %c0_i32 : i32, i32
  }
}

module attributes {stable_mosaic.version = 14 : i64} {
  func.func @_blend_body(%arg0: i32, %arg1: memref<1x1000x1xf32, #tpu.memory_space<vmem>>, %arg2: memref<1000x64xf32, #tpu.memory_space<vmem>>, %arg3: memref<1x1000x64xf32, #tpu.memory_space<vmem>>, %arg4: memref<1000x64xf32, #tpu.memory_space<vmem>>) attributes {dimension_semantics = [#tpu.dimension_semantics<arbitrary>], iteration_bounds = array<i64: 50>, scalar_prefetch = 0 : i64, scratch_operands = 0 : i64, tpu.core_type = #tpu.core_type<tc>, window_params = [{transform_indices = @transform_0, window_bounds = array<i64: 1, 1000, 1>}, {transform_indices = @transform_1, window_bounds = array<i64: 1000, 64>}, {transform_indices = @transform_2, window_bounds = array<i64: 1, 1000, 64>}, {transform_indices = @transform_3, window_bounds = array<i64: 1000, 64>}]} {
    %get3A = arith.constant 0 : index
    %get3A_0 = arith.constant 0 : index
    %get3A_1 = arith.constant 0 : index
    %get3A_2 = vector.load %arg1[%get3A, %get3A_0, %get3A_1] : memref<1x1000x1xf32, #tpu.memory_space<vmem>>, vector<1x1000x1xf32>
    %reshape3A = vector.shape_cast %get3A_2 : vector<1x1000x1xf32> to vector<1000x1xf32>
    %gt3A = arith.constant 0.000000e+00 : f32
    %gt3A_3 = vector.broadcast %gt3A : f32 to vector<1000x1xf32>
    %gt3A_4 = arith.cmpf ogt, %reshape3A, %gt3A_3 : vector<1000x1xf32>
    %max3A = arith.constant 9.99999996E-13 : f32
    %max3A_5 = vector.broadcast %max3A : f32 to vector<1000x1xf32>
    %max3A_6 = arith.maximumf %reshape3A, %max3A_5 : vector<1000x1xf32>
    %rsqrt3A = math.rsqrt %max3A_6 : vector<1000x1xf32>
    %jit3A = arith.constant 0.000000e+00 : f32
    %broadcast_in_dim3A = vector.broadcast %jit3A : f32 to vector<1000x1xf32>
    %select_n3A = arith.select %gt3A_4, %rsqrt3A, %broadcast_in_dim3A : vector<1000x1xi1>, vector<1000x1xf32>
    %get3A_7 = arith.constant 0 : index
    %get3A_8 = arith.constant 0 : index
    %get3A_9 = vector.load %arg2[%get3A_7, %get3A_8] : memref<1000x64xf32, #tpu.memory_space<vmem>>, vector<1000x64xf32>
    %mul3A = arith.constant 2.500000e-01 : f32
    %mul3A_10 = vector.broadcast %mul3A : f32 to vector<1000x64xf32>
    %mul3A_11 = arith.mulf %mul3A_10, %get3A_9 : vector<1000x64xf32>
    %mul3A_12 = arith.constant 7.500000e-01 : f32
    %mul3A_13 = vector.broadcast %mul3A_12 : f32 to vector<1000x1xf32>
    %mul3A_14 = arith.mulf %mul3A_13, %select_n3A : vector<1000x1xf32>
    %get3A_15 = arith.constant 0 : index
    %get3A_16 = arith.constant 0 : index
    %get3A_17 = arith.constant 0 : index
    %get3A_18 = vector.load %arg3[%get3A_15, %get3A_16, %get3A_17] : memref<1x1000x64xf32, #tpu.memory_space<vmem>>, vector<1x1000x64xf32>
    %reshape3A_19 = vector.shape_cast %get3A_18 : vector<1x1000x64xf32> to vector<1000x64xf32>
    %mul3A_20 = vector.broadcast %mul3A_14 : vector<1000x1xf32> to vector<1000x64xf32>
    %mul3A_21 = arith.mulf %mul3A_20, %reshape3A_19 : vector<1000x64xf32>
    %add3A = arith.addf %mul3A_11, %mul3A_21 : vector<1000x64xf32>
    %swap3A = arith.constant 0 : index
    %swap3A_22 = arith.constant 0 : index
    %swap3A_23 = vector.load %arg4[%swap3A, %swap3A_22] : memref<1000x64xf32, #tpu.memory_space<vmem>>, vector<1000x64xf32>
    tpu.vector_store %arg4[%swap3A, %swap3A_22], %add3A {strides = array<i32>} : memref<1000x64xf32, #tpu.memory_space<vmem>>, vector<1000x64xf32>,
    return
  }
  func.func @transform_0(%arg0: i32) -> (i32, i32, i32) {
    %jit3A = arith.constant 25 : i32
    %div3A = arith.divsi %arg0, %jit3A : i32
    %sign3A = arith.constant 0 : i32
    %sign3A_0 = arith.cmpi sgt, %arg0, %sign3A : i32
    %sign3A_1 = arith.extui %sign3A_0 : i1 to i32
    %sign3A_2 = arith.constant 0 : i32
    %sign3A_3 = arith.cmpi slt, %arg0, %sign3A_2 : i32
    %sign3A_4 = arith.extui %sign3A_3 : i1 to i32
    %sign3A_5 = arith.subi %sign3A_1, %sign3A_4 : i32
    %sign3A_6 = arith.constant 0 : i32
    %sign3A_7 = arith.cmpi sgt, %jit3A, %sign3A_6 : i32
    %sign3A_8 = arith.extui %sign3A_7 : i1 to i32
    %sign3A_9 = arith.constant 0 : i32
    %sign3A_10 = arith.cmpi slt, %jit3A, %sign3A_9 : i32
    %sign3A_11 = arith.extui %sign3A_10 : i1 to i32
    %sign3A_12 = arith.subi %sign3A_8, %sign3A_11 : i32
    %ne3A = arith.cmpi ne, %sign3A_5, %sign3A_12 : i32
    %rem3A = arith.remsi %arg0, %jit3A : i32
    %ne3A_13 = arith.constant 0 : i32
    %ne3A_14 = arith.cmpi ne, %rem3A, %ne3A_13 : i32
    %and3A = arith.andi %ne3A, %ne3A_14 : i1
    %sub3A = arith.constant 1 : i32
    %sub3A_15 = arith.subi %div3A, %sub3A : i32
    %select_n3A = arith.select %and3A, %sub3A_15, %div3A : i32
    %jit3A_16 = arith.constant 25 : i32
    %eq3A = arith.constant 0 : i32
    %eq3A_17 = arith.cmpi eq, %jit3A_16, %eq3A : i32
    %jit3A_18 = arith.constant 1 : i32
    %select_n3A_19 = arith.select %eq3A_17, %jit3A_18, %jit3A_16 : i32
    %rem3A_20 = arith.remsi %arg0, %select_n3A_19 : i32
    %ne3A_21 = arith.constant 0 : i32
    %ne3A_22 = arith.cmpi ne, %rem3A_20, %ne3A_21 : i32
    %lt3A = arith.constant 0 : i32
    %lt3A_23 = arith.cmpi slt, %rem3A_20, %lt3A : i32
    %lt3A_24 = arith.constant 0 : i32
    %lt3A_25 = arith.cmpi slt, %select_n3A_19, %lt3A_24 : i32
    %ne3A_26 = arith.xori %lt3A_23, %lt3A_25 : i1
    %and3A_27 = arith.andi %ne3A_26, %ne3A_22 : i1
    %add3A = arith.addi %rem3A_20, %select_n3A_19 : i32
    %select_n3A_28 = arith.select %and3A_27, %add3A, %rem3A_20 : i32
    %c0_i32 = arith.constant 0 : i32
    %c0_i32_29 = arith.constant 0 : i32
    return %select_n3A, %select_n3A_28, %c0_i32 : i32, i32, i32
  }
  func.func @transform_1(%arg0: i32) -> (i32, i32) {
    %c0_i32 = arith.constant 0 : i32
    %c0_i32_0 = arith.constant 0 : i32
    return %arg0, %c0_i32 : i32, i32
  }
  func.func @transform_2(%arg0: i32) -> (i32, i32, i32) {
    %jit3A = arith.constant 25 : i32
    %div3A = arith.divsi %arg0, %jit3A : i32
    %sign3A = arith.constant 0 : i32
    %sign3A_0 = arith.cmpi sgt, %arg0, %sign3A : i32
    %sign3A_1 = arith.extui %sign3A_0 : i1 to i32
    %sign3A_2 = arith.constant 0 : i32
    %sign3A_3 = arith.cmpi slt, %arg0, %sign3A_2 : i32
    %sign3A_4 = arith.extui %sign3A_3 : i1 to i32
    %sign3A_5 = arith.subi %sign3A_1, %sign3A_4 : i32
    %sign3A_6 = arith.constant 0 : i32
    %sign3A_7 = arith.cmpi sgt, %jit3A, %sign3A_6 : i32
    %sign3A_8 = arith.extui %sign3A_7 : i1 to i32
    %sign3A_9 = arith.constant 0 : i32
    %sign3A_10 = arith.cmpi slt, %jit3A, %sign3A_9 : i32
    %sign3A_11 = arith.extui %sign3A_10 : i1 to i32
    %sign3A_12 = arith.subi %sign3A_8, %sign3A_11 : i32
    %ne3A = arith.cmpi ne, %sign3A_5, %sign3A_12 : i32
    %rem3A = arith.remsi %arg0, %jit3A : i32
    %ne3A_13 = arith.constant 0 : i32
    %ne3A_14 = arith.cmpi ne, %rem3A, %ne3A_13 : i32
    %and3A = arith.andi %ne3A, %ne3A_14 : i1
    %sub3A = arith.constant 1 : i32
    %sub3A_15 = arith.subi %div3A, %sub3A : i32
    %select_n3A = arith.select %and3A, %sub3A_15, %div3A : i32
    %jit3A_16 = arith.constant 25 : i32
    %eq3A = arith.constant 0 : i32
    %eq3A_17 = arith.cmpi eq, %jit3A_16, %eq3A : i32
    %jit3A_18 = arith.constant 1 : i32
    %select_n3A_19 = arith.select %eq3A_17, %jit3A_18, %jit3A_16 : i32
    %rem3A_20 = arith.remsi %arg0, %select_n3A_19 : i32
    %ne3A_21 = arith.constant 0 : i32
    %ne3A_22 = arith.cmpi ne, %rem3A_20, %ne3A_21 : i32
    %lt3A = arith.constant 0 : i32
    %lt3A_23 = arith.cmpi slt, %rem3A_20, %lt3A : i32
    %lt3A_24 = arith.constant 0 : i32
    %lt3A_25 = arith.cmpi slt, %select_n3A_19, %lt3A_24 : i32
    %ne3A_26 = arith.xori %lt3A_23, %lt3A_25 : i1
    %and3A_27 = arith.andi %ne3A_26, %ne3A_22 : i1
    %add3A = arith.addi %rem3A_20, %select_n3A_19 : i32
    %select_n3A_28 = arith.select %and3A_27, %add3A, %rem3A_20 : i32
    %c0_i32 = arith.constant 0 : i32
    %c0_i32_29 = arith.constant 0 : i32
    return %select_n3A, %select_n3A_28, %c0_i32 : i32, i32, i32
  }
  func.func @transform_3(%arg0: i32) -> (i32, i32) {
    %c0_i32 = arith.constant 0 : i32
    %c0_i32_0 = arith.constant 0 : i32
    return %arg0, %c0_i32 : i32, i32
  }
}

</mosaic_0001>

<sc_bundles>
// kernel: kernel.6.cloned.1.call-start
scs
__scs_entry_jumppad:
0x0: {  	(pc) =	sbr.rel $0x88, $3  }
0x1: {  	(tag) =	ssettag $0x0;
	lr =	simm.s32 $0x1  }
0x2: {  	[smem:$0x3F9E] =	sst lr;
	_ =	strace $0xD0000000  }
0x3: {  	_ = 	snop  }
0x4: {  	_ = 	snop  }
0x5: {  	_ = 	snop  }
0x6: {  	_ = 	snop  }
0x7: {  	_ = 	snop  }
__scs_overlays_trampoline_lowered:
0x8: {  	[smem:$0x3FAD] =	sst s0  }
0x9: {  	[smem:$0x3FAE] =	sst s1  }
0xa: {  	[smem:$0x3FAF] =	sst s2  }
0xb: {  	[smem:$0x3FB0] =	sst s3  }
0xc: {  	[smem:$0x3FB1] =	sst s4  }
0xd: {  	[smem:$0x3FB2] =	sst s5  }
0xe: {  	[smem:$0x3FB3] =	sst s6  }
0xf: {  	[smem:$0x3FB4] =	sst s7  }
0x10: {  	[smem:$0x3FB5] =	sst s8  }
0x11: {  	[smem:$0x3FB6] =	sst s9;
	s0 =	simm.s32 @!p0 $0x0  }
0x12: {  	s1 =	sld [smem:$0x3F9C];
	s0 =	simm.s32 @p0 $0x1  }
0x13: {  	[smem:$0x3FB7] =	sst s0;
	s0 =	simm.s32 @!p1 $0x0  }
0x14: {  	s2 =	sld [smem:$0x3F9B];
	s0 =	simm.s32 @p1 $0x1  }
0x15: {  	[smem:$0x3FB8] =	sst s0;
	s0 =	simm.s32 @!p2 $0x0  }
0x16: {  	s3 =	sld [smem:$0x3FDB];
	s0 =	simm.s32 @p2 $0x1  }
0x17: {  	s4 =	simm.s32 $0x1BF5;
	[smem:$0x3FBA] =	sst s0  }
0x18: {  	s0 =	sld [smem:$0x3F9D];
	_ =	swait.ge [sflag:s4], $0x0  }
0x19: {  	s7 =	sld [smem:$0x3F9E]  }
0x1a: {  	s8 =	sadd.s32 $0xFFFFE003, lr  }
0x1b: {  	s9 =	sadd.s32 $0xFFFFFEF7, lr;
	s5 =	simm.s32 $0xFFFFFFFF;
	p2 =	slt.u32 s8, $0xFFFFF086  }
0x1c: {  	p1 =	slt.u32 s9, $0xF7A;
	s5 =	simm.s32 @!p2 $0x0  }
0x1d: {  	s5 =	simm.s32 @p1 $0x1;
	p0 =	seq.s32 s7, s2  }
0x1e: {  	s7 =	smul.u32 @!p0 $0xF7A, s2;
	p2 =	seq.s32 @!p0 s5, $0x0  }
0x1f: {  	s9 =	smul.u32 $0xF7A, s1;
	s8 =	simm.s32 @!p0 $0x1BF5;
	p2 =	por !p2, p0  }
0x20: {  	[sflag:s8] =	ssyncset.s32 @!p0 $0xFFFFF086;
	s6 =	sadd.s32 @!p0 s3, s7;
	s7 =	simm.s32 @!p0 $0x108  }
0x21: {  	s3 =	sadd.s32 s3, s9;
	s6 =	sadd.s32 @!p0 $0x88, s6;
	s7 =	simm.s32 @p2 $0x1082  }
0x22: {  	[simem:s7], [sflag:s8] =	dma.local @!p0 [hbm:s6], $0xF7A  }
0x23: {  	s9 =	sor.u32 $0xD0000000, s2;
	s6 =	simm.s32 $0x108;
	_ =	swait.ge @!p0 [sflag:s8], $0x0  }
0x24: {  	s3 =	sadd.s32 $0x88, s3;
	s6 =	simm.s32 @!p1 $0x1082;
	[sflag:s4] =	ssyncset.s32 $0xFFFFF086  }
0x25: {  	[simem:s6], [sflag:s4] =	dma.local [hbm:s3], $0xF7A  }
0x26: {  	[smem:$0x3F9E] =	sst s1;
	(tag) =	ssettag s2;
	_ =	strace s9  }
0x27: {  	s1 =	sld [smem:$0x3FAE]  }
0x28: {  	s2 =	sld [smem:$0x3FAF]  }
0x29: {  	s4 =	sld [smem:$0x3FB1]  }
0x2a: {  	p0 =	seq.s32 s5, $0x0;
	s5 =	sld [smem:$0x3FB2]  }
0x2b: {  	s6 =	sld [smem:$0x3FB3]  }
0x2c: {  	s7 =	sld [smem:$0x3FB4]  }
0x2d: {  	s3 =	simm.s32 $0x108;
	s8 =	sld [smem:$0x3FB5]  }
0x2e: {  	s3 =	simm.s32 @!p0 $0x1082;
	s9 =	sld [smem:$0x3FB6]  }
0x2f: {  	lr =	sadd.s32 s0, s3;
	s0 =	sld [smem:$0x3FAD]  }
0x30: {  	s3 =	sld [smem:$0x3FB0]  }
0x31: {  	[smem:$0x3FB9] =	sst s10  }
0x32: {  	s10 =	sld [smem:$0x3FB7];
	_ =	sdelay $0x3  }
0x33: {  	p0 =	seq.s32 s10, $0x1;
	s10 =	sld [smem:$0x3FB9];
	_ =	sdelay $0x3  }
0x34: {  	[smem:$0x3FB9] =	sst s10  }
0x35: {  	s10 =	sld [smem:$0x3FB8];
	_ =	sdelay $0x3  }
0x36: {  	p1 =	seq.s32 s10, $0x1;
	s10 =	sld [smem:$0x3FB9];
	_ =	sdelay $0x3  }
0x37: {  	[smem:$0x3FB9] =	sst s10  }
0x38: {  	s10 =	sld [smem:$0x3FBA]  }
0x39: {  	_ = 	snop;
	(pc) =	sbr.ind lr, $3  }
0x3a: {  	_ = 	snop  }
0x3b: {  	_ = 	snop  }
0x3c: {  	p2 =	seq.s32 s10, $0x1;
	s10 =	sld [smem:$0x3FB9]  }
0x3d: {  	_ =	shalt  }
0x3e: {  	_ =	shalt  }
0x3f: {  	_ =	shalt  }
0x40: {  	_ =	shalt  }
0x41: {  	_ =	shalt  }
0x42: {  	_ =	shalt  }
0x43: {  	_ =	shalt  }
0x44: {  	_ =	shalt  }
0x45: {  	_ =	shalt  }
0x46: {  	_ =	shalt  }
0x47: {  	_ =	shalt  }
0x48: {  	_ =	shalt  }
0x49: {  	_ =	shalt  }
0x4a: {  	_ =	shalt  }
0x4b: {  	_ =	shalt  }
0x4c: {  	_ =	shalt  }
0x4d: {  	_ =	shalt  }
0x4e: {  	_ =	shalt  }
0x4f: {  	_ =	shalt  }
0x50: {  	_ =	shalt  }
0x51: {  	_ =	shalt  }
0x52: {  	_ =	shalt  }
0x53: {  	_ =	shalt  }
0x54: {  	_ =	shalt  }
0x55: {  	_ =	shalt  }
0x56: {  	_ =	shalt  }
0x57: {  	_ =	shalt  }
0x58: {  	_ =	shalt  }
0x59: {  	_ =	shalt  }
0x5a: {  	_ =	shalt  }
0x5b: {  	_ =	shalt  }
0x5c: {  	_ =	shalt  }
0x5d: {  	_ =	shalt  }
0x5e: {  	_ =	shalt  }
0x5f: {  	_ =	shalt  }
0x60: {  	_ =	shalt  }
0x61: {  	_ =	shalt  }
0x62: {  	_ =	shalt  }
0x63: {  	_ =	shalt  }
0x64: {  	_ =	shalt  }
0x65: {  	_ =	shalt  }
0x66: {  	_ =	shalt  }
0x67: {  	_ =	shalt  }
0x68: {  	_ =	shalt  }
0x69: {  	_ =	shalt  }
0x6a: {  	_ =	shalt  }
0x6b: {  	_ =	shalt  }
0x6c: {  	_ =	shalt  }
0x6d: {  	_ =	shalt  }
0x6e: {  	_ =	shalt  }
0x6f: {  	_ =	shalt  }
0x70: {  	_ =	shalt  }
0x71: {  	_ =	shalt  }
0x72: {  	_ =	shalt  }
0x73: {  	_ =	shalt  }
0x74: {  	_ =	shalt  }
0x75: {  	_ =	shalt  }
0x76: {  	_ =	shalt  }
0x77: {  	_ =	shalt  }
0x78: {  	_ =	shalt  }
0x79: {  	_ =	shalt  }
0x7a: {  	_ =	shalt  }
0x7b: {  	_ =	shalt  }
0x7c: {  	_ =	shalt  }
0x7d: {  	_ =	shalt  }
0x7e: {  	_ =	shalt  }
0x7f: {  	_ =	shalt  }
0x80: {  	_ =	shalt  }
0x81: {  	_ =	shalt  }
0x82: {  	_ =	shalt  }
0x83: {  	_ =	shalt  }
0x84: {  	_ =	shalt  }
0x85: {  	_ =	shalt  }
0x86: {  	_ =	shalt  }
0x87: {  	_ =	shalt  }
.Lfunc_end0:
.L_simem_size_0:
called_computation_lowered:
.L_overlay_start_0:
0x88: {  	s2 =	sld [smem:$0x3FD9]  }
0x89: {  	s3 =	sld [smem:$0x3FFE];
	_ =	sdelay $0x1  }
0x8a: {  	s1 =	srdreg.scid  }
0x8b: {  	s0 =	sand.u32 $0x1, s1  }
0x8c: {  	s14 =	sshll.u32 s0, $0xA;
	s2 =	sadd.s32 s3, s2  }
0x8d: {  	s2 =	sadd.s32 s2, s14  }
0x8e: {  	[smem:$0x3FC5] =	sst s2  }
0x8f: {  	_ = 	snop  }
0x90: {  	s2 =	sld [smem:$0x3FD0];
	_ =	sdelay $0x2  }
0x91: {  	s15 =	simm.s32 $0xA;
	s4 =	simm.s32 $0x10  }
0x92: {  	[smem:s4], [sflag:s15] =	dma.local [hbm:s2], $0x1  }
0x93: {  	_ =	swait.eq [sflag:s15], $0x1  }
0x94: {  	[sflag:s15] =	ssyncset.done $0x0  }
0x95: {  	[sflag:s15] =	ssyncadd.s32 $0xFFFFFFFF  }
0x96: {  	s16 =	sld [smem:$0x11];
	(tm) =	ssettm $0x1  }
0x97: {  	s17 =	sld [smem:$0x3FFB];
	_ =	sdelay $0x3  }
0x98: {  	_ =	strace s17  }
0x99: {  	s3 =	sld [smem:$0x3FFC];
	_ =	sdelay $0x3  }
0x9a: {  	_ =	strace s3  }
0x9b: {  	s3 =	sld [smem:$0x3FFD];
	_ =	sdelay $0x3  }
0x9c: {  	_ =	strace s3  }
0x9d: {  	_ =	strace $0x8FFFFFFF  }
0x9e: {  	s18 =	sld [smem:$0x3FDB];
	_ =	sdelay $0x1  }
0x9f: {  	s19 =	simm.s32 $_scs_section_size  }
0xa0: {  	s5 =	simm.s32 $_size__tile_overlayer_lowered;
	s6 =	simm.s32 $_tile_overlayer_lowered  }
0xa1: {  	s22 =	simm.s32 $0x1BFF;
	s21 =	sshll.u32 s6, $0x1;
	s3 =	sadd.s32 s19, s18  }
0xa2: {  	s7 =	simm.s32 $0x0;
	s20 =	sshll.u32 s5, $0x1;
	s5 =	sadd.s32 s21, s3  }
0xa3: {  	[timem:s7], [sflag:s22] =	dma.local [hbm:s5], s20  }
0xa4: {  	_ =	swait.ge [sflag:s22], s20  }
0xa5: {  	s4 =	ssub.s32 $0x0, s20;
	[sflag:s22] =	ssyncset.done $0x0  }
0xa6: {  	[sflag:s22] =	ssyncadd.s32 s4;
	_ =	sdelay $0x1  }
0xa7: {  	s23 =	simm.s32 $0x1B8B  }
0xa8: {  	_ =	swait.ge [sflag:s23], $0x1  }
0xa9: {  	[sflag:s23] =	ssyncset.done $0x0  }
0xaa: {  	s25 =	simm.s32 $0x1B8E;
	s24 =	sld [smem:$0x3FFE];
	[sflag:s23] =	ssyncadd.s32 $0xFFFFFFFF  }
0xab: {  	s26 =	simm.s32 $execute0_lowered;
	[smem:$0x3FD2] =	sst s25  }
0xac: {  	s5 =	sshll.u32 s26, $0x1;
	_ =	strace $0x80000046;
	[dreg:$0x1] =	wrdreg $0xFFFFFFFF  }
0xad: {  	s28 =	simm.s32 $_size_execute0_lowered;
	s3 =	sadd.s32 s3, s5;
	[dreg:$0x0] =	wrdreg $0x0  }
0xae: {  	s5 =	sshll.u32 s28, $0x1;
	[dreg:$0x2] =	wrdreg s3  }
0xaf: {  	[dreg:$0x3] =	wrdreg s5  }
0xb0: {  	[dreg:$0x4] =	wrdreg $0xC0  }
0xb1: {  	_ =	task [dreg:s7], $0x5FFFF  }
0xb2: {  	[dreg:$0x1] =	wrdreg $0xFFFFFFFF  }
0xb3: {  	[dreg:$0x0] =	wrdreg $0x60  }
0xb4: {  	[dreg:$0x2] =	wrdreg s16  }
0xb5: {  	[dreg:$0x3] =	wrdreg s24  }
0xb6: {  	[dreg:$0x4] =	wrdreg $0x4800  }
0xb7: {  	[dreg:$0x5] =	wrdreg $0x9  }
0xb8: {  	_ =	task.clear_ibuf [dreg:s7], $0x6FFFF;
	_ =	strace $0x90000046  }
0xb9: {  	s29 =	simm.s32 $0x9;
	_ =	strace $0x80000048  }
0xba: {  	_ =	swait.ge [sflag:s29], $0x1  }
0xbb: {  	[sflag:s29] =	ssyncadd.s32 $0xFFFFFFFF  }
0xbc: {  	_ =	strace $0x90000048  }
0xbd: {  	_ =	sfence  }
0xbe: {  	s30 =	sld [smem:$0x0];
	_ =	sdelay $0x2  }
0xbf: {  	s31 =	sshll.u32 s1, $0xD;
	s1 =	sshrl.u32 s1, $0x2  }
0xc0: {  	s3 =	sand.u32 $0x4000, s31;
	s1 =	sadd.s32 s1, s30  }
0xc1: {  	s0 =	sor.u32 s3, s0;
	s1 =	sshll.u32 s1, $0x11  }
0xc2: {  	s0 =	sor.u32 s1, s0  }
0xc3: {  	s0 =	sadd.s32 $0x8F2B, s0  }
0xc4: {  	[sflag:s0] =	ssyncadd.remote.s32 $0x1  }
0xc5: {  	_ =	sfence.sel $0xFFFF  }
0xc6: {  	[dreg:$0x0] =	wrdreg $0xFFFFFFFF;
	(pc) =	sbr.abs _section_cstart, $3  }
0xc7: {  	[dreg:$0x1] =	wrdreg $0xFFFFFFFF  }
0xc8: {  	_ =	task.clear_ibuf [dreg:s7], $0x2FFFF;
	_ =	strace $0x9FFFFFFF  }
0xc9: {  	(tm) =	ssettm $0x7FFFFFFF  }
tec
execute0_lowered:
.L_overlay_start_1:
0x0: {  	(tag) =	ssettag $0x1  }
0x1: {  	s2 =	rddreg [dreg:$0x0]  }
0x2: {  	s0 =	rddreg [dreg:$0x1]  }
0x3: {  	s1 =	rddreg [dreg:$0x2];
	s7 =	simm.s32 $0x0  }
0x4: {  	[smem:$0x7FF] =	sst s7;
	s4 =	sadd.s32 $0x2600, s0  }
0x5: {  	s26 =	sadd.s32 $0x2800, s0;
	_ =	strace $0x80000047;
	[dreg:$0x5] =	wrdreg s4  }
0x6: {  	s28 =	sadd.s32 $0x3600, s0;
	[dreg:$0x6] =	wrdreg s26  }
0x7: {  	s31 =	sadd.s32 $0x287D, s0;
	[dreg:$0x8] =	wrdreg s28  }
0x8: {  	s9 =	sadd.s32 $0x367D, s0;
	[dreg:$0x9] =	wrdreg s31  }
0x9: {  	s10 =	sadd.s32 $0x28FA, s0;
	[dreg:$0xa] =	wrdreg s9  }
0xa: {  	s11 =	sadd.s32 $0x36FA, s0;
	[dreg:$0xb] =	wrdreg s10  }
0xb: {  	s12 =	sadd.s32 $0x2977, s0;
	[dreg:$0xc] =	wrdreg s11  }
0xc: {  	s13 =	sadd.s32 $0x3777, s0;
	[dreg:$0xd] =	wrdreg s12  }
0xd: {  	s14 =	sadd.s32 $0x29F4, s0;
	[dreg:$0xe] =	wrdreg s13  }
0xe: {  	s15 =	sadd.s32 $0x37F4, s0;
	[dreg:$0xf] =	wrdreg s14  }
0xf: {  	s16 =	sadd.s32 $0x2A71, s0;
	[dreg:$0x10] =	wrdreg s15  }
0x10: {  	s17 =	sadd.s32 $0x3871, s0;
	[dreg:$0x11] =	wrdreg s16  }
0x11: {  	s19 =	sadd.s32 $0x38EE, s0;
	[dreg:$0x12] =	wrdreg s17  }
0x12: {  	s20 =	sadd.s32 $0x2B6B, s0;
	[dreg:$0x14] =	wrdreg s19  }
0x13: {  	s21 =	sadd.s32 $0x396B, s0;
	[dreg:$0x15] =	wrdreg s20  }
0x14: {  	s22 =	sadd.s32 $0x2BE8, s0;
	[dreg:$0x16] =	wrdreg s21  }
0x15: {  	s23 =	sadd.s32 $0x39E8, s0;
	[dreg:$0x18] =	wrdreg s22  }
0x16: {  	s24 =	sadd.s32 $0x2C65, s0;
	[dreg:$0x19] =	wrdreg s23  }
0x17: {  	s3 =	srdreg.scid;
	s25 =	sadd.s32 $0x3A65, s0;
	[dreg:$0x1a] =	wrdreg s24  }
0x18: {  	s8 =	sand.u32 $0x1, s3;
	[dreg:$0x1b] =	wrdreg s25  }
0x19: {  	s9 =	sadd.s32 $0x2AEE, s0;
	[dreg:$0x7] =	wrdreg s8  }
0x1a: {  	s26 =	sadd.s32 $0x2CE2, s0;
	[dreg:$0x13] =	wrdreg s9  }
0x1b: {  	s28 =	sadd.s32 $0x3AE2, s0;
	[dreg:$0x1c] =	wrdreg s26  }
0x1c: {  	s31 =	sadd.s32 $0x2DDC, s0;
	[dreg:$0x1d] =	wrdreg s28  }
0x1d: {  	s10 =	sadd.s32 $0x2ED6, s0;
	[smem:$0x7BE] =	sst s31  }
0x1e: {  	s11 =	sadd.s32 $0x3CD6, s0;
	[smem:$0x7C2] =	sst s10  }
0x1f: {  	s12 =	sadd.s32 $0x2F53, s0;
	[smem:$0x7C3] =	sst s11  }
0x20: {  	s13 =	sadd.s32 $0x3D53, s0;
	[smem:$0x7C4] =	sst s12  }
0x21: {  	s14 =	sadd.s32 $0x2FD0, s0;
	[smem:$0x7C5] =	sst s13  }
0x22: {  	s15 =	sadd.s32 $0x3DD0, s0;
	[smem:$0x7C6] =	sst s14  }
0x23: {  	s16 =	sadd.s32 $0x304D, s0;
	[smem:$0x7C7] =	sst s15  }
0x24: {  	s17 =	sadd.s32 $0x3E4D, s0;
	[smem:$0x7C8] =	sst s16  }
0x25: {  	s19 =	sadd.s32 $0x3ECA, s0;
	[smem:$0x7C9] =	sst s17  }
0x26: {  	s20 =	sadd.s32 $0x3147, s0;
	[smem:$0x7CB] =	sst s19  }
0x27: {  	s21 =	sadd.s32 $0x3F47, s0;
	[smem:$0x7CC] =	sst s20  }
0x28: {  	s22 =	sadd.s32 $0x31C4, s0;
	[smem:$0x7CD] =	sst s21  }
0x29: {  	s23 =	sadd.s32 $0x3FC4, s0;
	[smem:$0x7CE] =	sst s22  }
0x2a: {  	s24 =	sadd.s32 $0x3241, s0;
	[smem:$0x7CF] =	sst s23  }
0x2b: {  	s25 =	sadd.s32 $0x4041, s0;
	[smem:$0x7D0] =	sst s24  }
0x2c: {  	s9 =	sadd.s32 $0x3C59, s0;
	[smem:$0x7D1] =	sst s25  }
0x2d: {  	s26 =	sadd.s32 $0x32BE, s0;
	[smem:$0x7C1] =	sst s9  }
0x2e: {  	s28 =	sadd.s32 $0x40BE, s0;
	[smem:$0x7D2] =	sst s26  }
0x2f: {  	s31 =	sadd.s32 $0x33B8, s0;
	[smem:$0x7D3] =	sst s28  }
0x30: {  	s10 =	sadd.s32 $0x2AF8, s1;
	[smem:$0x7D6] =	sst s31  }
0x31: {  	s11 =	sadd.s32 $0x2710, s1;
	[smem:$0x7E9] =	sst s10  }
0x32: {  	s12 =	sadd.s32 $0x2328, s1;
	[smem:$0x7EA] =	sst s11  }
0x33: {  	s13 =	sadd.s32 $0x1F40, s1;
	[smem:$0x7EB] =	sst s12  }
0x34: {  	s14 =	sadd.s32 $0x1B58, s1;
	[smem:$0x7EC] =	sst s13  }
0x35: {  	s4 =	stileid.u32;
	s15 =	sadd.s32 $0x1770, s1;
	[smem:$0x7ED] =	sst s14  }
0x36: {  	s29 =	ssub.s32 $0x2, s8;
	s16 =	sadd.s32 $0x1388, s1;
	[smem:$0x7EE] =	sst s15  }
0x37: {  	p1 =	seq.s32 s8, $0x1;
	s17 =	sadd.s32 $0xFA0, s1;
	[smem:$0x7EF] =	sst s16  }
0x38: {  	s30 =	smul.u32 $0x61C00, s8;
	s19 =	sadd.s32 $0x7D0, s1;
	[smem:$0x7F0] =	sst s17  }
0x39: {  	s5 =	sshrl.u32 s29, $0x1;
	s20 =	sadd.s32 $0x3E8, s1;
	[smem:$0x7F2] =	sst s19  }
0x3a: {  	p0 =	seq.s32 s4, $0x0;
	s21 =	sadd.s32 $0x3E80, s1;
	[smem:$0x7F3] =	sst s20  }
0x3b: {  	s6 =	simm.s32 @!p1 $0x0;
	s22 =	sadd.s32 $0x4268, s1;
	[smem:$0x7F4] =	sst s21  }
0x3c: {  	s18 =	sshll.u32 s4, $0xA;
	s23 =	sadd.s32 $0x4650, s1;
	[smem:$0x7F5] =	sst s22  }
0x3d: {  	s24 =	sadd.s32 $0x4A38, s1;
	s25 =	sadd.s32 $0x4E20, s1;
	[smem:$0x7F6] =	sst s23  }
0x3e: {  	s3 =	ssub.s32 s29, s5;
	s6 =	simm.s32 @p1 $0x1;
	[smem:$0x7F7] =	sst s24  }
0x3f: {  	p0 =	por !p0, !p1;
	s5 =	sadd.s32 s18, s30;
	[smem:$0x7F8] =	sst s25  }
0x40: {  	p1 =	sgt.s32 s4, $0x1;
	s29 =	sadd.s32 $0x2D5F, s0;
	[smem:$0x7BC] =	sst s6  }
0x41: {  	s30 =	sadd.s32 $0x3B5F, s0;
	s18 =	sadd.s32 $0x30CA, s0;
	[dreg:$0x1e] =	wrdreg s29  }
0x42: {  	s9 =	sadd.s32 $0x2EE0, s1;
	s26 =	sadd.s32 $0x5208, s1;
	[dreg:$0x1f] =	wrdreg s30  }
0x43: {  	p0 =	por !p0, !p0;
	s5 =	sshrl.u32 s5, $0x3;
	[smem:$0x7CA] =	sst s18  }
0x44: {  	s29 =	sadd.s32 $0x333B, s0;
	s30 =	sadd.s32 $0x413B, s0;
	s6 =	simm.s32 @!p0 $0x0  }
0x45: {  	[smem:$0x7E8] =	sst s9;
	s2 =	sadd.s32 s5, s2;
	s6 =	simm.s32 @p0 $0x1  }
0x46: {  	s5 =	sadd.s32 $0x3BDC, s0;
	p0 =	seq.s32 @p1 s4, $0x2;
	[smem:$0x7BD] =	sst s6  }
0x47: {  	s6 =	sadd.s32 $0x2E59, s0;
	s0 =	sadd.s32 $0x41B8, s0;
	p2 =	por !p0, !p1  }
0x48: {  	s28 =	sadd.s32 $0x55F0, s1;
	[smem:$0x7D7] =	sst s0;
	s0 =	simm.s32 @!p2 $0x0  }
0x49: {  	[smem:$0x7F9] =	sst s26;
	p0 =	por p0, !p1;
	s0 =	simm.s32 @p2 $0x1  }
0x4a: {  	s31 =	sor.u32 s8, s4;
	[smem:$0x7D9] =	sst s0;
	s0 =	simm.s32 @!p0 $0x0  }
0x4b: {  	[smem:$0x7FA] =	sst s28;
	s0 =	simm.s32 @p0 $0x1;
	p0 =	seq.s32 @!p1 s4, $0x0  }
0x4c: {  	[smem:$0x7FD] =	sst s31;
	p3 =	por !p0, p1  }
0x4d: {  	[smem:$0x7DA] =	sst s0;
	s0 =	simm.s32 @!p3 $0x0  }
0x4e: {  	[smem:$0x7D4] =	sst s29;
	s0 =	simm.s32 @p3 $0x1  }
0x4f: {  	s18 =	sadd.s32 $0xBB8, s1;
	[smem:$0x7DB] =	sst s0;
	s0 =	simm.s32 @!p1 $0x0  }
0x50: {  	[smem:$0x7D5] =	sst s30;
	p0 =	por p0, p1;
	s0 =	simm.s32 @p1 $0x1  }
0x51: {  	p2 =	sgt.s32 s4, $0x5;
	[smem:$0x7DC] =	sst s0;
	s0 =	simm.s32 @!p0 $0x0  }
0x52: {  	[smem:$0x7F1] =	sst s18;
	s0 =	simm.s32 @p0 $0x1;
	p0 =	seq.s32 @p2 s4, $0x6  }
0x53: {  	[dreg:$0x17] =	wrdreg s2;
	p1 =	por !p0, !p2  }
0x54: {  	s29 =	sadd.s32 $0x59D8, s1;
	[smem:$0x7DD] =	sst s0;
	s0 =	simm.s32 @!p1 $0x0  }
0x55: {  	[smem:$0x7BF] =	sst s5;
	p0 =	por p0, !p2;
	s0 =	simm.s32 @p1 $0x1  }
0x56: {  	s30 =	sadd.s32 $0x5DC0, s1;
	[smem:$0x7DE] =	sst s0;
	s0 =	simm.s32 @!p0 $0x0  }
0x57: {  	[smem:$0x7FB] =	sst s29;
	s0 =	simm.s32 @p0 $0x1;
	p0 =	seq.s32 @!p2 s4, $0x4  }
0x58: {  	[smem:$0x7FC] =	sst s30;
	p1 =	por !p0, p2  }
0x59: {  	s2 =	smax.u32 s3, $0x1;
	[smem:$0x7DF] =	sst s0;
	s0 =	simm.s32 @!p1 $0x0  }
0x5a: {  	[smem:$0x7D8] =	sst s2;
	s0 =	simm.s32 @p1 $0x1  }
0x5b: {  	s3 =	sadd.s32 $0x3A98, s1;
	[smem:$0x7E0] =	sst s0;
	s0 =	simm.s32 @!p2 $0x0  }
0x5c: {  	[smem:$0x7E5] =	sst s3;
	p0 =	por p0, p2;
	s0 =	simm.s32 @p2 $0x1  }
0x5d: {  	s5 =	sadd.s32 $0x36B0, s1;
	[smem:$0x7E1] =	sst s0;
	s0 =	simm.s32 @!p0 $0x0  }
0x5e: {  	[smem:$0x7E6] =	sst s5;
	s0 =	simm.s32 @p0 $0x1;
	p0 =	sgt.s32 s4, $0x7  }
0x5f: {  	[smem:$0x7E2] =	sst s0;
	s0 =	simm.s32 @!p0 $0x0  }
0x60: {  	[smem:$0x7C0] =	sst s6;
	s0 =	simm.s32 @p0 $0x1;
	p0 =	sgt.s32 s4, $0x3  }
0x61: {  	s6 =	sadd.s32 $0x32C8, s1;
	[smem:$0x7E3] =	sst s0;
	s0 =	simm.s32 @!p0 $0x0  }
0x62: {  	[smem:$0x7E7] =	sst s6;
	s0 =	simm.s32 @p0 $0x1  }
0x63: {  	v0 =	vimm.f32 $1.000000000e+00;
	[smem:$0x7E4] =	sst s0  }
.LBB2_1:
0x64: {  	s0 =	sld [smem:$0x7E3]  }
0x65: {  	[tilespmem:$0x400] =	vst v0  }
0x66: {  	[tilespmem:$0x410] =	vst v0  }
0x67: {  	[tilespmem:$0x420] =	vst v0;
	p0 =	seq.s32 s0, $0x1  }
.Ltmp0:
0x68: {  	[tilespmem:$0x430] =	vst v0;
	(pc) =	sbr.rel @p0 .LBB2_5-.Ltmp0, $4  }
0x69: {  	[tilespmem:$0x440] =	vst v0  }
0x6a: {  	[tilespmem:$0x450] =	vst v0  }
0x6b: {  	[tilespmem:$0x460] =	vst v0  }
0x6c: {  	[tilespmem:$0x470] =	vst v0  }
0x6d: {  	s0 =	sld [smem:$0x7E4];
	_ =	sdelay $0x2  }
0x6e: {  	p0 =	seq.s32 s0, $0x1  }
.Ltmp1:
0x6f: {  	_ = 	snop;
	(pc) =	sbr.rel @p0 .LBB2_4-.Ltmp1, $1  }
0x70: {  	_ =	sdelay $0x3  }
0x71: {  	s0 =	sld [smem:$0x7D9];
	_ =	sdelay $0x2  }
0x72: {  	p4 =	seq.s32 s0, $0x1;
	s0 =	sld [smem:$0x7F2];
	_ =	sdelay $0x2  }
0x73: {  	s3 =	rddreg [dreg:$0x5];
	s2 =	simm.s32 @!p4 $0x1C81;
	s0 =	sshrl.u32 @!p4 s0, $0x3  }
0x74: {  	[spmem:s0], [sflag:s2] =	dma.local @!p4 [hbm:s3], $0x7D  }
0x75: {  	s0 =	simm.s32 @!p4 $0x1  }
0x76: {  	_ =	swait.ge @!p4 [sflag:s0], $0x7D  }
0x77: {  	s2 =	sshll.u32 @!p4 s4, $0x6;
	[sflag:s0] =	ssyncset.done @!p4 $0x0  }
0x78: {  	[sflag:s0] =	ssyncadd.s32 @!p4 $0xFFFFFF83;
	s0 =	sor.u32 @!p4 $0x1C01, s2;
	s2 =	sld [smem:$0x7F6]  }
0x79: {  	_ =	sdelay $0x1  }
0x7a: {  	s2 =	sshrl.u32 @!p4 s2, $0x3  }
0x7b: {  	[spmem:s2], [sflag:s0] =	dma.local @!p4 [hbm:s3], $0x7D  }
0x7c: {  	s0 =	sld [smem:$0x7DA];
	_ =	sdelay $0x2  }
0x7d: {  	p2 =	seq.s32 s0, $0x1;
	s0 =	sld [smem:$0x7F1];
	_ =	sdelay $0x2  }
0x7e: {  	s2 =	simm.s32 @!p2 $0x1CC1;
	s0 =	sshrl.u32 @!p2 s0, $0x3  }
0x7f: {  	[spmem:s0], [sflag:s2] =	dma.local @!p2 [hbm:s3], $0x7D  }
0x80: {  	s0 =	simm.s32 @!p2 $0x1  }
0x81: {  	_ =	swait.ge @!p2 [sflag:s0], $0x7D  }
0x82: {  	s2 =	sshll.u32 @!p2 s4, $0x6;
	[sflag:s0] =	ssyncset.done @!p2 $0x0  }
0x83: {  	[sflag:s0] =	ssyncadd.s32 @!p2 $0xFFFFFF83;
	s0 =	sor.u32 @!p2 $0x1C01, s2;
	s2 =	sld [smem:$0x7F7]  }
0x84: {  	_ =	sdelay $0x1  }
0x85: {  	s2 =	sshrl.u32 @!p2 s2, $0x3  }
0x86: {  	[spmem:s2], [sflag:s0] =	dma.local @!p2 [hbm:s3], $0x7D  }
0x87: {  	s0 =	sld [smem:$0x7DB];
	_ =	sdelay $0x2  }
0x88: {  	p5 =	seq.s32 s0, $0x1  }
0x89: {  	s0 =	sshrl.u32 @!p5 s1, $0x3;
	s2 =	simm.s32 @!p5 $0x1C01  }
0x8a: {  	[spmem:s0], [sflag:s2] =	dma.local @!p5 [hbm:s3], $0x7D  }
0x8b: {  	s0 =	simm.s32 @!p5 $0x1  }
0x8c: {  	_ =	swait.ge @!p5 [sflag:s0], $0x7D  }
0x8d: {  	[sflag:s0] =	ssyncset.done @!p5 $0x0  }
0x8e: {  	[sflag:s0] =	ssyncadd.s32 @!p5 $0xFFFFFF83;
	s0 =	sld [smem:$0x7F4];
	_ =	sdelay $0x2  }
0x8f: {  	s0 =	sshrl.u32 @!p5 s0, $0x3  }
0x90: {  	[spmem:s0], [sflag:s2] =	dma.local @!p5 [hbm:s3], $0x7D  }
0x91: {  	s0 =	sld [smem:$0x7DD];
	_ =	sdelay $0x2  }
0x92: {  	p0 =	seq.s32 s0, $0x1;
	s0 =	sld [smem:$0x7F3];
	_ =	sdelay $0x2  }
0x93: {  	p1 =	por @!p2 $0x1, $0x1;
	s2 =	simm.s32 @!p0 $0x1C41;
	s0 =	sshrl.u32 @!p0 s0, $0x3  }
0x94: {  	[spmem:s0], [sflag:s2] =	dma.local @!p0 [hbm:s3], $0x7D  }
0x95: {  	s0 =	simm.s32 @!p1 $0x0  }
0x96: {  	s0 =	simm.s32 @p1 $0x1  }
0x97: {  	[smem:$0x7B5] =	sst s0;
	s0 =	simm.s32 @!p0 $0x1  }
0x98: {  	_ =	swait.ge @!p0 [sflag:s0], $0x7D  }
0x99: {  	s2 =	sshll.u32 @!p0 s4, $0x6;
	[sflag:s0] =	ssyncset.done @!p0 $0x0  }
0x9a: {  	[sflag:s0] =	ssyncadd.s32 @!p0 $0xFFFFFF83;
	s0 =	sor.u32 @!p0 $0x1C01, s2;
	s2 =	sld [smem:$0x7F5]  }
0x9b: {  	_ =	sdelay $0x1  }
0x9c: {  	p6 =	por @!p2 $0x0, $0x0;
	s2 =	sshrl.u32 @!p0 s2, $0x3  }
0x9d: {  	[spmem:s2], [sflag:s0] =	dma.local @!p0 [hbm:s3], $0x7D  }
0x9e: {  	p1 =	por @!p2 $0x0, $0x0;
	p2 =	por @!p4 $0x1, $0x1;
	s28 =	sld [smem:$0x7B5]  }
0x9f: {  	p1 =	por @!p4 p2, p2  }
0xa0: {  	p3 =	por @!p4 $0x0, $0x0;
	s0 =	simm.s32 @!p1 $0x0;
	s29 =	sld [smem:$0x7DC]  }
0xa1: {  	p2 =	por @!p4 $0x0, $0x0;
	s0 =	simm.s32 @p1 $0x1;
	p1 =	seq.s32 s28, $0x1  }
0xa2: {  	p6 =	por @!p4 p3, p3;
	p3 =	por @!p0 $0x1, $0x1;
	p1 =	por @!p4 p2, p2  }
0xa3: {  	[smem:$0x7B4] =	sst s0;
	p2 =	seq.s32 s29, $0x1;
	s0 =	simm.s32 @!p1 $0x0  }
0xa4: {  	s0 =	simm.s32 @p1 $0x1;
	p1 =	por @!p0 $0x0, $0x0;
	p0 =	por @!p5 $0x0, $0x0  }
0xa5: {  	p3 =	por @!p5 p0, p0;
	p1 =	por @!p5 p0, p0;
	p0 =	por p6, p6  }
0xa6: {  	p4 =	por p6, p6;
	[smem:$0x7B5] =	sst s0;
	p0 =	por @!p2 p1, p1  }
0xa7: {  	p4 =	por @!p2 p3, p3;
	p3 =	por p6, p6;
	s0 =	simm.s32 @!p0 $0x0  }
0xa8: {  	p3 =	por @!p2 p1, p1;
	s0 =	simm.s32 @p0 $0x1  }
0xa9: {  	p0 =	por p6, p6;
	[smem:$0x7AF] =	sst s0;
	s0 =	simm.s32 @!p3 $0x0  }
0xaa: {  	p0 =	por @!p2 p1, p1;
	s0 =	simm.s32 @p3 $0x1  }
0xab: {  	p3 =	por p6, p6;
	[smem:$0x7B0] =	sst s0;
	s0 =	simm.s32 @!p0 $0x0  }
0xac: {  	s30 =	sld [smem:$0x7B4];
	p3 =	por @!p2 p1, p1;
	s0 =	simm.s32 @p0 $0x1  }
0xad: {  	p0 =	por p6, p6;
	[smem:$0x7B1] =	sst s0;
	s0 =	simm.s32 @!p3 $0x0  }
0xae: {  	p0 =	por @!p2 p1, p1;
	s0 =	simm.s32 @p3 $0x1  }
0xaf: {  	[smem:$0x7B2] =	sst s0;
	s0 =	simm.s32 @!p0 $0x0  }
0xb0: {  	s31 =	sld [smem:$0x7B5];
	s0 =	simm.s32 @p0 $0x1;
	p0 =	seq.s32 s30, $0x1  }
0xb1: {  	p0 =	por @!p2 p1, p1  }
0xb2: {  	[smem:$0x7B3] =	sst s0;
	s0 =	simm.s32 @!p0 $0x0  }
0xb3: {  	s0 =	simm.s32 @p0 $0x1;
	p0 =	seq.s32 s31, $0x1  }
0xb4: {  	p0 =	por @!p2 p1, p1  }
0xb5: {  	[smem:$0x7B4] =	sst s0;
	s0 =	simm.s32 @!p0 $0x0  }
0xb6: {  	s0 =	simm.s32 @p0 $0x1;
	p0 =	por p6, p6  }
0xb7: {  	p0 =	por @!p2 p1, p1  }
0xb8: {  	p3 =	por p6, p6;
	[smem:$0x7B5] =	sst s0;
	s0 =	simm.s32 @!p0 $0x0  }
0xb9: {  	p3 =	por @!p2 p1, p1;
	s0 =	simm.s32 @p0 $0x1  }
0xba: {  	[smem:$0x7B6] =	sst s0;
	s0 =	simm.s32 @!p3 $0x0  }
0xbb: {  	s0 =	simm.s32 @p3 $0x1;
	p3 =	por p6, p6  }
0xbc: {  	p3 =	por @!p2 p1, p1  }
0xbd: {  	p0 =	por p6, p6;
	[smem:$0x7B7] =	sst s0;
	s0 =	simm.s32 @!p3 $0x0  }
0xbe: {  	p0 =	por @!p2 p1, p1;
	s0 =	simm.s32 @p3 $0x1  }
0xbf: {  	[smem:$0x7B8] =	sst s0;
	s0 =	simm.s32 @!p0 $0x0  }
0xc0: {  	s0 =	simm.s32 @p0 $0x1;
	p0 =	por p6, p6  }
0xc1: {  	p0 =	por @!p2 p1, p1  }
.Ltmp2:
0xc2: {  	[smem:$0x7B9] =	sst s0;
	s0 =	simm.s32 @!p0 $0x0;
	(pc) =	sbr.rel .LBB2_8-.Ltmp2, $4  }
0xc3: {  	p5 =	por p6, p6;
	p6 =	por @!p2 p1, p1;
	s0 =	simm.s32 @p0 $0x1  }
0xc4: {  	[smem:$0x7BA] =	sst s0;
	s0 =	simm.s32 @!p6 $0x0  }
0xc5: {  	s0 =	simm.s32 @p6 $0x1  }
0xc6: {  	p5 =	por @!p2 p1, p1;
	p6 =	por p4, p4;
	[smem:$0x7BB] =	sst s0  }
.LBB2_5:
0xc7: {  	p0 =	sgt.s32 s4, $0xB  }
.Ltmp3:
0xc8: {  	_ = 	snop;
	(pc) =	sbr.rel @p0 .LBB2_7-.Ltmp3, $1  }
0xc9: {  	_ =	sdelay $0x3  }
0xca: {  	p1 =	sgt.s32 s4, $0x9;
	s0 =	sld [smem:$0x7EA]  }
0xcb: {  	p2 =	seq.s32 @p1 s4, $0xA  }
0xcc: {  	p3 =	por !p2, !p1  }
0xcd: {  	s3 =	rddreg [dreg:$0x5];
	s0 =	sshrl.u32 @!p3 s0, $0x3;
	s2 =	simm.s32 @!p3 $0x1E81  }
0xce: {  	[spmem:s0], [sflag:s2] =	dma.local @!p3 [hbm:s3], $0x7D  }
0xcf: {  	s0 =	sld [smem:$0x7E9];
	_ =	sdelay $0x1  }
0xd0: {  	p0 =	por p2, !p1  }
0xd1: {  	s2 =	simm.s32 @!p0 $0x1EC1;
	s0 =	sshrl.u32 @!p0 s0, $0x3  }
0xd2: {  	[spmem:s0], [sflag:s2] =	dma.local @!p0 [hbm:s3], $0x7D  }
0xd3: {  	s0 =	simm.s32 @!p0 $0x0  }
0xd4: {  	s0 =	simm.s32 @p0 $0x1  }
0xd5: {  	[smem:$0x7AE] =	sst s0  }
0xd6: {  	s0 =	sld [smem:$0x7EC]  }
0xd7: {  	p4 =	seq.s32 @!p1 s4, $0x8  }
0xd8: {  	p2 =	por !p4, p1  }
0xd9: {  	s2 =	simm.s32 @!p2 $0x1E01;
	s0 =	sshrl.u32 @!p2 s0, $0x3  }
0xda: {  	[spmem:s0], [sflag:s2] =	dma.local @!p2 [hbm:s3], $0x7D  }
0xdb: {  	s0 =	simm.s32 @!p2 $0x1  }
0xdc: {  	_ =	swait.ge @!p2 [sflag:s0], $0x7D  }
0xdd: {  	s2 =	sshll.u32 @!p2 s4, $0x6;
	[sflag:s0] =	ssyncset.done @!p2 $0x0  }
0xde: {  	[sflag:s0] =	ssyncadd.s32 @!p2 $0xFFFFFF83;
	s0 =	sor.u32 @!p2 $0x1C01, s2;
	s2 =	sld [smem:$0x7FC]  }
0xdf: {  	_ =	sdelay $0x1  }
0xe0: {  	s2 =	sshrl.u32 @!p2 s2, $0x3  }
0xe1: {  	[spmem:s2], [sflag:s0] =	dma.local @!p2 [hbm:s3], $0x7D  }
0xe2: {  	s0 =	sld [smem:$0x7EB];
	_ =	sdelay $0x1  }
0xe3: {  	p4 =	por p4, p1  }
0xe4: {  	s2 =	simm.s32 @!p4 $0x1E41;
	s0 =	sshrl.u32 @!p4 s0, $0x3  }
0xe5: {  	[spmem:s0], [sflag:s2] =	dma.local @!p4 [hbm:s3], $0x7D  }
0xe6: {  	p5 =	por @!p0 $0x0, $0x0;
	p6 =	por @!p3 $0x1, $0x1;
	s29 =	sld [smem:$0x7AE]  }
0xe7: {  	p0 =	por p5, p5;
	p5 =	por @!p3 p6, p6  }
0xe8: {  	s0 =	simm.s32 @!p5 $0x0  }
0xe9: {  	s0 =	simm.s32 @p5 $0x1;
	p5 =	seq.s32 s29, $0x1  }
0xea: {  	p5 =	por @!p5 $0x1, $0x1  }
0xeb: {  	[smem:$0x7B1] =	sst s0;
	s0 =	simm.s32 @!p5 $0x0  }
0xec: {  	s0 =	simm.s32 @p5 $0x1  }
0xed: {  	[smem:$0x7B9] =	sst s0  }
0xee: {  	s0 =	sld [smem:$0x7B9];
	_ =	sdelay $0x1  }
0xef: {  	p6 =	por @!p3 $0x0, $0x0  }
0xf0: {  	p0 =	por @!p3 p6, p6;
	p6 =	por @!p3 $0x0, $0x0;
	p5 =	seq.s32 s0, $0x1  }
0xf1: {  	p5 =	por @!p3 p6, p6  }
0xf2: {  	s0 =	simm.s32 @!p5 $0x0  }
0xf3: {  	s0 =	simm.s32 @p5 $0x1  }
0xf4: {  	[smem:$0x7B9] =	sst s0;
	s0 =	simm.s32 @!p0 $0x0  }
0xf5: {  	s0 =	simm.s32 @p0 $0x1  }
0xf6: {  	[smem:$0x7B2] =	sst s0  }
0xf7: {  	p6 =	por @!p4 $0x0, $0x0;
	p5 =	por @!p2 $0x1, $0x1;
	s0 =	sld [smem:$0x7B2]  }
0xf8: {  	p3 =	por p6, p6;
	p6 =	por @!p2 p5, p5;
	p5 =	por @!p2 $0x0, $0x0  }
0xf9: {  	p4 =	por @!p4 $0x1, $0x1;
	p3 =	por @!p2 p5, p5;
	p5 =	por @!p2 $0x0, $0x0  }
0xfa: {  	p4 =	por @!p2 p5, p5;
	p2 =	seq.s32 s0, $0x1  }
0xfb: {  	p2 =	por @!p1 p6, p6  }
0xfc: {  	p6 =	por p0, p0;
	s0 =	simm.s32 @!p2 $0x0  }
0xfd: {  	p6 =	por @!p1 p4, p4;
	s0 =	simm.s32 @p2 $0x1  }
0xfe: {  	p2 =	por p0, p0;
	[smem:$0x7B2] =	sst s0;
	s0 =	simm.s32 @!p6 $0x0  }
0xff: {  	p2 =	por @!p1 p3, p3;
	s0 =	simm.s32 @p6 $0x1  }
0x100: {  	[smem:$0x7B8] =	sst s0;
	s0 =	simm.s32 @!p2 $0x0  }
0x101: {  	s30 =	sld [smem:$0x7B1];
	s0 =	simm.s32 @p2 $0x1;
	p2 =	por p0, p0  }
0x102: {  	p2 =	por @!p1 p3, p3  }
0x103: {  	[smem:$0x7AF] =	sst s0;
	s0 =	simm.s32 @!p2 $0x0  }
0x104: {  	s0 =	simm.s32 @p2 $0x1;
	p2 =	seq.s32 s30, $0x1  }
0x105: {  	p2 =	por @!p1 p3, p3  }
0x106: {  	[smem:$0x7B0] =	sst s0;
	s0 =	simm.s32 @!p2 $0x0  }
0x107: {  	s0 =	simm.s32 @p2 $0x1;
	p2 =	por p0, p0  }
0x108: {  	p2 =	por @!p1 p3, p3  }
0x109: {  	[smem:$0x7B1] =	sst s0;
	s0 =	simm.s32 @!p2 $0x0  }
0x10a: {  	s0 =	simm.s32 @p2 $0x1;
	p2 =	por p0, p0  }
0x10b: {  	p2 =	por @!p1 p3, p3  }
0x10c: {  	p4 =	por p0, p0;
	[smem:$0x7B3] =	sst s0;
	s0 =	simm.s32 @!p2 $0x0  }
0x10d: {  	p4 =	por @!p1 p3, p3;
	s0 =	simm.s32 @p2 $0x1  }
0x10e: {  	p2 =	por p0, p0;
	[smem:$0x7B4] =	sst s0;
	s0 =	simm.s32 @!p4 $0x0  }
0x10f: {  	p2 =	por @!p1 p3, p3;
	s0 =	simm.s32 @p4 $0x1  }
0x110: {  	[smem:$0x7B5] =	sst s0;
	s0 =	simm.s32 @!p2 $0x0  }
0x111: {  	s31 =	sld [smem:$0x7B9];
	s0 =	simm.s32 @p2 $0x1;
	p2 =	por p0, p0  }
0x112: {  	p2 =	por @!p1 p3, p3  }
0x113: {  	[smem:$0x7B6] =	sst s0;
	s0 =	simm.s32 @!p2 $0x0  }
0x114: {  	s0 =	simm.s32 @p2 $0x1;
	p2 =	seq.s32 s31, $0x1  }
0x115: {  	p2 =	por @!p1 p3, p3  }
0x116: {  	[smem:$0x7B7] =	sst s0;
	s0 =	simm.s32 @!p2 $0x0  }
0x117: {  	s0 =	simm.s32 @p2 $0x1;
	p2 =	por p0, p0  }
0x118: {  	p5 =	por p0, p0;
	p2 =	por @!p1 p3, p3  }
.Ltmp4:
0x119: {  	[smem:$0x7B9] =	sst s0;
	s0 =	simm.s32 @!p2 $0x0;
	(pc) =	sbr.rel .LBB2_8-.Ltmp4, $4  }
0x11a: {  	p6 =	por p0, p0;
	p0 =	por @!p1 p3, p3;
	s0 =	simm.s32 @p2 $0x1  }
0x11b: {  	[smem:$0x7BA] =	sst s0;
	s0 =	simm.s32 @!p0 $0x0  }
0x11c: {  	s0 =	simm.s32 @p0 $0x1  }
0x11d: {  	p5 =	por @!p1 p3, p3;
	p6 =	por @!p1 p3, p3;
	[smem:$0x7BB] =	sst s0  }
.LBB2_4:
0x11e: {  	s0 =	sld [smem:$0x7DE];
	_ =	sdelay $0x2  }
0x11f: {  	p2 =	seq.s32 s0, $0x1;
	s0 =	sld [smem:$0x7EE];
	_ =	sdelay $0x2  }
0x120: {  	s3 =	rddreg [dreg:$0x5];
	s2 =	simm.s32 @!p2 $0x1D81;
	s0 =	sshrl.u32 @!p2 s0, $0x3  }
0x121: {  	[spmem:s0], [sflag:s2] =	dma.local @!p2 [hbm:s3], $0x7D  }
0x122: {  	s0 =	simm.s32 @!p2 $0x1  }
0x123: {  	_ =	swait.ge @!p2 [sflag:s0], $0x7D  }
0x124: {  	s2 =	sshll.u32 @!p2 s4, $0x6;
	[sflag:s0] =	ssyncset.done @!p2 $0x0  }
0x125: {  	[sflag:s0] =	ssyncadd.s32 @!p2 $0xFFFFFF83;
	s0 =	sor.u32 @!p2 $0x1C01, s2;
	s2 =	sld [smem:$0x7FA]  }
0x126: {  	_ =	sdelay $0x1  }
0x127: {  	s2 =	sshrl.u32 @!p2 s2, $0x3  }
0x128: {  	[spmem:s2], [sflag:s0] =	dma.local @!p2 [hbm:s3], $0x7D  }
0x129: {  	s0 =	sld [smem:$0x7DF];
	_ =	sdelay $0x2  }
0x12a: {  	p3 =	seq.s32 s0, $0x1;
	s0 =	sld [smem:$0x7ED];
	_ =	sdelay $0x2  }
0x12b: {  	s2 =	simm.s32 @!p3 $0x1DC1;
	s0 =	sshrl.u32 @!p3 s0, $0x3  }
0x12c: {  	[spmem:s0], [sflag:s2] =	dma.local @!p3 [hbm:s3], $0x7D  }
0x12d: {  	s0 =	simm.s32 @!p3 $0x1  }
0x12e: {  	_ =	swait.ge @!p3 [sflag:s0], $0x7D  }
0x12f: {  	s2 =	sshll.u32 @!p3 s4, $0x6;
	[sflag:s0] =	ssyncset.done @!p3 $0x0  }
0x130: {  	[sflag:s0] =	ssyncadd.s32 @!p3 $0xFFFFFF83;
	s0 =	sor.u32 @!p3 $0x1C01, s2;
	s2 =	sld [smem:$0x7FB]  }
0x131: {  	_ =	sdelay $0x1  }
0x132: {  	s2 =	sshrl.u32 @!p3 s2, $0x3  }
0x133: {  	[spmem:s2], [sflag:s0] =	dma.local @!p3 [hbm:s3], $0x7D  }
0x134: {  	s0 =	sld [smem:$0x7E0];
	_ =	sdelay $0x2  }
0x135: {  	p4 =	seq.s32 s0, $0x1;
	s0 =	sld [smem:$0x7F0];
	_ =	sdelay $0x2  }
0x136: {  	s2 =	simm.s32 @!p4 $0x1D01;
	s0 =	sshrl.u32 @!p4 s0, $0x3  }
0x137: {  	[spmem:s0], [sflag:s2] =	dma.local @!p4 [hbm:s3], $0x7D  }
0x138: {  	s0 =	simm.s32 @!p4 $0x1  }
0x139: {  	_ =	swait.ge @!p4 [sflag:s0], $0x7D  }
0x13a: {  	s2 =	sshll.u32 @!p4 s4, $0x6;
	[sflag:s0] =	ssyncset.done @!p4 $0x0  }
0x13b: {  	[sflag:s0] =	ssyncadd.s32 @!p4 $0xFFFFFF83;
	s0 =	sor.u32 @!p4 $0x1C01, s2;
	s2 =	sld [smem:$0x7F8]  }
0x13c: {  	_ =	sdelay $0x1  }
0x13d: {  	s2 =	sshrl.u32 @!p4 s2, $0x3  }
0x13e: {  	[spmem:s2], [sflag:s0] =	dma.local @!p4 [hbm:s3], $0x7D  }
0x13f: {  	s0 =	sld [smem:$0x7E2];
	_ =	sdelay $0x2  }
0x140: {  	p5 =	seq.s32 s0, $0x1;
	s0 =	sld [smem:$0x7EF]  }
0x141: {  	p1 =	por @!p2 $0x0, $0x0;
	p0 =	por @!p3 $0x1, $0x1;
	p6 =	por @!p3 $0x0, $0x0  }
0x142: {  	p6 =	por @!p2 p1, p1;
	p1 =	por @!p2 $0x1, $0x1;
	p3 =	por @!p3 $0x0, $0x0  }
0x143: {  	p3 =	por @!p2 p1, p1;
	s2 =	simm.s32 @!p5 $0x1D41;
	s0 =	sshrl.u32 @!p5 s0, $0x3  }
0x144: {  	[spmem:s0], [sflag:s2] =	dma.local @!p5 [hbm:s3], $0x7D  }
0x145: {  	p1 =	por @!p2 $0x0, $0x0;
	s2 =	simm.s32 @!p3 $0x0  }
0x146: {  	p0 =	por @!p2 p1, p1;
	s2 =	simm.s32 @p3 $0x1  }
0x147: {  	[smem:$0x7B3] =	sst s2;
	s2 =	simm.s32 @!p0 $0x0  }
0x148: {  	s2 =	simm.s32 @p0 $0x1  }
0x149: {  	s0 =	simm.s32 @!p5 $0x1;
	[smem:$0x7B7] =	sst s2  }
0x14a: {  	_ =	swait.ge @!p5 [sflag:s0], $0x7D  }
0x14b: {  	s2 =	sshll.u32 @!p5 s4, $0x6;
	[sflag:s0] =	ssyncset.done @!p5 $0x0  }
0x14c: {  	[sflag:s0] =	ssyncadd.s32 @!p5 $0xFFFFFF83;
	s0 =	sor.u32 @!p5 $0x1C01, s2;
	s2 =	sld [smem:$0x7F9]  }
0x14d: {  	_ =	sdelay $0x1  }
0x14e: {  	s2 =	sshrl.u32 @!p5 s2, $0x3  }
0x14f: {  	[spmem:s2], [sflag:s0] =	dma.local @!p5 [hbm:s3], $0x7D  }
0x150: {  	p2 =	por @!p4 $0x0, $0x0;
	s0 =	sld [smem:$0x7E1]  }
0x151: {  	p1 =	por @!p5 $0x0, $0x0;
	p3 =	por @!p5 $0x0, $0x0;
	p0 =	por @!p4 $0x1, $0x1  }
0x152: {  	p1 =	por @!p4 p2, p2;
	p3 =	por @!p4 p0, p0;
	p0 =	por @!p5 $0x1, $0x1  }
0x153: {  	p0 =	por @!p4 p2, p2;
	p4 =	por p6, p6;
	p2 =	seq.s32 s0, $0x1  }
0x154: {  	p5 =	por p6, p6;
	p4 =	por @!p2 p0, p0  }
0x155: {  	p5 =	por @!p2 p3, p3;
	p3 =	por p6, p6;
	s0 =	simm.s32 @!p4 $0x0  }
0x156: {  	p3 =	por @!p2 p1, p1;
	s0 =	simm.s32 @p4 $0x1  }
0x157: {  	p0 =	por p6, p6;
	[smem:$0x7B6] =	sst s0;
	s0 =	simm.s32 @!p3 $0x0  }
0x158: {  	p0 =	por @!p2 p1, p1;
	s0 =	simm.s32 @p3 $0x1  }
0x159: {  	p3 =	por p6, p6;
	[smem:$0x7AF] =	sst s0;
	s0 =	simm.s32 @!p0 $0x0  }
0x15a: {  	s30 =	sld [smem:$0x7B3];
	p3 =	por @!p2 p1, p1;
	s0 =	simm.s32 @p0 $0x1  }
0x15b: {  	p0 =	por p6, p6;
	[smem:$0x7B0] =	sst s0;
	s0 =	simm.s32 @!p3 $0x0  }
0x15c: {  	p0 =	por @!p2 p1, p1;
	s0 =	simm.s32 @p3 $0x1  }
0x15d: {  	[smem:$0x7B1] =	sst s0;
	s0 =	simm.s32 @!p0 $0x0  }
0x15e: {  	s0 =	simm.s32 @p0 $0x1;
	p0 =	seq.s32 s30, $0x1  }
0x15f: {  	p0 =	por @!p2 p1, p1  }
0x160: {  	[smem:$0x7B2] =	sst s0;
	s0 =	simm.s32 @!p0 $0x0  }
0x161: {  	s0 =	simm.s32 @p0 $0x1;
	p0 =	por p6, p6  }
0x162: {  	p0 =	por @!p2 p1, p1  }
0x163: {  	[smem:$0x7B3] =	sst s0;
	s0 =	simm.s32 @!p0 $0x0  }
0x164: {  	s31 =	sld [smem:$0x7B7];
	s0 =	simm.s32 @p0 $0x1;
	p0 =	por p6, p6  }
0x165: {  	p0 =	por @!p2 p1, p1  }
0x166: {  	[smem:$0x7B4] =	sst s0;
	s0 =	simm.s32 @!p0 $0x0  }
0x167: {  	s0 =	simm.s32 @p0 $0x1;
	p0 =	seq.s32 s31, $0x1  }
0x168: {  	p0 =	por @!p2 p1, p1  }
0x169: {  	p3 =	por p6, p6;
	[smem:$0x7B5] =	sst s0;
	s0 =	simm.s32 @!p0 $0x0  }
0x16a: {  	p3 =	por @!p2 p1, p1;
	s0 =	simm.s32 @p0 $0x1  }
0x16b: {  	p0 =	por p6, p6;
	[smem:$0x7B7] =	sst s0;
	s0 =	simm.s32 @!p3 $0x0  }
0x16c: {  	p0 =	por @!p2 p1, p1;
	s0 =	simm.s32 @p3 $0x1  }
0x16d: {  	[smem:$0x7B8] =	sst s0;
	s0 =	simm.s32 @!p0 $0x0  }
0x16e: {  	s0 =	simm.s32 @p0 $0x1;
	p0 =	por p6, p6  }
0x16f: {  	p0 =	por @!p2 p1, p1  }
.Ltmp5:
0x170: {  	[smem:$0x7B9] =	sst s0;
	s0 =	simm.s32 @!p0 $0x0;
	(pc) =	sbr.rel .LBB2_8-.Ltmp5, $4  }
0x171: {  	p4 =	por p6, p6;
	p6 =	por @!p2 p1, p1;
	s0 =	simm.s32 @p0 $0x1  }
0x172: {  	[smem:$0x7BA] =	sst s0;
	s0 =	simm.s32 @!p6 $0x0  }
0x173: {  	p4 =	por @!p2 p1, p1;
	s0 =	simm.s32 @p6 $0x1  }
0x174: {  	p6 =	por p4, p4;
	[smem:$0x7BB] =	sst s0  }
.LBB2_7:
0x175: {  	p1 =	sgt.s32 s4, $0xD;
	s0 =	sld [smem:$0x7E6]  }
0x176: {  	p0 =	seq.s32 @p1 s4, $0xE  }
0x177: {  	p2 =	por !p0, !p1  }
0x178: {  	s3 =	rddreg [dreg:$0x5];
	s0 =	sshrl.u32 @!p2 s0, $0x3;
	s2 =	simm.s32 @!p2 $0x1F81  }
0x179: {  	[spmem:s0], [sflag:s2] =	dma.local @!p2 [hbm:s3], $0x7D  }
0x17a: {  	s0 =	sld [smem:$0x7E5];
	_ =	sdelay $0x1  }
0x17b: {  	p0 =	por p0, !p1  }
0x17c: {  	s2 =	simm.s32 @!p0 $0x1FC1;
	s0 =	sshrl.u32 @!p0 s0, $0x3  }
0x17d: {  	[spmem:s0], [sflag:s2] =	dma.local @!p0 [hbm:s3], $0x7D  }
0x17e: {  	s0 =	simm.s32 @!p0 $0x0  }
0x17f: {  	s0 =	simm.s32 @p0 $0x1  }
0x180: {  	[smem:$0x7A8] =	sst s0  }
0x181: {  	s0 =	sld [smem:$0x7E8]  }
0x182: {  	p4 =	seq.s32 @!p1 s4, $0xC  }
0x183: {  	p3 =	por !p4, p1  }
0x184: {  	p4 =	por p4, p1;
	s2 =	simm.s32 @!p3 $0x1F01;
	s0 =	sshrl.u32 @!p3 s0, $0x3  }
0x185: {  	[spmem:s0], [sflag:s2] =	dma.local @!p3 [hbm:s3], $0x7D  }
0x186: {  	s0 =	simm.s32 @!p4 $0x0  }
0x187: {  	s0 =	simm.s32 @p4 $0x1  }
0x188: {  	[smem:$0x7A9] =	sst s0  }
0x189: {  	s0 =	sld [smem:$0x7E7];
	_ =	sdelay $0x2  }
0x18a: {  	p0 =	por @!p0 $0x0, $0x0;
	s2 =	simm.s32 @!p4 $0x1F41;
	s0 =	sshrl.u32 @!p4 s0, $0x3  }
0x18b: {  	[spmem:s0], [sflag:s2] =	dma.local @!p4 [hbm:s3], $0x7D  }
0x18c: {  	p6 =	por @!p2 $0x1, $0x1;
	p5 =	por p0, p0;
	s15 =	sld [smem:$0x7A8]  }
0x18d: {  	p5 =	por @!p2 p6, p6  }
0x18e: {  	s0 =	simm.s32 @!p5 $0x0  }
0x18f: {  	s0 =	simm.s32 @p5 $0x1;
	p5 =	seq.s32 s15, $0x1  }
0x190: {  	p4 =	por @!p5 $0x1, $0x1  }
0x191: {  	[smem:$0x7AF] =	sst s0;
	s0 =	simm.s32 @!p4 $0x0  }
0x192: {  	s16 =	sld [smem:$0x7A9];
	s0 =	simm.s32 @p4 $0x1  }
0x193: {  	[smem:$0x7BB] =	sst s0  }
0x194: {  	s17 =	sld [smem:$0x7BB]  }
0x195: {  	p6 =	por @!p2 $0x0, $0x0  }
0x196: {  	p0 =	por @!p2 p6, p6;
	p4 =	seq.s32 s16, $0x1  }
0x197: {  	p5 =	por @!p2 $0x0, $0x0;
	p6 =	por @!p4 $0x0, $0x0;
	p4 =	seq.s32 s17, $0x1  }
0x198: {  	s18 =	sld [smem:$0x7A9];
	p4 =	por @!p2 p5, p5  }
0x199: {  	p5 =	por @!p3 $0x1, $0x1;
	s0 =	simm.s32 @!p4 $0x0  }
0x19a: {  	p2 =	por p6, p6;
	p6 =	por @!p3 p5, p5;
	s0 =	simm.s32 @p4 $0x1  }
0x19b: {  	p4 =	seq.s32 s18, $0x1;
	[smem:$0x7BB] =	sst s0;
	s0 =	simm.s32 @!p6 $0x0  }
0x19c: {  	p4 =	por @!p4 $0x1, $0x1;
	s0 =	simm.s32 @p6 $0x1  }
0x19d: {  	[smem:$0x7AA] =	sst s0;
	s0 =	simm.s32 @!p4 $0x0  }
0x19e: {  	s0 =	simm.s32 @p4 $0x1  }
0x19f: {  	[smem:$0x7AB] =	sst s0  }
0x1a0: {  	s0 =	sld [smem:$0x7AB];
	_ =	sdelay $0x1  }
0x1a1: {  	s19 =	sld [smem:$0x7AA]  }
0x1a2: {  	p5 =	por @!p3 $0x0, $0x0;
	p4 =	por @!p3 $0x0, $0x0;
	p6 =	seq.s32 s0, $0x1  }
0x1a3: {  	p2 =	por @!p3 p4, p4;
	p6 =	por @!p3 p5, p5  }
0x1a4: {  	p4 =	por p0, p0;
	p3 =	seq.s32 s19, $0x1;
	s0 =	simm.s32 @!p6 $0x0  }
0x1a5: {  	p4 =	por @!p1 p3, p3;
	s0 =	simm.s32 @p6 $0x1  }
0x1a6: {  	[smem:$0x7AB] =	sst s0;
	s0 =	simm.s32 @!p4 $0x0  }
0x1a7: {  	s0 =	simm.s32 @p4 $0x1  }
0x1a8: {  	[smem:$0x7B0] =	sst s0;
	s0 =	simm.s32 @!p0 $0x0  }
0x1a9: {  	s0 =	simm.s32 @p0 $0x1  }
0x1aa: {  	[smem:$0x7B3] =	sst s0;
	s0 =	simm.s32 @!p0 $0x0  }
0x1ab: {  	s0 =	simm.s32 @p0 $0x1  }
0x1ac: {  	[smem:$0x7AC] =	sst s0;
	s0 =	simm.s32 @!p0 $0x0  }
0x1ad: {  	s0 =	simm.s32 @p0 $0x1  }
0x1ae: {  	[smem:$0x7B4] =	sst s0;
	s0 =	simm.s32 @!p0 $0x0  }
0x1af: {  	s0 =	simm.s32 @p0 $0x1  }
0x1b0: {  	[smem:$0x7AD] =	sst s0;
	s0 =	simm.s32 @!p0 $0x0  }
0x1b1: {  	s22 =	sld [smem:$0x7AF];
	s0 =	simm.s32 @p0 $0x1  }
0x1b2: {  	[smem:$0x7B5] =	sst s0;
	s0 =	simm.s32 @!p0 $0x0  }
0x1b3: {  	s20 =	sld [smem:$0x7AB];
	s0 =	simm.s32 @p0 $0x1  }
0x1b4: {  	p3 =	por p0, p0;
	[smem:$0x7B6] =	sst s0;
	s0 =	simm.s32 @!p0 $0x0  }
0x1b5: {  	p6 =	por p0, p0;
	p4 =	por p0, p0;
	s0 =	simm.s32 @p0 $0x1  }
0x1b6: {  	p5 =	seq.s32 s20, $0x1;
	[smem:$0x7B7] =	sst s0;
	s0 =	simm.s32 @!p0 $0x0  }
0x1b7: {  	s0 =	simm.s32 @p0 $0x1;
	p0 =	por @!p1 p5, p5;
	p5 =	por p3, p3  }
0x1b8: {  	p3 =	seq.s32 s22, $0x1;
	[smem:$0x7B9] =	sst s0;
	s0 =	simm.s32 @!p0 $0x0  }
0x1b9: {  	p3 =	por @!p1 p2, p2;
	s0 =	simm.s32 @p0 $0x1  }
0x1ba: {  	[smem:$0x7BA] =	sst s0;
	s0 =	simm.s32 @!p3 $0x0  }
0x1bb: {  	p6 =	por @!p1 p2, p2;
	s24 =	sld [smem:$0x7B3];
	s0 =	simm.s32 @p3 $0x1  }
0x1bc: {  	[smem:$0x7AF] =	sst s0;
	s0 =	simm.s32 @!p6 $0x0  }
0x1bd: {  	s26 =	sld [smem:$0x7B4];
	p5 =	por @!p1 p2, p2;
	s0 =	simm.s32 @p6 $0x1  }
0x1be: {  	p3 =	seq.s32 s24, $0x1;
	[smem:$0x7B1] =	sst s0;
	s0 =	simm.s32 @!p5 $0x0  }
0x1bf: {  	p3 =	por @!p1 p2, p2;
	s0 =	simm.s32 @p5 $0x1  }
0x1c0: {  	[smem:$0x7B2] =	sst s0;
	s0 =	simm.s32 @!p3 $0x0  }
0x1c1: {  	s28 =	sld [smem:$0x7B5];
	s0 =	simm.s32 @p3 $0x1;
	p3 =	seq.s32 s26, $0x1  }
0x1c2: {  	p3 =	por @!p1 p2, p2  }
0x1c3: {  	[smem:$0x7B3] =	sst s0;
	s0 =	simm.s32 @!p3 $0x0  }
0x1c4: {  	s29 =	sld [smem:$0x7B6];
	s0 =	simm.s32 @p3 $0x1;
	p3 =	seq.s32 s28, $0x1  }
0x1c5: {  	s21 =	sld [smem:$0x7B7];
	p3 =	por @!p1 p2, p2  }
0x1c6: {  	[smem:$0x7B4] =	sst s0;
	s0 =	simm.s32 @!p3 $0x0  }
0x1c7: {  	s0 =	simm.s32 @p3 $0x1;
	p3 =	seq.s32 s29, $0x1  }
0x1c8: {  	p3 =	por @!p1 p2, p2  }
0x1c9: {  	p0 =	seq.s32 s21, $0x1;
	[smem:$0x7B5] =	sst s0;
	s0 =	simm.s32 @!p3 $0x0  }
0x1ca: {  	s30 =	sld [smem:$0x7B9];
	p0 =	por @!p1 p2, p2;
	s0 =	simm.s32 @p3 $0x1  }
0x1cb: {  	[smem:$0x7B6] =	sst s0;
	s0 =	simm.s32 @!p0 $0x0  }
0x1cc: {  	s31 =	sld [smem:$0x7BB];
	p4 =	por @!p1 p2, p2;
	s0 =	simm.s32 @p0 $0x1  }
0x1cd: {  	p0 =	seq.s32 s30, $0x1;
	[smem:$0x7B7] =	sst s0;
	s0 =	simm.s32 @!p4 $0x0  }
0x1ce: {  	s23 =	sld [smem:$0x7AC];
	p0 =	por @!p1 p2, p2;
	s0 =	simm.s32 @p4 $0x1  }
0x1cf: {  	[smem:$0x7B8] =	sst s0;
	s0 =	simm.s32 @!p0 $0x0  }
0x1d0: {  	s25 =	sld [smem:$0x7AD];
	s0 =	simm.s32 @p0 $0x1;
	p0 =	seq.s32 s31, $0x1  }
0x1d1: {  	p6 =	seq.s32 s23, $0x1;
	p0 =	por @!p1 p2, p2  }
0x1d2: {  	p6 =	por @!p1 p2, p2;
	[smem:$0x7B9] =	sst s0;
	s0 =	simm.s32 @!p0 $0x0  }
0x1d3: {  	p5 =	por p6, p6;
	p6 =	seq.s32 s25, $0x1;
	s0 =	simm.s32 @p0 $0x1  }
0x1d4: {  	p6 =	por @!p1 p2, p2;
	[smem:$0x7BB] =	sst s0  }
.LBB2_8:
0x1d5: {  	[dreg:$0x4] =	wrdreg s7;
	s2 =	simm.s32 $0x1  }
0x1d6: {  	_ =	swait.ge [sflag:s2], $0x7D  }
0x1d7: {  	[sflag:s2] =	ssyncset.done $0x0  }
0x1d8: {  	s0 =	sadd.s32 $0x0, s4;
	[sflag:s2] =	ssyncadd.s32 $0xFFFFFF83  }
0x1d9: {  	p1 =	sgt.u32 s0, $0x186;
	[bflag:$0x0] =	sbarrier.arrive $0xFFFF  }
0x1da: {  	s0 =	simm.s32 @!p1 $0x0;
	s2 =	simm.s32 @!p1 $0x2;
	s6 =	rddreg [dreg:$0x17]  }
0x1db: {  	[tilespmem:s0], [sflag:$0x2] =	stream.linear.gather @!p1 [hbm4b:s6+s0], $0x400, $0x38;
	[tilespmem:$0xAA0] =	vst v63  }
0x1dc: {  	_ =	swait.ge @!p1 [sflag:s2], $0x400  }
0x1dd: {  	[sflag:s2] =	ssyncset.done @!p1 $0x0;
	p1 =	por p1, p1  }
0x1de: {  	[sflag:s2] =	ssyncadd.s32 @!p1 $0xFFFFFC00;
	s3 =	simm.s32 @!p1 $0x80;
	s5 =	simm.s32 @!p1 $0x400  }
0x1df: {  	[spmem:s1] =	stream.indirect.scatter.add.f32 @!p1 [tilespmem:s5], [sflag:$0x2], $0x1, s0, s3, $0xb8;
	[tilespmem:$0xAA0] =	vst v63  }
0x1e0: {  	_ =	swait.ge @!p1 [sflag:s2], $0x80  }
0x1e1: {  	[sflag:s2] =	ssyncset.done @!p1 $0x0  }
0x1e2: {  	[sflag:s2] =	ssyncadd.s32 @!p1 $0xFFFFFF80  }
0x1e3: {  	[spmem:s1] =	stream.indirect.scatter.add.f32 @!p1 [tilespmem:s5], [sflag:$0x2], $0x1, s3, s3, $0xb8;
	[tilespmem:$0xAA0] =	vst v63  }
0x1e4: {  	_ =	swait.ge @!p1 [sflag:s2], $0x80  }
0x1e5: {  	[sflag:s2] =	ssyncset.done @!p1 $0x0  }
0x1e6: {  	s0 =	simm.s32 @!p1 $0x100;
	[sflag:s2] =	ssyncadd.s32 @!p1 $0xFFFFFF80  }
0x1e7: {  	[spmem:s1] =	stream.indirect.scatter.add.f32 @!p1 [tilespmem:s5], [sflag:$0x2], $0x1, s0, s3, $0xb8;
	[tilespmem:$0xAA0] =	vst v63  }
0x1e8: {  	_ =	swait.ge @!p1 [sflag:s2], $0x80  }
0x1e9: {  	[sflag:s2] =	ssyncset.done @!p1 $0x0  }
0x1ea: {  	s0 =	simm.s32 @!p1 $0x180;
	[sflag:s2] =	ssyncadd.s32 @!p1 $0xFFFFFF80  }
0x1eb: {  	[spmem:s1] =	stream.indirect.scatter.add.f32 @!p1 [tilespmem:s5], [sflag:$0x2], $0x1, s0, s3, $0xb8;
	[tilespmem:$0xAA0] =	vst v63  }
0x1ec: {  	_ =	swait.ge @!p1 [sflag:s2], $0x80  }
0x1ed: {  	[sflag:s2] =	ssyncset.done @!p1 $0x0  }
0x1ee: {  	s0 =	simm.s32 @!p1 $0x200;
	[sflag:s2] =	ssyncadd.s32 @!p1 $0xFFFFFF80  }
0x1ef: {  	[spmem:s1] =	stream.indirect.scatter.add.f32 @!p1 [tilespmem:s5], [sflag:$0x2], $0x1, s0, s3, $0xb8;
	[tilespmem:$0xAA0] =	vst v63  }
0x1f0: {  	_ =	swait.ge @!p1 [sflag:s2], $0x80  }
0x1f1: {  	[sflag:s2] =	ssyncset.done @!p1 $0x0  }
0x1f2: {  	s0 =	simm.s32 @!p1 $0x280;
	[sflag:s2] =	ssyncadd.s32 @!p1 $0xFFFFFF80  }
0x1f3: {  	[spmem:s1] =	stream.indirect.scatter.add.f32 @!p1 [tilespmem:s5], [sflag:$0x2], $0x1, s0, s3, $0xb8;
	[tilespmem:$0xAA0] =	vst v63  }
0x1f4: {  	_ =	swait.ge @!p1 [sflag:s2], $0x80  }
0x1f5: {  	[sflag:s2] =	ssyncset.done @!p1 $0x0  }
0x1f6: {  	s0 =	simm.s32 @!p1 $0x300;
	[sflag:s2] =	ssyncadd.s32 @!p1 $0xFFFFFF80  }
0x1f7: {  	[spmem:s1] =	stream.indirect.scatter.add.f32 @!p1 [tilespmem:s5], [sflag:$0x2], $0x1, s0, s3, $0xb8;
	[tilespmem:$0xAA0] =	vst v63  }
0x1f8: {  	_ =	swait.ge @!p1 [sflag:s2], $0x80  }
0x1f9: {  	s31 =	sadd.s32 $0x10, s4;
	[sflag:s2] =	ssyncset.done @!p1 $0x0  }
0x1fa: {  	s8 =	simm.s32 @!p1 $0x1;
	s0 =	simm.s32 @!p1 $0x380;
	[sflag:s2] =	ssyncadd.s32 @!p1 $0xFFFFFF80  }
0x1fb: {  	[spmem:s1] =	stream.indirect.scatter.add.f32 @!p1 [tilespmem:s5], [sflag:$0x1], $0x1, s0, s3, $0xb8;
	[tilespmem:$0xAA0] =	vst v63  }
0x1fc: {  	p3 =	sgt.u32 s31, $0x186;
	_ =	swait.ge @!p1 [sflag:s8], $0x80  }
0x1fd: {  	s2 =	sadd.s32 $0x800, s6;
	s0 =	simm.s32 $0x20;
	[sflag:s8] =	ssyncset.done @!p1 $0x0  }
.LBB2_9:
0x1fe: {  	s9 =	simm.s32 @!p3 $0x0;
	s5 =	simm.s32 @!p3 $0x2;
	[sflag:s8] =	ssyncadd.s32 @!p1 $0xFFFFFF80  }
0x1ff: {  	[tilespmem:s9], [sflag:$0x2] =	stream.linear.gather @!p3 [hbm4b:s2+s9], $0x400, $0x38;
	[tilespmem:$0xAA0] =	vst v63  }
0x200: {  	s3 =	smov.u32 s0;
	s0 =	sadd.s32 $0x10, s0;
	_ =	swait.ge @!p3 [sflag:s5], $0x400  }
0x201: {  	p1 =	por p3, p3;
	p2 =	sne.s32 s0, $0x190;
	[sflag:s5] =	ssyncset.done @!p3 $0x0  }
0x202: {  	s6 =	simm.s32 @!p1 $0x80;
	s7 =	simm.s32 @!p1 $0x400;
	[sflag:s5] =	ssyncadd.s32 @!p1 $0xFFFFFC00  }
0x203: {  	[spmem:s1] =	stream.indirect.scatter.add.f32 @!p1 [tilespmem:s7], [sflag:$0x2], $0x1, s9, s6, $0xb8;
	[tilespmem:$0xAA0] =	vst v63  }
0x204: {  	_ =	swait.ge @!p1 [sflag:s5], $0x80  }
0x205: {  	[sflag:s5] =	ssyncset.done @!p1 $0x0  }
0x206: {  	[sflag:s5] =	ssyncadd.s32 @!p1 $0xFFFFFF80  }
0x207: {  	[spmem:s1] =	stream.indirect.scatter.add.f32 @!p1 [tilespmem:s7], [sflag:$0x2], $0x1, s6, s6, $0xb8;
	[tilespmem:$0xAA0] =	vst v63  }
0x208: {  	_ =	swait.ge @!p1 [sflag:s5], $0x80  }
0x209: {  	[sflag:s5] =	ssyncset.done @!p1 $0x0  }
0x20a: {  	s8 =	simm.s32 @!p1 $0x100;
	[sflag:s5] =	ssyncadd.s32 @!p1 $0xFFFFFF80  }
0x20b: {  	[spmem:s1] =	stream.indirect.scatter.add.f32 @!p1 [tilespmem:s7], [sflag:$0x2], $0x1, s8, s6, $0xb8;
	[tilespmem:$0xAA0] =	vst v63  }
0x20c: {  	_ =	swait.ge @!p1 [sflag:s5], $0x80  }
0x20d: {  	[sflag:s5] =	ssyncset.done @!p1 $0x0  }
0x20e: {  	s8 =	simm.s32 @!p1 $0x180;
	[sflag:s5] =	ssyncadd.s32 @!p1 $0xFFFFFF80  }
0x20f: {  	[spmem:s1] =	stream.indirect.scatter.add.f32 @!p1 [tilespmem:s7], [sflag:$0x2], $0x1, s8, s6, $0xb8;
	[tilespmem:$0xAA0] =	vst v63  }
0x210: {  	_ =	swait.ge @!p1 [sflag:s5], $0x80  }
0x211: {  	[sflag:s5] =	ssyncset.done @!p1 $0x0  }
0x212: {  	s8 =	simm.s32 @!p1 $0x200;
	[sflag:s5] =	ssyncadd.s32 @!p1 $0xFFFFFF80  }
0x213: {  	[spmem:s1] =	stream.indirect.scatter.add.f32 @!p1 [tilespmem:s7], [sflag:$0x2], $0x1, s8, s6, $0xb8;
	[tilespmem:$0xAA0] =	vst v63  }
0x214: {  	_ =	swait.ge @!p1 [sflag:s5], $0x80  }
0x215: {  	[sflag:s5] =	ssyncset.done @!p1 $0x0  }
0x216: {  	s8 =	simm.s32 @!p1 $0x280;
	[sflag:s5] =	ssyncadd.s32 @!p1 $0xFFFFFF80  }
0x217: {  	[spmem:s1] =	stream.indirect.scatter.add.f32 @!p1 [tilespmem:s7], [sflag:$0x2], $0x1, s8, s6, $0xb8;
	[tilespmem:$0xAA0] =	vst v63  }
0x218: {  	_ =	swait.ge @!p1 [sflag:s5], $0x80  }
0x219: {  	[sflag:s5] =	ssyncset.done @!p1 $0x0  }
0x21a: {  	s8 =	simm.s32 @!p1 $0x300;
	[sflag:s5] =	ssyncadd.s32 @!p1 $0xFFFFFF80  }
0x21b: {  	[spmem:s1] =	stream.indirect.scatter.add.f32 @!p1 [tilespmem:s7], [sflag:$0x2], $0x1, s8, s6, $0xb8;
	[tilespmem:$0xAA0] =	vst v63  }
0x21c: {  	_ =	swait.ge @!p1 [sflag:s5], $0x80  }
.Ltmp6:
0x21d: {  	[sflag:s5] =	ssyncset.done @!p1 $0x0;
	(pc) =	sbr.rel @p2 .LBB2_9-.Ltmp6, $4  }
0x21e: {  	s8 =	simm.s32 @!p1 $0x1;
	[sflag:s5] =	ssyncadd.s32 @!p1 $0xFFFFFF80;
	s5 =	simm.s32 @!p1 $0x380  }
0x21f: {  	[spmem:s1] =	stream.indirect.scatter.add.f32 @!p1 [tilespmem:s7], [sflag:$0x1], $0x1, s5, s6, $0xb8;
	[tilespmem:$0xAA0] =	vst v63  }
0x220: {  	s3 =	sadd.s32 s3, s4;
	_ =	swait.ge @!p1 [sflag:s8], $0x80  }
0x221: {  	s2 =	sadd.s32 $0x800, s2;
	p3 =	sgt.u32 s3, $0x186;
	[sflag:s8] =	ssyncset.done @!p1 $0x0  }
0x222: {  	[sflag:s8] =	ssyncadd.s32 @!p1 $0xFFFFFF80;
	s0 =	simm.s32 @!p3 $0x0;
	s3 =	simm.s32 @!p3 $0x2  }
0x223: {  	[tilespmem:s0], [sflag:$0x2] =	stream.linear.gather @!p3 [hbm4b:s2+s0], $0x400, $0x38;
	[tilespmem:$0xAA0] =	vst v63  }
0x224: {  	_ =	swait.ge @!p3 [sflag:s3], $0x400  }
0x225: {  	p1 =	por p3, p3;
	[sflag:s3] =	ssyncset.done @!p3 $0x0  }
0x226: {  	s2 =	simm.s32 @!p1 $0x80;
	s5 =	simm.s32 @!p1 $0x400;
	[sflag:s3] =	ssyncadd.s32 @!p1 $0xFFFFFC00  }
0x227: {  	[spmem:s1] =	stream.indirect.scatter.add.f32 @!p1 [tilespmem:s5], [sflag:$0x2], $0x1, s0, s2, $0xb8;
	[tilespmem:$0xAA0] =	vst v63  }
0x228: {  	_ =	swait.ge @!p1 [sflag:s3], $0x80  }
0x229: {  	[sflag:s3] =	ssyncset.done @!p1 $0x0  }
0x22a: {  	[sflag:s3] =	ssyncadd.s32 @!p1 $0xFFFFFF80  }
0x22b: {  	[spmem:s1] =	stream.indirect.scatter.add.f32 @!p1 [tilespmem:s5], [sflag:$0x2], $0x1, s2, s2, $0xb8;
	[tilespmem:$0xAA0] =	vst v63  }
0x22c: {  	_ =	swait.ge @!p1 [sflag:s3], $0x80  }
0x22d: {  	[sflag:s3] =	ssyncset.done @!p1 $0x0  }
0x22e: {  	s0 =	simm.s32 @!p1 $0x100;
	[sflag:s3] =	ssyncadd.s32 @!p1 $0xFFFFFF80  }
0x22f: {  	[spmem:s1] =	stream.indirect.scatter.add.f32 @!p1 [tilespmem:s5], [sflag:$0x2], $0x1, s0, s2, $0xb8;
	[tilespmem:$0xAA0] =	vst v63  }
0x230: {  	_ =	swait.ge @!p1 [sflag:s3], $0x80  }
0x231: {  	[sflag:s3] =	ssyncset.done @!p1 $0x0  }
0x232: {  	s0 =	simm.s32 @!p1 $0x180;
	[sflag:s3] =	ssyncadd.s32 @!p1 $0xFFFFFF80  }
0x233: {  	[spmem:s1] =	stream.indirect.scatter.add.f32 @!p1 [tilespmem:s5], [sflag:$0x2], $0x1, s0, s2, $0xb8;
	[tilespmem:$0xAA0] =	vst v63  }
0x234: {  	_ =	swait.ge @!p1 [sflag:s3], $0x80  }
0x235: {  	[sflag:s3] =	ssyncset.done @!p1 $0x0  }
0x236: {  	s0 =	simm.s32 @!p1 $0x200;
	[sflag:s3] =	ssyncadd.s32 @!p1 $0xFFFFFF80  }
0x237: {  	[spmem:s1] =	stream.indirect.scatter.add.f32 @!p1 [tilespmem:s5], [sflag:$0x2], $0x1, s0, s2, $0xb8;
	[tilespmem:$0xAA0] =	vst v63  }
0x238: {  	_ =	swait.ge @!p1 [sflag:s3], $0x80  }
0x239: {  	[sflag:s3] =	ssyncset.done @!p1 $0x0  }
0x23a: {  	s0 =	simm.s32 @!p1 $0x280;
	[sflag:s3] =	ssyncadd.s32 @!p1 $0xFFFFFF80  }
0x23b: {  	[spmem:s1] =	stream.indirect.scatter.add.f32 @!p1 [tilespmem:s5], [sflag:$0x2], $0x1, s0, s2, $0xb8;
	[tilespmem:$0xAA0] =	vst v63  }
0x23c: {  	_ =	swait.ge @!p1 [sflag:s3], $0x80  }
0x23d: {  	[sflag:s3] =	ssyncset.done @!p1 $0x0  }
0x23e: {  	s0 =	simm.s32 @!p1 $0x300;
	[sflag:s3] =	ssyncadd.s32 @!p1 $0xFFFFFF80  }
0x23f: {  	[spmem:s1] =	stream.indirect.scatter.add.f32 @!p1 [tilespmem:s5], [sflag:$0x2], $0x1, s0, s2, $0xb8;
	[tilespmem:$0xAA0] =	vst v63  }
0x240: {  	_ =	swait.ge @!p1 [sflag:s3], $0x80  }
0x241: {  	[sflag:s3] =	ssyncset.done @!p1 $0x0  }
0x242: {  	s0 =	simm.s32 @!p1 $0x380;
	[sflag:s3] =	ssyncadd.s32 @!p1 $0xFFFFFF80;
	s3 =	simm.s32 @!p1 $0x1  }
0x243: {  	[spmem:s1] =	stream.indirect.scatter.add.f32 @!p1 [tilespmem:s5], [sflag:$0x1], $0x1, s0, s2, $0xb8;
	[tilespmem:$0xAA0] =	vst v63  }
0x244: {  	_ =	swait.ge @!p1 [sflag:s3], $0x80  }
0x245: {  	s21 =	sld [smem:$0x7FD];
	_ =	sdelay $0x2  }
0x246: {  	p0 =	sne.s32 s21, $0x0  }
0x247: {  	s0 =	simm.s32 @!p0 $0x0  }
0x248: {  	[sflag:s3] =	ssyncset.done @!p1 $0x0;
	s0 =	simm.s32 @p0 $0x1  }
0x249: {  	[sflag:s3] =	ssyncadd.s32 @!p1 $0xFFFFFF80;
	[smem:$0x78E] =	sst s0;
	s0 =	sshll.u32 @!p0 s4, $0x6  }
0x24a: {  	[bflag:$0x0] =	sbarrier.arrive $0xFFFF;
	s3 =	sor.u32 @!p0 $0x1C01, s0  }
0x24b: {  	[smem:$0x78F] =	sst s3  }
0x24c: {  	s25 =	simm.s32 @!p0 $0x1;
	s0 =	sshrl.u32 @!p0 s1, $0x3;
	s2 =	rddreg [dreg:$0x6]  }
0x24d: {  	[hbm:s2], [sflag:s3] =	dma.local @!p0 [spmem:s0], $0x7D  }
0x24e: {  	_ =	swait.ge @!p0 [sflag:s25], $0x7D  }
0x24f: {  	s22 =	sld [smem:$0x7BD];
	_ =	sdelay $0x1  }
0x250: {  	[sflag:s25] =	ssyncset.done @!p0 $0x0  }
0x251: {  	[sflag:s25] =	ssyncadd.s32 @!p0 $0xFFFFFF83;
	p0 =	seq.s32 s22, $0x1  }
0x252: {  	s2 =	rddreg [dreg:$0x8];
	s0 =	sshrl.u32 @p0 s1, $0x3;
	s3 =	simm.s32 @p0 $0x1C01  }
0x253: {  	[hbm:s2], [sflag:s3] =	dma.local @p0 [spmem:s0], $0x7D  }
0x254: {  	s2 =	rddreg [dreg:$0x7]  }
0x255: {  	p1 =	seq.s32 s2, $0x0  }
0x256: {  	s0 =	simm.s32 @p0 $0x1C01;
	p2 =	por !p1, !p6  }
0x257: {  	s18 =	simm.s32 @p0 $0x1;
	[smem:$0x790] =	sst s0;
	p2 =	por !p2, !p2  }
0x258: {  	_ =	swait.ge @p0 [sflag:s18], $0x7D;
	s0 =	simm.s32 @!p2 $0x0  }
0x259: {  	s5 =	sld [smem:$0x7F3];
	s0 =	simm.s32 @p2 $0x1  }
0x25a: {  	[smem:$0x791] =	sst s0;
	s0 =	sshll.u32 @p2 s4, $0x6  }
0x25b: {  	[sflag:s18] =	ssyncset.done @p0 $0x0;
	s3 =	rddreg [dreg:$0x9];
	s6 =	sor.u32 @p2 $0x1C01, s0  }
0x25c: {  	[sflag:s18] =	ssyncadd.s32 @p0 $0xFFFFFF83;
	s0 =	sshrl.u32 @p2 s5, $0x3;
	[smem:$0x792] =	sst s6  }
0x25d: {  	[hbm:s3], [sflag:s6] =	dma.local @p2 [spmem:s0], $0x7D  }
0x25e: {  	s0 =	sld [smem:$0x7BC];
	_ =	sdelay $0x2  }
0x25f: {  	p4 =	seq.s32 s0, $0x1  }
0x260: {  	p3 =	por !p6, !p4  }
0x261: {  	p3 =	por !p3, !p3  }
0x262: {  	s16 =	simm.s32 @p2 $0x1;
	s0 =	simm.s32 @!p3 $0x0  }
0x263: {  	_ =	swait.ge @p2 [sflag:s16], $0x7D;
	s0 =	simm.s32 @p3 $0x1  }
0x264: {  	[smem:$0x793] =	sst s0;
	s0 =	sshll.u32 @p3 s4, $0x6  }
0x265: {  	[sflag:s16] =	ssyncset.done @p2 $0x0;
	s3 =	rddreg [dreg:$0xa];
	s6 =	sor.u32 @p3 $0x1C01, s0  }
0x266: {  	[sflag:s16] =	ssyncadd.s32 @p2 $0xFFFFFF83;
	s0 =	sshrl.u32 @p3 s5, $0x3;
	[smem:$0x794] =	sst s6  }
0x267: {  	[hbm:s3], [sflag:s6] =	dma.local @p3 [spmem:s0], $0x7D  }
0x268: {  	s0 =	sld [smem:$0x7B4];
	_ =	sdelay $0x2  }
0x269: {  	p2 =	seq.s32 s0, $0x1  }
0x26a: {  	s14 =	simm.s32 @p3 $0x1;
	p6 =	por !p1, !p2  }
0x26b: {  	_ =	swait.ge @p3 [sflag:s14], $0x7D;
	p6 =	por !p6, !p6  }
0x26c: {  	s5 =	sld [smem:$0x7F2];
	s0 =	simm.s32 @!p6 $0x0  }
0x26d: {  	s3 =	rddreg [dreg:$0xb];
	s0 =	simm.s32 @p6 $0x1  }
0x26e: {  	[sflag:s14] =	ssyncset.done @p3 $0x0;
	[smem:$0x795] =	sst s0;
	s0 =	sshll.u32 @p6 s4, $0x6  }
0x26f: {  	[sflag:s14] =	ssyncadd.s32 @p3 $0xFFFFFF83;
	p3 =	por !p2, !p4;
	s6 =	sor.u32 @p6 $0x1C01, s0  }
0x270: {  	p3 =	por !p3, !p3;
	s0 =	sshrl.u32 @p6 s5, $0x3;
	[smem:$0x796] =	sst s6  }
0x271: {  	[hbm:s3], [sflag:s6] =	dma.local @p6 [spmem:s0], $0x7D  }
0x272: {  	s13 =	simm.s32 @p6 $0x1;
	s0 =	simm.s32 @!p3 $0x0  }
0x273: {  	_ =	swait.ge @p6 [sflag:s13], $0x7D;
	s0 =	simm.s32 @p3 $0x1  }
0x274: {  	[smem:$0x797] =	sst s0;
	s0 =	sshll.u32 @p3 s4, $0x6  }
0x275: {  	[sflag:s13] =	ssyncset.done @p6 $0x0;
	s3 =	rddreg [dreg:$0xc];
	s6 =	sor.u32 @p3 $0x1C01, s0  }
0x276: {  	[sflag:s13] =	ssyncadd.s32 @p6 $0xFFFFFF83;
	s0 =	sshrl.u32 @p3 s5, $0x3;
	[smem:$0x798] =	sst s6  }
0x277: {  	[hbm:s3], [sflag:s6] =	dma.local @p3 [spmem:s0], $0x7D  }
0x278: {  	s0 =	sld [smem:$0x7B5];
	_ =	sdelay $0x2  }
0x279: {  	p2 =	seq.s32 s0, $0x1  }
0x27a: {  	s15 =	simm.s32 @p3 $0x1;
	p6 =	por !p1, !p2  }
0x27b: {  	_ =	swait.ge @p3 [sflag:s15], $0x7D;
	p6 =	por !p6, !p6  }
0x27c: {  	s5 =	sld [smem:$0x7F1];
	s0 =	simm.s32 @!p6 $0x0  }
0x27d: {  	s3 =	rddreg [dreg:$0xd];
	s0 =	simm.s32 @p6 $0x1  }
0x27e: {  	[sflag:s15] =	ssyncset.done @p3 $0x0;
	[smem:$0x799] =	sst s0;
	s0 =	sshll.u32 @p6 s4, $0x6  }
0x27f: {  	[sflag:s15] =	ssyncadd.s32 @p3 $0xFFFFFF83;
	p2 =	por !p2, !p4;
	s6 =	sor.u32 @p6 $0x1C01, s0  }
0x280: {  	p2 =	por !p2, !p2;
	s0 =	sshrl.u32 @p6 s5, $0x3;
	[smem:$0x79A] =	sst s6  }
0x281: {  	[hbm:s3], [sflag:s6] =	dma.local @p6 [spmem:s0], $0x7D  }
0x282: {  	p3 =	por !p1, !p5;
	s17 =	simm.s32 @p6 $0x1;
	s0 =	simm.s32 @!p2 $0x0  }
0x283: {  	p3 =	por !p3, !p3;
	_ =	swait.ge @p6 [sflag:s17], $0x7D;
	s0 =	simm.s32 @p2 $0x1  }
0x284: {  	s19 =	simm.s32 @p2 $0x1;
	[smem:$0x79B] =	sst s0;
	s0 =	sshll.u32 @p2 s4, $0x6  }
0x285: {  	[sflag:s17] =	ssyncset.done @p6 $0x0;
	s3 =	rddreg [dreg:$0xe];
	s6 =	sor.u32 @p2 $0x1C01, s0  }
0x286: {  	[sflag:s17] =	ssyncadd.s32 @p6 $0xFFFFFF83;
	s0 =	sshrl.u32 @p2 s5, $0x3;
	[smem:$0x79C] =	sst s6  }
0x287: {  	[hbm:s3], [sflag:s6] =	dma.local @p2 [spmem:s0], $0x7D  }
0x288: {  	s0 =	simm.s32 @!p3 $0x0;
	_ =	swait.ge @p2 [sflag:s19], $0x7D  }
0x289: {  	p5 =	por !p5, !p4;
	s0 =	simm.s32 @p3 $0x1;
	s5 =	sld [smem:$0x7F0]  }
0x28a: {  	p5 =	por !p5, !p5;
	[smem:$0x79D] =	sst s0;
	s0 =	sshll.u32 @p3 s4, $0x6  }
0x28b: {  	[sflag:s19] =	ssyncset.done @p2 $0x0;
	s3 =	rddreg [dreg:$0xf];
	s6 =	sor.u32 @p3 $0x1C01, s0  }
0x28c: {  	[sflag:s19] =	ssyncadd.s32 @p2 $0xFFFFFF83;
	[smem:$0x79E] =	sst s6;
	s0 =	sshrl.u32 @p3 s5, $0x3  }
0x28d: {  	[hbm:s3], [sflag:s6] =	dma.local @p3 [spmem:s0], $0x7D  }
0x28e: {  	s21 =	simm.s32 @p3 $0x1;
	s0 =	simm.s32 @!p5 $0x0  }
0x28f: {  	_ =	swait.ge @p3 [sflag:s21], $0x7D;
	s0 =	simm.s32 @p5 $0x1  }
0x290: {  	[smem:$0x79F] =	sst s0;
	s0 =	sshll.u32 @p5 s4, $0x6  }
0x291: {  	[sflag:s21] =	ssyncset.done @p3 $0x0;
	s3 =	rddreg [dreg:$0x10];
	s6 =	sor.u32 @p5 $0x1C01, s0  }
0x292: {  	[sflag:s21] =	ssyncadd.s32 @p3 $0xFFFFFF83;
	s0 =	sshrl.u32 @p5 s5, $0x3;
	[smem:$0x7A0] =	sst s6  }
0x293: {  	[hbm:s3], [sflag:s6] =	dma.local @p5 [spmem:s0], $0x7D  }
0x294: {  	s0 =	sld [smem:$0x7B6];
	_ =	sdelay $0x2  }
0x295: {  	p6 =	seq.s32 s0, $0x1  }
0x296: {  	s24 =	simm.s32 @p5 $0x1;
	p3 =	por !p1, !p6  }
0x297: {  	_ =	swait.ge @p5 [sflag:s24], $0x7D;
	p3 =	por !p3, !p3  }
0x298: {  	s5 =	sld [smem:$0x7EF];
	s0 =	simm.s32 @!p3 $0x0  }
0x299: {  	s3 =	rddreg [dreg:$0x11];
	s0 =	simm.s32 @p3 $0x1  }
0x29a: {  	[sflag:s24] =	ssyncset.done @p5 $0x0;
	[smem:$0x7A1] =	sst s0;
	s0 =	sshll.u32 @p3 s4, $0x6  }
0x29b: {  	[sflag:s24] =	ssyncadd.s32 @p5 $0xFFFFFF83;
	p5 =	por !p6, !p4;
	s6 =	sor.u32 @p3 $0x1C01, s0  }
0x29c: {  	p5 =	por !p5, !p5;
	s0 =	sshrl.u32 @p3 s5, $0x3;
	[smem:$0x7A2] =	sst s6  }
0x29d: {  	[hbm:s3], [sflag:s6] =	dma.local @p3 [spmem:s0], $0x7D  }
0x29e: {  	s26 =	simm.s32 @p3 $0x1;
	s0 =	simm.s32 @!p5 $0x0  }
0x29f: {  	_ =	swait.ge @p3 [sflag:s26], $0x7D;
	s0 =	simm.s32 @p5 $0x1  }
0x2a0: {  	[smem:$0x7A3] =	sst s0  }
0x2a1: {  	[sflag:s26] =	ssyncset.done @p3 $0x0;
	s0 =	sshll.u32 @p5 s4, $0x6;
	s3 =	rddreg [dreg:$0x12]  }
0x2a2: {  	[sflag:s26] =	ssyncadd.s32 @p3 $0xFFFFFF83;
	s28 =	sor.u32 @p5 $0x1C01, s0;
	s0 =	sshrl.u32 @p5 s5, $0x3  }
0x2a3: {  	[hbm:s3], [sflag:s28] =	dma.local @p5 [spmem:s0], $0x7D  }
0x2a4: {  	s0 =	sld [smem:$0x7B3];
	_ =	sdelay $0x2  }
0x2a5: {  	p6 =	seq.s32 s0, $0x1  }
0x2a6: {  	s29 =	simm.s32 @p5 $0x1;
	p3 =	por !p1, !p6  }
0x2a7: {  	_ =	swait.ge @p5 [sflag:s29], $0x7D;
	p3 =	por !p3, !p3  }
0x2a8: {  	[sflag:s29] =	ssyncset.done @p5 $0x0;
	s5 =	sld [smem:$0x7EE];
	s0 =	simm.s32 @!p3 $0x0  }
0x2a9: {  	s3 =	rddreg [dreg:$0x13];
	[sflag:s29] =	ssyncadd.s32 @p5 $0xFFFFFF83;
	s0 =	simm.s32 @p3 $0x1  }
0x2aa: {  	p5 =	por !p6, !p4;
	[smem:$0x7A4] =	sst s0;
	s0 =	sshll.u32 @p3 s4, $0x6  }
0x2ab: {  	p2 =	por !p5, !p5;
	s30 =	sor.u32 @p3 $0x1C01, s0;
	s0 =	sshrl.u32 @p3 s5, $0x3  }
0x2ac: {  	[hbm:s3], [sflag:s30] =	dma.local @p3 [spmem:s0], $0x7D  }
0x2ad: {  	s31 =	simm.s32 @p3 $0x1;
	s0 =	simm.s32 @!p2 $0x0  }
0x2ae: {  	_ =	swait.ge @p3 [sflag:s31], $0x7D;
	s0 =	simm.s32 @p2 $0x1  }
0x2af: {  	[smem:$0x7A5] =	sst s0  }
0x2b0: {  	[sflag:s31] =	ssyncset.done @p3 $0x0;
	s0 =	sshll.u32 @p2 s4, $0x6;
	s3 =	rddreg [dreg:$0x14]  }
0x2b1: {  	[sflag:s31] =	ssyncadd.s32 @p3 $0xFFFFFF83;
	s22 =	sor.u32 @p2 $0x1C01, s0;
	s0 =	sshrl.u32 @p2 s5, $0x3  }
0x2b2: {  	[hbm:s3], [sflag:s22] =	dma.local @p2 [spmem:s0], $0x7D  }
0x2b3: {  	s0 =	sld [smem:$0x7B7];
	_ =	sdelay $0x2  }
0x2b4: {  	p5 =	seq.s32 s0, $0x1  }
0x2b5: {  	s7 =	simm.s32 @p2 $0x1;
	p6 =	por !p1, !p5  }
0x2b6: {  	_ =	swait.ge @p2 [sflag:s7], $0x7D;
	p3 =	por !p6, !p6  }
0x2b7: {  	[sflag:s7] =	ssyncset.done @p2 $0x0;
	s5 =	sld [smem:$0x7ED];
	s0 =	simm.s32 @!p3 $0x0  }
0x2b8: {  	s3 =	rddreg [dreg:$0x15];
	[sflag:s7] =	ssyncadd.s32 @p2 $0xFFFFFF83;
	s0 =	simm.s32 @p3 $0x1  }
0x2b9: {  	p2 =	por !p5, !p4;
	[smem:$0x7A6] =	sst s0;
	s0 =	sshll.u32 @p3 s4, $0x6  }
0x2ba: {  	p5 =	por !p2, !p2;
	s12 =	sor.u32 @p3 $0x1C01, s0;
	s0 =	sshrl.u32 @p3 s5, $0x3  }
0x2bb: {  	[hbm:s3], [sflag:s12] =	dma.local @p3 [spmem:s0], $0x7D  }
0x2bc: {  	s6 =	simm.s32 @p3 $0x1;
	s0 =	simm.s32 @!p5 $0x0  }
0x2bd: {  	_ =	swait.ge @p3 [sflag:s6], $0x7D;
	s0 =	simm.s32 @p5 $0x1  }
0x2be: {  	[smem:$0x7A7] =	sst s0  }
0x2bf: {  	[sflag:s6] =	ssyncset.done @p3 $0x0;
	s0 =	sshll.u32 @p5 s4, $0x6;
	s3 =	rddreg [dreg:$0x16]  }
0x2c0: {  	[sflag:s6] =	ssyncadd.s32 @p3 $0xFFFFFF83;
	s11 =	sor.u32 @p5 $0x1C01, s0;
	s0 =	sshrl.u32 @p5 s5, $0x3  }
0x2c1: {  	[hbm:s3], [sflag:s11] =	dma.local @p5 [spmem:s0], $0x7D  }
0x2c2: {  	s0 =	sld [smem:$0x7B2];
	_ =	sdelay $0x1  }
0x2c3: {  	s5 =	simm.s32 @p5 $0x1  }
0x2c4: {  	_ =	swait.ge @p5 [sflag:s5], $0x7D;
	p3 =	seq.s32 s0, $0x1  }
0x2c5: {  	s8 =	sld [smem:$0x7EC];
	p6 =	por !p1, !p3  }
0x2c6: {  	[sflag:s5] =	ssyncset.done @p5 $0x0;
	p6 =	por !p6, !p6  }
0x2c7: {  	s3 =	rddreg [dreg:$0x18];
	[sflag:s5] =	ssyncadd.s32 @p5 $0xFFFFFF83;
	s0 =	sshll.u32 @p6 s4, $0x6  }
0x2c8: {  	p1 =	por !p3, !p4;
	s10 =	sor.u32 @p6 $0x1C01, s0;
	s0 =	sshrl.u32 @p6 s8, $0x3  }
0x2c9: {  	[hbm:s3], [sflag:s10] =	dma.local @p6 [spmem:s0], $0x7D  }
0x2ca: {  	p5 =	por !p1, !p1;
	s3 =	simm.s32 @p6 $0x1  }
0x2cb: {  	s0 =	sshll.u32 @p5 s4, $0x6;
	_ =	swait.ge @p6 [sflag:s3], $0x7D  }
0x2cc: {  	s9 =	sor.u32 @p5 $0x1C01, s0;
	[sflag:s3] =	ssyncset.done @p6 $0x0  }
0x2cd: {  	s0 =	sshrl.u32 @p5 s8, $0x3;
	s20 =	rddreg [dreg:$0x19];
	[sflag:s3] =	ssyncadd.s32 @p6 $0xFFFFFF83  }
0x2ce: {  	[hbm:s20], [sflag:s9] =	dma.local @p5 [spmem:s0], $0x7D  }
0x2cf: {  	s0 =	sld [smem:$0x7B8];
	_ =	sdelay $0x1  }
0x2d0: {  	s8 =	simm.s32 @p5 $0x1  }
0x2d1: {  	_ =	swait.ge @p5 [sflag:s8], $0x7D;
	p1 =	seq.s32 s0, $0x1  }
0x2d2: {  	p3 =	sne.s32 s2, $0x0;
	s2 =	sld [smem:$0x7EB];
	p2 =	por !p1, !p1  }
0x2d3: {  	p0 =	por p3, p2  }
0x2d4: {  	[sflag:s8] =	ssyncset.done @p5 $0x0;
	s23 =	rddreg [dreg:$0x1a];
	s0 =	sshll.u32 @!p0 s4, $0x6  }
0x2d5: {  	[sflag:s8] =	ssyncadd.s32 @p5 $0xFFFFFF83;
	s20 =	sshrl.u32 @!p0 s2, $0x3;
	s0 =	sor.u32 @!p0 $0x1C01, s0  }
0x2d6: {  	[hbm:s23], [sflag:s0] =	dma.local @!p0 [spmem:s20], $0x7D  }
0x2d7: {  	p1 =	por !p1, !p4;
	s0 =	simm.s32 @!p0 $0x1  }
0x2d8: {  	p1 =	por !p1, !p1;
	_ =	swait.ge @!p0 [sflag:s0], $0x7D  }
0x2d9: {  	s20 =	sshll.u32 @p1 s4, $0x6;
	[sflag:s0] =	ssyncset.done @!p0 $0x0;
	s23 =	rddreg [dreg:$0x1b]  }
0x2da: {  	[sflag:s0] =	ssyncadd.s32 @!p0 $0xFFFFFF83;
	s0 =	sor.u32 @p1 $0x1C01, s20;
	s20 =	sshrl.u32 @p1 s2, $0x3  }
0x2db: {  	[hbm:s23], [sflag:s0] =	dma.local @p1 [spmem:s20], $0x7D  }
0x2dc: {  	s0 =	sld [smem:$0x7B1];
	_ =	sdelay $0x2  }
0x2dd: {  	p2 =	seq.s32 s0, $0x1;
	s0 =	simm.s32 @p1 $0x1  }
0x2de: {  	_ =	swait.ge @p1 [sflag:s0], $0x7D  }
0x2df: {  	p0 =	por !p2, !p2;
	s2 =	sld [smem:$0x7EA]  }
0x2e0: {  	p0 =	por p3, p0  }
0x2e1: {  	[sflag:s0] =	ssyncset.done @p1 $0x0;
	s23 =	rddreg [dreg:$0x1c];
	s20 =	sshll.u32 @!p0 s4, $0x6  }
0x2e2: {  	[sflag:s0] =	ssyncadd.s32 @p1 $0xFFFFFF83;
	s0 =	sor.u32 @!p0 $0x1C01, s20;
	s20 =	sshrl.u32 @!p0 s2, $0x3  }
0x2e3: {  	[hbm:s23], [sflag:s0] =	dma.local @!p0 [spmem:s20], $0x7D  }
0x2e4: {  	p2 =	por !p2, !p4;
	s0 =	simm.s32 @!p0 $0x1  }
0x2e5: {  	p1 =	por !p2, !p2;
	_ =	swait.ge @!p0 [sflag:s0], $0x7D  }
0x2e6: {  	s20 =	sshll.u32 @p1 s4, $0x6;
	[sflag:s0] =	ssyncset.done @!p0 $0x0;
	s23 =	rddreg [dreg:$0x1d]  }
0x2e7: {  	[sflag:s0] =	ssyncadd.s32 @!p0 $0xFFFFFF83;
	s0 =	sor.u32 @p1 $0x1C01, s20;
	s20 =	sshrl.u32 @p1 s2, $0x3  }
0x2e8: {  	[hbm:s23], [sflag:s0] =	dma.local @p1 [spmem:s20], $0x7D  }
0x2e9: {  	s0 =	sld [smem:$0x7B9];
	_ =	sdelay $0x2  }
0x2ea: {  	p2 =	seq.s32 s0, $0x1;
	s0 =	simm.s32 @p1 $0x1  }
0x2eb: {  	_ =	swait.ge @p1 [sflag:s0], $0x7D  }
0x2ec: {  	p0 =	por !p2, !p2;
	s2 =	sld [smem:$0x7E9]  }
0x2ed: {  	p0 =	por p3, p0  }
0x2ee: {  	[sflag:s0] =	ssyncset.done @p1 $0x0;
	s23 =	rddreg [dreg:$0x1e];
	s20 =	sshll.u32 @!p0 s4, $0x6  }
0x2ef: {  	[sflag:s0] =	ssyncadd.s32 @p1 $0xFFFFFF83;
	s0 =	sor.u32 @!p0 $0x1C01, s20;
	s20 =	sshrl.u32 @!p0 s2, $0x3  }
0x2f0: {  	[hbm:s23], [sflag:s0] =	dma.local @!p0 [spmem:s20], $0x7D  }
0x2f1: {  	p2 =	por !p2, !p4;
	s0 =	simm.s32 @!p0 $0x1  }
0x2f2: {  	p1 =	por !p2, !p2;
	_ =	swait.ge @!p0 [sflag:s0], $0x7D  }
0x2f3: {  	s20 =	sshll.u32 @p1 s4, $0x6;
	[sflag:s0] =	ssyncset.done @!p0 $0x0;
	s23 =	rddreg [dreg:$0x1f]  }
0x2f4: {  	[sflag:s0] =	ssyncadd.s32 @!p0 $0xFFFFFF83;
	s0 =	sor.u32 @p1 $0x1C01, s20;
	s20 =	sshrl.u32 @p1 s2, $0x3  }
0x2f5: {  	[hbm:s23], [sflag:s0] =	dma.local @p1 [spmem:s20], $0x7D  }
0x2f6: {  	s0 =	sld [smem:$0x7B0];
	_ =	sdelay $0x2  }
0x2f7: {  	p2 =	seq.s32 s0, $0x1;
	s0 =	simm.s32 @p1 $0x1  }
0x2f8: {  	_ =	swait.ge @p1 [sflag:s0], $0x7D  }
0x2f9: {  	p0 =	por !p2, !p2;
	s2 =	sld [smem:$0x7E8]  }
0x2fa: {  	p0 =	por p3, p0;
	s23 =	sld [smem:$0x7BE]  }
0x2fb: {  	[sflag:s0] =	ssyncset.done @p1 $0x0;
	s20 =	sshll.u32 @!p0 s4, $0x6  }
0x2fc: {  	[sflag:s0] =	ssyncadd.s32 @p1 $0xFFFFFF83;
	s0 =	sor.u32 @!p0 $0x1C01, s20;
	s20 =	sshrl.u32 @!p0 s2, $0x3  }
0x2fd: {  	[hbm:s23], [sflag:s0] =	dma.local @!p0 [spmem:s20], $0x7D  }
0x2fe: {  	s0 =	simm.s32 @!p0 $0x1  }
0x2ff: {  	p2 =	por !p2, !p4;
	_ =	swait.ge @!p0 [sflag:s0], $0x7D  }
0x300: {  	p1 =	por !p2, !p2;
	s23 =	sld [smem:$0x7BF]  }
0x301: {  	s20 =	sshll.u32 @p1 s4, $0x6;
	[sflag:s0] =	ssyncset.done @!p0 $0x0  }
0x302: {  	[sflag:s0] =	ssyncadd.s32 @!p0 $0xFFFFFF83;
	s0 =	sor.u32 @p1 $0x1C01, s20;
	s20 =	sshrl.u32 @p1 s2, $0x3  }
0x303: {  	[hbm:s23], [sflag:s0] =	dma.local @p1 [spmem:s20], $0x7D  }
0x304: {  	s0 =	sld [smem:$0x7BA];
	_ =	sdelay $0x2  }
0x305: {  	p2 =	seq.s32 s0, $0x1;
	s0 =	simm.s32 @p1 $0x1  }
0x306: {  	_ =	swait.ge @p1 [sflag:s0], $0x7D  }
0x307: {  	p0 =	por !p2, !p2;
	s2 =	sld [smem:$0x7E7]  }
0x308: {  	p0 =	por p3, p0;
	s23 =	sld [smem:$0x7C0]  }
0x309: {  	[sflag:s0] =	ssyncset.done @p1 $0x0;
	s20 =	sshll.u32 @!p0 s4, $0x6  }
0x30a: {  	[sflag:s0] =	ssyncadd.s32 @p1 $0xFFFFFF83;
	s0 =	sor.u32 @!p0 $0x1C01, s20;
	s20 =	sshrl.u32 @!p0 s2, $0x3  }
0x30b: {  	[hbm:s23], [sflag:s0] =	dma.local @!p0 [spmem:s20], $0x7D  }
0x30c: {  	s0 =	simm.s32 @!p0 $0x1  }
0x30d: {  	p2 =	por !p2, !p4;
	_ =	swait.ge @!p0 [sflag:s0], $0x7D  }
0x30e: {  	p1 =	por !p2, !p2;
	s23 =	sld [smem:$0x7C1]  }
0x30f: {  	s20 =	sshll.u32 @p1 s4, $0x6;
	[sflag:s0] =	ssyncset.done @!p0 $0x0  }
0x310: {  	[sflag:s0] =	ssyncadd.s32 @!p0 $0xFFFFFF83;
	s0 =	sor.u32 @p1 $0x1C01, s20;
	s20 =	sshrl.u32 @p1 s2, $0x3  }
0x311: {  	[hbm:s23], [sflag:s0] =	dma.local @p1 [spmem:s20], $0x7D  }
0x312: {  	s0 =	sld [smem:$0x7AF];
	_ =	sdelay $0x2  }
0x313: {  	p2 =	seq.s32 s0, $0x1;
	s0 =	simm.s32 @p1 $0x1  }
0x314: {  	_ =	swait.ge @p1 [sflag:s0], $0x7D  }
0x315: {  	p0 =	por !p2, !p2;
	s2 =	sld [smem:$0x7E6]  }
0x316: {  	p0 =	por p3, p0;
	s23 =	sld [smem:$0x7C2]  }
0x317: {  	[sflag:s0] =	ssyncset.done @p1 $0x0;
	s20 =	sshll.u32 @!p0 s4, $0x6  }
0x318: {  	[sflag:s0] =	ssyncadd.s32 @p1 $0xFFFFFF83;
	s0 =	sor.u32 @!p0 $0x1C01, s20;
	s20 =	sshrl.u32 @!p0 s2, $0x3  }
0x319: {  	[hbm:s23], [sflag:s0] =	dma.local @!p0 [spmem:s20], $0x7D  }
0x31a: {  	s0 =	simm.s32 @!p0 $0x1  }
0x31b: {  	p2 =	por !p2, !p4;
	_ =	swait.ge @!p0 [sflag:s0], $0x7D  }
0x31c: {  	p1 =	por !p2, !p2;
	s23 =	sld [smem:$0x7C3]  }
0x31d: {  	s20 =	sshll.u32 @p1 s4, $0x6;
	[sflag:s0] =	ssyncset.done @!p0 $0x0  }
0x31e: {  	[sflag:s0] =	ssyncadd.s32 @!p0 $0xFFFFFF83;
	s0 =	sor.u32 @p1 $0x1C01, s20;
	s20 =	sshrl.u32 @p1 s2, $0x3  }
0x31f: {  	[hbm:s23], [sflag:s0] =	dma.local @p1 [spmem:s20], $0x7D  }
0x320: {  	s0 =	sld [smem:$0x7BB];
	_ =	sdelay $0x2  }
0x321: {  	p2 =	seq.s32 s0, $0x1;
	s0 =	simm.s32 @p1 $0x1  }
0x322: {  	_ =	swait.ge @p1 [sflag:s0], $0x7D  }
0x323: {  	[sflag:s0] =	ssyncset.done @p1 $0x0  }
0x324: {  	p0 =	por !p2, !p2;
	[sflag:s0] =	ssyncadd.s32 @p1 $0xFFFFFF83;
	s0 =	sld [smem:$0x7E5]  }
0x325: {  	p0 =	por p3, p0;
	s23 =	sld [smem:$0x7C4]  }
0x326: {  	s20 =	sshll.u32 @!p0 s4, $0x6  }
0x327: {  	s2 =	sor.u32 @!p0 $0x1C01, s20;
	s20 =	sshrl.u32 @!p0 s0, $0x3  }
0x328: {  	[hbm:s23], [sflag:s2] =	dma.local @!p0 [spmem:s20], $0x7D  }
0x329: {  	s2 =	simm.s32 @!p0 $0x1  }
0x32a: {  	p4 =	por !p2, !p4;
	_ =	swait.ge @!p0 [sflag:s2], $0x7D  }
0x32b: {  	p1 =	por !p4, !p4;
	[sflag:s2] =	ssyncset.done @!p0 $0x0;
	s23 =	sld [smem:$0x7C5]  }
0x32c: {  	s20 =	sshll.u32 @p1 s4, $0x6;
	[sflag:s2] =	ssyncadd.s32 @!p0 $0xFFFFFF83  }
0x32d: {  	s2 =	sor.u32 @p1 $0x1C01, s20;
	s20 =	sshrl.u32 @p1 s0, $0x3;
	s0 =	simm.s32 @p1 $0x1  }
0x32e: {  	[hbm:s23], [sflag:s2] =	dma.local @p1 [spmem:s20], $0x7D  }
0x32f: {  	_ =	swait.ge @p1 [sflag:s0], $0x7D  }
0x330: {  	s23 =	sld [smem:$0x78E]  }
0x331: {  	s2 =	sld [smem:$0x7F4]  }
0x332: {  	s20 =	sld [smem:$0x7C6]  }
0x333: {  	p0 =	seq.s32 s23, $0x1;
	s23 =	sld [smem:$0x78F]  }
0x334: {  	[sflag:s0] =	ssyncset.done @p1 $0x0  }
0x335: {  	[sflag:s0] =	ssyncadd.s32 @p1 $0xFFFFFF83;
	s0 =	sshrl.u32 @!p0 s2, $0x3  }
0x336: {  	[hbm:s20], [sflag:s23] =	dma.local @!p0 [spmem:s0], $0x7D  }
0x337: {  	_ =	swait.ge @!p0 [sflag:s25], $0x7D  }
0x338: {  	[sflag:s25] =	ssyncset.done @!p0 $0x0  }
0x339: {  	[sflag:s25] =	ssyncadd.s32 @!p0 $0xFFFFFF83;
	s25 =	sld [smem:$0x7BD];
	_ =	sdelay $0x2  }
0x33a: {  	s20 =	sld [smem:$0x7C7];
	p0 =	seq.s32 s25, $0x1  }
0x33b: {  	s0 =	sshrl.u32 @p0 s2, $0x3;
	s2 =	sld [smem:$0x790];
	_ =	sdelay $0x2  }
0x33c: {  	[hbm:s20], [sflag:s2] =	dma.local @p0 [spmem:s0], $0x7D  }
0x33d: {  	_ =	swait.ge @p0 [sflag:s18], $0x7D  }
0x33e: {  	s20 =	sld [smem:$0x791]  }
0x33f: {  	[sflag:s18] =	ssyncset.done @p0 $0x0;
	s2 =	sld [smem:$0x7F5]  }
0x340: {  	[sflag:s18] =	ssyncadd.s32 @p0 $0xFFFFFF83;
	s18 =	sld [smem:$0x7C8]  }
0x341: {  	p0 =	seq.s32 s20, $0x1;
	s20 =	sld [smem:$0x792];
	_ =	sdelay $0x1  }
0x342: {  	s0 =	sshrl.u32 @p0 s2, $0x3  }
0x343: {  	[hbm:s18], [sflag:s20] =	dma.local @p0 [spmem:s0], $0x7D  }
0x344: {  	_ =	swait.ge @p0 [sflag:s16], $0x7D  }
0x345: {  	s23 =	sld [smem:$0x793];
	_ =	sdelay $0x1  }
0x346: {  	[sflag:s16] =	ssyncset.done @p0 $0x0  }
0x347: {  	[sflag:s16] =	ssyncadd.s32 @p0 $0xFFFFFF83;
	s16 =	sld [smem:$0x7C9];
	p0 =	seq.s32 s23, $0x1  }
0x348: {  	s0 =	sshrl.u32 @p0 s2, $0x3;
	s2 =	sld [smem:$0x794];
	_ =	sdelay $0x2  }
0x349: {  	[hbm:s16], [sflag:s2] =	dma.local @p0 [spmem:s0], $0x7D  }
0x34a: {  	_ =	swait.ge @p0 [sflag:s14], $0x7D  }
0x34b: {  	s2 =	sld [smem:$0x7F6]  }
0x34c: {  	s25 =	sld [smem:$0x795]  }
0x34d: {  	[sflag:s14] =	ssyncset.done @p0 $0x0;
	s16 =	sld [smem:$0x796]  }
0x34e: {  	[sflag:s14] =	ssyncadd.s32 @p0 $0xFFFFFF83;
	s14 =	sld [smem:$0x7CA]  }
0x34f: {  	p0 =	seq.s32 s25, $0x1  }
0x350: {  	s0 =	sshrl.u32 @p0 s2, $0x3  }
0x351: {  	[hbm:s14], [sflag:s16] =	dma.local @p0 [spmem:s0], $0x7D  }
0x352: {  	_ =	swait.ge @p0 [sflag:s13], $0x7D  }
0x353: {  	s14 =	sld [smem:$0x797];
	_ =	sdelay $0x1  }
0x354: {  	[sflag:s13] =	ssyncset.done @p0 $0x0  }
0x355: {  	[sflag:s13] =	ssyncadd.s32 @p0 $0xFFFFFF83;
	s13 =	sld [smem:$0x7CB];
	p0 =	seq.s32 s14, $0x1  }
0x356: {  	s0 =	sshrl.u32 @p0 s2, $0x3;
	s2 =	sld [smem:$0x798];
	_ =	sdelay $0x2  }
0x357: {  	[hbm:s13], [sflag:s2] =	dma.local @p0 [spmem:s0], $0x7D  }
0x358: {  	_ =	swait.ge @p0 [sflag:s15], $0x7D  }
0x359: {  	s2 =	sld [smem:$0x7F7]  }
0x35a: {  	s16 =	sld [smem:$0x799]  }
0x35b: {  	s13 =	sld [smem:$0x7CC]  }
0x35c: {  	[sflag:s15] =	ssyncset.done @p0 $0x0;
	s14 =	sld [smem:$0x79A]  }
0x35d: {  	[sflag:s15] =	ssyncadd.s32 @p0 $0xFFFFFF83;
	p0 =	seq.s32 s16, $0x1  }
0x35e: {  	s0 =	sshrl.u32 @p0 s2, $0x3  }
0x35f: {  	[hbm:s13], [sflag:s14] =	dma.local @p0 [spmem:s0], $0x7D  }
0x360: {  	_ =	swait.ge @p0 [sflag:s17], $0x7D  }
0x361: {  	s18 =	sld [smem:$0x79B];
	_ =	sdelay $0x1  }
0x362: {  	[sflag:s17] =	ssyncset.done @p0 $0x0  }
0x363: {  	s13 =	sld [smem:$0x7CD];
	[sflag:s17] =	ssyncadd.s32 @p0 $0xFFFFFF83;
	p0 =	seq.s32 s18, $0x1  }
0x364: {  	s0 =	sshrl.u32 @p0 s2, $0x3;
	s2 =	sld [smem:$0x79C];
	_ =	sdelay $0x2  }
0x365: {  	[hbm:s13], [sflag:s2] =	dma.local @p0 [spmem:s0], $0x7D  }
0x366: {  	_ =	swait.ge @p0 [sflag:s19], $0x7D  }
0x367: {  	s2 =	sld [smem:$0x7F8]  }
0x368: {  	s20 =	sld [smem:$0x79D]  }
0x369: {  	s13 =	sld [smem:$0x7CE]  }
0x36a: {  	[sflag:s19] =	ssyncset.done @p0 $0x0;
	s14 =	sld [smem:$0x79E]  }
0x36b: {  	[sflag:s19] =	ssyncadd.s32 @p0 $0xFFFFFF83;
	p0 =	seq.s32 s20, $0x1  }
0x36c: {  	s0 =	sshrl.u32 @p0 s2, $0x3  }
0x36d: {  	[hbm:s13], [sflag:s14] =	dma.local @p0 [spmem:s0], $0x7D  }
0x36e: {  	_ =	swait.ge @p0 [sflag:s21], $0x7D  }
0x36f: {  	[sflag:s21] =	ssyncset.done @p0 $0x0  }
0x370: {  	[sflag:s21] =	ssyncadd.s32 @p0 $0xFFFFFF83;
	s21 =	sld [smem:$0x79F];
	_ =	sdelay $0x2  }
0x371: {  	s13 =	sld [smem:$0x7CF];
	p0 =	seq.s32 s21, $0x1  }
0x372: {  	s0 =	sshrl.u32 @p0 s2, $0x3;
	s2 =	sld [smem:$0x7A0];
	_ =	sdelay $0x2  }
0x373: {  	[hbm:s13], [sflag:s2] =	dma.local @p0 [spmem:s0], $0x7D  }
0x374: {  	_ =	swait.ge @p0 [sflag:s24], $0x7D  }
0x375: {  	s2 =	sld [smem:$0x7F9]  }
0x376: {  	s23 =	sld [smem:$0x7A1]  }
0x377: {  	s13 =	sld [smem:$0x7D0]  }
0x378: {  	[sflag:s24] =	ssyncset.done @p0 $0x0;
	s14 =	sld [smem:$0x7A2]  }
0x379: {  	[sflag:s24] =	ssyncadd.s32 @p0 $0xFFFFFF83;
	p0 =	seq.s32 s23, $0x1  }
0x37a: {  	s0 =	sshrl.u32 @p0 s2, $0x3  }
0x37b: {  	[hbm:s13], [sflag:s14] =	dma.local @p0 [spmem:s0], $0x7D  }
0x37c: {  	_ =	swait.ge @p0 [sflag:s26], $0x7D  }
0x37d: {  	s24 =	sld [smem:$0x7A3];
	_ =	sdelay $0x1  }
0x37e: {  	[sflag:s26] =	ssyncset.done @p0 $0x0;
	s13 =	sld [smem:$0x7D1]  }
0x37f: {  	[sflag:s26] =	ssyncadd.s32 @p0 $0xFFFFFF83;
	p0 =	seq.s32 s24, $0x1  }
0x380: {  	s0 =	sshrl.u32 @p0 s2, $0x3  }
0x381: {  	[hbm:s13], [sflag:s28] =	dma.local @p0 [spmem:s0], $0x7D  }
0x382: {  	_ =	swait.ge @p0 [sflag:s29], $0x7D  }
0x383: {  	s25 =	sld [smem:$0x7A4]  }
0x384: {  	s2 =	sld [smem:$0x7FA]  }
0x385: {  	[sflag:s29] =	ssyncset.done @p0 $0x0;
	s13 =	sld [smem:$0x7D2]  }
0x386: {  	[sflag:s29] =	ssyncadd.s32 @p0 $0xFFFFFF83;
	p0 =	seq.s32 s25, $0x1  }
0x387: {  	s0 =	sshrl.u32 @p0 s2, $0x3  }
0x388: {  	[hbm:s13], [sflag:s30] =	dma.local @p0 [spmem:s0], $0x7D  }
0x389: {  	_ =	swait.ge @p0 [sflag:s31], $0x7D  }
0x38a: {  	s26 =	sld [smem:$0x7A5];
	_ =	sdelay $0x1  }
0x38b: {  	[sflag:s31] =	ssyncset.done @p0 $0x0;
	s13 =	sld [smem:$0x7D3]  }
0x38c: {  	[sflag:s31] =	ssyncadd.s32 @p0 $0xFFFFFF83;
	p0 =	seq.s32 s26, $0x1  }
0x38d: {  	s0 =	sshrl.u32 @p0 s2, $0x3  }
0x38e: {  	[hbm:s13], [sflag:s22] =	dma.local @p0 [spmem:s0], $0x7D  }
0x38f: {  	_ =	swait.ge @p0 [sflag:s7], $0x7D  }
0x390: {  	s28 =	sld [smem:$0x7A6]  }
0x391: {  	[sflag:s7] =	ssyncset.done @p0 $0x0;
	s2 =	sld [smem:$0x7FB]  }
0x392: {  	[sflag:s7] =	ssyncadd.s32 @p0 $0xFFFFFF83;
	s7 =	sld [smem:$0x7D4]  }
0x393: {  	p0 =	seq.s32 s28, $0x1  }
0x394: {  	s0 =	sshrl.u32 @p0 s2, $0x3  }
0x395: {  	[hbm:s7], [sflag:s12] =	dma.local @p0 [spmem:s0], $0x7D  }
0x396: {  	_ =	swait.ge @p0 [sflag:s6], $0x7D  }
0x397: {  	s29 =	sld [smem:$0x7A7]  }
0x398: {  	[sflag:s6] =	ssyncset.done @p0 $0x0  }
0x399: {  	[sflag:s6] =	ssyncadd.s32 @p0 $0xFFFFFF83;
	s6 =	sld [smem:$0x7D5]  }
0x39a: {  	p0 =	seq.s32 s29, $0x1  }
0x39b: {  	s0 =	sshrl.u32 @p0 s2, $0x3  }
0x39c: {  	[hbm:s6], [sflag:s11] =	dma.local @p0 [spmem:s0], $0x7D  }
0x39d: {  	_ =	swait.ge @p0 [sflag:s5], $0x7D  }
0x39e: {  	[sflag:s5] =	ssyncset.done @p0 $0x0;
	s2 =	sld [smem:$0x7FC]  }
0x39f: {  	[sflag:s5] =	ssyncadd.s32 @p0 $0xFFFFFF83;
	s5 =	sld [smem:$0x7D6];
	_ =	sdelay $0x1  }
0x3a0: {  	s0 =	sshrl.u32 @p6 s2, $0x3  }
0x3a1: {  	[hbm:s5], [sflag:s10] =	dma.local @p6 [spmem:s0], $0x7D  }
0x3a2: {  	_ =	swait.ge @p6 [sflag:s3], $0x7D  }
0x3a3: {  	[sflag:s3] =	ssyncset.done @p6 $0x0  }
0x3a4: {  	[sflag:s3] =	ssyncadd.s32 @p6 $0xFFFFFF83;
	s3 =	sld [smem:$0x7D7];
	_ =	sdelay $0x1  }
0x3a5: {  	s0 =	sshrl.u32 @p5 s2, $0x3  }
0x3a6: {  	[hbm:s3], [sflag:s9] =	dma.local @p5 [spmem:s0], $0x7D  }
0x3a7: {  	_ =	swait.ge @p5 [sflag:s8], $0x7D  }
0x3a8: {  	s31 =	sld [smem:$0x7D8]  }
0x3a9: {  	s30 =	rddreg [dreg:$0x4]  }
0x3aa: {  	s7 =	sadd.s32 $0x1, s30  }
0x3ab: {  	p0 =	sne.s32 s7, s31  }
.Ltmp7:
0x3ac: {  	_ = 	snop;
	(pc) =	sbr.rel @p0 .LBB2_1-.Ltmp7, $3  }
0x3ad: {  	_ =	sdelay $0x1  }
0x3ae: {  	[sflag:s8] =	ssyncset.done @p5 $0x0  }
0x3af: {  	[sflag:s8] =	ssyncadd.s32 @p5 $0xFFFFFF83  }
0x3b0: {  	_ =	sfence.sel $0x180000  }
0x3b1: {  	[bflag:$0x0] =	sbarrier.arrive $0xFFFF  }
0x3b2: {  	_ =	strace $0x90000047  }
0x3b3: {  	[bflag:$0x2] =	sbarrier.arrive $0xFFFF  }
0x3b4: {  	p0 =	sne.s32 s4, $0x0;
	s0 =	rddreg [dreg:$0x3]  }
0x3b5: {  	s0 =	sadd.s32 @!p0 $0x100000, s0  }
0x3b6: {  	[sflag:s0] =	ssyncadd.tile.s32 @!p0 $0x1;
	_ =	shalt  }
.Lfunc_end2:
_tile_overlayer_lowered:
.L_overlay_start_2:
0x3b7: {  	(tag) =	ssettag $0x2  }
0x3b8: {  	s0 =	rddreg [dreg:$0x0];
	s2 =	stileid.u32  }
0x3b9: {  	s1 =	rddreg [dreg:$0x1];
	p0 =	sne.s32 s2, $0x0  }
0x3ba: {  	s3 =	rddreg [dreg:$0x2];
	[bflag:$0x3] =	sbarrier.arrive $0xFFFF;
	s2 =	simm.s32 @!p0 $0x1C01  }
0x3bb: {  	[timem:s3], [sflag:s2] =	dma.local @!p0 [hbm:s0], s1  }
0x3bc: {  	s0 =	simm.s32 @!p0 $0x1  }
0x3bd: {  	_ =	swait.ge @!p0 [sflag:s0], s1  }
0x3be: {  	s1 =	ssub.s32 @!p0 $0x0, s1;
	[sflag:s0] =	ssyncset.done @!p0 $0x0  }
0x3bf: {  	[sflag:s0] =	ssyncadd.s32 @!p0 s1  }
0x3c0: {  	[bflag:$0x3] =	sbarrier.arrive $0xFFFF  }
0x3c1: {  	_ =	shalt  }

// kernel: kernel.9.cloned.1.call-start
scs
__scs_entry_jumppad:
0x0: {  	(pc) =	sbr.rel $0x88, $3  }
0x1: {  	(tag) =	ssettag $0x0;
	lr =	simm.s32 $0x1  }
0x2: {  	[smem:$0x3F9E] =	sst lr;
	_ =	strace $0xD0000000  }
0x3: {  	_ = 	snop  }
0x4: {  	_ = 	snop  }
0x5: {  	_ = 	snop  }
0x6: {  	_ = 	snop  }
0x7: {  	_ = 	snop  }
__scs_overlays_trampoline_lowered:
0x8: {  	[smem:$0x3FAD] =	sst s0  }
0x9: {  	[smem:$0x3FAE] =	sst s1  }
0xa: {  	[smem:$0x3FAF] =	sst s2  }
0xb: {  	[smem:$0x3FB0] =	sst s3  }
0xc: {  	[smem:$0x3FB1] =	sst s4  }
0xd: {  	[smem:$0x3FB2] =	sst s5  }
0xe: {  	[smem:$0x3FB3] =	sst s6  }
0xf: {  	[smem:$0x3FB4] =	sst s7  }
0x10: {  	[smem:$0x3FB5] =	sst s8  }
0x11: {  	[smem:$0x3FB6] =	sst s9;
	s0 =	simm.s32 @!p0 $0x0  }
0x12: {  	s1 =	sld [smem:$0x3F9C];
	s0 =	simm.s32 @p0 $0x1  }
0x13: {  	[smem:$0x3FB7] =	sst s0;
	s0 =	simm.s32 @!p1 $0x0  }
0x14: {  	s2 =	sld [smem:$0x3F9B];
	s0 =	simm.s32 @p1 $0x1  }
0x15: {  	[smem:$0x3FB8] =	sst s0;
	s0 =	simm.s32 @!p2 $0x0  }
0x16: {  	s3 =	sld [smem:$0x3FDB];
	s0 =	simm.s32 @p2 $0x1  }
0x17: {  	s4 =	simm.s32 $0x1BF5;
	[smem:$0x3FBA] =	sst s0  }
0x18: {  	s0 =	sld [smem:$0x3F9D];
	_ =	swait.ge [sflag:s4], $0x0  }
0x19: {  	s7 =	sld [smem:$0x3F9E]  }
0x1a: {  	s8 =	sadd.s32 $0xFFFFE003, lr  }
0x1b: {  	s9 =	sadd.s32 $0xFFFFFEF7, lr;
	s5 =	simm.s32 $0xFFFFFFFF;
	p2 =	slt.u32 s8, $0xFFFFF086  }
0x1c: {  	p1 =	slt.u32 s9, $0xF7A;
	s5 =	simm.s32 @!p2 $0x0  }
0x1d: {  	s5 =	simm.s32 @p1 $0x1;
	p0 =	seq.s32 s7, s2  }
0x1e: {  	s7 =	smul.u32 @!p0 $0xF7A, s2;
	p2 =	seq.s32 @!p0 s5, $0x0  }
0x1f: {  	s9 =	smul.u32 $0xF7A, s1;
	s8 =	simm.s32 @!p0 $0x1BF5;
	p2 =	por !p2, p0  }
0x20: {  	[sflag:s8] =	ssyncset.s32 @!p0 $0xFFFFF086;
	s6 =	sadd.s32 @!p0 s3, s7;
	s7 =	simm.s32 @!p0 $0x108  }
0x21: {  	s3 =	sadd.s32 s3, s9;
	s6 =	sadd.s32 @!p0 $0x88, s6;
	s7 =	simm.s32 @p2 $0x1082  }
0x22: {  	[simem:s7], [sflag:s8] =	dma.local @!p0 [hbm:s6], $0xF7A  }
0x23: {  	s9 =	sor.u32 $0xD0000000, s2;
	s6 =	simm.s32 $0x108;
	_ =	swait.ge @!p0 [sflag:s8], $0x0  }
0x24: {  	s3 =	sadd.s32 $0x88, s3;
	s6 =	simm.s32 @!p1 $0x1082;
	[sflag:s4] =	ssyncset.s32 $0xFFFFF086  }
0x25: {  	[simem:s6], [sflag:s4] =	dma.local [hbm:s3], $0xF7A  }
0x26: {  	[smem:$0x3F9E] =	sst s1;
	(tag) =	ssettag s2;
	_ =	strace s9  }
0x27: {  	s1 =	sld [smem:$0x3FAE]  }
0x28: {  	s2 =	sld [smem:$0x3FAF]  }
0x29: {  	s4 =	sld [smem:$0x3FB1]  }
0x2a: {  	p0 =	seq.s32 s5, $0x0;
	s5 =	sld [smem:$0x3FB2]  }
0x2b: {  	s6 =	sld [smem:$0x3FB3]  }
0x2c: {  	s7 =	sld [smem:$0x3FB4]  }
0x2d: {  	s3 =	simm.s32 $0x108;
	s8 =	sld [smem:$0x3FB5]  }
0x2e: {  	s3 =	simm.s32 @!p0 $0x1082;
	s9 =	sld [smem:$0x3FB6]  }
0x2f: {  	lr =	sadd.s32 s0, s3;
	s0 =	sld [smem:$0x3FAD]  }
0x30: {  	s3 =	sld [smem:$0x3FB0]  }
0x31: {  	[smem:$0x3FB9] =	sst s10  }
0x32: {  	s10 =	sld [smem:$0x3FB7];
	_ =	sdelay $0x3  }
0x33: {  	p0 =	seq.s32 s10, $0x1;
	s10 =	sld [smem:$0x3FB9];
	_ =	sdelay $0x3  }
0x34: {  	[smem:$0x3FB9] =	sst s10  }
0x35: {  	s10 =	sld [smem:$0x3FB8];
	_ =	sdelay $0x3  }
0x36: {  	p1 =	seq.s32 s10, $0x1;
	s10 =	sld [smem:$0x3FB9];
	_ =	sdelay $0x3  }
0x37: {  	[smem:$0x3FB9] =	sst s10  }
0x38: {  	s10 =	sld [smem:$0x3FBA]  }
0x39: {  	_ = 	snop;
	(pc) =	sbr.ind lr, $3  }
0x3a: {  	_ = 	snop  }
0x3b: {  	_ = 	snop  }
0x3c: {  	p2 =	seq.s32 s10, $0x1;
	s10 =	sld [smem:$0x3FB9]  }
0x3d: {  	_ =	shalt  }
0x3e: {  	_ =	shalt  }
0x3f: {  	_ =	shalt  }
0x40: {  	_ =	shalt  }
0x41: {  	_ =	shalt  }
0x42: {  	_ =	shalt  }
0x43: {  	_ =	shalt  }
0x44: {  	_ =	shalt  }
0x45: {  	_ =	shalt  }
0x46: {  	_ =	shalt  }
0x47: {  	_ =	shalt  }
0x48: {  	_ =	shalt  }
0x49: {  	_ =	shalt  }
0x4a: {  	_ =	shalt  }
0x4b: {  	_ =	shalt  }
0x4c: {  	_ =	shalt  }
0x4d: {  	_ =	shalt  }
0x4e: {  	_ =	shalt  }
0x4f: {  	_ =	shalt  }
0x50: {  	_ =	shalt  }
0x51: {  	_ =	shalt  }
0x52: {  	_ =	shalt  }
0x53: {  	_ =	shalt  }
0x54: {  	_ =	shalt  }
0x55: {  	_ =	shalt  }
0x56: {  	_ =	shalt  }
0x57: {  	_ =	shalt  }
0x58: {  	_ =	shalt  }
0x59: {  	_ =	shalt  }
0x5a: {  	_ =	shalt  }
0x5b: {  	_ =	shalt  }
0x5c: {  	_ =	shalt  }
0x5d: {  	_ =	shalt  }
0x5e: {  	_ =	shalt  }
0x5f: {  	_ =	shalt  }
0x60: {  	_ =	shalt  }
0x61: {  	_ =	shalt  }
0x62: {  	_ =	shalt  }
0x63: {  	_ =	shalt  }
0x64: {  	_ =	shalt  }
0x65: {  	_ =	shalt  }
0x66: {  	_ =	shalt  }
0x67: {  	_ =	shalt  }
0x68: {  	_ =	shalt  }
0x69: {  	_ =	shalt  }
0x6a: {  	_ =	shalt  }
0x6b: {  	_ =	shalt  }
0x6c: {  	_ =	shalt  }
0x6d: {  	_ =	shalt  }
0x6e: {  	_ =	shalt  }
0x6f: {  	_ =	shalt  }
0x70: {  	_ =	shalt  }
0x71: {  	_ =	shalt  }
0x72: {  	_ =	shalt  }
0x73: {  	_ =	shalt  }
0x74: {  	_ =	shalt  }
0x75: {  	_ =	shalt  }
0x76: {  	_ =	shalt  }
0x77: {  	_ =	shalt  }
0x78: {  	_ =	shalt  }
0x79: {  	_ =	shalt  }
0x7a: {  	_ =	shalt  }
0x7b: {  	_ =	shalt  }
0x7c: {  	_ =	shalt  }
0x7d: {  	_ =	shalt  }
0x7e: {  	_ =	shalt  }
0x7f: {  	_ =	shalt  }
0x80: {  	_ =	shalt  }
0x81: {  	_ =	shalt  }
0x82: {  	_ =	shalt  }
0x83: {  	_ =	shalt  }
0x84: {  	_ =	shalt  }
0x85: {  	_ =	shalt  }
0x86: {  	_ =	shalt  }
0x87: {  	_ =	shalt  }
.Lfunc_end0:
.L_simem_size_0:
called_computation.1_lowered:
.L_overlay_start_0:
0x88: {  	s2 =	sld [smem:$0x3FD9]  }
0x89: {  	s3 =	sld [smem:$0x3FFE];
	_ =	sdelay $0x1  }
0x8a: {  	s1 =	srdreg.scid  }
0x8b: {  	s0 =	sand.u32 $0x1, s1  }
0x8c: {  	s14 =	sshll.u32 s0, $0xA;
	s2 =	sadd.s32 s3, s2  }
0x8d: {  	s2 =	sadd.s32 s2, s14  }
0x8e: {  	[smem:$0x3FC5] =	sst s2  }
0x8f: {  	_ = 	snop  }
0x90: {  	s2 =	sld [smem:$0x3FD0];
	_ =	sdelay $0x2  }
0x91: {  	s15 =	simm.s32 $0xA;
	s4 =	simm.s32 $0x10  }
0x92: {  	[smem:s4], [sflag:s15] =	dma.local [hbm:s2], $0x1  }
0x93: {  	_ =	swait.eq [sflag:s15], $0x1  }
0x94: {  	[sflag:s15] =	ssyncset.done $0x0  }
0x95: {  	s16 =	sld [smem:$0x10];
	[sflag:s15] =	ssyncadd.s32 $0xFFFFFFFF  }
0x96: {  	s17 =	sld [smem:$0x11];
	(tm) =	ssettm $0x1  }
0x97: {  	s18 =	sld [smem:$0x3FFB];
	_ =	sdelay $0x3  }
0x98: {  	_ =	strace s18  }
0x99: {  	s4 =	sld [smem:$0x3FFC];
	_ =	sdelay $0x3  }
0x9a: {  	_ =	strace s4  }
0x9b: {  	s4 =	sld [smem:$0x3FFD];
	_ =	sdelay $0x3  }
0x9c: {  	_ =	strace s4  }
0x9d: {  	_ =	strace $0x8FFFFFFF  }
0x9e: {  	s19 =	sld [smem:$0x3FDB];
	_ =	sdelay $0x1  }
0x9f: {  	s5 =	simm.s32 $_scs_section_size  }
0xa0: {  	s6 =	simm.s32 $_size__tile_overlayer_lowered;
	s7 =	simm.s32 $_tile_overlayer_lowered  }
0xa1: {  	s22 =	simm.s32 $0x1BFF;
	s21 =	sshll.u32 s7, $0x1;
	s4 =	sadd.s32 s5, s19  }
0xa2: {  	s8 =	simm.s32 $0x0;
	s20 =	sshll.u32 s6, $0x1;
	s6 =	sadd.s32 s21, s4  }
0xa3: {  	[timem:s8], [sflag:s22] =	dma.local [hbm:s6], s20  }
0xa4: {  	_ =	swait.ge [sflag:s22], s20  }
0xa5: {  	s5 =	ssub.s32 $0x0, s20;
	[sflag:s22] =	ssyncset.done $0x0  }
0xa6: {  	[sflag:s22] =	ssyncadd.s32 s5;
	_ =	sdelay $0x1  }
0xa7: {  	s23 =	simm.s32 $0x1B8B  }
0xa8: {  	_ =	swait.ge [sflag:s23], $0x1  }
0xa9: {  	[sflag:s23] =	ssyncset.done $0x0  }
0xaa: {  	s25 =	simm.s32 $0x1B8E;
	s24 =	sld [smem:$0x3FFE];
	[sflag:s23] =	ssyncadd.s32 $0xFFFFFFFF  }
0xab: {  	s26 =	simm.s32 $execute0_lowered;
	[smem:$0x3FD2] =	sst s25  }
0xac: {  	s6 =	sshll.u32 s26, $0x1;
	_ =	strace $0x80000049;
	[dreg:$0x1] =	wrdreg $0xFFFFFFFF  }
0xad: {  	s28 =	simm.s32 $_size_execute0_lowered;
	s4 =	sadd.s32 s4, s6;
	[dreg:$0x0] =	wrdreg $0x0  }
0xae: {  	s6 =	sshll.u32 s28, $0x1;
	[dreg:$0x2] =	wrdreg s4  }
0xaf: {  	[dreg:$0x3] =	wrdreg s6  }
0xb0: {  	[dreg:$0x4] =	wrdreg $0xC0  }
0xb1: {  	_ =	task [dreg:s8], $0x5FFFF  }
0xb2: {  	[dreg:$0x1] =	wrdreg $0xFFFFFFFF  }
0xb3: {  	[dreg:$0x0] =	wrdreg $0x60  }
0xb4: {  	[dreg:$0x2] =	wrdreg s24  }
0xb5: {  	[dreg:$0x3] =	wrdreg s16  }
0xb6: {  	[dreg:$0x4] =	wrdreg s17  }
0xb7: {  	[dreg:$0x5] =	wrdreg $0x68000  }
0xb8: {  	[dreg:$0x6] =	wrdreg $0x9  }
0xb9: {  	_ =	task.clear_ibuf [dreg:s8], $0x7FFFF;
	_ =	strace $0x90000049  }
0xba: {  	s29 =	simm.s32 $0x9;
	_ =	strace $0x8000004B  }
0xbb: {  	_ =	swait.ge [sflag:s29], $0x1  }
0xbc: {  	[sflag:s29] =	ssyncadd.s32 $0xFFFFFFFF  }
0xbd: {  	_ =	strace $0x9000004B  }
0xbe: {  	_ =	sfence  }
0xbf: {  	s30 =	sld [smem:$0x0];
	_ =	sdelay $0x2  }
0xc0: {  	s31 =	sshll.u32 s1, $0xD;
	s1 =	sshrl.u32 s1, $0x2  }
0xc1: {  	s3 =	sand.u32 $0x4000, s31;
	s1 =	sadd.s32 s1, s30  }
0xc2: {  	s0 =	sor.u32 s3, s0;
	s1 =	sshll.u32 s1, $0x11  }
0xc3: {  	s0 =	sor.u32 s1, s0  }
0xc4: {  	s0 =	sadd.s32 $0x8F2B, s0  }
0xc5: {  	[sflag:s0] =	ssyncadd.remote.s32 $0x1  }
0xc6: {  	_ =	sfence.sel $0xFFFF  }
0xc7: {  	[dreg:$0x0] =	wrdreg $0xFFFFFFFF;
	(pc) =	sbr.abs _section_cstart, $3  }
0xc8: {  	[dreg:$0x1] =	wrdreg $0xFFFFFFFF  }
0xc9: {  	_ =	task.clear_ibuf [dreg:s8], $0x2FFFF;
	_ =	strace $0x9FFFFFFF  }
0xca: {  	(tm) =	ssettm $0x7FFFFFFF  }
0xcb: {  	_ =	shalt  }
tec
execute0_lowered:
.L_overlay_start_1:
0x0: {  	(tag) =	ssettag $0x1  }
0x1: {  	s0 =	rddreg [dreg:$0x0]  }
0x2: {  	s4 =	rddreg [dreg:$0x1]  }
0x3: {  	s5 =	rddreg [dreg:$0x2]  }
0x4: {  	s1 =	rddreg [dreg:$0x3];
	s2 =	simm.s32 $0x0;
	s6 =	srdreg.scid  }
0x5: {  	s11 =	stileid.u32;
	[smem:$0x7FF] =	sst s2  }
0x6: {  	s3 =	sadd.s32 $0x24E600, s0;
	s6 =	sand.u32 $0x1, s6;
	s7 =	sadd.s32 $0x18B000, s0  }
0x7: {  	s10 =	sadd.s32 $0x18D000, s0;
	s24 =	sshll.u32 s11, $0xA;
	_ =	strace $0x8000004A  }
0x8: {  	[dreg:$0x5] =	wrdreg s7;
	s8 =	ssub.s32 $0x2, s6;
	s12 =	smul.u32 $0x186A00, s6  }
0x9: {  	s9 =	smul.u32 $0x30D40, s6;
	[dreg:$0x7] =	wrdreg s10;
	s7 =	sadd.s32 $0x7D000, s1  }
0xa: {  	s6 =	smul.u32 $0x61C00, s6;
	s13 =	sshrl.u32 s8, $0x1;
	[smem:$0x7E9] =	sst s7  }
0xb: {  	s0 =	ssub.s32 s8, s13;
	[dreg:$0x6] =	wrdreg s12;
	s15 =	sadd.s32 s10, s9  }
0xc: {  	s6 =	sadd.s32 s24, s6;
	s24 =	sadd.s32 $0xDAC00, s1;
	[dreg:$0x8] =	wrdreg s15  }
0xd: {  	s14 =	sshrl.u32 s12, $0x3;
	s0 =	smax.u32 s0, $0x1;
	[smem:$0x7E3] =	sst s24  }
0xe: {  	s8 =	sadd.s32 s10, s14;
	s24 =	sadd.s32 $0x157C00, s1;
	[dreg:$0x1f] =	wrdreg s0  }
0xf: {  	s16 =	sadd.s32 $0x1F40, s8;
	[smem:$0x7FB] =	sst s24  }
0x10: {  	s17 =	sadd.s32 $0x3E80, s8;
	[dreg:$0x9] =	wrdreg s16  }
0x11: {  	s18 =	sadd.s32 $0x5DC0, s8;
	[dreg:$0xa] =	wrdreg s17  }
0x12: {  	s19 =	sadd.s32 $0x7D00, s8;
	[dreg:$0xb] =	wrdreg s18  }
0x13: {  	s20 =	sadd.s32 $0x9C40, s8;
	[dreg:$0xc] =	wrdreg s19  }
0x14: {  	s21 =	sadd.s32 $0xBB80, s8;
	[dreg:$0xd] =	wrdreg s20  }
0x15: {  	s22 =	sadd.s32 $0xDAC0, s8;
	[dreg:$0xe] =	wrdreg s21  }
0x16: {  	s23 =	sadd.s32 $0xFA00, s8;
	[dreg:$0xf] =	wrdreg s22  }
0x17: {  	s25 =	sadd.s32 $0x11940, s8;
	[dreg:$0x10] =	wrdreg s23  }
0x18: {  	s26 =	sadd.s32 $0x13880, s8;
	[dreg:$0x11] =	wrdreg s25  }
0x19: {  	s9 =	sadd.s32 $0x157C0, s8;
	[dreg:$0x12] =	wrdreg s26  }
0x1a: {  	s10 =	sadd.s32 $0x17700, s8;
	[dreg:$0x13] =	wrdreg s9  }
0x1b: {  	s12 =	sadd.s32 $0x19640, s8;
	[dreg:$0x14] =	wrdreg s10  }
0x1c: {  	s13 =	sadd.s32 $0x1B580, s8;
	[dreg:$0x15] =	wrdreg s12  }
0x1d: {  	s14 =	sadd.s32 $0x21340, s8;
	[dreg:$0x16] =	wrdreg s13  }
0x1e: {  	s28 =	simm.s32 $0x300;
	s15 =	sadd.s32 $0x23280, s8;
	[dreg:$0x17] =	wrdreg s14  }
0x1f: {  	p3 =	sgt.s32 s11, $0x1;
	[dreg:$0x18] =	wrdreg s15;
	s16 =	sadd.s32 $0x251C0, s8  }
0x20: {  	p0 =	seq.s32 @p3 s11, $0x2;
	s17 =	sadd.s32 $0x27100, s8;
	[dreg:$0x19] =	wrdreg s16  }
0x21: {  	p1 =	por !p0, !p3;
	s18 =	sadd.s32 $0x29040, s8;
	[dreg:$0x1a] =	wrdreg s17  }
0x22: {  	s0 =	simm.s32 @!p1 $0x0;
	s19 =	sadd.s32 $0x2AF80, s8;
	[dreg:$0x1b] =	wrdreg s18  }
0x23: {  	s29 =	simm.s32 $0x380;
	s0 =	simm.s32 @p1 $0x1;
	[dreg:$0x1c] =	wrdreg s19  }
0x24: {  	s30 =	simm.s32 $0x700;
	s23 =	sadd.s32 $0xEA600, s1;
	[smem:$0x7DA] =	sst s0  }
0x25: {  	s31 =	simm.s32 $0x780;
	s25 =	sadd.s32 $0xCB200, s1;
	[smem:$0x7E2] =	sst s23  }
0x26: {  	s6 =	sshrl.u32 s6, $0x3;
	s26 =	sadd.s32 $0xBB800, s1;
	[smem:$0x7E4] =	sst s25  }
0x27: {  	s22 =	sadd.s32 s6, s4;
	s4 =	sadd.s32 $0xABE00, s1;
	[smem:$0x7E5] =	sst s26  }
0x28: {  	s9 =	sadd.s32 s6, s5;
	s5 =	sadd.s32 $0x9C400, s1;
	[smem:$0x7E6] =	sst s4  }
0x29: {  	s20 =	sadd.s32 $0x2CEC0, s8;
	s6 =	sadd.s32 $0x8CA00, s1;
	[smem:$0x7E7] =	sst s5  }
0x2a: {  	s21 =	sadd.s32 $0x2EE00, s8;
	s8 =	sadd.s32 $0x6D600, s1;
	[smem:$0x7E8] =	sst s6  }
0x2b: {  	p4 =	sgt.s32 s11, $0x5;
	s10 =	sadd.s32 $0x5DC00, s1;
	[smem:$0x7EA] =	sst s8  }
0x2c: {  	p2 =	seq.s32 @p4 s11, $0x6;
	s12 =	sadd.s32 $0x4E200, s1;
	[smem:$0x7EB] =	sst s10  }
0x2d: {  	p0 =	por p0, !p3;
	s13 =	sadd.s32 $0x3E800, s1;
	[smem:$0x7EC] =	sst s12  }
0x2e: {  	s7 =	simm.s32 $0x100;
	s14 =	sadd.s32 $0x2EE00, s1;
	[smem:$0x7ED] =	sst s13  }
0x2f: {  	s24 =	simm.s32 $0x580;
	s15 =	sadd.s32 $0x1F400, s1;
	[smem:$0x7EE] =	sst s14  }
0x30: {  	p1 =	seq.s32 @!p3 s11, $0x0;
	[smem:$0x7EF] =	sst s15;
	s16 =	sadd.s32 $0xFA00, s1  }
0x31: {  	[dreg:$0x1d] =	wrdreg s20;
	s18 =	sadd.s32 $0x109A00, s1;
	s19 =	sadd.s32 $0x119400, s1  }
0x32: {  	[dreg:$0x1e] =	wrdreg s21;
	s20 =	sadd.s32 $0x128E00, s1;
	s21 =	sadd.s32 $0x138800, s1  }
0x33: {  	s17 =	sadd.s32 $0xFA000, s1;
	s23 =	sadd.s32 $0x148200, s1;
	[smem:$0x7F0] =	sst s16  }
0x34: {  	s0 =	simm.s32 @!p0 $0x0;
	s25 =	sadd.s32 $0x167600, s1;
	[smem:$0x7F1] =	sst s17  }
0x35: {  	s0 =	simm.s32 @p0 $0x1;
	p0 =	por !p1, p3;
	[smem:$0x7F4] =	sst s18  }
0x36: {  	s26 =	sadd.s32 $0x177000, s1;
	[smem:$0x7DB] =	sst s0;
	s0 =	simm.s32 @!p0 $0x0  }
0x37: {  	s12 =	simm.s32 $0x3;
	[smem:$0x7F5] =	sst s19;
	s0 =	simm.s32 @p0 $0x1  }
0x38: {  	s13 =	simm.s32 $0x400;
	[smem:$0x7DC] =	sst s0;
	s0 =	simm.s32 @!p3 $0x0  }
0x39: {  	[smem:$0x7F7] =	sst s20;
	p0 =	por p1, p3;
	s0 =	simm.s32 @p3 $0x1  }
0x3a: {  	s14 =	simm.s32 $0x80;
	[smem:$0x7DD] =	sst s0;
	s0 =	simm.s32 @!p0 $0x0  }
0x3b: {  	[smem:$0x7F8] =	sst s21;
	s0 =	simm.s32 @p0 $0x1;
	p0 =	por !p2, !p4  }
0x3c: {  	s15 =	simm.s32 $0x800;
	[smem:$0x7DE] =	sst s0;
	s0 =	simm.s32 @!p0 $0x0  }
0x3d: {  	[smem:$0x7FA] =	sst s23;
	p1 =	por p2, !p4;
	s0 =	simm.s32 @p0 $0x1  }
0x3e: {  	p0 =	seq.s32 @!p4 s11, $0x4;
	[smem:$0x7DF] =	sst s0;
	s0 =	simm.s32 @!p1 $0x0  }
0x3f: {  	[smem:$0x7FC] =	sst s25;
	s0 =	simm.s32 @p1 $0x1;
	p1 =	por !p0, p4  }
0x40: {  	s8 =	simm.s32 $0x480;
	[smem:$0x7E0] =	sst s0;
	s0 =	simm.s32 @!p1 $0x0  }
0x41: {  	s10 =	simm.s32 $0x500;
	[smem:$0x7FD] =	sst s26;
	s0 =	simm.s32 @p1 $0x1  }
0x42: {  	s4 =	simm.s32 $0x0;
	[smem:$0x7E1] =	sst s0;
	s0 =	simm.s32 @!p4 $0x0  }
0x43: {  	s16 =	simm.s32 $0x2800;
	p0 =	por p0, p4;
	s0 =	simm.s32 @p4 $0x1  }
0x44: {  	s17 =	simm.s32 $0x4800;
	[smem:$0x7F2] =	sst s0;
	s0 =	simm.s32 @!p0 $0x0  }
0x45: {  	s18 =	simm.s32 $0x1;
	s0 =	simm.s32 @p0 $0x1;
	p0 =	sgt.s32 s11, $0x7  }
.Ltmp0:
0x46: {  	[smem:$0x7F3] =	sst s0;
	s0 =	simm.s32 @!p0 $0x0;
	(pc) =	sbr.rel .LBB2_1-.Ltmp0, $4  }
0x47: {  	s19 =	simm.s32 $0x180;
	s0 =	simm.s32 @p0 $0x1;
	p0 =	sgt.s32 s11, $0x3  }
0x48: {  	s20 =	simm.s32 $0x200;
	[smem:$0x7F6] =	sst s0;
	s0 =	simm.s32 @!p0 $0x0  }
0x49: {  	s23 =	simm.s32 $0x280;
	s25 =	simm.s32 $0x600;
	s0 =	simm.s32 @p0 $0x1  }
0x4a: {  	s26 =	simm.s32 $0x680;
	s11 =	simm.s32 $0x2;
	[smem:$0x7F9] =	sst s0  }
.LBB2_12:
0x4b: {  	p0 =	sne.s32 s21, $0x0;
	[bflag:$0x0] =	sbarrier.arrive $0xFFFF  }
0x4c: {  	s4 =	sshrl.u32 @!p0 s1, $0x3;
	s5 =	simm.s32 @!p0 $0x1C02;
	s0 =	rddreg [dreg:$0x8]  }
0x4d: {  	[hbm:s0], [sflag:s5] =	dma.local @!p0 [spmem:s4], $0x1F40  }
0x4e: {  	s4 =	simm.s32 @!p0 $0x2  }
0x4f: {  	_ =	swait.ge @!p0 [sflag:s4], $0x1F40  }
0x50: {  	s23 =	sld [smem:$0x7CE];
	_ =	sdelay $0x2  }
0x51: {  	p1 =	seq.s32 s23, $0x1  }
0x52: {  	s0 =	simm.s32 @!p1 $0x0  }
0x53: {  	s0 =	simm.s32 @p1 $0x1  }
0x54: {  	[smem:$0x7CE] =	sst s0;
	s0 =	simm.s32 @!p0 $0x0  }
0x55: {  	s0 =	simm.s32 @p0 $0x1  }
0x56: {  	[smem:$0x7C1] =	sst s0  }
0x57: {  	s5 =	sshll.u32 @p1 s21, $0x6;
	s0 =	sld [smem:$0x7F0]  }
0x58: {  	[sflag:s4] =	ssyncset.done @!p0 $0x0;
	s5 =	sor.u32 @p1 $0x1C02, s5  }
0x59: {  	[sflag:s4] =	ssyncadd.s32 @!p0 $0xFFFFE0C0;
	[smem:$0x7C2] =	sst s5  }
0x5a: {  	s6 =	simm.s32 @p1 $0x2;
	s4 =	sshrl.u32 @p1 s0, $0x3;
	s0 =	rddreg [dreg:$0x9]  }
0x5b: {  	[hbm:s0], [sflag:s5] =	dma.local @p1 [spmem:s4], $0x1F40  }
0x5c: {  	_ =	swait.ge @p1 [sflag:s6], $0x1F40  }
0x5d: {  	s24 =	sld [smem:$0x7D4];
	_ =	sdelay $0x2  }
0x5e: {  	p0 =	seq.s32 s24, $0x1  }
0x5f: {  	s0 =	simm.s32 @!p0 $0x0  }
0x60: {  	s0 =	simm.s32 @p0 $0x1  }
0x61: {  	[smem:$0x7D4] =	sst s0  }
0x62: {  	s4 =	sshll.u32 @p0 s21, $0x6;
	s0 =	sld [smem:$0x7EF]  }
0x63: {  	[sflag:s6] =	ssyncset.done @p1 $0x0;
	s4 =	sor.u32 @p0 $0x1C02, s4  }
0x64: {  	[sflag:s6] =	ssyncadd.s32 @p1 $0xFFFFE0C0;
	[smem:$0x7C3] =	sst s4  }
0x65: {  	s8 =	simm.s32 @p0 $0x2;
	s5 =	sshrl.u32 @p0 s0, $0x3;
	s0 =	rddreg [dreg:$0xa]  }
0x66: {  	[hbm:s0], [sflag:s4] =	dma.local @p0 [spmem:s5], $0x1F40  }
0x67: {  	_ =	swait.ge @p0 [sflag:s8], $0x1F40  }
0x68: {  	s25 =	sld [smem:$0x7D5];
	_ =	sdelay $0x2  }
0x69: {  	p1 =	seq.s32 s25, $0x1  }
0x6a: {  	s0 =	simm.s32 @!p1 $0x0  }
0x6b: {  	s0 =	simm.s32 @p1 $0x1  }
0x6c: {  	[smem:$0x7D5] =	sst s0  }
0x6d: {  	s0 =	sld [smem:$0x7EE]  }
0x6e: {  	[sflag:s8] =	ssyncset.done @p0 $0x0  }
0x6f: {  	[sflag:s8] =	ssyncadd.s32 @p0 $0xFFFFE0C0;
	s5 =	sshll.u32 @p1 s21, $0x6  }
0x70: {  	s10 =	sor.u32 @p1 $0x1C02, s5;
	s5 =	sshrl.u32 @p1 s0, $0x3;
	s0 =	rddreg [dreg:$0xb]  }
0x71: {  	[hbm:s0], [sflag:s10] =	dma.local @p1 [spmem:s5], $0x1F40  }
0x72: {  	s5 =	simm.s32 @p1 $0x2  }
0x73: {  	_ =	swait.ge @p1 [sflag:s5], $0x1F40  }
0x74: {  	s0 =	sld [smem:$0x7ED]  }
0x75: {  	s19 =	sshll.u32 @p2 s21, $0x6  }
0x76: {  	s19 =	sor.u32 @p2 $0x1C02, s19;
	[sflag:s5] =	ssyncset.done @p1 $0x0  }
0x77: {  	[sflag:s5] =	ssyncadd.s32 @p1 $0xFFFFE0C0;
	s20 =	sshrl.u32 @p2 s0, $0x3;
	s0 =	rddreg [dreg:$0xc]  }
0x78: {  	[hbm:s0], [sflag:s19] =	dma.local @p2 [spmem:s20], $0x1F40  }
0x79: {  	s20 =	simm.s32 @p2 $0x2  }
0x7a: {  	_ =	swait.ge @p2 [sflag:s20], $0x1F40  }
0x7b: {  	s26 =	sld [smem:$0x7D6];
	_ =	sdelay $0x1  }
0x7c: {  	s0 =	sld [smem:$0x7EC]  }
0x7d: {  	[sflag:s20] =	ssyncset.done @p2 $0x0;
	p0 =	seq.s32 s26, $0x1  }
0x7e: {  	[sflag:s20] =	ssyncadd.s32 @p2 $0xFFFFE0C0;
	s23 =	sshll.u32 @p0 s21, $0x6  }
0x7f: {  	s24 =	sshrl.u32 @p0 s0, $0x3;
	s0 =	rddreg [dreg:$0xd];
	s23 =	sor.u32 @p0 $0x1C02, s23  }
0x80: {  	[hbm:s0], [sflag:s23] =	dma.local @p0 [spmem:s24], $0x1F40  }
0x81: {  	s24 =	simm.s32 @p0 $0x2  }
0x82: {  	s0 =	simm.s32 @!p2 $0x0;
	_ =	swait.ge @p0 [sflag:s24], $0x1F40  }
0x83: {  	s0 =	simm.s32 @p2 $0x1;
	s4 =	sld [smem:$0x7D3]  }
0x84: {  	[smem:$0x7CD] =	sst s0  }
0x85: {  	s0 =	sld [smem:$0x7EB]  }
0x86: {  	[sflag:s24] =	ssyncset.done @p0 $0x0;
	p2 =	seq.s32 s4, $0x1  }
0x87: {  	[sflag:s24] =	ssyncadd.s32 @p0 $0xFFFFE0C0;
	s25 =	sshll.u32 @p2 s21, $0x6  }
0x88: {  	s26 =	sshrl.u32 @p2 s0, $0x3;
	s0 =	rddreg [dreg:$0xe];
	s25 =	sor.u32 @p2 $0x1C02, s25  }
0x89: {  	[hbm:s0], [sflag:s25] =	dma.local @p2 [spmem:s26], $0x1F40  }
0x8a: {  	s26 =	simm.s32 @p2 $0x2  }
0x8b: {  	_ =	swait.ge @p2 [sflag:s26], $0x1F40  }
0x8c: {  	s0 =	sld [smem:$0x7EA]  }
0x8d: {  	s28 =	sshll.u32 @p5 s21, $0x6  }
0x8e: {  	s28 =	sor.u32 @p5 $0x1C02, s28;
	[sflag:s26] =	ssyncset.done @p2 $0x0  }
0x8f: {  	[sflag:s26] =	ssyncadd.s32 @p2 $0xFFFFE0C0;
	s29 =	sshrl.u32 @p5 s0, $0x3;
	s0 =	rddreg [dreg:$0xf]  }
0x90: {  	[hbm:s0], [sflag:s28] =	dma.local @p5 [spmem:s29], $0x1F40  }
0x91: {  	s29 =	simm.s32 @p5 $0x2  }
0x92: {  	s0 =	simm.s32 @!p5 $0x0;
	_ =	swait.ge @p5 [sflag:s29], $0x1F40  }
0x93: {  	s0 =	simm.s32 @p5 $0x1;
	s7 =	sld [smem:$0x7D2]  }
0x94: {  	[smem:$0x7CC] =	sst s0  }
0x95: {  	s0 =	sld [smem:$0x7E9]  }
0x96: {  	p1 =	por p5, p5;
	[sflag:s29] =	ssyncset.done @p5 $0x0;
	p5 =	seq.s32 s7, $0x1  }
0x97: {  	[sflag:s29] =	ssyncadd.s32 @p1 $0xFFFFE0C0;
	s30 =	sshll.u32 @p5 s21, $0x6  }
0x98: {  	s31 =	sor.u32 @p5 $0x1C02, s30;
	s30 =	sshrl.u32 @p5 s0, $0x3;
	s0 =	rddreg [dreg:$0x10]  }
0x99: {  	[hbm:s0], [sflag:s31] =	dma.local @p5 [spmem:s30], $0x1F40  }
0x9a: {  	s30 =	simm.s32 @p5 $0x2  }
0x9b: {  	_ =	swait.ge @p5 [sflag:s30], $0x1F40  }
0x9c: {  	s4 =	sld [smem:$0x7D7];
	_ =	sdelay $0x2  }
0x9d: {  	p6 =	seq.s32 s4, $0x1;
	s4 =	sld [smem:$0x7E8]  }
0x9e: {  	[sflag:s30] =	ssyncset.done @p5 $0x0  }
0x9f: {  	[sflag:s30] =	ssyncadd.s32 @p5 $0xFFFFE0C0;
	s0 =	sshll.u32 @p6 s21, $0x6  }
0xa0: {  	s0 =	sor.u32 @p6 $0x1C02, s0;
	s7 =	sshrl.u32 @p6 s4, $0x3;
	s4 =	rddreg [dreg:$0x11]  }
0xa1: {  	[hbm:s4], [sflag:s0] =	dma.local @p6 [spmem:s7], $0x1F40  }
0xa2: {  	s0 =	simm.s32 @p6 $0x2  }
0xa3: {  	_ =	swait.ge @p6 [sflag:s0], $0x1F40  }
0xa4: {  	s7 =	sld [smem:$0x7D1];
	_ =	sdelay $0x1  }
0xa5: {  	s4 =	sld [smem:$0x7E7]  }
0xa6: {  	[sflag:s0] =	ssyncset.done @p6 $0x0;
	p1 =	seq.s32 s7, $0x1  }
0xa7: {  	[sflag:s0] =	ssyncadd.s32 @p6 $0xFFFFE0C0;
	s7 =	sshll.u32 @p1 s21, $0x6  }
0xa8: {  	s0 =	sor.u32 @p1 $0x1C02, s7;
	s7 =	sshrl.u32 @p1 s4, $0x3;
	s4 =	rddreg [dreg:$0x12]  }
0xa9: {  	[hbm:s4], [sflag:s0] =	dma.local @p1 [spmem:s7], $0x1F40  }
0xaa: {  	s0 =	simm.s32 @p1 $0x2  }
0xab: {  	_ =	swait.ge @p1 [sflag:s0], $0x1F40  }
0xac: {  	s4 =	sld [smem:$0x7E6]  }
0xad: {  	[sflag:s0] =	ssyncset.done @p1 $0x0  }
0xae: {  	s7 =	sshll.u32 @p3 s21, $0x6;
	[sflag:s0] =	ssyncadd.s32 @p1 $0xFFFFE0C0  }
0xaf: {  	s0 =	sor.u32 @p3 $0x1C02, s7;
	s7 =	sshrl.u32 @p3 s4, $0x3;
	s4 =	rddreg [dreg:$0x13]  }
0xb0: {  	[hbm:s4], [sflag:s0] =	dma.local @p3 [spmem:s7], $0x1F40  }
0xb1: {  	s0 =	simm.s32 @p3 $0x2  }
0xb2: {  	_ =	swait.ge @p3 [sflag:s0], $0x1F40  }
0xb3: {  	s7 =	sld [smem:$0x7D0];
	_ =	sdelay $0x1  }
0xb4: {  	s4 =	sld [smem:$0x7E5]  }
0xb5: {  	[sflag:s0] =	ssyncset.done @p3 $0x0;
	p1 =	seq.s32 s7, $0x1  }
0xb6: {  	[sflag:s0] =	ssyncadd.s32 @p3 $0xFFFFE0C0;
	s7 =	sshll.u32 @p1 s21, $0x6  }
0xb7: {  	s0 =	sor.u32 @p1 $0x1C02, s7;
	s7 =	sshrl.u32 @p1 s4, $0x3;
	s4 =	rddreg [dreg:$0x14]  }
0xb8: {  	[hbm:s4], [sflag:s0] =	dma.local @p1 [spmem:s7], $0x1F40  }
0xb9: {  	s0 =	simm.s32 @p1 $0x2  }
0xba: {  	_ =	swait.ge @p1 [sflag:s0], $0x1F40  }
0xbb: {  	s4 =	sld [smem:$0x7E4]  }
0xbc: {  	[sflag:s0] =	ssyncset.done @p1 $0x0  }
0xbd: {  	s7 =	sshll.u32 @p4 s21, $0x6;
	[sflag:s0] =	ssyncadd.s32 @p1 $0xFFFFE0C0  }
0xbe: {  	s0 =	sor.u32 @p4 $0x1C02, s7;
	s7 =	sshrl.u32 @p4 s4, $0x3;
	s4 =	rddreg [dreg:$0x15]  }
0xbf: {  	[hbm:s4], [sflag:s0] =	dma.local @p4 [spmem:s7], $0x1F40  }
0xc0: {  	s0 =	simm.s32 @p4 $0x2  }
0xc1: {  	_ =	swait.ge @p4 [sflag:s0], $0x1F40  }
0xc2: {  	s7 =	sld [smem:$0x7CF];
	_ =	sdelay $0x1  }
0xc3: {  	s4 =	sld [smem:$0x7E3]  }
0xc4: {  	[sflag:s0] =	ssyncset.done @p4 $0x0;
	p6 =	seq.s32 s7, $0x1  }
0xc5: {  	[sflag:s0] =	ssyncadd.s32 @p4 $0xFFFFE0C0;
	s7 =	sshll.u32 @p6 s21, $0x6  }
0xc6: {  	s0 =	sor.u32 @p6 $0x1C02, s7;
	s7 =	sshrl.u32 @p6 s4, $0x3;
	s4 =	rddreg [dreg:$0x16]  }
0xc7: {  	[hbm:s4], [sflag:s0] =	dma.local @p6 [spmem:s7], $0x1F40  }
0xc8: {  	s4 =	sld [smem:$0x7D8]  }
0xc9: {  	s0 =	simm.s32 @p6 $0x2  }
0xca: {  	_ =	swait.ge @p6 [sflag:s0], $0x1F40  }
0xcb: {  	p3 =	seq.s32 s21, $0x0;
	[sflag:s0] =	ssyncset.done @p6 $0x0;
	p4 =	seq.s32 s4, $0x1  }
0xcc: {  	[sflag:s0] =	ssyncadd.s32 @p6 $0xFFFFE0C0;
	p1 =	por p4, p3  }
0xcd: {  	s0 =	sld [smem:$0x7E2];
	p4 =	por !p4, !p1;
	s7 =	simm.s32 @p1 $0xEA600  }
0xce: {  	s4 =	rddreg [dreg:$0x6];
	s7 =	simm.s32 @p4 $0xFA000  }
0xcf: {  	s21 =	stileid.u32;
	s7 =	sadd.s32 @p1 s7, s4;
	s4 =	sld [smem:$0x7F1]  }
0xd0: {  	s21 =	simm.s32 @p4 $0x0  }
0xd1: {  	s21 =	sshll.u32 @p1 s21, $0x6  }
0xd2: {  	s7 =	sshrl.u32 @p1 s7, $0x3;
	s0 =	smov.u32 @p4 s4;
	s4 =	rddreg [dreg:$0x7]  }
0xd3: {  	s21 =	sor.u32 @p1 $0x1C02, s21;
	s7 =	sadd.s32 @p1 s4, s7;
	s0 =	sshrl.u32 @p1 s0, $0x3  }
0xd4: {  	[hbm:s7], [sflag:s21] =	dma.local @p1 [spmem:s0], $0x1F40  }
0xd5: {  	s0 =	simm.s32 @p1 $0x2  }
0xd6: {  	_ =	swait.ge @p1 [sflag:s0], $0x1F40  }
0xd7: {  	s21 =	sld [smem:$0x7CE]  }
0xd8: {  	[sflag:s0] =	ssyncset.done @p1 $0x0  }
0xd9: {  	[sflag:s0] =	ssyncadd.s32 @p1 $0xFFFFE0C0;
	s0 =	sld [smem:$0x7F4]  }
0xda: {  	p1 =	seq.s32 s21, $0x1;
	s21 =	sld [smem:$0x7C2];
	_ =	sdelay $0x1  }
0xdb: {  	s4 =	rddreg [dreg:$0x17];
	s0 =	sshrl.u32 @p1 s0, $0x3  }
0xdc: {  	[hbm:s4], [sflag:s21] =	dma.local @p1 [spmem:s0], $0x1F40  }
0xdd: {  	_ =	swait.ge @p1 [sflag:s6], $0x1F40  }
0xde: {  	s21 =	sld [smem:$0x7D4]  }
0xdf: {  	[sflag:s6] =	ssyncset.done @p1 $0x0;
	s0 =	sld [smem:$0x7F5]  }
0xe0: {  	[sflag:s6] =	ssyncadd.s32 @p1 $0xFFFFE0C0;
	s6 =	sld [smem:$0x7C3]  }
0xe1: {  	p1 =	seq.s32 s21, $0x1  }
0xe2: {  	s4 =	rddreg [dreg:$0x18];
	s0 =	sshrl.u32 @p1 s0, $0x3  }
0xe3: {  	[hbm:s4], [sflag:s6] =	dma.local @p1 [spmem:s0], $0x1F40  }
0xe4: {  	_ =	swait.ge @p1 [sflag:s8], $0x1F40  }
0xe5: {  	s6 =	sld [smem:$0x7D5]  }
0xe6: {  	s0 =	sld [smem:$0x7F7]  }
0xe7: {  	[sflag:s8] =	ssyncset.done @p1 $0x0  }
0xe8: {  	[sflag:s8] =	ssyncadd.s32 @p1 $0xFFFFE0C0;
	p1 =	seq.s32 s6, $0x1  }
0xe9: {  	s4 =	rddreg [dreg:$0x19];
	s0 =	sshrl.u32 @p1 s0, $0x3  }
0xea: {  	[hbm:s4], [sflag:s10] =	dma.local @p1 [spmem:s0], $0x1F40  }
0xeb: {  	_ =	swait.ge @p1 [sflag:s5], $0x1F40  }
0xec: {  	s21 =	sld [smem:$0x7CD]  }
0xed: {  	s0 =	sld [smem:$0x7F8]  }
0xee: {  	[sflag:s5] =	ssyncset.done @p1 $0x0  }
0xef: {  	[sflag:s5] =	ssyncadd.s32 @p1 $0xFFFFE0C0;
	p1 =	seq.s32 s21, $0x1  }
0xf0: {  	s4 =	rddreg [dreg:$0x1a];
	s0 =	sshrl.u32 @p1 s0, $0x3  }
0xf1: {  	[hbm:s4], [sflag:s19] =	dma.local @p1 [spmem:s0], $0x1F40  }
0xf2: {  	_ =	swait.ge @p1 [sflag:s20], $0x1F40  }
0xf3: {  	s0 =	sld [smem:$0x7FA];
	_ =	sdelay $0x1  }
0xf4: {  	[sflag:s20] =	ssyncset.done @p1 $0x0  }
0xf5: {  	s4 =	rddreg [dreg:$0x1b];
	[sflag:s20] =	ssyncadd.s32 @p1 $0xFFFFE0C0;
	s0 =	sshrl.u32 @p0 s0, $0x3  }
0xf6: {  	[hbm:s4], [sflag:s23] =	dma.local @p0 [spmem:s0], $0x1F40  }
0xf7: {  	_ =	swait.ge @p0 [sflag:s24], $0x1F40  }
0xf8: {  	s0 =	sld [smem:$0x7FB];
	_ =	sdelay $0x1  }
0xf9: {  	[sflag:s24] =	ssyncset.done @p0 $0x0  }
0xfa: {  	s4 =	rddreg [dreg:$0x1c];
	[sflag:s24] =	ssyncadd.s32 @p0 $0xFFFFE0C0;
	s0 =	sshrl.u32 @p2 s0, $0x3  }
0xfb: {  	[hbm:s4], [sflag:s25] =	dma.local @p2 [spmem:s0], $0x1F40  }
0xfc: {  	_ =	swait.ge @p2 [sflag:s26], $0x1F40  }
0xfd: {  	s5 =	sld [smem:$0x7CC]  }
0xfe: {  	s0 =	sld [smem:$0x7FC];
	_ =	sdelay $0x1  }
0xff: {  	[sflag:s26] =	ssyncset.done @p2 $0x0;
	p0 =	seq.s32 s5, $0x1  }
0x100: {  	s4 =	rddreg [dreg:$0x1d];
	[sflag:s26] =	ssyncadd.s32 @p2 $0xFFFFE0C0;
	s0 =	sshrl.u32 @p0 s0, $0x3  }
0x101: {  	[hbm:s4], [sflag:s28] =	dma.local @p0 [spmem:s0], $0x1F40  }
0x102: {  	_ =	swait.ge @p0 [sflag:s29], $0x1F40  }
0x103: {  	s0 =	sld [smem:$0x7FD];
	_ =	sdelay $0x1  }
0x104: {  	[sflag:s29] =	ssyncset.done @p0 $0x0  }
0x105: {  	s4 =	rddreg [dreg:$0x1e];
	[sflag:s29] =	ssyncadd.s32 @p0 $0xFFFFE0C0;
	s0 =	sshrl.u32 @p5 s0, $0x3  }
0x106: {  	[hbm:s4], [sflag:s31] =	dma.local @p5 [spmem:s0], $0x1F40  }
0x107: {  	_ =	swait.ge @p5 [sflag:s30], $0x1F40  }
0x108: {  	s6 =	sld [smem:$0x7D9];
	_ =	sdelay $0x2  }
0x109: {  	s21 =	rddreg [dreg:$0x1f];
	s4 =	sadd.s32 $0x1, s6  }
0x10a: {  	s7 =	simm.s32 $0x100;
	p1 =	sne.s32 s4, s21  }
.Ltmp1:
0x10b: {  	s8 =	simm.s32 $0x480;
	s10 =	simm.s32 $0x500;
	(pc) =	sbr.rel @!p1 .LBB2_13-.Ltmp1, $4  }
0x10c: {  	s19 =	simm.s32 $0x180;
	s20 =	simm.s32 $0x200;
	s23 =	simm.s32 $0x280  }
0x10d: {  	s24 =	simm.s32 $0x580;
	s25 =	simm.s32 $0x600;
	s26 =	simm.s32 $0x680  }
0x10e: {  	s28 =	simm.s32 $0x300;
	s29 =	simm.s32 $0x380;
	[sflag:s30] =	ssyncset.done @p5 $0x0  }
0x10f: {  	s31 =	simm.s32 $0x780;
	[sflag:s30] =	ssyncadd.s32 @p5 $0xFFFFE0C0;
	s30 =	simm.s32 $0x700  }
.LBB2_1:
0x110: {  	s0 =	sld [smem:$0x7F6];
	_ =	sdelay $0x2  }
0x111: {  	p0 =	seq.s32 s0, $0x1  }
.Ltmp2:
0x112: {  	_ = 	snop;
	(pc) =	sbr.rel @p0 .LBB2_5-.Ltmp2, $2  }
0x113: {  	_ =	sdelay $0x2  }
0x114: {  	[smem:$0x7D9] =	sst s4;
	s21 =	stileid.u32  }
0x115: {  	s0 =	sld [smem:$0x7F9];
	_ =	sdelay $0x2  }
0x116: {  	p0 =	seq.s32 s0, $0x1  }
.Ltmp3:
0x117: {  	_ = 	snop;
	(pc) =	sbr.rel @p0 .LBB2_4-.Ltmp3, $1  }
0x118: {  	_ =	sdelay $0x3  }
0x119: {  	s0 =	sld [smem:$0x7DA];
	_ =	sdelay $0x2  }
0x11a: {  	p3 =	seq.s32 s0, $0x1;
	s0 =	sld [smem:$0x7EF];
	_ =	sdelay $0x2  }
0x11b: {  	s5 =	simm.s32 @!p3 $0x1C82;
	s4 =	sshrl.u32 @!p3 s0, $0x3;
	s0 =	rddreg [dreg:$0x5]  }
0x11c: {  	[spmem:s4], [sflag:s5] =	dma.local @!p3 [hbm:s0], $0x1F40  }
0x11d: {  	s4 =	simm.s32 @!p3 $0x2  }
0x11e: {  	_ =	swait.ge @!p3 [sflag:s4], $0x1F40  }
0x11f: {  	s5 =	sshll.u32 @!p3 s21, $0x6;
	[sflag:s4] =	ssyncset.done @!p3 $0x0  }
0x120: {  	[sflag:s4] =	ssyncadd.s32 @!p3 $0xFFFFE0C0;
	s4 =	sor.u32 @!p3 $0x1C02, s5;
	s5 =	sld [smem:$0x7F5]  }
0x121: {  	_ =	sdelay $0x1  }
0x122: {  	s5 =	sshrl.u32 @!p3 s5, $0x3  }
0x123: {  	[spmem:s5], [sflag:s4] =	dma.local @!p3 [hbm:s0], $0x1F40  }
0x124: {  	s4 =	sld [smem:$0x7DB];
	_ =	sdelay $0x2  }
0x125: {  	p4 =	seq.s32 s4, $0x1;
	s4 =	sld [smem:$0x7EE];
	_ =	sdelay $0x2  }
0x126: {  	s5 =	simm.s32 @!p4 $0x1CC2;
	s4 =	sshrl.u32 @!p4 s4, $0x3  }
0x127: {  	[spmem:s4], [sflag:s5] =	dma.local @!p4 [hbm:s0], $0x1F40  }
0x128: {  	s4 =	simm.s32 @!p4 $0x2  }
0x129: {  	_ =	swait.ge @!p4 [sflag:s4], $0x1F40  }
0x12a: {  	s5 =	sshll.u32 @!p4 s21, $0x6;
	[sflag:s4] =	ssyncset.done @!p4 $0x0  }
0x12b: {  	[sflag:s4] =	ssyncadd.s32 @!p4 $0xFFFFE0C0;
	s4 =	sor.u32 @!p4 $0x1C02, s5;
	s5 =	sld [smem:$0x7F7]  }
0x12c: {  	_ =	sdelay $0x1  }
0x12d: {  	s5 =	sshrl.u32 @!p4 s5, $0x3  }
0x12e: {  	[spmem:s5], [sflag:s4] =	dma.local @!p4 [hbm:s0], $0x1F40  }
0x12f: {  	s4 =	sld [smem:$0x7DC];
	_ =	sdelay $0x2  }
0x130: {  	p1 =	seq.s32 s4, $0x1  }
0x131: {  	s4 =	sshrl.u32 @!p1 s1, $0x3;
	s5 =	simm.s32 @!p1 $0x1C02  }
0x132: {  	[spmem:s4], [sflag:s5] =	dma.local @!p1 [hbm:s0], $0x1F40  }
0x133: {  	s4 =	simm.s32 @!p1 $0x2  }
0x134: {  	_ =	swait.ge @!p1 [sflag:s4], $0x1F40  }
0x135: {  	[sflag:s4] =	ssyncset.done @!p1 $0x0  }
0x136: {  	[sflag:s4] =	ssyncadd.s32 @!p1 $0xFFFFE0C0;
	s4 =	sld [smem:$0x7F1];
	_ =	sdelay $0x2  }
0x137: {  	s4 =	sshrl.u32 @!p1 s4, $0x3  }
0x138: {  	[spmem:s4], [sflag:s5] =	dma.local @!p1 [hbm:s0], $0x1F40  }
0x139: {  	s4 =	sld [smem:$0x7DE];
	_ =	sdelay $0x2  }
0x13a: {  	p0 =	seq.s32 s4, $0x1;
	s4 =	sld [smem:$0x7F0];
	_ =	sdelay $0x2  }
0x13b: {  	p2 =	por @!p4 $0x1, $0x1;
	s5 =	simm.s32 @!p0 $0x1C42;
	s4 =	sshrl.u32 @!p0 s4, $0x3  }
0x13c: {  	[spmem:s4], [sflag:s5] =	dma.local @!p0 [hbm:s0], $0x1F40  }
0x13d: {  	s4 =	simm.s32 @!p2 $0x0  }
0x13e: {  	s4 =	simm.s32 @p2 $0x1  }
0x13f: {  	[smem:$0x7D5] =	sst s4;
	s4 =	simm.s32 @!p0 $0x2  }
0x140: {  	_ =	swait.ge @!p0 [sflag:s4], $0x1F40  }
0x141: {  	s5 =	sshll.u32 @!p0 s21, $0x6;
	[sflag:s4] =	ssyncset.done @!p0 $0x0  }
0x142: {  	[sflag:s4] =	ssyncadd.s32 @!p0 $0xFFFFE0C0;
	s4 =	sor.u32 @!p0 $0x1C02, s5;
	s5 =	sld [smem:$0x7F4]  }
0x143: {  	_ =	sdelay $0x1  }
0x144: {  	p5 =	por @!p3 $0x0, $0x0;
	p6 =	por @!p4 $0x0, $0x0;
	s5 =	sshrl.u32 @!p0 s5, $0x3  }
0x145: {  	[spmem:s5], [sflag:s4] =	dma.local @!p0 [hbm:s0], $0x1F40  }
0x146: {  	p2 =	por @!p4 $0x0, $0x0;
	p4 =	por @!p3 $0x1, $0x1;
	s6 =	sld [smem:$0x7D5]  }
0x147: {  	p6 =	por @!p3 p5, p5;
	p5 =	por @!p0 $0x1, $0x1;
	p2 =	por @!p3 p4, p4  }
0x148: {  	p4 =	por @!p3 $0x0, $0x0;
	s0 =	simm.s32 @!p2 $0x0;
	p0 =	por @!p0 $0x0, $0x0  }
0x149: {  	s0 =	simm.s32 @p2 $0x1;
	s4 =	sld [smem:$0x7DD];
	p2 =	seq.s32 s6, $0x1  }
0x14a: {  	[smem:$0x7D4] =	sst s0;
	p2 =	por @!p3 p4, p4;
	p3 =	por @!p1 $0x0, $0x0  }
0x14b: {  	s0 =	simm.s32 @!p2 $0x0;
	p5 =	por @!p1 p3, p3;
	p0 =	por @!p1 p3, p3  }
0x14c: {  	p1 =	seq.s32 s4, $0x1;
	s0 =	simm.s32 @p2 $0x1;
	p2 =	por p6, p6  }
0x14d: {  	p2 =	por @!p1 p5, p5  }
0x14e: {  	p3 =	por p6, p6;
	[smem:$0x7D5] =	sst s0;
	s0 =	simm.s32 @!p2 $0x0  }
0x14f: {  	p3 =	por @!p1 p0, p0;
	s0 =	simm.s32 @p2 $0x1  }
0x150: {  	p2 =	por p6, p6;
	[smem:$0x7CE] =	sst s0;
	s0 =	simm.s32 @!p3 $0x0  }
0x151: {  	p2 =	por @!p1 p0, p0;
	s0 =	simm.s32 @p3 $0x1  }
0x152: {  	[smem:$0x7CF] =	sst s0;
	s0 =	simm.s32 @!p2 $0x0  }
0x153: {  	s0 =	simm.s32 @p2 $0x1;
	p2 =	por p6, p6  }
0x154: {  	p2 =	por @!p1 p0, p0  }
0x155: {  	p3 =	por p6, p6;
	[smem:$0x7D0] =	sst s0;
	s0 =	simm.s32 @!p2 $0x0  }
0x156: {  	p3 =	por @!p1 p0, p0;
	s0 =	simm.s32 @p2 $0x1  }
0x157: {  	[smem:$0x7D1] =	sst s0;
	s0 =	simm.s32 @!p3 $0x0  }
0x158: {  	s5 =	sld [smem:$0x7D4];
	s0 =	simm.s32 @p3 $0x1;
	p3 =	por p6, p6  }
0x159: {  	p3 =	por @!p1 p0, p0  }
0x15a: {  	[smem:$0x7D2] =	sst s0;
	s0 =	simm.s32 @!p3 $0x0  }
0x15b: {  	s6 =	sld [smem:$0x7D5];
	s0 =	simm.s32 @p3 $0x1;
	p3 =	seq.s32 s5, $0x1  }
0x15c: {  	p3 =	por @!p1 p0, p0  }
0x15d: {  	[smem:$0x7D3] =	sst s0;
	s0 =	simm.s32 @!p3 $0x0  }
0x15e: {  	s0 =	simm.s32 @p3 $0x1;
	p3 =	seq.s32 s6, $0x1  }
0x15f: {  	p3 =	por @!p1 p0, p0  }
0x160: {  	p4 =	por p6, p6;
	[smem:$0x7D4] =	sst s0;
	s0 =	simm.s32 @!p3 $0x0  }
0x161: {  	p4 =	por @!p1 p0, p0;
	s0 =	simm.s32 @p3 $0x1  }
0x162: {  	[smem:$0x7D5] =	sst s0;
	s0 =	simm.s32 @!p4 $0x0  }
0x163: {  	p5 =	por p6, p6;
	s0 =	simm.s32 @p4 $0x1;
	p4 =	por p6, p6  }
0x164: {  	p2 =	por p6, p6;
	p3 =	por p6, p6;
	p4 =	por @!p1 p0, p0  }
.Ltmp4:
0x165: {  	[smem:$0x7D6] =	sst s0;
	s0 =	simm.s32 @!p4 $0x0;
	(pc) =	sbr.rel .LBB2_8-.Ltmp4, $4  }
0x166: {  	s0 =	simm.s32 @p4 $0x1;
	p4 =	por p6, p6;
	p6 =	por @!p1 p0, p0  }
0x167: {  	[smem:$0x7D7] =	sst s0;
	s0 =	simm.s32 @!p6 $0x0  }
0x168: {  	p5 =	por @!p1 p0, p0;
	p2 =	por @!p1 p0, p0;
	s0 =	simm.s32 @p6 $0x1  }
0x169: {  	p3 =	por @!p1 p0, p0;
	p4 =	por @!p1 p0, p0;
	[smem:$0x7D8] =	sst s0  }
.LBB2_5:
0x16a: {  	p0 =	sgt.s32 s21, $0xB  }
.Ltmp5:
0x16b: {  	_ = 	snop;
	(pc) =	sbr.rel @p0 .LBB2_7-.Ltmp5, $1  }
0x16c: {  	_ =	sdelay $0x3  }
0x16d: {  	p0 =	sgt.s32 s21, $0x9;
	s0 =	sld [smem:$0x7E7]  }
0x16e: {  	p2 =	seq.s32 @p0 s21, $0xA  }
0x16f: {  	p1 =	por !p2, !p0  }
0x170: {  	s4 =	sshrl.u32 @!p1 s0, $0x3;
	s5 =	simm.s32 @!p1 $0x1E82;
	s0 =	rddreg [dreg:$0x5]  }
0x171: {  	[spmem:s4], [sflag:s5] =	dma.local @!p1 [hbm:s0], $0x1F40  }
0x172: {  	s4 =	sld [smem:$0x7E6];
	_ =	sdelay $0x1  }
0x173: {  	p3 =	por p2, !p0  }
0x174: {  	s5 =	simm.s32 @!p3 $0x1EC2;
	s4 =	sshrl.u32 @!p3 s4, $0x3  }
0x175: {  	[spmem:s4], [sflag:s5] =	dma.local @!p3 [hbm:s0], $0x1F40  }
0x176: {  	s4 =	simm.s32 @!p3 $0x0  }
0x177: {  	s4 =	simm.s32 @p3 $0x1  }
0x178: {  	[smem:$0x7C8] =	sst s4  }
0x179: {  	s4 =	sld [smem:$0x7E9]  }
0x17a: {  	p4 =	seq.s32 @!p0 s21, $0x8  }
0x17b: {  	p2 =	por !p4, p0  }
0x17c: {  	s5 =	simm.s32 @!p2 $0x1E02;
	s4 =	sshrl.u32 @!p2 s4, $0x3  }
0x17d: {  	[spmem:s4], [sflag:s5] =	dma.local @!p2 [hbm:s0], $0x1F40  }
0x17e: {  	s4 =	simm.s32 @!p2 $0x2  }
0x17f: {  	_ =	swait.ge @!p2 [sflag:s4], $0x1F40  }
0x180: {  	s5 =	sshll.u32 @!p2 s21, $0x6;
	[sflag:s4] =	ssyncset.done @!p2 $0x0  }
0x181: {  	[sflag:s4] =	ssyncadd.s32 @!p2 $0xFFFFE0C0;
	s4 =	sor.u32 @!p2 $0x1C02, s5;
	s5 =	sld [smem:$0x7FD]  }
0x182: {  	_ =	sdelay $0x1  }
0x183: {  	s5 =	sshrl.u32 @!p2 s5, $0x3  }
0x184: {  	[spmem:s5], [sflag:s4] =	dma.local @!p2 [hbm:s0], $0x1F40  }
0x185: {  	s4 =	sld [smem:$0x7E8];
	_ =	sdelay $0x1  }
0x186: {  	p4 =	por p4, p0  }
0x187: {  	s5 =	simm.s32 @!p4 $0x1E42;
	s4 =	sshrl.u32 @!p4 s4, $0x3  }
0x188: {  	[spmem:s4], [sflag:s5] =	dma.local @!p4 [hbm:s0], $0x1F40  }
0x189: {  	s5 =	sld [smem:$0x7C8]  }
0x18a: {  	p6 =	por @!p3 $0x0, $0x0;
	p5 =	por @!p1 $0x1, $0x1  }
0x18b: {  	p3 =	por p6, p6;
	p6 =	por @!p1 p5, p5  }
0x18c: {  	s0 =	simm.s32 @!p6 $0x0;
	p5 =	seq.s32 s5, $0x1  }
0x18d: {  	s0 =	simm.s32 @p6 $0x1;
	p5 =	por @!p5 $0x1, $0x1  }
0x18e: {  	[smem:$0x7D1] =	sst s0;
	s0 =	simm.s32 @!p5 $0x0  }
0x18f: {  	s0 =	simm.s32 @p5 $0x1  }
0x190: {  	[smem:$0x7CB] =	sst s0  }
0x191: {  	s0 =	sld [smem:$0x7CB];
	_ =	sdelay $0x1  }
0x192: {  	p6 =	por @!p1 $0x0, $0x0  }
0x193: {  	p3 =	por @!p1 p6, p6;
	p5 =	por @!p1 $0x0, $0x0;
	p6 =	seq.s32 s0, $0x1  }
0x194: {  	p6 =	por @!p1 p5, p5  }
0x195: {  	s0 =	simm.s32 @!p6 $0x0  }
0x196: {  	p5 =	por @!p4 $0x0, $0x0;
	s0 =	simm.s32 @p6 $0x1;
	p6 =	por @!p2 $0x1, $0x1  }
0x197: {  	p1 =	por p5, p5;
	p5 =	por @!p2 p6, p6  }
0x198: {  	[smem:$0x7CB] =	sst s0;
	s0 =	simm.s32 @!p5 $0x0  }
0x199: {  	p4 =	por @!p4 $0x1, $0x1;
	s0 =	simm.s32 @p5 $0x1  }
0x19a: {  	[smem:$0x7C9] =	sst s0;
	s0 =	simm.s32 @!p4 $0x0  }
0x19b: {  	s0 =	simm.s32 @p4 $0x1  }
0x19c: {  	[smem:$0x7CA] =	sst s0  }
0x19d: {  	s0 =	sld [smem:$0x7CA];
	_ =	sdelay $0x2  }
0x19e: {  	p6 =	por @!p2 $0x0, $0x0;
	p5 =	seq.s32 s0, $0x1  }
0x19f: {  	p5 =	por @!p2 p6, p6  }
0x1a0: {  	s6 =	sld [smem:$0x7C9];
	s0 =	simm.s32 @!p5 $0x0  }
0x1a1: {  	p4 =	por @!p2 $0x0, $0x0;
	s0 =	simm.s32 @p5 $0x1  }
0x1a2: {  	p1 =	por @!p2 p4, p4;
	[smem:$0x7CA] =	sst s0  }
0x1a3: {  	p4 =	por p3, p3;
	p2 =	seq.s32 s6, $0x1;
	s4 =	sld [smem:$0x7CA]  }
0x1a4: {  	p4 =	por @!p0 p2, p2  }
0x1a5: {  	s0 =	simm.s32 @!p4 $0x0  }
0x1a6: {  	s0 =	simm.s32 @p4 $0x1;
	p4 =	por p3, p3;
	p5 =	seq.s32 s4, $0x1  }
0x1a7: {  	p4 =	por @!p0 p5, p5  }
0x1a8: {  	p2 =	por p3, p3;
	[smem:$0x7D2] =	sst s0;
	s0 =	simm.s32 @!p4 $0x0  }
0x1a9: {  	p2 =	por @!p0 p1, p1;
	s0 =	simm.s32 @p4 $0x1  }
0x1aa: {  	[smem:$0x7D7] =	sst s0;
	s0 =	simm.s32 @!p2 $0x0  }
0x1ab: {  	s5 =	sld [smem:$0x7D1];
	s0 =	simm.s32 @p2 $0x1;
	p2 =	por p3, p3  }
0x1ac: {  	p2 =	por @!p0 p1, p1  }
0x1ad: {  	[smem:$0x7CF] =	sst s0;
	s0 =	simm.s32 @!p2 $0x0  }
0x1ae: {  	s0 =	simm.s32 @p2 $0x1;
	p2 =	seq.s32 s5, $0x1  }
0x1af: {  	p2 =	por @!p0 p1, p1  }
0x1b0: {  	[smem:$0x7D0] =	sst s0;
	s0 =	simm.s32 @!p2 $0x0  }
0x1b1: {  	s0 =	simm.s32 @p2 $0x1;
	p2 =	por p3, p3  }
0x1b2: {  	s6 =	sld [smem:$0x7CB];
	p2 =	por @!p0 p1, p1  }
0x1b3: {  	p4 =	por p3, p3;
	[smem:$0x7D1] =	sst s0;
	s0 =	simm.s32 @!p2 $0x0  }
0x1b4: {  	p4 =	por @!p0 p1, p1;
	s0 =	simm.s32 @p2 $0x1  }
0x1b5: {  	p5 =	por p3, p3;
	[smem:$0x7D3] =	sst s0;
	s0 =	simm.s32 @!p4 $0x0  }
0x1b6: {  	p6 =	seq.s32 s6, $0x1;
	p5 =	por @!p0 p1, p1;
	s0 =	simm.s32 @p4 $0x1  }
0x1b7: {  	p4 =	por p3, p3;
	[smem:$0x7D4] =	sst s0;
	s0 =	simm.s32 @!p5 $0x0  }
0x1b8: {  	p2 =	por p3, p3;
	p4 =	por @!p0 p1, p1;
	s0 =	simm.s32 @p5 $0x1  }
0x1b9: {  	p5 =	por p3, p3;
	[smem:$0x7CE] =	sst s0;
	s0 =	simm.s32 @!p4 $0x0  }
0x1ba: {  	p5 =	por @!p0 p1, p1;
	s0 =	simm.s32 @p4 $0x1;
	p4 =	por p3, p3  }
.Ltmp6:
0x1bb: {  	[smem:$0x7D5] =	sst s0;
	s0 =	simm.s32 @!p5 $0x0;
	(pc) =	sbr.rel .LBB2_8-.Ltmp6, $4  }
0x1bc: {  	s0 =	simm.s32 @p5 $0x1;
	p5 =	por p3, p3;
	p3 =	por @!p0 p1, p1  }
0x1bd: {  	p6 =	por @!p0 p1, p1;
	[smem:$0x7D6] =	sst s0;
	s0 =	simm.s32 @!p3 $0x0  }
0x1be: {  	p2 =	por @!p0 p1, p1;
	p4 =	por @!p0 p1, p1;
	s0 =	simm.s32 @p3 $0x1  }
0x1bf: {  	p5 =	por @!p0 p1, p1;
	p3 =	por p6, p6;
	[smem:$0x7D8] =	sst s0  }
.LBB2_4:
0x1c0: {  	s0 =	sld [smem:$0x7DF];
	_ =	sdelay $0x2  }
0x1c1: {  	p2 =	seq.s32 s0, $0x1;
	s0 =	sld [smem:$0x7EB];
	_ =	sdelay $0x2  }
0x1c2: {  	s5 =	simm.s32 @!p2 $0x1D82;
	s4 =	sshrl.u32 @!p2 s0, $0x3;
	s0 =	rddreg [dreg:$0x5]  }
0x1c3: {  	[spmem:s4], [sflag:s5] =	dma.local @!p2 [hbm:s0], $0x1F40  }
0x1c4: {  	s4 =	simm.s32 @!p2 $0x2  }
0x1c5: {  	_ =	swait.ge @!p2 [sflag:s4], $0x1F40  }
0x1c6: {  	s5 =	sshll.u32 @!p2 s21, $0x6;
	[sflag:s4] =	ssyncset.done @!p2 $0x0  }
0x1c7: {  	[sflag:s4] =	ssyncadd.s32 @!p2 $0xFFFFE0C0;
	s4 =	sor.u32 @!p2 $0x1C02, s5;
	s5 =	sld [smem:$0x7FB]  }
0x1c8: {  	_ =	sdelay $0x1  }
0x1c9: {  	s5 =	sshrl.u32 @!p2 s5, $0x3  }
0x1ca: {  	[spmem:s5], [sflag:s4] =	dma.local @!p2 [hbm:s0], $0x1F40  }
0x1cb: {  	s4 =	sld [smem:$0x7E0];
	_ =	sdelay $0x2  }
0x1cc: {  	p3 =	seq.s32 s4, $0x1;
	s4 =	sld [smem:$0x7EA];
	_ =	sdelay $0x2  }
0x1cd: {  	s5 =	simm.s32 @!p3 $0x1DC2;
	s4 =	sshrl.u32 @!p3 s4, $0x3  }
0x1ce: {  	[spmem:s4], [sflag:s5] =	dma.local @!p3 [hbm:s0], $0x1F40  }
0x1cf: {  	s4 =	simm.s32 @!p3 $0x2  }
0x1d0: {  	_ =	swait.ge @!p3 [sflag:s4], $0x1F40  }
0x1d1: {  	s5 =	sshll.u32 @!p3 s21, $0x6;
	[sflag:s4] =	ssyncset.done @!p3 $0x0  }
0x1d2: {  	[sflag:s4] =	ssyncadd.s32 @!p3 $0xFFFFE0C0;
	s4 =	sor.u32 @!p3 $0x1C02, s5;
	s5 =	sld [smem:$0x7FC]  }
0x1d3: {  	_ =	sdelay $0x1  }
0x1d4: {  	s5 =	sshrl.u32 @!p3 s5, $0x3  }
0x1d5: {  	[spmem:s5], [sflag:s4] =	dma.local @!p3 [hbm:s0], $0x1F40  }
0x1d6: {  	s4 =	sld [smem:$0x7E1];
	_ =	sdelay $0x2  }
0x1d7: {  	p5 =	seq.s32 s4, $0x1;
	s4 =	sld [smem:$0x7ED];
	_ =	sdelay $0x2  }
0x1d8: {  	s5 =	simm.s32 @!p5 $0x1D02;
	s4 =	sshrl.u32 @!p5 s4, $0x3  }
0x1d9: {  	[spmem:s4], [sflag:s5] =	dma.local @!p5 [hbm:s0], $0x1F40  }
0x1da: {  	s4 =	simm.s32 @!p5 $0x2  }
0x1db: {  	_ =	swait.ge @!p5 [sflag:s4], $0x1F40  }
0x1dc: {  	s5 =	sshll.u32 @!p5 s21, $0x6;
	[sflag:s4] =	ssyncset.done @!p5 $0x0  }
0x1dd: {  	[sflag:s4] =	ssyncadd.s32 @!p5 $0xFFFFE0C0;
	s4 =	sor.u32 @!p5 $0x1C02, s5;
	s5 =	sld [smem:$0x7F8]  }
0x1de: {  	_ =	sdelay $0x1  }
0x1df: {  	s5 =	sshrl.u32 @!p5 s5, $0x3  }
0x1e0: {  	[spmem:s5], [sflag:s4] =	dma.local @!p5 [hbm:s0], $0x1F40  }
0x1e1: {  	s5 =	sld [smem:$0x7F3]  }
0x1e2: {  	p0 =	por @!p2 $0x0, $0x0;
	p6 =	por @!p3 $0x0, $0x0;
	s4 =	sld [smem:$0x7EC]  }
0x1e3: {  	p1 =	por @!p3 $0x1, $0x1;
	p6 =	por @!p2 p0, p0  }
0x1e4: {  	p0 =	por @!p2 $0x1, $0x1;
	p3 =	por @!p3 $0x0, $0x0;
	p4 =	seq.s32 s5, $0x1  }
0x1e5: {  	p3 =	por @!p2 p0, p0;
	s4 =	sshrl.u32 @!p4 s4, $0x3;
	s5 =	simm.s32 @!p4 $0x1D42  }
0x1e6: {  	[spmem:s4], [sflag:s5] =	dma.local @!p4 [hbm:s0], $0x1F40  }
0x1e7: {  	p0 =	por @!p2 $0x0, $0x0;
	s5 =	simm.s32 @!p3 $0x0  }
0x1e8: {  	p1 =	por @!p2 p0, p0;
	s5 =	simm.s32 @p3 $0x1  }
0x1e9: {  	[smem:$0x7D3] =	sst s5;
	s5 =	simm.s32 @!p1 $0x0  }
0x1ea: {  	s5 =	simm.s32 @p1 $0x1  }
0x1eb: {  	s4 =	simm.s32 @!p4 $0x2;
	[smem:$0x7CC] =	sst s5  }
0x1ec: {  	_ =	swait.ge @!p4 [sflag:s4], $0x1F40  }
0x1ed: {  	s5 =	sshll.u32 @!p4 s21, $0x6;
	[sflag:s4] =	ssyncset.done @!p4 $0x0  }
0x1ee: {  	[sflag:s4] =	ssyncadd.s32 @!p4 $0xFFFFE0C0;
	s4 =	sor.u32 @!p4 $0x1C02, s5;
	s5 =	sld [smem:$0x7FA]  }
0x1ef: {  	_ = 	snop  }
0x1f0: {  	p2 =	por @!p5 $0x1, $0x1  }
0x1f1: {  	p0 =	por @!p4 $0x0, $0x0;
	p3 =	por @!p4 $0x0, $0x0;
	s5 =	sshrl.u32 @!p4 s5, $0x3  }
0x1f2: {  	[spmem:s5], [sflag:s4] =	dma.local @!p4 [hbm:s0], $0x1F40  }
0x1f3: {  	p3 =	por @!p5 p2, p2;
	p2 =	por @!p5 $0x0, $0x0;
	s4 =	sld [smem:$0x7F2]  }
0x1f4: {  	p0 =	por @!p5 p2, p2  }
0x1f5: {  	p1 =	por @!p5 $0x0, $0x0;
	p4 =	por @!p4 $0x1, $0x1;
	s0 =	sld [smem:$0x7CC]  }
0x1f6: {  	p2 =	por p6, p6;
	p4 =	por @!p5 p1, p1;
	p1 =	seq.s32 s4, $0x1  }
0x1f7: {  	p2 =	por @!p1 p3, p3  }
0x1f8: {  	p5 =	seq.s32 s0, $0x1;
	p3 =	por p6, p6;
	s0 =	simm.s32 @!p2 $0x0  }
0x1f9: {  	p3 =	por @!p1 p4, p4;
	s0 =	simm.s32 @p2 $0x1  }
0x1fa: {  	p2 =	por p6, p6;
	[smem:$0x7CD] =	sst s0;
	s0 =	simm.s32 @!p3 $0x0  }
0x1fb: {  	p2 =	por @!p1 p0, p0;
	s0 =	simm.s32 @p3 $0x1  }
0x1fc: {  	p3 =	por p6, p6;
	[smem:$0x7D6] =	sst s0;
	s0 =	simm.s32 @!p2 $0x0  }
0x1fd: {  	p3 =	por @!p1 p0, p0;
	s0 =	simm.s32 @p2 $0x1  }
0x1fe: {  	p2 =	por p6, p6;
	[smem:$0x7CF] =	sst s0;
	s0 =	simm.s32 @!p3 $0x0  }
0x1ff: {  	s6 =	sld [smem:$0x7D3];
	p2 =	por @!p1 p0, p0;
	s0 =	simm.s32 @p3 $0x1  }
0x200: {  	[smem:$0x7D0] =	sst s0;
	s0 =	simm.s32 @!p2 $0x0  }
0x201: {  	s0 =	simm.s32 @p2 $0x1;
	p2 =	por p6, p6  }
0x202: {  	p2 =	por @!p1 p0, p0  }
0x203: {  	p3 =	seq.s32 s6, $0x1;
	[smem:$0x7D1] =	sst s0;
	s0 =	simm.s32 @!p2 $0x0  }
0x204: {  	p3 =	por @!p1 p0, p0;
	s0 =	simm.s32 @p2 $0x1  }
0x205: {  	[smem:$0x7D2] =	sst s0;
	s0 =	simm.s32 @!p3 $0x0  }
0x206: {  	s0 =	simm.s32 @p3 $0x1;
	p3 =	por p6, p6  }
0x207: {  	p3 =	por @!p1 p0, p0  }
0x208: {  	p4 =	por p6, p6;
	[smem:$0x7D3] =	sst s0;
	s0 =	simm.s32 @!p3 $0x0  }
0x209: {  	p4 =	por @!p1 p0, p0;
	s0 =	simm.s32 @p3 $0x1  }
0x20a: {  	p3 =	por p6, p6;
	[smem:$0x7D4] =	sst s0;
	s0 =	simm.s32 @!p4 $0x0  }
0x20b: {  	s5 =	sld [smem:$0x7CD];
	p3 =	por @!p1 p0, p0;
	s0 =	simm.s32 @p4 $0x1  }
0x20c: {  	p4 =	por p6, p6;
	[smem:$0x7CE] =	sst s0;
	s0 =	simm.s32 @!p3 $0x0  }
0x20d: {  	p4 =	por @!p1 p0, p0;
	s0 =	simm.s32 @p3 $0x1;
	p3 =	por p6, p6  }
.Ltmp7:
0x20e: {  	[smem:$0x7D5] =	sst s0;
	s0 =	simm.s32 @!p4 $0x0;
	(pc) =	sbr.rel .LBB2_8-.Ltmp7, $4  }
0x20f: {  	s0 =	simm.s32 @p4 $0x1;
	p4 =	por p6, p6;
	p6 =	por @!p1 p0, p0  }
0x210: {  	[smem:$0x7D7] =	sst s0;
	s0 =	simm.s32 @!p6 $0x0  }
0x211: {  	p5 =	por @!p1 p0, p0;
	p2 =	seq.s32 s5, $0x1;
	s0 =	simm.s32 @p6 $0x1  }
0x212: {  	p3 =	por @!p1 p0, p0;
	p4 =	por @!p1 p0, p0;
	[smem:$0x7D8] =	sst s0  }
.LBB2_7:
0x213: {  	p0 =	sgt.s32 s21, $0xD;
	s0 =	sld [smem:$0x7E3]  }
0x214: {  	p2 =	seq.s32 @p0 s21, $0xE  }
0x215: {  	p1 =	por !p2, !p0  }
0x216: {  	s4 =	sshrl.u32 @!p1 s0, $0x3;
	s5 =	simm.s32 @!p1 $0x1F82;
	s0 =	rddreg [dreg:$0x5]  }
0x217: {  	[spmem:s4], [sflag:s5] =	dma.local @!p1 [hbm:s0], $0x1F40  }
0x218: {  	s4 =	sld [smem:$0x7E2];
	_ =	sdelay $0x1  }
0x219: {  	p3 =	por p2, !p0  }
0x21a: {  	s5 =	simm.s32 @!p3 $0x1FC2;
	s4 =	sshrl.u32 @!p3 s4, $0x3  }
0x21b: {  	[spmem:s4], [sflag:s5] =	dma.local @!p3 [hbm:s0], $0x1F40  }
0x21c: {  	s4 =	simm.s32 @!p3 $0x0  }
0x21d: {  	s4 =	simm.s32 @p3 $0x1  }
0x21e: {  	[smem:$0x7C4] =	sst s4  }
0x21f: {  	s4 =	sld [smem:$0x7E5]  }
0x220: {  	p4 =	seq.s32 @!p0 s21, $0xC  }
0x221: {  	p2 =	por !p4, p0  }
0x222: {  	s5 =	simm.s32 @!p2 $0x1F02;
	s4 =	sshrl.u32 @!p2 s4, $0x3  }
0x223: {  	[spmem:s4], [sflag:s5] =	dma.local @!p2 [hbm:s0], $0x1F40  }
0x224: {  	s4 =	sld [smem:$0x7E4];
	_ =	sdelay $0x1  }
0x225: {  	p5 =	por p4, p0  }
0x226: {  	s5 =	simm.s32 @!p5 $0x1F42;
	s4 =	sshrl.u32 @!p5 s4, $0x3  }
0x227: {  	[spmem:s4], [sflag:s5] =	dma.local @!p5 [hbm:s0], $0x1F40  }
0x228: {  	p4 =	por @!p3 $0x0, $0x0;
	s5 =	sld [smem:$0x7C4]  }
0x229: {  	p6 =	por p4, p4;
	p3 =	por @!p1 $0x1, $0x1;
	s0 =	simm.s32 @!p5 $0x0  }
0x22a: {  	p6 =	por @!p1 p3, p3;
	s0 =	simm.s32 @p5 $0x1  }
0x22b: {  	[smem:$0x7C5] =	sst s0;
	s0 =	simm.s32 @!p6 $0x0;
	p3 =	seq.s32 s5, $0x1  }
0x22c: {  	s0 =	simm.s32 @p6 $0x1;
	p3 =	por @!p3 $0x1, $0x1  }
0x22d: {  	[smem:$0x7CF] =	sst s0;
	s0 =	simm.s32 @!p3 $0x0  }
0x22e: {  	s0 =	simm.s32 @p3 $0x1  }
0x22f: {  	[smem:$0x7D8] =	sst s0  }
0x230: {  	s0 =	sld [smem:$0x7D8]  }
0x231: {  	p6 =	por @!p1 $0x0, $0x0  }
0x232: {  	p4 =	por @!p1 p6, p6  }
0x233: {  	p3 =	por @!p5 $0x0, $0x0;
	p5 =	por @!p1 $0x0, $0x0;
	p6 =	seq.s32 s0, $0x1  }
0x234: {  	p6 =	por @!p1 p5, p5  }
0x235: {  	s0 =	simm.s32 @!p6 $0x0  }
0x236: {  	s6 =	sld [smem:$0x7C5];
	s0 =	simm.s32 @p6 $0x1;
	p6 =	por @!p2 $0x1, $0x1  }
0x237: {  	p1 =	por p3, p3;
	p3 =	por @!p2 p6, p6  }
0x238: {  	[smem:$0x7D8] =	sst s0;
	s0 =	simm.s32 @!p3 $0x0  }
0x239: {  	s0 =	simm.s32 @p3 $0x1;
	p3 =	seq.s32 s6, $0x1  }
0x23a: {  	p3 =	por @!p3 $0x1, $0x1  }
0x23b: {  	[smem:$0x7C6] =	sst s0;
	s0 =	simm.s32 @!p3 $0x0  }
0x23c: {  	s0 =	simm.s32 @p3 $0x1  }
0x23d: {  	[smem:$0x7C7] =	sst s0  }
0x23e: {  	s0 =	sld [smem:$0x7C7];
	_ =	sdelay $0x1  }
0x23f: {  	s4 =	sld [smem:$0x7C6]  }
0x240: {  	p5 =	por @!p2 $0x0, $0x0;
	p6 =	por @!p2 $0x0, $0x0;
	p3 =	seq.s32 s0, $0x1  }
0x241: {  	p1 =	por @!p2 p5, p5;
	p3 =	por @!p2 p6, p6  }
0x242: {  	p5 =	por p4, p4;
	p2 =	seq.s32 s4, $0x1;
	s0 =	simm.s32 @!p3 $0x0  }
0x243: {  	p5 =	por @!p0 p2, p2;
	s0 =	simm.s32 @p3 $0x1  }
0x244: {  	[smem:$0x7C7] =	sst s0;
	s0 =	simm.s32 @!p5 $0x0  }
0x245: {  	s0 =	simm.s32 @p5 $0x1  }
0x246: {  	[smem:$0x7D0] =	sst s0;
	s0 =	simm.s32 @!p4 $0x0  }
0x247: {  	s0 =	simm.s32 @p4 $0x1  }
0x248: {  	[smem:$0x7D1] =	sst s0;
	s0 =	simm.s32 @!p4 $0x0  }
0x249: {  	s0 =	simm.s32 @p4 $0x1  }
0x24a: {  	[smem:$0x7D3] =	sst s0;
	s0 =	simm.s32 @!p4 $0x0  }
0x24b: {  	s0 =	simm.s32 @p4 $0x1  }
0x24c: {  	[smem:$0x7D4] =	sst s0;
	s0 =	simm.s32 @!p4 $0x0  }
0x24d: {  	s0 =	simm.s32 @p4 $0x1  }
0x24e: {  	[smem:$0x7CE] =	sst s0;
	s0 =	simm.s32 @!p4 $0x0  }
0x24f: {  	s6 =	sld [smem:$0x7CF];
	s0 =	simm.s32 @p4 $0x1  }
0x250: {  	[smem:$0x7D5] =	sst s0;
	s0 =	simm.s32 @!p4 $0x0  }
0x251: {  	p2 =	por p4, p4;
	s5 =	sld [smem:$0x7C7];
	s0 =	simm.s32 @p4 $0x1  }
0x252: {  	p3 =	por p4, p4;
	[smem:$0x7D6] =	sst s0;
	s0 =	simm.s32 @!p4 $0x0  }
0x253: {  	p5 =	por p4, p4;
	s4 =	sld [smem:$0x7D1];
	s0 =	simm.s32 @p4 $0x1  }
0x254: {  	p6 =	seq.s32 s5, $0x1;
	[smem:$0x7D7] =	sst s0;
	s0 =	simm.s32 @!p4 $0x0  }
0x255: {  	s0 =	simm.s32 @p4 $0x1;
	p4 =	por @!p0 p6, p6;
	p6 =	seq.s32 s6, $0x1  }
0x256: {  	p6 =	por @!p0 p1, p1  }
0x257: {  	[smem:$0x7CB] =	sst s0;
	s0 =	simm.s32 @!p6 $0x0  }
0x258: {  	s6 =	sld [smem:$0x7D3];
	s0 =	simm.s32 @p6 $0x1;
	p6 =	seq.s32 s4, $0x1  }
0x259: {  	s5 =	sld [smem:$0x7CB];
	p6 =	por @!p0 p1, p1  }
0x25a: {  	[smem:$0x7CF] =	sst s0;
	s0 =	simm.s32 @!p6 $0x0  }
0x25b: {  	p3 =	por @!p0 p1, p1;
	s4 =	sld [smem:$0x7D4];
	s0 =	simm.s32 @p6 $0x1  }
0x25c: {  	p6 =	seq.s32 s6, $0x1;
	[smem:$0x7D1] =	sst s0;
	s0 =	simm.s32 @!p3 $0x0  }
0x25d: {  	p6 =	por @!p0 p1, p1;
	s0 =	simm.s32 @p3 $0x1  }
0x25e: {  	p3 =	seq.s32 s5, $0x1;
	[smem:$0x7D2] =	sst s0;
	s0 =	simm.s32 @!p6 $0x0  }
0x25f: {  	s5 =	sld [smem:$0x7CE];
	s0 =	simm.s32 @p6 $0x1;
	p6 =	seq.s32 s4, $0x1  }
0x260: {  	p6 =	por @!p0 p1, p1  }
0x261: {  	[smem:$0x7D3] =	sst s0;
	s0 =	simm.s32 @!p6 $0x0  }
0x262: {  	s6 =	sld [smem:$0x7D5];
	s0 =	simm.s32 @p6 $0x1;
	p6 =	seq.s32 s5, $0x1  }
0x263: {  	p6 =	por @!p0 p1, p1  }
0x264: {  	[smem:$0x7D4] =	sst s0;
	s0 =	simm.s32 @!p6 $0x0  }
0x265: {  	s4 =	sld [smem:$0x7D6];
	s0 =	simm.s32 @p6 $0x1;
	p6 =	seq.s32 s6, $0x1  }
0x266: {  	p6 =	por @!p0 p1, p1  }
0x267: {  	[smem:$0x7CE] =	sst s0;
	s0 =	simm.s32 @!p6 $0x0  }
0x268: {  	s5 =	sld [smem:$0x7D7];
	s0 =	simm.s32 @p6 $0x1;
	p6 =	seq.s32 s4, $0x1  }
0x269: {  	p6 =	por @!p0 p1, p1  }
0x26a: {  	[smem:$0x7D5] =	sst s0;
	s0 =	simm.s32 @!p6 $0x0  }
0x26b: {  	s6 =	sld [smem:$0x7D8];
	s0 =	simm.s32 @p6 $0x1;
	p6 =	seq.s32 s5, $0x1  }
0x26c: {  	p6 =	por @!p0 p1, p1  }
0x26d: {  	[smem:$0x7D6] =	sst s0;
	s0 =	simm.s32 @!p6 $0x0  }
0x26e: {  	s0 =	simm.s32 @p6 $0x1;
	p6 =	seq.s32 s6, $0x1  }
0x26f: {  	p6 =	por @!p0 p1, p1  }
0x270: {  	[smem:$0x7D7] =	sst s0;
	s0 =	simm.s32 @!p6 $0x0  }
0x271: {  	p2 =	por @!p0 p1, p1;
	s0 =	simm.s32 @p6 $0x1  }
0x272: {  	p5 =	por @!p0 p1, p1;
	p3 =	por @!p0 p1, p1;
	[smem:$0x7D8] =	sst s0  }
.LBB2_8:
.Ltmp8:
0x273: {  	_ =	swait.ge [sflag:s11], $0x1F40;
	(pc) =	sbr.rel .LBB2_9-.Ltmp8, $4  }
0x274: {  	[sflag:s11] =	ssyncset.done $0x0  }
0x275: {  	[sflag:s11] =	ssyncadd.s32 $0xFFFFE0C0  }
0x276: {  	[bflag:$0x0] =	sbarrier.arrive $0xFFFF  }
0x277: {  	s4 =	simm.s32 $0x0;
	s5 =	stileid.u32  }
.LBB2_11:
0x278: {  	s4 =	sadd.s32 $0x800, s4  }
0x279: {  	p0 =	sne.s32 s4, $0xC800  }
.Ltmp9:
0x27a: {  	_ = 	snop;
	(pc) =	sbr.rel @!p0 .LBB2_12-.Ltmp9, $2  }
0x27b: {  	_ =	sdelay $0x2  }
0x27c: {  	s5 =	sadd.s32 $0x10, s5  }
.LBB2_9:
0x27d: {  	p0 =	sgt.u32 s5, $0x186  }
.Ltmp10:
0x27e: {  	_ = 	snop;
	(pc) =	sbr.rel @p0 .LBB2_11-.Ltmp10, $1  }
0x27f: {  	_ =	sdelay $0x3  }
0x280: {  	s6 =	sadd.s32 s4, s22  }
0x281: {  	[tilespmem:s2], [sflag:$0x3] =	stream.linear.gather [hbm4b:s6+s2], $0x400, $0x38;
	[tilespmem:$0x1EEC0] =	vst v63  }
0x282: {  	_ =	swait.ge [sflag:s12], $0x400  }
0x283: {  	[sflag:s12] =	ssyncset.done $0x0  }
0x284: {  	s0 =	sadd.s32 s4, s9;
	[sflag:s12] =	ssyncadd.s32 $0xFFFFFC00  }
0x285: {  	[tilespmem:s13], [sflag:$0x3] =	stream.linear.gather [hbm4b:s0+s2], $0x400, $0x38;
	[tilespmem:$0x1EEC0] =	vst v63  }
0x286: {  	_ =	swait.ge [sflag:s12], $0x400  }
0x287: {  	[sflag:s12] =	ssyncset.done $0x0  }
0x288: {  	[sflag:s12] =	ssyncadd.s32 $0xFFFFFC00  }
0x289: {  	[tilespmem:s15], [sflag:$0x1] =	stream.indirect.gather [hbm4b:s3+s14], $0x40, s2, s14, $0xb8;
	[tilespmem:$0x1EEC0] =	vst v63  }
0x28a: {  	_ = 	snop  }
0x28b: {  	[tilespmem:s16], [sflag:$0x1] =	stream.indirect.gather [hbm4b:s3+s14], $0x40, s14, s14, $0xb8;
	[tilespmem:$0x1EEC0] =	vst v63  }
0x28c: {  	_ = 	snop  }
0x28d: {  	[tilespmem:s17], [sflag:$0x1] =	stream.indirect.gather [hbm4b:s3+s14], $0x40, s7, s14, $0xb8;
	[tilespmem:$0x1EEC0] =	vst v63  }
0x28e: {  	_ =	swait.ge [sflag:s18], $0x2000  }
0x28f: {  	[sflag:s18] =	ssyncset.done $0x0  }
0x290: {  	[sflag:s18] =	ssyncadd.s32 $0xFFFFE000  }
0x291: {  	_ =	swait.ge [sflag:s18], $0x2000  }
0x292: {  	[sflag:s18] =	ssyncset.done $0x0  }
0x293: {  	[sflag:s18] =	ssyncadd.s32 $0xFFFFE000  }
0x294: {  	_ =	swait.ge [sflag:s18], $0x2000  }
0x295: {  	[sflag:s18] =	ssyncset.done $0x0  }
0x296: {  	[sflag:s18] =	ssyncadd.s32 $0xFFFFE000  }
0x297: {  	[spmem:s1] =	stream.indirect.scatter.add.f32 [tilespmem:s15], [sflag:$0x3], $0x40, s13, s14, $0xb8;
	[tilespmem:$0x1EEC0] =	vst v63  }
0x298: {  	_ =	swait.ge [sflag:s12], $0x2000  }
0x299: {  	[sflag:s12] =	ssyncset.done $0x0  }
0x29a: {  	[sflag:s12] =	ssyncadd.s32 $0xFFFFE000  }
0x29b: {  	[spmem:s1] =	stream.indirect.scatter.add.f32 [tilespmem:s16], [sflag:$0x3], $0x40, s8, s14, $0xb8;
	[tilespmem:$0x1EEC0] =	vst v63  }
0x29c: {  	_ =	swait.ge [sflag:s12], $0x2000  }
0x29d: {  	[sflag:s12] =	ssyncset.done $0x0  }
0x29e: {  	[sflag:s12] =	ssyncadd.s32 $0xFFFFE000  }
0x29f: {  	[spmem:s1] =	stream.indirect.scatter.add.f32 [tilespmem:s17], [sflag:$0x3], $0x40, s10, s14, $0xb8;
	[tilespmem:$0x1EEC0] =	vst v63  }
0x2a0: {  	_ =	swait.ge [sflag:s12], $0x2000  }
0x2a1: {  	[sflag:s12] =	ssyncset.done $0x0  }
0x2a2: {  	[sflag:s12] =	ssyncadd.s32 $0xFFFFE000  }
0x2a3: {  	[tilespmem:s15], [sflag:$0x1] =	stream.indirect.gather [hbm4b:s3+s14], $0x40, s19, s14, $0xb8;
	[tilespmem:$0x1EEC0] =	vst v63  }
0x2a4: {  	_ = 	snop  }
0x2a5: {  	[tilespmem:s16], [sflag:$0x1] =	stream.indirect.gather [hbm4b:s3+s14], $0x40, s20, s14, $0xb8;
	[tilespmem:$0x1EEC0] =	vst v63  }
0x2a6: {  	_ = 	snop  }
0x2a7: {  	[tilespmem:s17], [sflag:$0x1] =	stream.indirect.gather [hbm4b:s3+s14], $0x40, s23, s14, $0xb8;
	[tilespmem:$0x1EEC0] =	vst v63  }
0x2a8: {  	_ =	swait.ge [sflag:s18], $0x2000  }
0x2a9: {  	[sflag:s18] =	ssyncset.done $0x0  }
0x2aa: {  	[sflag:s18] =	ssyncadd.s32 $0xFFFFE000  }
0x2ab: {  	_ =	swait.ge [sflag:s18], $0x2000  }
0x2ac: {  	[sflag:s18] =	ssyncset.done $0x0  }
0x2ad: {  	[sflag:s18] =	ssyncadd.s32 $0xFFFFE000  }
0x2ae: {  	_ =	swait.ge [sflag:s18], $0x2000  }
0x2af: {  	[sflag:s18] =	ssyncset.done $0x0  }
0x2b0: {  	[sflag:s18] =	ssyncadd.s32 $0xFFFFE000  }
0x2b1: {  	[spmem:s1] =	stream.indirect.scatter.add.f32 [tilespmem:s15], [sflag:$0x3], $0x40, s24, s14, $0xb8;
	[tilespmem:$0x1EEC0] =	vst v63  }
0x2b2: {  	_ =	swait.ge [sflag:s12], $0x2000  }
0x2b3: {  	[sflag:s12] =	ssyncset.done $0x0  }
0x2b4: {  	[sflag:s12] =	ssyncadd.s32 $0xFFFFE000  }
0x2b5: {  	[spmem:s1] =	stream.indirect.scatter.add.f32 [tilespmem:s16], [sflag:$0x3], $0x40, s25, s14, $0xb8;
	[tilespmem:$0x1EEC0] =	vst v63  }
0x2b6: {  	_ =	swait.ge [sflag:s12], $0x2000  }
0x2b7: {  	[sflag:s12] =	ssyncset.done $0x0  }
0x2b8: {  	[sflag:s12] =	ssyncadd.s32 $0xFFFFE000  }
0x2b9: {  	[spmem:s1] =	stream.indirect.scatter.add.f32 [tilespmem:s17], [sflag:$0x3], $0x40, s26, s14, $0xb8;
	[tilespmem:$0x1EEC0] =	vst v63  }
0x2ba: {  	_ =	swait.ge [sflag:s12], $0x2000  }
0x2bb: {  	[sflag:s12] =	ssyncset.done $0x0  }
0x2bc: {  	[sflag:s12] =	ssyncadd.s32 $0xFFFFE000  }
0x2bd: {  	[tilespmem:s15], [sflag:$0x1] =	stream.indirect.gather [hbm4b:s3+s14], $0x40, s28, s14, $0xb8;
	[tilespmem:$0x1EEC0] =	vst v63  }
0x2be: {  	_ = 	snop  }
0x2bf: {  	[tilespmem:s16], [sflag:$0x1] =	stream.indirect.gather [hbm4b:s3+s14], $0x40, s29, s14, $0xb8;
	[tilespmem:$0x1EEC0] =	vst v63  }
0x2c0: {  	_ =	swait.ge [sflag:s18], $0x2000  }
0x2c1: {  	[sflag:s18] =	ssyncset.done $0x0  }
0x2c2: {  	[sflag:s18] =	ssyncadd.s32 $0xFFFFE000  }
0x2c3: {  	_ =	swait.ge [sflag:s18], $0x2000  }
0x2c4: {  	[sflag:s18] =	ssyncset.done $0x0  }
0x2c5: {  	[sflag:s18] =	ssyncadd.s32 $0xFFFFE000  }
0x2c6: {  	[spmem:s1] =	stream.indirect.scatter.add.f32 [tilespmem:s15], [sflag:$0x3], $0x40, s30, s14, $0xb8;
	[tilespmem:$0x1EEC0] =	vst v63  }
0x2c7: {  	_ =	swait.ge [sflag:s12], $0x2000  }
0x2c8: {  	[sflag:s12] =	ssyncset.done $0x0  }
.Ltmp11:
0x2c9: {  	[sflag:s12] =	ssyncadd.s32 $0xFFFFE000;
	(pc) =	sbr.rel .LBB2_11-.Ltmp11, $4  }
0x2ca: {  	[spmem:s1] =	stream.indirect.scatter.add.f32 [tilespmem:s16], [sflag:$0x2], $0x40, s31, s14, $0xb8;
	[tilespmem:$0x1EEC0] =	vst v63  }
0x2cb: {  	_ =	swait.ge [sflag:s11], $0x2000  }
0x2cc: {  	[sflag:s11] =	ssyncset.done $0x0  }
0x2cd: {  	[sflag:s11] =	ssyncadd.s32 $0xFFFFE000  }
.LBB2_13:
0x2ce: {  	_ =	sfence.sel $0x180000  }
0x2cf: {  	[bflag:$0x0] =	sbarrier.arrive $0xFFFF  }
0x2d0: {  	_ =	strace $0x9000004A  }
0x2d1: {  	[bflag:$0x2] =	sbarrier.arrive $0xFFFF  }
0x2d2: {  	s1 =	sld [smem:$0x7C1];
	_ =	sdelay $0x2  }
0x2d3: {  	s0 =	rddreg [dreg:$0x4];
	p0 =	seq.s32 s1, $0x1  }
0x2d4: {  	s0 =	sadd.s32 @!p0 $0x100000, s0  }
0x2d5: {  	[sflag:s0] =	ssyncadd.tile.s32 @!p0 $0x1;
	_ =	shalt  }
.Lfunc_end2:
_tile_overlayer_lowered:
.L_overlay_start_2:
0x2d6: {  	(tag) =	ssettag $0x2  }
0x2d7: {  	s0 =	rddreg [dreg:$0x0];
	s2 =	stileid.u32  }
0x2d8: {  	s1 =	rddreg [dreg:$0x1];
	p0 =	sne.s32 s2, $0x0  }
0x2d9: {  	s3 =	rddreg [dreg:$0x2];
	[bflag:$0x3] =	sbarrier.arrive $0xFFFF;
	s2 =	simm.s32 @!p0 $0x1C02  }
0x2da: {  	[timem:s3], [sflag:s2] =	dma.local @!p0 [hbm:s0], s1  }
0x2db: {  	s0 =	simm.s32 @!p0 $0x2  }
0x2dc: {  	_ =	swait.ge @!p0 [sflag:s0], s1  }
0x2dd: {  	s1 =	ssub.s32 @!p0 $0x0, s1;
	[sflag:s0] =	ssyncset.done @!p0 $0x0  }
0x2de: {  	[sflag:s0] =	ssyncadd.s32 @!p0 s1  }
0x2df: {  	[bflag:$0x3] =	sbarrier.arrive $0xFFFF  }
0x2e0: {  	_ =	shalt  }

</sc_bundles>
